<compile_context>
chip_gen: v7x
topology: tpu7x:2x2x1
jax: 0.10.2.dev20260603
libtpu: 0.0.44.dev20260713+nightly
codegen_flags: <defaults>
</compile_context>

<pallas_src>
import functools

import jax
import jax.numpy as jnp
from jax import lax
from jax.experimental import pallas as pl
from jax.experimental.pallas import tpu as pltpu
from jax.experimental.pallas import tpu_sc as plsc

N = 10000
E = 320000
D = 128

NC = 2
NS = 16
NW = NC * NS

CH = 80
EPW = E // NW
NCHUNK = EPW // CH
SSTR = 624
LSTR = N - (NS - 1) * SSTR

assert NCHUNK * CH == EPW and NCHUNK % 2 == 1 and (NS - 1) * SSTR + LSTR == N

_mesh = plsc.VectorSubcoreMesh(
    core_axis_name="c", subcore_axis_name="s", num_cores=NC, num_subcores=NS
)


@functools.partial(
    pl.kernel,
    out_type=jax.ShapeDtypeStruct((NC, N, D), jnp.float32),
    mesh=_mesh,
    scratch_types=[
        pltpu.VMEM((EPW,), jnp.int32),
        [pltpu.VMEM((CH,), jnp.int32) for _ in range(3)],
        [pltpu.VMEM((CH, D), jnp.float32) for _ in range(3)],
        pltpu.VMEM_SHARED((N, D), jnp.float32),
        [pltpu.SemaphoreType.DMA for _ in range(3)],
        [pltpu.SemaphoreType.DMA for _ in range(3)],
        [pltpu.SemaphoreType.DMA for _ in range(3)],
    ],
)
def _sc_segment_sum(h_hbm, src_hbm, dst_hbm, zeros_hbm, out_hbm,
                    src_v, dst_bufs, row_bufs, agg_sh, gsems, dsems, ssems):
    c = lax.axis_index("c")
    s = lax.axis_index("s")
    wid = c * NS + s
    ebase = pl.multiple_of(wid * EPW, 8)

    pltpu.sync_copy(src_hbm.at[pl.ds(ebase, EPW)], src_v)

    @pl.when(s < NS - 1)
    def _():
        stripe = pl.ds(pl.multiple_of(s * SSTR, 8), SSTR)
        pltpu.sync_copy(zeros_hbm.at[stripe], agg_sh.at[stripe])

    @pl.when(s == NS - 1)
    def _():
        stripe = pl.ds((NS - 1) * SSTR, LSTR)
        pltpu.sync_copy(zeros_hbm.at[stripe], agg_sh.at[stripe])

    plsc.subcore_barrier()

    def start_g(j, b):
        pltpu.async_copy(h_hbm.at[src_v.at[pl.ds(j * CH, CH)]], row_bufs[b],
                         gsems[b])
        pltpu.async_copy(
            dst_hbm.at[pl.ds(pl.multiple_of(ebase + j * CH, 8), CH)],
            dst_bufs[b], dsems[b])

    def wait_g(b):
        pltpu.make_async_copy(h_hbm.at[src_v.at[pl.ds(0, CH)]], row_bufs[b],
                              gsems[b]).wait()
        pltpu.make_async_copy(dst_hbm.at[pl.ds(0, CH)], dst_bufs[b],
                              dsems[b]).wait()

    def start_s(b):
        pltpu.async_copy(row_bufs[b], agg_sh.at[dst_bufs[b]], ssems[b],
                         add=True)

    def wait_s(b):
        pltpu.make_async_copy(row_bufs[b], agg_sh.at[dst_bufs[b]],
                              ssems[b]).wait()

    start_g(0, 0)
    start_g(1, 1)
    wait_g(0); start_s(0); start_g(2, 2)
    wait_g(1); start_s(1); wait_s(0); start_g(3, 0)
    wait_g(2); start_s(2); wait_s(1); start_g(4, 1)

    @pl.loop(3, NCHUNK - 2, step=3)
    def _(j):
        wait_g(0); start_s(0); wait_s(2); start_g(j + 2, 2)
        wait_g(1); start_s(1); wait_s(0); start_g(j + 3, 0)
        wait_g(2); start_s(2); wait_s(1); start_g(j + 4, 1)

    wait_g(0); start_s(0); wait_s(2)
    wait_g(1); start_s(1); wait_s(0)
    wait_s(1)

    plsc.subcore_barrier()

    @pl.when(s < NS - 1)
    def _():
        stripe = pl.ds(pl.multiple_of(s * SSTR, 8), SSTR)
        pltpu.sync_copy(agg_sh.at[stripe], out_hbm.at[c, stripe])

    @pl.when(s == NS - 1)
    def _():
        stripe = pl.ds((NS - 1) * SSTR, LSTR)
        pltpu.sync_copy(agg_sh.at[stripe], out_hbm.at[c, stripe])


_BLK = 2000
_F32 = jnp.float32


def _dot(a, b):
    return jnp.dot(a, b, preferred_element_type=_F32,
                   precision=lax.Precision.HIGHEST)


def _pre_body(x_ref, wpt_ref, bp_ref, wst_ref, br_ref, xres_ref, hw_ref):
    x = x_ref[...]
    xres_ref[...] = _dot(x, wpt_ref[...]) + bp_ref[...]
    hw_ref[...] = _dot(x, wst_ref[...]) + br_ref[...]


def _pre(x, wpt, bp, wst, br):
    return pl.pallas_call(
        _pre_body,
        out_shape=(jax.ShapeDtypeStruct((N, D), _F32),
                   jax.ShapeDtypeStruct((N, D), _F32)),
        grid=(N // _BLK,),
        in_specs=[
            pl.BlockSpec((_BLK, D), lambda i: (i, 0)),
            pl.BlockSpec((D, D), lambda i: (0, 0)),
            pl.BlockSpec((1, D), lambda i: (0, 0)),
            pl.BlockSpec((D, D), lambda i: (0, 0)),
            pl.BlockSpec((1, D), lambda i: (0, 0)),
        ],
        out_specs=(pl.BlockSpec((_BLK, D), lambda i: (i, 0)),
                   pl.BlockSpec((_BLK, D), lambda i: (i, 0))),
    )(x, wpt, bp.reshape(1, D), wst, br.reshape(1, D))


def _layer_body(agg_a_ref, agg_b_ref, wrt_ref, hw_ref, add_ref,
                wst_ref, brn_ref, h_ref, hwn_ref):
    h = jnp.maximum(_dot(agg_a_ref[0] + agg_b_ref[0], wrt_ref[...])
                    + hw_ref[...], 0.0) + add_ref[...]
    h_ref[...] = h
    hwn_ref[...] = _dot(h, wst_ref[...]) + brn_ref[...]


def _layer(agg, wrt, hw, add, wst_next, br_next):
    return pl.pallas_call(
        _layer_body,
        out_shape=(jax.ShapeDtypeStruct((N, D), _F32),
                   jax.ShapeDtypeStruct((N, D), _F32)),
        grid=(N // _BLK,),
        in_specs=[
            pl.BlockSpec((1, _BLK, D), lambda i: (0, i, 0)),
            pl.BlockSpec((1, _BLK, D), lambda i: (1, i, 0)),
            pl.BlockSpec((D, D), lambda i: (0, 0)),
            pl.BlockSpec((_BLK, D), lambda i: (i, 0)),
            pl.BlockSpec((_BLK, D), lambda i: (i, 0)),
            pl.BlockSpec((D, D), lambda i: (0, 0)),
            pl.BlockSpec((1, D), lambda i: (0, 0)),
        ],
        out_specs=(pl.BlockSpec((_BLK, D), lambda i: (i, 0)),
                   pl.BlockSpec((_BLK, D), lambda i: (i, 0))),
    )(agg, agg, wrt, hw, add, wst_next, br_next.reshape(1, D))


def _final_body(agg_a_ref, agg_b_ref, wrt_ref, hw_ref, o_ref):
    o_ref[...] = _dot(agg_a_ref[0] + agg_b_ref[0], wrt_ref[...]) + hw_ref[...]


def _final(agg, wrt, hw):
    return pl.pallas_call(
        _final_body,
        out_shape=jax.ShapeDtypeStruct((N, D), _F32),
        grid=(N // _BLK,),
        in_specs=[
            pl.BlockSpec((1, _BLK, D), lambda i: (0, i, 0)),
            pl.BlockSpec((1, _BLK, D), lambda i: (1, i, 0)),
            pl.BlockSpec((D, D), lambda i: (0, 0)),
            pl.BlockSpec((_BLK, D), lambda i: (i, 0)),
        ],
        out_specs=pl.BlockSpec((_BLK, D), lambda i: (i, 0)),
    )(agg, agg, wrt, hw)


def kernel(x, edge_index, Wp, bp, Wr0, br0, Ws0, Wr1, br1, Ws1,
           Wr2, br2, Ws2, Wr3, br3, Ws3):
    edge_index = edge_index.astype(jnp.int32)
    src_r = edge_index[0]
    dst_r = edge_index[1]
    zeros = jnp.zeros((N, D), _F32)

    agg = _sc_segment_sum(x, src_r, dst_r, zeros)
    x_res, hw = _pre(x, Wp.T, bp, Ws0.T, br0)
    h, hw = _layer(agg, Wr0.T, hw, x_res, Ws1.T, br1)

    agg = _sc_segment_sum(h, src_r, dst_r, zeros)
    h, hw = _layer(agg, Wr1.T, hw, h, Ws2.T, br2)

    agg = _sc_segment_sum(h, src_r, dst_r, zeros)
    h, hw = _layer(agg, Wr2.T, hw, h, Ws3.T, br3)

    agg = _sc_segment_sum(h, src_r, dst_r, zeros)
    return _final(agg, Wr3.T, hw)

# --- scband reference (transcript-rebuilt; emitter-appended) ---
"""Pipeline reference for scband-graph-conv-feature-extractor-88510686036730 (READ-ONLY COPY).

The authoritative reference and input builder live on the scoring server;
editing this copy changes nothing except your own understanding.
"""

import jax, jax.numpy as jnp
import numpy as np

N = 10000
E = 320000
D = 128


def _graph_conv(x, src, dst, W_rel, b_rel, W_root):
    # PyG GraphConv with aggr='add': out = lin_rel(sum_{j in N(i)} x_j) + lin_root(x_i)
    agg = jax.ops.segment_sum(x[src], dst, num_segments=x.shape[0])
    return agg @ W_rel.T + b_rel + x @ W_root.T


def setup_inputs(seed: int = 0) -> dict:
    key = jax.random.key(seed)
    ks = jax.random.split(key, 16)
    inp = {}
    inp["x"] = jax.random.normal(ks[0], (N, D), dtype=jnp.float32)
    inp["edge_index"] = jax.random.randint(ks[1], (2, E), 0, N)
    inp["Wp"] = 0.05 * jax.random.normal(ks[2], (D, D), dtype=jnp.float32)
    inp["bp"] = jnp.zeros((D,), dtype=jnp.float32)
    for i in range(4):
        inp[f"Wr{i}"] = 0.05 * jax.random.normal(ks[3 + 3 * i], (D, D), dtype=jnp.float32)
        inp[f"br{i}"] = jnp.zeros((D,), dtype=jnp.float32)
        inp[f"Ws{i}"] = 0.05 * jax.random.normal(ks[4 + 3 * i], (D, D), dtype=jnp.float32)
    return inp


def reference(x, edge_index, Wp, bp, Wr0, br0, Ws0, Wr1, br1, Ws1, Wr2, br2, Ws2, Wr3, br3, Ws3):
    src = edge_index[0]
    dst = edge_index[1]
    x_res = x @ Wp.T + bp
    h = jax.nn.relu(_graph_conv(x, src, dst, Wr0, br0, Ws0)) + x_res
    h = jax.nn.relu(_graph_conv(h, src, dst, Wr1, br1, Ws1)) + h
    h = jax.nn.relu(_graph_conv(h, src, dst, Wr2, br2, Ws2)) + h
    out = _graph_conv(h, src, dst, Wr3, br3, Ws3)
    return out

if __name__ == "__main__":
    import jax
    _d = setup_inputs()
    print(jax.jit(kernel)(*tuple(_d.values())))

</pallas_src>

<mosaic_0001>
#map = affine_map<(d0, d1) -> (0, 0)>
#map1 = affine_map<(d0, d1) -> (0)>
#map2 = affine_map<(d0, d1) -> (0, 0, 0)>
module attributes {stable_mosaic.version = 14 : i64} {
  func.func @_sc_segment_sum(%arg0: i32, %arg1: i32, %arg2: memref<10000x128xf32, #tpu.memory_space<hbm>>, %arg3: memref<320000xi32, #tpu.memory_space<hbm>>, %arg4: memref<320000xi32, #tpu.memory_space<hbm>>, %arg5: memref<10000x128xf32, #tpu.memory_space<hbm>>, %arg6: memref<2x10000x128xf32, #tpu.memory_space<hbm>>, %arg7: memref<10000xi32, #tpu.memory_space<vmem>>, %arg8: memref<80xi32, #tpu.memory_space<vmem>>, %arg9: memref<80xi32, #tpu.memory_space<vmem>>, %arg10: memref<80xi32, #tpu.memory_space<vmem>>, %arg11: memref<80x128xf32, #tpu.memory_space<vmem>>, %arg12: memref<80x128xf32, #tpu.memory_space<vmem>>, %arg13: memref<80x128xf32, #tpu.memory_space<vmem>>, %arg14: memref<10000x128xf32, #tpu.memory_space<vmem_shared>>, %arg15: memref<!tpu.dma_semaphore, #tpu.memory_space<semaphore_mem>>, %arg16: memref<!tpu.dma_semaphore, #tpu.memory_space<semaphore_mem>>, %arg17: memref<!tpu.dma_semaphore, #tpu.memory_space<semaphore_mem>>, %arg18: memref<!tpu.dma_semaphore, #tpu.memory_space<semaphore_mem>>, %arg19: memref<!tpu.dma_semaphore, #tpu.memory_space<semaphore_mem>>, %arg20: memref<!tpu.dma_semaphore, #tpu.memory_space<semaphore_mem>>, %arg21: memref<!tpu.dma_semaphore, #tpu.memory_space<semaphore_mem>>, %arg22: memref<!tpu.dma_semaphore, #tpu.memory_space<semaphore_mem>>, %arg23: memref<!tpu.dma_semaphore, #tpu.memory_space<semaphore_mem>>) attributes {dimension_semantics = [#tpu.dimension_semantics<core_parallel>, #tpu.dimension_semantics<subcore_parallel>], iteration_bounds = array<i64: 2, 16>, scalar_prefetch = 0 : i64, scratch_operands = 17 : i64, tpu.core_type = #tpu.core_type<sc_vector_subcore>, window_params = [{transform_indices = #map}, {transform_indices = #map1}, {transform_indices = #map1}, {transform_indices = #map}, {transform_indices = #map2}]} {
    %mul3A = arith.constant 16 : i32
    %mul3A_0 = arith.muli %arg0, %mul3A : i32
    %add3A = arith.addi %mul3A_0, %arg1 : i32
    %mul3A_1 = arith.constant 10000 : i32
    %mul3A_2 = arith.muli %add3A, %mul3A_1 : i32
    %multiple_of3A = tpu.assume_multiple %mul3A_2, 8 : i32
    "tpu.region"() ({
      %run_scoped3A = tpu.sem_alloc : memref<!tpu.dma_semaphore, #tpu.memory_space<semaphore_mem>>
      %dma_start3A_147 = tpu.memref_slice %arg3[%multiple_of3A] : memref<320000xi32, #tpu.memory_space<hbm>> -> memref<10000xi32, #tpu.memory_space<hbm>>
      %dma_start3A_148 = tpu.memref_slice %arg3[%multiple_of3A] : memref<320000xi32, #tpu.memory_space<hbm>> -> memref<10000xi32, #tpu.memory_space<hbm>>
      tpu.enqueue_dma source(%dma_start3A_148 : memref<10000xi32, #tpu.memory_space<hbm>>) target(%arg7 : memref<10000xi32, #tpu.memory_space<vmem>>) target_semaphore(%run_scoped3A : memref<!tpu.dma_semaphore, #tpu.memory_space<semaphore_mem>>)
      %dma_wait3A_149 = tpu.memref_slice %arg3[%multiple_of3A] : memref<320000xi32, #tpu.memory_space<hbm>> -> memref<10000xi32, #tpu.memory_space<hbm>>
      %dma_wait3A_150 = tpu.memref_slice %arg3[%multiple_of3A] : memref<320000xi32, #tpu.memory_space<hbm>> -> memref<10000xi32, #tpu.memory_space<hbm>>
      tpu.wait_dma2 semaphore(%run_scoped3A : memref<!tpu.dma_semaphore, #tpu.memory_space<semaphore_mem>>) src(%dma_wait3A_150 : memref<10000xi32, #tpu.memory_space<hbm>>) dst(%arg7 : memref<10000xi32, #tpu.memory_space<vmem>>)
      tpu.yield
    }) : () -> ()
    %lt3A = arith.constant 15 : i32
    %lt3A_3 = arith.cmpi slt, %arg1, %lt3A : i32
    %convert_element_type3A = arith.extui %lt3A_3 : i1 to i32
    %cond3A = arith.constant 0 : i32
    %cond3A_4 = arith.cmpi ne, %convert_element_type3A, %cond3A : i32
    scf.if %cond3A_4 {
      %mul3A_147 = arith.constant 624 : i32
      %mul3A_148 = arith.muli %arg1, %mul3A_147 : i32
      %multiple_of3A_149 = tpu.assume_multiple %mul3A_148, 8 : i32
      "tpu.region"() ({
        %run_scoped3A = tpu.sem_alloc : memref<!tpu.dma_semaphore, #tpu.memory_space<semaphore_mem>>
        %dma_start3A_150 = arith.constant 0 : i32
        %dma_start3A_151 = tpu.memref_slice %arg14[%multiple_of3A_149, %dma_start3A_150] : memref<10000x128xf32, #tpu.memory_space<vmem_shared>> -> memref<624x128xf32, #tpu.memory_space<vmem_shared>>
        %dma_start3A_152 = arith.constant 0 : i32
        %dma_start3A_153 = tpu.memref_slice %arg5[%multiple_of3A_149, %dma_start3A_152] : memref<10000x128xf32, #tpu.memory_space<hbm>> -> memref<624x128xf32, #tpu.memory_space<hbm>>
        tpu.enqueue_dma source(%dma_start3A_153 : memref<624x128xf32, #tpu.memory_space<hbm>>) target(%dma_start3A_151 : memref<624x128xf32, #tpu.memory_space<vmem_shared>>) target_semaphore(%run_scoped3A : memref<!tpu.dma_semaphore, #tpu.memory_space<semaphore_mem>>)
        %dma_wait3A_154 = arith.constant 0 : i32
        %dma_wait3A_155 = tpu.memref_slice %arg14[%multiple_of3A_149, %dma_wait3A_154] : memref<10000x128xf32, #tpu.memory_space<vmem_shared>> -> memref<624x128xf32, #tpu.memory_space<vmem_shared>>
        %dma_wait3A_156 = arith.constant 0 : i32
        %dma_wait3A_157 = tpu.memref_slice %arg5[%multiple_of3A_149, %dma_wait3A_156] : memref<10000x128xf32, #tpu.memory_space<hbm>> -> memref<624x128xf32, #tpu.memory_space<hbm>>
        tpu.wait_dma2 semaphore(%run_scoped3A : memref<!tpu.dma_semaphore, #tpu.memory_space<semaphore_mem>>) src(%dma_wait3A_157 : memref<624x128xf32, #tpu.memory_space<hbm>>) dst(%dma_wait3A_155 : memref<624x128xf32, #tpu.memory_space<vmem_shared>>)
        tpu.yield
      }) : () -> ()
    } else {
    }
    %eq3A = arith.constant 15 : i32
    %eq3A_5 = arith.cmpi eq, %arg1, %eq3A : i32
    %convert_element_type3A_6 = arith.extui %eq3A_5 : i1 to i32
    %cond3A_7 = arith.constant 0 : i32
    %cond3A_8 = arith.cmpi ne, %convert_element_type3A_6, %cond3A_7 : i32
    scf.if %cond3A_8 {
      "tpu.region"() ({
        %run_scoped3A = tpu.sem_alloc : memref<!tpu.dma_semaphore, #tpu.memory_space<semaphore_mem>>
        %dma_start3A_147 = arith.constant 9360 : i32
        %dma_start3A_148 = arith.constant 0 : i32
        %dma_start3A_149 = tpu.memref_slice %arg14[%dma_start3A_147, %dma_start3A_148] : memref<10000x128xf32, #tpu.memory_space<vmem_shared>> -> memref<640x128xf32, #tpu.memory_space<vmem_shared>>
        %dma_start3A_150 = arith.constant 9360 : i32
        %dma_start3A_151 = arith.constant 0 : i32
        %dma_start3A_152 = tpu.memref_slice %arg5[%dma_start3A_150, %dma_start3A_151] : memref<10000x128xf32, #tpu.memory_space<hbm>> -> memref<640x128xf32, #tpu.memory_space<hbm>>
        tpu.enqueue_dma source(%dma_start3A_152 : memref<640x128xf32, #tpu.memory_space<hbm>>) target(%dma_start3A_149 : memref<640x128xf32, #tpu.memory_space<vmem_shared>>) target_semaphore(%run_scoped3A : memref<!tpu.dma_semaphore, #tpu.memory_space<semaphore_mem>>)
        %dma_wait3A_153 = arith.constant 9360 : i32
        %dma_wait3A_154 = arith.constant 0 : i32
        %dma_wait3A_155 = tpu.memref_slice %arg14[%dma_wait3A_153, %dma_wait3A_154] : memref<10000x128xf32, #tpu.memory_space<vmem_shared>> -> memref<640x128xf32, #tpu.memory_space<vmem_shared>>
        %dma_wait3A_156 = arith.constant 9360 : i32
        %dma_wait3A_157 = arith.constant 0 : i32
        %dma_wait3A_158 = tpu.memref_slice %arg5[%dma_wait3A_156, %dma_wait3A_157] : memref<10000x128xf32, #tpu.memory_space<hbm>> -> memref<640x128xf32, #tpu.memory_space<hbm>>
        tpu.wait_dma2 semaphore(%run_scoped3A : memref<!tpu.dma_semaphore, #tpu.memory_space<semaphore_mem>>) src(%dma_wait3A_158 : memref<640x128xf32, #tpu.memory_space<hbm>>) dst(%dma_wait3A_155 : memref<640x128xf32, #tpu.memory_space<vmem_shared>>)
        tpu.yield
      }) : () -> ()
    } else {
    }
    %barrier3A = arith.constant 0 : index
    tpu.barrier barrier_id(%barrier3A)
    %dma_start3A = arith.constant 0 : i32
    %dma_start3A_9 = tpu.memref_slice %arg7[%dma_start3A] : memref<10000xi32, #tpu.memory_space<vmem>> -> memref<80xi32, #tpu.memory_space<vmem>>
    %dma_start3A_10 = arith.constant 0 : i32
    %dma_start3A_11 = arith.constant 0 : i32
    %dma_start3A_12 = tpu.memref_slice %arg2[%dma_start3A_10, %dma_start3A_11] : memref<10000x128xf32, #tpu.memory_space<hbm>> -> memref<10000x128xf32, #tpu.memory_space<hbm>>
    tpu.enqueue_indirect_dma source(%dma_start3A_12 : memref<10000x128xf32, #tpu.memory_space<hbm>>) target(%arg11 : memref<80x128xf32, #tpu.memory_space<vmem>>) offsets(%dma_start3A_9 : memref<80xi32, #tpu.memory_space<vmem>>) semaphore(%arg15 : memref<!tpu.dma_semaphore, #tpu.memory_space<semaphore_mem>>)
    %add3A_13 = arith.constant 0 : i32
    %add3A_14 = arith.addi %multiple_of3A, %add3A_13 : i32
    %multiple_of3A_15 = tpu.assume_multiple %add3A_14, 8 : i32
    %dma_start3A_16 = tpu.memref_slice %arg4[%multiple_of3A_15] : memref<320000xi32, #tpu.memory_space<hbm>> -> memref<80xi32, #tpu.memory_space<hbm>>
    %dma_start3A_17 = tpu.memref_slice %arg4[%multiple_of3A_15] : memref<320000xi32, #tpu.memory_space<hbm>> -> memref<80xi32, #tpu.memory_space<hbm>>
    tpu.enqueue_dma source(%dma_start3A_17 : memref<80xi32, #tpu.memory_space<hbm>>) target(%arg8 : memref<80xi32, #tpu.memory_space<vmem>>) target_semaphore(%arg18 : memref<!tpu.dma_semaphore, #tpu.memory_space<semaphore_mem>>)
    %dma_start3A_18 = arith.constant 80 : i32
    %dma_start3A_19 = tpu.memref_slice %arg7[%dma_start3A_18] : memref<10000xi32, #tpu.memory_space<vmem>> -> memref<80xi32, #tpu.memory_space<vmem>>
    %dma_start3A_20 = arith.constant 0 : i32
    %dma_start3A_21 = arith.constant 0 : i32
    %dma_start3A_22 = tpu.memref_slice %arg2[%dma_start3A_20, %dma_start3A_21] : memref<10000x128xf32, #tpu.memory_space<hbm>> -> memref<10000x128xf32, #tpu.memory_space<hbm>>
    tpu.enqueue_indirect_dma source(%dma_start3A_22 : memref<10000x128xf32, #tpu.memory_space<hbm>>) target(%arg12 : memref<80x128xf32, #tpu.memory_space<vmem>>) offsets(%dma_start3A_19 : memref<80xi32, #tpu.memory_space<vmem>>) semaphore(%arg16 : memref<!tpu.dma_semaphore, #tpu.memory_space<semaphore_mem>>)
    %add3A_23 = arith.constant 80 : i32
    %add3A_24 = arith.addi %multiple_of3A, %add3A_23 : i32
    %multiple_of3A_25 = tpu.assume_multiple %add3A_24, 8 : i32
    %dma_start3A_26 = tpu.memref_slice %arg4[%multiple_of3A_25] : memref<320000xi32, #tpu.memory_space<hbm>> -> memref<80xi32, #tpu.memory_space<hbm>>
    %dma_start3A_27 = tpu.memref_slice %arg4[%multiple_of3A_25] : memref<320000xi32, #tpu.memory_space<hbm>> -> memref<80xi32, #tpu.memory_space<hbm>>
    tpu.enqueue_dma source(%dma_start3A_27 : memref<80xi32, #tpu.memory_space<hbm>>) target(%arg9 : memref<80xi32, #tpu.memory_space<vmem>>) target_semaphore(%arg19 : memref<!tpu.dma_semaphore, #tpu.memory_space<semaphore_mem>>)
    %dma_wait3A = arith.constant 0 : i32
    %dma_wait3A_28 = tpu.memref_slice %arg7[%dma_wait3A] : memref<10000xi32, #tpu.memory_space<vmem>> -> memref<80xi32, #tpu.memory_space<vmem>>
    %dma_wait3A_29 = arith.constant 0 : i32
    %dma_wait3A_30 = arith.constant 0 : i32
    %dma_wait3A_31 = tpu.memref_slice %arg2[%dma_wait3A_29, %dma_wait3A_30] : memref<10000x128xf32, #tpu.memory_space<hbm>> -> memref<10000x128xf32, #tpu.memory_space<hbm>>
    tpu.wait_indirect_dma semaphore(%arg15 : memref<!tpu.dma_semaphore, #tpu.memory_space<semaphore_mem>>) src(%dma_wait3A_31 : memref<10000x128xf32, #tpu.memory_space<hbm>>) dst(%arg11 : memref<80x128xf32, #tpu.memory_space<vmem>>)
    %dma_wait3A_32 = arith.constant 0 : i32
    %dma_wait3A_33 = tpu.memref_slice %arg4[%dma_wait3A_32] : memref<320000xi32, #tpu.memory_space<hbm>> -> memref<80xi32, #tpu.memory_space<hbm>>
    %dma_wait3A_34 = arith.constant 0 : i32
    %dma_wait3A_35 = tpu.memref_slice %arg4[%dma_wait3A_34] : memref<320000xi32, #tpu.memory_space<hbm>> -> memref<80xi32, #tpu.memory_space<hbm>>
    tpu.wait_dma2 semaphore(%arg18 : memref<!tpu.dma_semaphore, #tpu.memory_space<semaphore_mem>>) src(%dma_wait3A_35 : memref<80xi32, #tpu.memory_space<hbm>>) dst(%arg8 : memref<80xi32, #tpu.memory_space<vmem>>)
    %dma_start3A_36 = arith.constant 0 : i32
    %dma_start3A_37 = arith.constant 0 : i32
    %dma_start3A_38 = tpu.memref_slice %arg14[%dma_start3A_36, %dma_start3A_37] : memref<10000x128xf32, #tpu.memory_space<vmem_shared>> -> memref<10000x128xf32, #tpu.memory_space<vmem_shared>>
    tpu.enqueue_indirect_dma source(%arg11 : memref<80x128xf32, #tpu.memory_space<vmem>>) target(%dma_start3A_38 : memref<10000x128xf32, #tpu.memory_space<vmem_shared>>) offsets(%arg8 : memref<80xi32, #tpu.memory_space<vmem>>) semaphore(%arg21 : memref<!tpu.dma_semaphore, #tpu.memory_space<semaphore_mem>>) {add = true}
    %dma_start3A_39 = arith.constant 160 : i32
    %dma_start3A_40 = tpu.memref_slice %arg7[%dma_start3A_39] : memref<10000xi32, #tpu.memory_space<vmem>> -> memref<80xi32, #tpu.memory_space<vmem>>
    %dma_start3A_41 = arith.constant 0 : i32
    %dma_start3A_42 = arith.constant 0 : i32
    %dma_start3A_43 = tpu.memref_slice %arg2[%dma_start3A_41, %dma_start3A_42] : memref<10000x128xf32, #tpu.memory_space<hbm>> -> memref<10000x128xf32, #tpu.memory_space<hbm>>
    tpu.enqueue_indirect_dma source(%dma_start3A_43 : memref<10000x128xf32, #tpu.memory_space<hbm>>) target(%arg13 : memref<80x128xf32, #tpu.memory_space<vmem>>) offsets(%dma_start3A_40 : memref<80xi32, #tpu.memory_space<vmem>>) semaphore(%arg17 : memref<!tpu.dma_semaphore, #tpu.memory_space<semaphore_mem>>)
    %add3A_44 = arith.constant 160 : i32
    %add3A_45 = arith.addi %multiple_of3A, %add3A_44 : i32
    %multiple_of3A_46 = tpu.assume_multiple %add3A_45, 8 : i32
    %dma_start3A_47 = tpu.memref_slice %arg4[%multiple_of3A_46] : memref<320000xi32, #tpu.memory_space<hbm>> -> memref<80xi32, #tpu.memory_space<hbm>>
    %dma_start3A_48 = tpu.memref_slice %arg4[%multiple_of3A_46] : memref<320000xi32, #tpu.memory_space<hbm>> -> memref<80xi32, #tpu.memory_space<hbm>>
    tpu.enqueue_dma source(%dma_start3A_48 : memref<80xi32, #tpu.memory_space<hbm>>) target(%arg10 : memref<80xi32, #tpu.memory_space<vmem>>) target_semaphore(%arg20 : memref<!tpu.dma_semaphore, #tpu.memory_space<semaphore_mem>>)
    %dma_wait3A_49 = arith.constant 0 : i32
    %dma_wait3A_50 = tpu.memref_slice %arg7[%dma_wait3A_49] : memref<10000xi32, #tpu.memory_space<vmem>> -> memref<80xi32, #tpu.memory_space<vmem>>
    %dma_wait3A_51 = arith.constant 0 : i32
    %dma_wait3A_52 = arith.constant 0 : i32
    %dma_wait3A_53 = tpu.memref_slice %arg2[%dma_wait3A_51, %dma_wait3A_52] : memref<10000x128xf32, #tpu.memory_space<hbm>> -> memref<10000x128xf32, #tpu.memory_space<hbm>>
    tpu.wait_indirect_dma semaphore(%arg16 : memref<!tpu.dma_semaphore, #tpu.memory_space<semaphore_mem>>) src(%dma_wait3A_53 : memref<10000x128xf32, #tpu.memory_space<hbm>>) dst(%arg12 : memref<80x128xf32, #tpu.memory_space<vmem>>)
    %dma_wait3A_54 = arith.constant 0 : i32
    %dma_wait3A_55 = tpu.memref_slice %arg4[%dma_wait3A_54] : memref<320000xi32, #tpu.memory_space<hbm>> -> memref<80xi32, #tpu.memory_space<hbm>>
    %dma_wait3A_56 = arith.constant 0 : i32
    %dma_wait3A_57 = tpu.memref_slice %arg4[%dma_wait3A_56] : memref<320000xi32, #tpu.memory_space<hbm>> -> memref<80xi32, #tpu.memory_space<hbm>>
    tpu.wait_dma2 semaphore(%arg19 : memref<!tpu.dma_semaphore, #tpu.memory_space<semaphore_mem>>) src(%dma_wait3A_57 : memref<80xi32, #tpu.memory_space<hbm>>) dst(%arg9 : memref<80xi32, #tpu.memory_space<vmem>>)
    %dma_start3A_58 = arith.constant 0 : i32
    %dma_start3A_59 = arith.constant 0 : i32
    %dma_start3A_60 = tpu.memref_slice %arg14[%dma_start3A_58, %dma_start3A_59] : memref<10000x128xf32, #tpu.memory_space<vmem_shared>> -> memref<10000x128xf32, #tpu.memory_space<vmem_shared>>
    tpu.enqueue_indirect_dma source(%arg12 : memref<80x128xf32, #tpu.memory_space<vmem>>) target(%dma_start3A_60 : memref<10000x128xf32, #tpu.memory_space<vmem_shared>>) offsets(%arg9 : memref<80xi32, #tpu.memory_space<vmem>>) semaphore(%arg22 : memref<!tpu.dma_semaphore, #tpu.memory_space<semaphore_mem>>) {add = true}
    %dma_wait3A_61 = arith.constant 0 : i32
    %dma_wait3A_62 = arith.constant 0 : i32
    %dma_wait3A_63 = tpu.memref_slice %arg14[%dma_wait3A_61, %dma_wait3A_62] : memref<10000x128xf32, #tpu.memory_space<vmem_shared>> -> memref<10000x128xf32, #tpu.memory_space<vmem_shared>>
    tpu.wait_indirect_dma semaphore(%arg21 : memref<!tpu.dma_semaphore, #tpu.memory_space<semaphore_mem>>) src(%arg11 : memref<80x128xf32, #tpu.memory_space<vmem>>) dst(%dma_wait3A_63 : memref<10000x128xf32, #tpu.memory_space<vmem_shared>>)
    %dma_start3A_64 = arith.constant 240 : i32
    %dma_start3A_65 = tpu.memref_slice %arg7[%dma_start3A_64] : memref<10000xi32, #tpu.memory_space<vmem>> -> memref<80xi32, #tpu.memory_space<vmem>>
    %dma_start3A_66 = arith.constant 0 : i32
    %dma_start3A_67 = arith.constant 0 : i32
    %dma_start3A_68 = tpu.memref_slice %arg2[%dma_start3A_66, %dma_start3A_67] : memref<10000x128xf32, #tpu.memory_space<hbm>> -> memref<10000x128xf32, #tpu.memory_space<hbm>>
    tpu.enqueue_indirect_dma source(%dma_start3A_68 : memref<10000x128xf32, #tpu.memory_space<hbm>>) target(%arg11 : memref<80x128xf32, #tpu.memory_space<vmem>>) offsets(%dma_start3A_65 : memref<80xi32, #tpu.memory_space<vmem>>) semaphore(%arg15 : memref<!tpu.dma_semaphore, #tpu.memory_space<semaphore_mem>>)
    %add3A_69 = arith.constant 240 : i32
    %add3A_70 = arith.addi %multiple_of3A, %add3A_69 : i32
    %multiple_of3A_71 = tpu.assume_multiple %add3A_70, 8 : i32
    %dma_start3A_72 = tpu.memref_slice %arg4[%multiple_of3A_71] : memref<320000xi32, #tpu.memory_space<hbm>> -> memref<80xi32, #tpu.memory_space<hbm>>
    %dma_start3A_73 = tpu.memref_slice %arg4[%multiple_of3A_71] : memref<320000xi32, #tpu.memory_space<hbm>> -> memref<80xi32, #tpu.memory_space<hbm>>
    tpu.enqueue_dma source(%dma_start3A_73 : memref<80xi32, #tpu.memory_space<hbm>>) target(%arg8 : memref<80xi32, #tpu.memory_space<vmem>>) target_semaphore(%arg18 : memref<!tpu.dma_semaphore, #tpu.memory_space<semaphore_mem>>)
    %dma_wait3A_74 = arith.constant 0 : i32
    %dma_wait3A_75 = tpu.memref_slice %arg7[%dma_wait3A_74] : memref<10000xi32, #tpu.memory_space<vmem>> -> memref<80xi32, #tpu.memory_space<vmem>>
    %dma_wait3A_76 = arith.constant 0 : i32
    %dma_wait3A_77 = arith.constant 0 : i32
    %dma_wait3A_78 = tpu.memref_slice %arg2[%dma_wait3A_76, %dma_wait3A_77] : memref<10000x128xf32, #tpu.memory_space<hbm>> -> memref<10000x128xf32, #tpu.memory_space<hbm>>
    tpu.wait_indirect_dma semaphore(%arg17 : memref<!tpu.dma_semaphore, #tpu.memory_space<semaphore_mem>>) src(%dma_wait3A_78 : memref<10000x128xf32, #tpu.memory_space<hbm>>) dst(%arg13 : memref<80x128xf32, #tpu.memory_space<vmem>>)
    %dma_wait3A_79 = arith.constant 0 : i32
    %dma_wait3A_80 = tpu.memref_slice %arg4[%dma_wait3A_79] : memref<320000xi32, #tpu.memory_space<hbm>> -> memref<80xi32, #tpu.memory_space<hbm>>
    %dma_wait3A_81 = arith.constant 0 : i32
    %dma_wait3A_82 = tpu.memref_slice %arg4[%dma_wait3A_81] : memref<320000xi32, #tpu.memory_space<hbm>> -> memref<80xi32, #tpu.memory_space<hbm>>
    tpu.wait_dma2 semaphore(%arg20 : memref<!tpu.dma_semaphore, #tpu.memory_space<semaphore_mem>>) src(%dma_wait3A_82 : memref<80xi32, #tpu.memory_space<hbm>>) dst(%arg10 : memref<80xi32, #tpu.memory_space<vmem>>)
    %dma_start3A_83 = arith.constant 0 : i32
    %dma_start3A_84 = arith.constant 0 : i32
    %dma_start3A_85 = tpu.memref_slice %arg14[%dma_start3A_83, %dma_start3A_84] : memref<10000x128xf32, #tpu.memory_space<vmem_shared>> -> memref<10000x128xf32, #tpu.memory_space<vmem_shared>>
    tpu.enqueue_indirect_dma source(%arg13 : memref<80x128xf32, #tpu.memory_space<vmem>>) target(%dma_start3A_85 : memref<10000x128xf32, #tpu.memory_space<vmem_shared>>) offsets(%arg10 : memref<80xi32, #tpu.memory_space<vmem>>) semaphore(%arg23 : memref<!tpu.dma_semaphore, #tpu.memory_space<semaphore_mem>>) {add = true}
    %dma_wait3A_86 = arith.constant 0 : i32
    %dma_wait3A_87 = arith.constant 0 : i32
    %dma_wait3A_88 = tpu.memref_slice %arg14[%dma_wait3A_86, %dma_wait3A_87] : memref<10000x128xf32, #tpu.memory_space<vmem_shared>> -> memref<10000x128xf32, #tpu.memory_space<vmem_shared>>
    tpu.wait_indirect_dma semaphore(%arg22 : memref<!tpu.dma_semaphore, #tpu.memory_space<semaphore_mem>>) src(%arg12 : memref<80x128xf32, #tpu.memory_space<vmem>>) dst(%dma_wait3A_88 : memref<10000x128xf32, #tpu.memory_space<vmem_shared>>)
    %dma_start3A_89 = arith.constant 320 : i32
    %dma_start3A_90 = tpu.memref_slice %arg7[%dma_start3A_89] : memref<10000xi32, #tpu.memory_space<vmem>> -> memref<80xi32, #tpu.memory_space<vmem>>
    %dma_start3A_91 = arith.constant 0 : i32
    %dma_start3A_92 = arith.constant 0 : i32
    %dma_start3A_93 = tpu.memref_slice %arg2[%dma_start3A_91, %dma_start3A_92] : memref<10000x128xf32, #tpu.memory_space<hbm>> -> memref<10000x128xf32, #tpu.memory_space<hbm>>
    tpu.enqueue_indirect_dma source(%dma_start3A_93 : memref<10000x128xf32, #tpu.memory_space<hbm>>) target(%arg12 : memref<80x128xf32, #tpu.memory_space<vmem>>) offsets(%dma_start3A_90 : memref<80xi32, #tpu.memory_space<vmem>>) semaphore(%arg16 : memref<!tpu.dma_semaphore, #tpu.memory_space<semaphore_mem>>)
    %add3A_94 = arith.constant 320 : i32
    %add3A_95 = arith.addi %multiple_of3A, %add3A_94 : i32
    %multiple_of3A_96 = tpu.assume_multiple %add3A_95, 8 : i32
    %dma_start3A_97 = tpu.memref_slice %arg4[%multiple_of3A_96] : memref<320000xi32, #tpu.memory_space<hbm>> -> memref<80xi32, #tpu.memory_space<hbm>>
    %dma_start3A_98 = tpu.memref_slice %arg4[%multiple_of3A_96] : memref<320000xi32, #tpu.memory_space<hbm>> -> memref<80xi32, #tpu.memory_space<hbm>>
    tpu.enqueue_dma source(%dma_start3A_98 : memref<80xi32, #tpu.memory_space<hbm>>) target(%arg9 : memref<80xi32, #tpu.memory_space<vmem>>) target_semaphore(%arg19 : memref<!tpu.dma_semaphore, #tpu.memory_space<semaphore_mem>>)
    %scan3A = arith.constant 0 : i32
    %scan3A_99 = arith.constant 40 : i32
    %scan3A_100 = arith.addi %scan3A, %scan3A_99 : i32
    %scan3A_101 = arith.constant 1 : i32
    scf.for %scan3A_147 = %scan3A to %scan3A_100 step %scan3A_101  : i32 {
      %mul3A_148 = arith.constant 3 : i32
      %mul3A_149 = arith.muli %scan3A_147, %mul3A_148 : i32
      %add3A_150 = arith.constant 3 : i32
      %add3A_151 = arith.addi %add3A_150, %mul3A_149 : i32
      %dma_wait3A_152 = arith.constant 0 : i32
      %dma_wait3A_153 = tpu.memref_slice %arg7[%dma_wait3A_152] : memref<10000xi32, #tpu.memory_space<vmem>> -> memref<80xi32, #tpu.memory_space<vmem>>
      %dma_wait3A_154 = arith.constant 0 : i32
      %dma_wait3A_155 = arith.constant 0 : i32
      %dma_wait3A_156 = tpu.memref_slice %arg2[%dma_wait3A_154, %dma_wait3A_155] : memref<10000x128xf32, #tpu.memory_space<hbm>> -> memref<10000x128xf32, #tpu.memory_space<hbm>>
      tpu.wait_indirect_dma semaphore(%arg15 : memref<!tpu.dma_semaphore, #tpu.memory_space<semaphore_mem>>) src(%dma_wait3A_156 : memref<10000x128xf32, #tpu.memory_space<hbm>>) dst(%arg11 : memref<80x128xf32, #tpu.memory_space<vmem>>)
      %dma_wait3A_157 = arith.constant 0 : i32
      %dma_wait3A_158 = tpu.memref_slice %arg4[%dma_wait3A_157] : memref<320000xi32, #tpu.memory_space<hbm>> -> memref<80xi32, #tpu.memory_space<hbm>>
      %dma_wait3A_159 = arith.constant 0 : i32
      %dma_wait3A_160 = tpu.memref_slice %arg4[%dma_wait3A_159] : memref<320000xi32, #tpu.memory_space<hbm>> -> memref<80xi32, #tpu.memory_space<hbm>>
      tpu.wait_dma2 semaphore(%arg18 : memref<!tpu.dma_semaphore, #tpu.memory_space<semaphore_mem>>) src(%dma_wait3A_160 : memref<80xi32, #tpu.memory_space<hbm>>) dst(%arg8 : memref<80xi32, #tpu.memory_space<vmem>>)
      %dma_start3A_161 = arith.constant 0 : i32
      %dma_start3A_162 = arith.constant 0 : i32
      %dma_start3A_163 = tpu.memref_slice %arg14[%dma_start3A_161, %dma_start3A_162] : memref<10000x128xf32, #tpu.memory_space<vmem_shared>> -> memref<10000x128xf32, #tpu.memory_space<vmem_shared>>
      tpu.enqueue_indirect_dma source(%arg11 : memref<80x128xf32, #tpu.memory_space<vmem>>) target(%dma_start3A_163 : memref<10000x128xf32, #tpu.memory_space<vmem_shared>>) offsets(%arg8 : memref<80xi32, #tpu.memory_space<vmem>>) semaphore(%arg21 : memref<!tpu.dma_semaphore, #tpu.memory_space<semaphore_mem>>) {add = true}
      %dma_wait3A_164 = arith.constant 0 : i32
      %dma_wait3A_165 = arith.constant 0 : i32
      %dma_wait3A_166 = tpu.memref_slice %arg14[%dma_wait3A_164, %dma_wait3A_165] : memref<10000x128xf32, #tpu.memory_space<vmem_shared>> -> memref<10000x128xf32, #tpu.memory_space<vmem_shared>>
      tpu.wait_indirect_dma semaphore(%arg23 : memref<!tpu.dma_semaphore, #tpu.memory_space<semaphore_mem>>) src(%arg13 : memref<80x128xf32, #tpu.memory_space<vmem>>) dst(%dma_wait3A_166 : memref<10000x128xf32, #tpu.memory_space<vmem_shared>>)
      %add3A_167 = arith.constant 2 : i32
      %add3A_168 = arith.addi %add3A_151, %add3A_167 : i32
      %mul3A_169 = arith.constant 80 : i32
      %mul3A_170 = arith.muli %add3A_168, %mul3A_169 : i32
      %dma_start3A_171 = tpu.memref_slice %arg7[%mul3A_170] : memref<10000xi32, #tpu.memory_space<vmem>> -> memref<80xi32, #tpu.memory_space<vmem>>
      %dma_start3A_172 = arith.constant 0 : i32
      %dma_start3A_173 = arith.constant 0 : i32
      %dma_start3A_174 = tpu.memref_slice %arg2[%dma_start3A_172, %dma_start3A_173] : memref<10000x128xf32, #tpu.memory_space<hbm>> -> memref<10000x128xf32, #tpu.memory_space<hbm>>
      tpu.enqueue_indirect_dma source(%dma_start3A_174 : memref<10000x128xf32, #tpu.memory_space<hbm>>) target(%arg13 : memref<80x128xf32, #tpu.memory_space<vmem>>) offsets(%dma_start3A_171 : memref<80xi32, #tpu.memory_space<vmem>>) semaphore(%arg17 : memref<!tpu.dma_semaphore, #tpu.memory_space<semaphore_mem>>)
      %mul3A_175 = arith.constant 80 : i32
      %mul3A_176 = arith.muli %add3A_168, %mul3A_175 : i32
      %add3A_177 = arith.addi %multiple_of3A, %mul3A_176 : i32
      %multiple_of3A_178 = tpu.assume_multiple %add3A_177, 8 : i32
      %dma_start3A_179 = tpu.memref_slice %arg4[%multiple_of3A_178] : memref<320000xi32, #tpu.memory_space<hbm>> -> memref<80xi32, #tpu.memory_space<hbm>>
      %dma_start3A_180 = tpu.memref_slice %arg4[%multiple_of3A_178] : memref<320000xi32, #tpu.memory_space<hbm>> -> memref<80xi32, #tpu.memory_space<hbm>>
      tpu.enqueue_dma source(%dma_start3A_180 : memref<80xi32, #tpu.memory_space<hbm>>) target(%arg10 : memref<80xi32, #tpu.memory_space<vmem>>) target_semaphore(%arg20 : memref<!tpu.dma_semaphore, #tpu.memory_space<semaphore_mem>>)
      %dma_wait3A_181 = arith.constant 0 : i32
      %dma_wait3A_182 = tpu.memref_slice %arg7[%dma_wait3A_181] : memref<10000xi32, #tpu.memory_space<vmem>> -> memref<80xi32, #tpu.memory_space<vmem>>
      %dma_wait3A_183 = arith.constant 0 : i32
      %dma_wait3A_184 = arith.constant 0 : i32
      %dma_wait3A_185 = tpu.memref_slice %arg2[%dma_wait3A_183, %dma_wait3A_184] : memref<10000x128xf32, #tpu.memory_space<hbm>> -> memref<10000x128xf32, #tpu.memory_space<hbm>>
      tpu.wait_indirect_dma semaphore(%arg16 : memref<!tpu.dma_semaphore, #tpu.memory_space<semaphore_mem>>) src(%dma_wait3A_185 : memref<10000x128xf32, #tpu.memory_space<hbm>>) dst(%arg12 : memref<80x128xf32, #tpu.memory_space<vmem>>)
      %dma_wait3A_186 = arith.constant 0 : i32
      %dma_wait3A_187 = tpu.memref_slice %arg4[%dma_wait3A_186] : memref<320000xi32, #tpu.memory_space<hbm>> -> memref<80xi32, #tpu.memory_space<hbm>>
      %dma_wait3A_188 = arith.constant 0 : i32
      %dma_wait3A_189 = tpu.memref_slice %arg4[%dma_wait3A_188] : memref<320000xi32, #tpu.memory_space<hbm>> -> memref<80xi32, #tpu.memory_space<hbm>>
      tpu.wait_dma2 semaphore(%arg19 : memref<!tpu.dma_semaphore, #tpu.memory_space<semaphore_mem>>) src(%dma_wait3A_189 : memref<80xi32, #tpu.memory_space<hbm>>) dst(%arg9 : memref<80xi32, #tpu.memory_space<vmem>>)
      %dma_start3A_190 = arith.constant 0 : i32
      %dma_start3A_191 = arith.constant 0 : i32
      %dma_start3A_192 = tpu.memref_slice %arg14[%dma_start3A_190, %dma_start3A_191] : memref<10000x128xf32, #tpu.memory_space<vmem_shared>> -> memref<10000x128xf32, #tpu.memory_space<vmem_shared>>
      tpu.enqueue_indirect_dma source(%arg12 : memref<80x128xf32, #tpu.memory_space<vmem>>) target(%dma_start3A_192 : memref<10000x128xf32, #tpu.memory_space<vmem_shared>>) offsets(%arg9 : memref<80xi32, #tpu.memory_space<vmem>>) semaphore(%arg22 : memref<!tpu.dma_semaphore, #tpu.memory_space<semaphore_mem>>) {add = true}
      %dma_wait3A_193 = arith.constant 0 : i32
      %dma_wait3A_194 = arith.constant 0 : i32
      %dma_wait3A_195 = tpu.memref_slice %arg14[%dma_wait3A_193, %dma_wait3A_194] : memref<10000x128xf32, #tpu.memory_space<vmem_shared>> -> memref<10000x128xf32, #tpu.memory_space<vmem_shared>>
      tpu.wait_indirect_dma semaphore(%arg21 : memref<!tpu.dma_semaphore, #tpu.memory_space<semaphore_mem>>) src(%arg11 : memref<80x128xf32, #tpu.memory_space<vmem>>) dst(%dma_wait3A_195 : memref<10000x128xf32, #tpu.memory_space<vmem_shared>>)
      %add3A_196 = arith.constant 3 : i32
      %add3A_197 = arith.addi %add3A_151, %add3A_196 : i32
      %mul3A_198 = arith.constant 80 : i32
      %mul3A_199 = arith.muli %add3A_197, %mul3A_198 : i32
      %dma_start3A_200 = tpu.memref_slice %arg7[%mul3A_199] : memref<10000xi32, #tpu.memory_space<vmem>> -> memref<80xi32, #tpu.memory_space<vmem>>
      %dma_start3A_201 = arith.constant 0 : i32
      %dma_start3A_202 = arith.constant 0 : i32
      %dma_start3A_203 = tpu.memref_slice %arg2[%dma_start3A_201, %dma_start3A_202] : memref<10000x128xf32, #tpu.memory_space<hbm>> -> memref<10000x128xf32, #tpu.memory_space<hbm>>
      tpu.enqueue_indirect_dma source(%dma_start3A_203 : memref<10000x128xf32, #tpu.memory_space<hbm>>) target(%arg11 : memref<80x128xf32, #tpu.memory_space<vmem>>) offsets(%dma_start3A_200 : memref<80xi32, #tpu.memory_space<vmem>>) semaphore(%arg15 : memref<!tpu.dma_semaphore, #tpu.memory_space<semaphore_mem>>)
      %mul3A_204 = arith.constant 80 : i32
      %mul3A_205 = arith.muli %add3A_197, %mul3A_204 : i32
      %add3A_206 = arith.addi %multiple_of3A, %mul3A_205 : i32
      %multiple_of3A_207 = tpu.assume_multiple %add3A_206, 8 : i32
      %dma_start3A_208 = tpu.memref_slice %arg4[%multiple_of3A_207] : memref<320000xi32, #tpu.memory_space<hbm>> -> memref<80xi32, #tpu.memory_space<hbm>>
      %dma_start3A_209 = tpu.memref_slice %arg4[%multiple_of3A_207] : memref<320000xi32, #tpu.memory_space<hbm>> -> memref<80xi32, #tpu.memory_space<hbm>>
      tpu.enqueue_dma source(%dma_start3A_209 : memref<80xi32, #tpu.memory_space<hbm>>) target(%arg8 : memref<80xi32, #tpu.memory_space<vmem>>) target_semaphore(%arg18 : memref<!tpu.dma_semaphore, #tpu.memory_space<semaphore_mem>>)
      %dma_wait3A_210 = arith.constant 0 : i32
      %dma_wait3A_211 = tpu.memref_slice %arg7[%dma_wait3A_210] : memref<10000xi32, #tpu.memory_space<vmem>> -> memref<80xi32, #tpu.memory_space<vmem>>
      %dma_wait3A_212 = arith.constant 0 : i32
      %dma_wait3A_213 = arith.constant 0 : i32
      %dma_wait3A_214 = tpu.memref_slice %arg2[%dma_wait3A_212, %dma_wait3A_213] : memref<10000x128xf32, #tpu.memory_space<hbm>> -> memref<10000x128xf32, #tpu.memory_space<hbm>>
      tpu.wait_indirect_dma semaphore(%arg17 : memref<!tpu.dma_semaphore, #tpu.memory_space<semaphore_mem>>) src(%dma_wait3A_214 : memref<10000x128xf32, #tpu.memory_space<hbm>>) dst(%arg13 : memref<80x128xf32, #tpu.memory_space<vmem>>)
      %dma_wait3A_215 = arith.constant 0 : i32
      %dma_wait3A_216 = tpu.memref_slice %arg4[%dma_wait3A_215] : memref<320000xi32, #tpu.memory_space<hbm>> -> memref<80xi32, #tpu.memory_space<hbm>>
      %dma_wait3A_217 = arith.constant 0 : i32
      %dma_wait3A_218 = tpu.memref_slice %arg4[%dma_wait3A_217] : memref<320000xi32, #tpu.memory_space<hbm>> -> memref<80xi32, #tpu.memory_space<hbm>>
      tpu.wait_dma2 semaphore(%arg20 : memref<!tpu.dma_semaphore, #tpu.memory_space<semaphore_mem>>) src(%dma_wait3A_218 : memref<80xi32, #tpu.memory_space<hbm>>) dst(%arg10 : memref<80xi32, #tpu.memory_space<vmem>>)
      %dma_start3A_219 = arith.constant 0 : i32
      %dma_start3A_220 = arith.constant 0 : i32
      %dma_start3A_221 = tpu.memref_slice %arg14[%dma_start3A_219, %dma_start3A_220] : memref<10000x128xf32, #tpu.memory_space<vmem_shared>> -> memref<10000x128xf32, #tpu.memory_space<vmem_shared>>
      tpu.enqueue_indirect_dma source(%arg13 : memref<80x128xf32, #tpu.memory_space<vmem>>) target(%dma_start3A_221 : memref<10000x128xf32, #tpu.memory_space<vmem_shared>>) offsets(%arg10 : memref<80xi32, #tpu.memory_space<vmem>>) semaphore(%arg23 : memref<!tpu.dma_semaphore, #tpu.memory_space<semaphore_mem>>) {add = true}
      %dma_wait3A_222 = arith.constant 0 : i32
      %dma_wait3A_223 = arith.constant 0 : i32
      %dma_wait3A_224 = tpu.memref_slice %arg14[%dma_wait3A_222, %dma_wait3A_223] : memref<10000x128xf32, #tpu.memory_space<vmem_shared>> -> memref<10000x128xf32, #tpu.memory_space<vmem_shared>>
      tpu.wait_indirect_dma semaphore(%arg22 : memref<!tpu.dma_semaphore, #tpu.memory_space<semaphore_mem>>) src(%arg12 : memref<80x128xf32, #tpu.memory_space<vmem>>) dst(%dma_wait3A_224 : memref<10000x128xf32, #tpu.memory_space<vmem_shared>>)
      %add3A_225 = arith.constant 4 : i32
      %add3A_226 = arith.addi %add3A_151, %add3A_225 : i32
      %mul3A_227 = arith.constant 80 : i32
      %mul3A_228 = arith.muli %add3A_226, %mul3A_227 : i32
      %dma_start3A_229 = tpu.memref_slice %arg7[%mul3A_228] : memref<10000xi32, #tpu.memory_space<vmem>> -> memref<80xi32, #tpu.memory_space<vmem>>
      %dma_start3A_230 = arith.constant 0 : i32
      %dma_start3A_231 = arith.constant 0 : i32
      %dma_start3A_232 = tpu.memref_slice %arg2[%dma_start3A_230, %dma_start3A_231] : memref<10000x128xf32, #tpu.memory_space<hbm>> -> memref<10000x128xf32, #tpu.memory_space<hbm>>
      tpu.enqueue_indirect_dma source(%dma_start3A_232 : memref<10000x128xf32, #tpu.memory_space<hbm>>) target(%arg12 : memref<80x128xf32, #tpu.memory_space<vmem>>) offsets(%dma_start3A_229 : memref<80xi32, #tpu.memory_space<vmem>>) semaphore(%arg16 : memref<!tpu.dma_semaphore, #tpu.memory_space<semaphore_mem>>)
      %mul3A_233 = arith.constant 80 : i32
      %mul3A_234 = arith.muli %add3A_226, %mul3A_233 : i32
      %add3A_235 = arith.addi %multiple_of3A, %mul3A_234 : i32
      %multiple_of3A_236 = tpu.assume_multiple %add3A_235, 8 : i32
      %dma_start3A_237 = tpu.memref_slice %arg4[%multiple_of3A_236] : memref<320000xi32, #tpu.memory_space<hbm>> -> memref<80xi32, #tpu.memory_space<hbm>>
      %dma_start3A_238 = tpu.memref_slice %arg4[%multiple_of3A_236] : memref<320000xi32, #tpu.memory_space<hbm>> -> memref<80xi32, #tpu.memory_space<hbm>>
      tpu.enqueue_dma source(%dma_start3A_238 : memref<80xi32, #tpu.memory_space<hbm>>) target(%arg9 : memref<80xi32, #tpu.memory_space<vmem>>) target_semaphore(%arg19 : memref<!tpu.dma_semaphore, #tpu.memory_space<semaphore_mem>>)
    }
    %scan3A_102 = arith.constant 40 : i32
    %dma_wait3A_103 = arith.constant 0 : i32
    %dma_wait3A_104 = tpu.memref_slice %arg7[%dma_wait3A_103] : memref<10000xi32, #tpu.memory_space<vmem>> -> memref<80xi32, #tpu.memory_space<vmem>>
    %dma_wait3A_105 = arith.constant 0 : i32
    %dma_wait3A_106 = arith.constant 0 : i32
    %dma_wait3A_107 = tpu.memref_slice %arg2[%dma_wait3A_105, %dma_wait3A_106] : memref<10000x128xf32, #tpu.memory_space<hbm>> -> memref<10000x128xf32, #tpu.memory_space<hbm>>
    tpu.wait_indirect_dma semaphore(%arg15 : memref<!tpu.dma_semaphore, #tpu.memory_space<semaphore_mem>>) src(%dma_wait3A_107 : memref<10000x128xf32, #tpu.memory_space<hbm>>) dst(%arg11 : memref<80x128xf32, #tpu.memory_space<vmem>>)
    %dma_wait3A_108 = arith.constant 0 : i32
    %dma_wait3A_109 = tpu.memref_slice %arg4[%dma_wait3A_108] : memref<320000xi32, #tpu.memory_space<hbm>> -> memref<80xi32, #tpu.memory_space<hbm>>
    %dma_wait3A_110 = arith.constant 0 : i32
    %dma_wait3A_111 = tpu.memref_slice %arg4[%dma_wait3A_110] : memref<320000xi32, #tpu.memory_space<hbm>> -> memref<80xi32, #tpu.memory_space<hbm>>
    tpu.wait_dma2 semaphore(%arg18 : memref<!tpu.dma_semaphore, #tpu.memory_space<semaphore_mem>>) src(%dma_wait3A_111 : memref<80xi32, #tpu.memory_space<hbm>>) dst(%arg8 : memref<80xi32, #tpu.memory_space<vmem>>)
    %dma_start3A_112 = arith.constant 0 : i32
    %dma_start3A_113 = arith.constant 0 : i32
    %dma_start3A_114 = tpu.memref_slice %arg14[%dma_start3A_112, %dma_start3A_113] : memref<10000x128xf32, #tpu.memory_space<vmem_shared>> -> memref<10000x128xf32, #tpu.memory_space<vmem_shared>>
    tpu.enqueue_indirect_dma source(%arg11 : memref<80x128xf32, #tpu.memory_space<vmem>>) target(%dma_start3A_114 : memref<10000x128xf32, #tpu.memory_space<vmem_shared>>) offsets(%arg8 : memref<80xi32, #tpu.memory_space<vmem>>) semaphore(%arg21 : memref<!tpu.dma_semaphore, #tpu.memory_space<semaphore_mem>>) {add = true}
    %dma_wait3A_115 = arith.constant 0 : i32
    %dma_wait3A_116 = arith.constant 0 : i32
    %dma_wait3A_117 = tpu.memref_slice %arg14[%dma_wait3A_115, %dma_wait3A_116] : memref<10000x128xf32, #tpu.memory_space<vmem_shared>> -> memref<10000x128xf32, #tpu.memory_space<vmem_shared>>
    tpu.wait_indirect_dma semaphore(%arg23 : memref<!tpu.dma_semaphore, #tpu.memory_space<semaphore_mem>>) src(%arg13 : memref<80x128xf32, #tpu.memory_space<vmem>>) dst(%dma_wait3A_117 : memref<10000x128xf32, #tpu.memory_space<vmem_shared>>)
    %dma_wait3A_118 = arith.constant 0 : i32
    %dma_wait3A_119 = tpu.memref_slice %arg7[%dma_wait3A_118] : memref<10000xi32, #tpu.memory_space<vmem>> -> memref<80xi32, #tpu.memory_space<vmem>>
    %dma_wait3A_120 = arith.constant 0 : i32
    %dma_wait3A_121 = arith.constant 0 : i32
    %dma_wait3A_122 = tpu.memref_slice %arg2[%dma_wait3A_120, %dma_wait3A_121] : memref<10000x128xf32, #tpu.memory_space<hbm>> -> memref<10000x128xf32, #tpu.memory_space<hbm>>
    tpu.wait_indirect_dma semaphore(%arg16 : memref<!tpu.dma_semaphore, #tpu.memory_space<semaphore_mem>>) src(%dma_wait3A_122 : memref<10000x128xf32, #tpu.memory_space<hbm>>) dst(%arg12 : memref<80x128xf32, #tpu.memory_space<vmem>>)
    %dma_wait3A_123 = arith.constant 0 : i32
    %dma_wait3A_124 = tpu.memref_slice %arg4[%dma_wait3A_123] : memref<320000xi32, #tpu.memory_space<hbm>> -> memref<80xi32, #tpu.memory_space<hbm>>
    %dma_wait3A_125 = arith.constant 0 : i32
    %dma_wait3A_126 = tpu.memref_slice %arg4[%dma_wait3A_125] : memref<320000xi32, #tpu.memory_space<hbm>> -> memref<80xi32, #tpu.memory_space<hbm>>
    tpu.wait_dma2 semaphore(%arg19 : memref<!tpu.dma_semaphore, #tpu.memory_space<semaphore_mem>>) src(%dma_wait3A_126 : memref<80xi32, #tpu.memory_space<hbm>>) dst(%arg9 : memref<80xi32, #tpu.memory_space<vmem>>)
    %dma_start3A_127 = arith.constant 0 : i32
    %dma_start3A_128 = arith.constant 0 : i32
    %dma_start3A_129 = tpu.memref_slice %arg14[%dma_start3A_127, %dma_start3A_128] : memref<10000x128xf32, #tpu.memory_space<vmem_shared>> -> memref<10000x128xf32, #tpu.memory_space<vmem_shared>>
    tpu.enqueue_indirect_dma source(%arg12 : memref<80x128xf32, #tpu.memory_space<vmem>>) target(%dma_start3A_129 : memref<10000x128xf32, #tpu.memory_space<vmem_shared>>) offsets(%arg9 : memref<80xi32, #tpu.memory_space<vmem>>) semaphore(%arg22 : memref<!tpu.dma_semaphore, #tpu.memory_space<semaphore_mem>>) {add = true}
    %dma_wait3A_130 = arith.constant 0 : i32
    %dma_wait3A_131 = arith.constant 0 : i32
    %dma_wait3A_132 = tpu.memref_slice %arg14[%dma_wait3A_130, %dma_wait3A_131] : memref<10000x128xf32, #tpu.memory_space<vmem_shared>> -> memref<10000x128xf32, #tpu.memory_space<vmem_shared>>
    tpu.wait_indirect_dma semaphore(%arg21 : memref<!tpu.dma_semaphore, #tpu.memory_space<semaphore_mem>>) src(%arg11 : memref<80x128xf32, #tpu.memory_space<vmem>>) dst(%dma_wait3A_132 : memref<10000x128xf32, #tpu.memory_space<vmem_shared>>)
    %dma_wait3A_133 = arith.constant 0 : i32
    %dma_wait3A_134 = arith.constant 0 : i32
    %dma_wait3A_135 = tpu.memref_slice %arg14[%dma_wait3A_133, %dma_wait3A_134] : memref<10000x128xf32, #tpu.memory_space<vmem_shared>> -> memref<10000x128xf32, #tpu.memory_space<vmem_shared>>
    tpu.wait_indirect_dma semaphore(%arg22 : memref<!tpu.dma_semaphore, #tpu.memory_space<semaphore_mem>>) src(%arg12 : memref<80x128xf32, #tpu.memory_space<vmem>>) dst(%dma_wait3A_135 : memref<10000x128xf32, #tpu.memory_space<vmem_shared>>)
    %barrier3A_136 = arith.constant 0 : index
    tpu.barrier barrier_id(%barrier3A_136)
    %lt3A_137 = arith.constant 15 : i32
    %lt3A_138 = arith.cmpi slt, %arg1, %lt3A_137 : i32
    %convert_element_type3A_139 = arith.extui %lt3A_138 : i1 to i32
    %cond3A_140 = arith.constant 0 : i32
    %cond3A_141 = arith.cmpi ne, %convert_element_type3A_139, %cond3A_140 : i32
    scf.if %cond3A_141 {
      %mul3A_147 = arith.constant 624 : i32
      %mul3A_148 = arith.muli %arg1, %mul3A_147 : i32
      %multiple_of3A_149 = tpu.assume_multiple %mul3A_148, 8 : i32
      "tpu.region"() ({
        %run_scoped3A = tpu.sem_alloc : memref<!tpu.dma_semaphore, #tpu.memory_space<semaphore_mem>>
        %dma_start3A_150 = arith.constant 0 : i32
        %dma_start3A_151 = tpu.memref_slice %arg6[%arg0, %multiple_of3A_149, %dma_start3A_150] : memref<2x10000x128xf32, #tpu.memory_space<hbm>> -> memref<1x624x128xf32, #tpu.memory_space<hbm>>
        %dma_start3A_152 = tpu.memref_squeeze %dma_start3A_151 : memref<1x624x128xf32, #tpu.memory_space<hbm>> -> memref<624x128xf32, #tpu.memory_space<hbm>>
        %dma_start3A_153 = arith.constant 0 : i32
        %dma_start3A_154 = tpu.memref_slice %arg14[%multiple_of3A_149, %dma_start3A_153] : memref<10000x128xf32, #tpu.memory_space<vmem_shared>> -> memref<624x128xf32, #tpu.memory_space<vmem_shared>>
        tpu.enqueue_dma source(%dma_start3A_154 : memref<624x128xf32, #tpu.memory_space<vmem_shared>>) target(%dma_start3A_152 : memref<624x128xf32, #tpu.memory_space<hbm>>) target_semaphore(%run_scoped3A : memref<!tpu.dma_semaphore, #tpu.memory_space<semaphore_mem>>)
        %dma_wait3A_155 = arith.constant 0 : i32
        %dma_wait3A_156 = tpu.memref_slice %arg6[%arg0, %multiple_of3A_149, %dma_wait3A_155] : memref<2x10000x128xf32, #tpu.memory_space<hbm>> -> memref<1x624x128xf32, #tpu.memory_space<hbm>>
        %dma_wait3A_157 = tpu.memref_squeeze %dma_wait3A_156 : memref<1x624x128xf32, #tpu.memory_space<hbm>> -> memref<624x128xf32, #tpu.memory_space<hbm>>
        %dma_wait3A_158 = arith.constant 0 : i32
        %dma_wait3A_159 = tpu.memref_slice %arg14[%multiple_of3A_149, %dma_wait3A_158] : memref<10000x128xf32, #tpu.memory_space<vmem_shared>> -> memref<624x128xf32, #tpu.memory_space<vmem_shared>>
        tpu.wait_dma2 semaphore(%run_scoped3A : memref<!tpu.dma_semaphore, #tpu.memory_space<semaphore_mem>>) src(%dma_wait3A_159 : memref<624x128xf32, #tpu.memory_space<vmem_shared>>) dst(%dma_wait3A_157 : memref<624x128xf32, #tpu.memory_space<hbm>>)
        tpu.yield
      }) : () -> ()
    } else {
    }
    %eq3A_142 = arith.constant 15 : i32
    %eq3A_143 = arith.cmpi eq, %arg1, %eq3A_142 : i32
    %convert_element_type3A_144 = arith.extui %eq3A_143 : i1 to i32
    %cond3A_145 = arith.constant 0 : i32
    %cond3A_146 = arith.cmpi ne, %convert_element_type3A_144, %cond3A_145 : i32
    scf.if %cond3A_146 {
      "tpu.region"() ({
        %run_scoped3A = tpu.sem_alloc : memref<!tpu.dma_semaphore, #tpu.memory_space<semaphore_mem>>
        %dma_start3A_147 = arith.constant 9360 : i32
        %dma_start3A_148 = arith.constant 0 : i32
        %dma_start3A_149 = tpu.memref_slice %arg6[%arg0, %dma_start3A_147, %dma_start3A_148] : memref<2x10000x128xf32, #tpu.memory_space<hbm>> -> memref<1x640x128xf32, #tpu.memory_space<hbm>>
        %dma_start3A_150 = tpu.memref_squeeze %dma_start3A_149 : memref<1x640x128xf32, #tpu.memory_space<hbm>> -> memref<640x128xf32, #tpu.memory_space<hbm>>
        %dma_start3A_151 = arith.constant 9360 : i32
        %dma_start3A_152 = arith.constant 0 : i32
        %dma_start3A_153 = tpu.memref_slice %arg14[%dma_start3A_151, %dma_start3A_152] : memref<10000x128xf32, #tpu.memory_space<vmem_shared>> -> memref<640x128xf32, #tpu.memory_space<vmem_shared>>
        tpu.enqueue_dma source(%dma_start3A_153 : memref<640x128xf32, #tpu.memory_space<vmem_shared>>) target(%dma_start3A_150 : memref<640x128xf32, #tpu.memory_space<hbm>>) target_semaphore(%run_scoped3A : memref<!tpu.dma_semaphore, #tpu.memory_space<semaphore_mem>>)
        %dma_wait3A_154 = arith.constant 9360 : i32
        %dma_wait3A_155 = arith.constant 0 : i32
        %dma_wait3A_156 = tpu.memref_slice %arg6[%arg0, %dma_wait3A_154, %dma_wait3A_155] : memref<2x10000x128xf32, #tpu.memory_space<hbm>> -> memref<1x640x128xf32, #tpu.memory_space<hbm>>
        %dma_wait3A_157 = tpu.memref_squeeze %dma_wait3A_156 : memref<1x640x128xf32, #tpu.memory_space<hbm>> -> memref<640x128xf32, #tpu.memory_space<hbm>>
        %dma_wait3A_158 = arith.constant 9360 : i32
        %dma_wait3A_159 = arith.constant 0 : i32
        %dma_wait3A_160 = tpu.memref_slice %arg14[%dma_wait3A_158, %dma_wait3A_159] : memref<10000x128xf32, #tpu.memory_space<vmem_shared>> -> memref<640x128xf32, #tpu.memory_space<vmem_shared>>
        tpu.wait_dma2 semaphore(%run_scoped3A : memref<!tpu.dma_semaphore, #tpu.memory_space<semaphore_mem>>) src(%dma_wait3A_160 : memref<640x128xf32, #tpu.memory_space<vmem_shared>>) dst(%dma_wait3A_157 : memref<640x128xf32, #tpu.memory_space<hbm>>)
        tpu.yield
      }) : () -> ()
    } else {
    }
    return
  }
}

#map = affine_map<(d0, d1) -> (0, 0)>
#map1 = affine_map<(d0, d1) -> (0)>
#map2 = affine_map<(d0, d1) -> (0, 0, 0)>
module attributes {stable_mosaic.version = 14 : i64} {
  func.func @_sc_segment_sum(%arg0: i32, %arg1: i32, %arg2: memref<10000x128xf32, #tpu.memory_space<hbm>>, %arg3: memref<320000xi32, #tpu.memory_space<hbm>>, %arg4: memref<320000xi32, #tpu.memory_space<hbm>>, %arg5: memref<10000x128xf32, #tpu.memory_space<hbm>>, %arg6: memref<2x10000x128xf32, #tpu.memory_space<hbm>>, %arg7: memref<10000xi32, #tpu.memory_space<vmem>>, %arg8: memref<80xi32, #tpu.memory_space<vmem>>, %arg9: memref<80xi32, #tpu.memory_space<vmem>>, %arg10: memref<80xi32, #tpu.memory_space<vmem>>, %arg11: memref<80x128xf32, #tpu.memory_space<vmem>>, %arg12: memref<80x128xf32, #tpu.memory_space<vmem>>, %arg13: memref<80x128xf32, #tpu.memory_space<vmem>>, %arg14: memref<10000x128xf32, #tpu.memory_space<vmem_shared>>, %arg15: memref<!tpu.dma_semaphore, #tpu.memory_space<semaphore_mem>>, %arg16: memref<!tpu.dma_semaphore, #tpu.memory_space<semaphore_mem>>, %arg17: memref<!tpu.dma_semaphore, #tpu.memory_space<semaphore_mem>>, %arg18: memref<!tpu.dma_semaphore, #tpu.memory_space<semaphore_mem>>, %arg19: memref<!tpu.dma_semaphore, #tpu.memory_space<semaphore_mem>>, %arg20: memref<!tpu.dma_semaphore, #tpu.memory_space<semaphore_mem>>, %arg21: memref<!tpu.dma_semaphore, #tpu.memory_space<semaphore_mem>>, %arg22: memref<!tpu.dma_semaphore, #tpu.memory_space<semaphore_mem>>, %arg23: memref<!tpu.dma_semaphore, #tpu.memory_space<semaphore_mem>>) attributes {dimension_semantics = [#tpu.dimension_semantics<core_parallel>, #tpu.dimension_semantics<subcore_parallel>], iteration_bounds = array<i64: 2, 16>, scalar_prefetch = 0 : i64, scratch_operands = 17 : i64, tpu.core_type = #tpu.core_type<sc_vector_subcore>, window_params = [{transform_indices = #map}, {transform_indices = #map1}, {transform_indices = #map1}, {transform_indices = #map}, {transform_indices = #map2}]} {
    %mul3A = arith.constant 16 : i32
    %mul3A_0 = arith.muli %arg0, %mul3A : i32
    %add3A = arith.addi %mul3A_0, %arg1 : i32
    %mul3A_1 = arith.constant 10000 : i32
    %mul3A_2 = arith.muli %add3A, %mul3A_1 : i32
    %multiple_of3A = tpu.assume_multiple %mul3A_2, 8 : i32
    "tpu.region"() ({
      %run_scoped3A = tpu.sem_alloc : memref<!tpu.dma_semaphore, #tpu.memory_space<semaphore_mem>>
      %dma_start3A_147 = tpu.memref_slice %arg3[%multiple_of3A] : memref<320000xi32, #tpu.memory_space<hbm>> -> memref<10000xi32, #tpu.memory_space<hbm>>
      %dma_start3A_148 = tpu.memref_slice %arg3[%multiple_of3A] : memref<320000xi32, #tpu.memory_space<hbm>> -> memref<10000xi32, #tpu.memory_space<hbm>>
      tpu.enqueue_dma source(%dma_start3A_148 : memref<10000xi32, #tpu.memory_space<hbm>>) target(%arg7 : memref<10000xi32, #tpu.memory_space<vmem>>) target_semaphore(%run_scoped3A : memref<!tpu.dma_semaphore, #tpu.memory_space<semaphore_mem>>)
      %dma_wait3A_149 = tpu.memref_slice %arg3[%multiple_of3A] : memref<320000xi32, #tpu.memory_space<hbm>> -> memref<10000xi32, #tpu.memory_space<hbm>>
      %dma_wait3A_150 = tpu.memref_slice %arg3[%multiple_of3A] : memref<320000xi32, #tpu.memory_space<hbm>> -> memref<10000xi32, #tpu.memory_space<hbm>>
      tpu.wait_dma2 semaphore(%run_scoped3A : memref<!tpu.dma_semaphore, #tpu.memory_space<semaphore_mem>>) src(%dma_wait3A_150 : memref<10000xi32, #tpu.memory_space<hbm>>) dst(%arg7 : memref<10000xi32, #tpu.memory_space<vmem>>)
      tpu.yield
    }) : () -> ()
    %lt3A = arith.constant 15 : i32
    %lt3A_3 = arith.cmpi slt, %arg1, %lt3A : i32
    %convert_element_type3A = arith.extui %lt3A_3 : i1 to i32
    %cond3A = arith.constant 0 : i32
    %cond3A_4 = arith.cmpi ne, %convert_element_type3A, %cond3A : i32
    scf.if %cond3A_4 {
      %mul3A_147 = arith.constant 624 : i32
      %mul3A_148 = arith.muli %arg1, %mul3A_147 : i32
      %multiple_of3A_149 = tpu.assume_multiple %mul3A_148, 8 : i32
      "tpu.region"() ({
        %run_scoped3A = tpu.sem_alloc : memref<!tpu.dma_semaphore, #tpu.memory_space<semaphore_mem>>
        %dma_start3A_150 = arith.constant 0 : i32
        %dma_start3A_151 = tpu.memref_slice %arg14[%multiple_of3A_149, %dma_start3A_150] : memref<10000x128xf32, #tpu.memory_space<vmem_shared>> -> memref<624x128xf32, #tpu.memory_space<vmem_shared>>
        %dma_start3A_152 = arith.constant 0 : i32
        %dma_start3A_153 = tpu.memref_slice %arg5[%multiple_of3A_149, %dma_start3A_152] : memref<10000x128xf32, #tpu.memory_space<hbm>> -> memref<624x128xf32, #tpu.memory_space<hbm>>
        tpu.enqueue_dma source(%dma_start3A_153 : memref<624x128xf32, #tpu.memory_space<hbm>>) target(%dma_start3A_151 : memref<624x128xf32, #tpu.memory_space<vmem_shared>>) target_semaphore(%run_scoped3A : memref<!tpu.dma_semaphore, #tpu.memory_space<semaphore_mem>>)
        %dma_wait3A_154 = arith.constant 0 : i32
        %dma_wait3A_155 = tpu.memref_slice %arg14[%multiple_of3A_149, %dma_wait3A_154] : memref<10000x128xf32, #tpu.memory_space<vmem_shared>> -> memref<624x128xf32, #tpu.memory_space<vmem_shared>>
        %dma_wait3A_156 = arith.constant 0 : i32
        %dma_wait3A_157 = tpu.memref_slice %arg5[%multiple_of3A_149, %dma_wait3A_156] : memref<10000x128xf32, #tpu.memory_space<hbm>> -> memref<624x128xf32, #tpu.memory_space<hbm>>
        tpu.wait_dma2 semaphore(%run_scoped3A : memref<!tpu.dma_semaphore, #tpu.memory_space<semaphore_mem>>) src(%dma_wait3A_157 : memref<624x128xf32, #tpu.memory_space<hbm>>) dst(%dma_wait3A_155 : memref<624x128xf32, #tpu.memory_space<vmem_shared>>)
        tpu.yield
      }) : () -> ()
    } else {
    }
    %eq3A = arith.constant 15 : i32
    %eq3A_5 = arith.cmpi eq, %arg1, %eq3A : i32
    %convert_element_type3A_6 = arith.extui %eq3A_5 : i1 to i32
    %cond3A_7 = arith.constant 0 : i32
    %cond3A_8 = arith.cmpi ne, %convert_element_type3A_6, %cond3A_7 : i32
    scf.if %cond3A_8 {
      "tpu.region"() ({
        %run_scoped3A = tpu.sem_alloc : memref<!tpu.dma_semaphore, #tpu.memory_space<semaphore_mem>>
        %dma_start3A_147 = arith.constant 9360 : i32
        %dma_start3A_148 = arith.constant 0 : i32
        %dma_start3A_149 = tpu.memref_slice %arg14[%dma_start3A_147, %dma_start3A_148] : memref<10000x128xf32, #tpu.memory_space<vmem_shared>> -> memref<640x128xf32, #tpu.memory_space<vmem_shared>>
        %dma_start3A_150 = arith.constant 9360 : i32
        %dma_start3A_151 = arith.constant 0 : i32
        %dma_start3A_152 = tpu.memref_slice %arg5[%dma_start3A_150, %dma_start3A_151] : memref<10000x128xf32, #tpu.memory_space<hbm>> -> memref<640x128xf32, #tpu.memory_space<hbm>>
        tpu.enqueue_dma source(%dma_start3A_152 : memref<640x128xf32, #tpu.memory_space<hbm>>) target(%dma_start3A_149 : memref<640x128xf32, #tpu.memory_space<vmem_shared>>) target_semaphore(%run_scoped3A : memref<!tpu.dma_semaphore, #tpu.memory_space<semaphore_mem>>)
        %dma_wait3A_153 = arith.constant 9360 : i32
        %dma_wait3A_154 = arith.constant 0 : i32
        %dma_wait3A_155 = tpu.memref_slice %arg14[%dma_wait3A_153, %dma_wait3A_154] : memref<10000x128xf32, #tpu.memory_space<vmem_shared>> -> memref<640x128xf32, #tpu.memory_space<vmem_shared>>
        %dma_wait3A_156 = arith.constant 9360 : i32
        %dma_wait3A_157 = arith.constant 0 : i32
        %dma_wait3A_158 = tpu.memref_slice %arg5[%dma_wait3A_156, %dma_wait3A_157] : memref<10000x128xf32, #tpu.memory_space<hbm>> -> memref<640x128xf32, #tpu.memory_space<hbm>>
        tpu.wait_dma2 semaphore(%run_scoped3A : memref<!tpu.dma_semaphore, #tpu.memory_space<semaphore_mem>>) src(%dma_wait3A_158 : memref<640x128xf32, #tpu.memory_space<hbm>>) dst(%dma_wait3A_155 : memref<640x128xf32, #tpu.memory_space<vmem_shared>>)
        tpu.yield
      }) : () -> ()
    } else {
    }
    %barrier3A = arith.constant 0 : index
    tpu.barrier barrier_id(%barrier3A)
    %dma_start3A = arith.constant 0 : i32
    %dma_start3A_9 = tpu.memref_slice %arg7[%dma_start3A] : memref<10000xi32, #tpu.memory_space<vmem>> -> memref<80xi32, #tpu.memory_space<vmem>>
    %dma_start3A_10 = arith.constant 0 : i32
    %dma_start3A_11 = arith.constant 0 : i32
    %dma_start3A_12 = tpu.memref_slice %arg2[%dma_start3A_10, %dma_start3A_11] : memref<10000x128xf32, #tpu.memory_space<hbm>> -> memref<10000x128xf32, #tpu.memory_space<hbm>>
    tpu.enqueue_indirect_dma source(%dma_start3A_12 : memref<10000x128xf32, #tpu.memory_space<hbm>>) target(%arg11 : memref<80x128xf32, #tpu.memory_space<vmem>>) offsets(%dma_start3A_9 : memref<80xi32, #tpu.memory_space<vmem>>) semaphore(%arg15 : memref<!tpu.dma_semaphore, #tpu.memory_space<semaphore_mem>>)
    %add3A_13 = arith.constant 0 : i32
    %add3A_14 = arith.addi %multiple_of3A, %add3A_13 : i32
    %multiple_of3A_15 = tpu.assume_multiple %add3A_14, 8 : i32
    %dma_start3A_16 = tpu.memref_slice %arg4[%multiple_of3A_15] : memref<320000xi32, #tpu.memory_space<hbm>> -> memref<80xi32, #tpu.memory_space<hbm>>
    %dma_start3A_17 = tpu.memref_slice %arg4[%multiple_of3A_15] : memref<320000xi32, #tpu.memory_space<hbm>> -> memref<80xi32, #tpu.memory_space<hbm>>
    tpu.enqueue_dma source(%dma_start3A_17 : memref<80xi32, #tpu.memory_space<hbm>>) target(%arg8 : memref<80xi32, #tpu.memory_space<vmem>>) target_semaphore(%arg18 : memref<!tpu.dma_semaphore, #tpu.memory_space<semaphore_mem>>)
    %dma_start3A_18 = arith.constant 80 : i32
    %dma_start3A_19 = tpu.memref_slice %arg7[%dma_start3A_18] : memref<10000xi32, #tpu.memory_space<vmem>> -> memref<80xi32, #tpu.memory_space<vmem>>
    %dma_start3A_20 = arith.constant 0 : i32
    %dma_start3A_21 = arith.constant 0 : i32
    %dma_start3A_22 = tpu.memref_slice %arg2[%dma_start3A_20, %dma_start3A_21] : memref<10000x128xf32, #tpu.memory_space<hbm>> -> memref<10000x128xf32, #tpu.memory_space<hbm>>
    tpu.enqueue_indirect_dma source(%dma_start3A_22 : memref<10000x128xf32, #tpu.memory_space<hbm>>) target(%arg12 : memref<80x128xf32, #tpu.memory_space<vmem>>) offsets(%dma_start3A_19 : memref<80xi32, #tpu.memory_space<vmem>>) semaphore(%arg16 : memref<!tpu.dma_semaphore, #tpu.memory_space<semaphore_mem>>)
    %add3A_23 = arith.constant 80 : i32
    %add3A_24 = arith.addi %multiple_of3A, %add3A_23 : i32
    %multiple_of3A_25 = tpu.assume_multiple %add3A_24, 8 : i32
    %dma_start3A_26 = tpu.memref_slice %arg4[%multiple_of3A_25] : memref<320000xi32, #tpu.memory_space<hbm>> -> memref<80xi32, #tpu.memory_space<hbm>>
    %dma_start3A_27 = tpu.memref_slice %arg4[%multiple_of3A_25] : memref<320000xi32, #tpu.memory_space<hbm>> -> memref<80xi32, #tpu.memory_space<hbm>>
    tpu.enqueue_dma source(%dma_start3A_27 : memref<80xi32, #tpu.memory_space<hbm>>) target(%arg9 : memref<80xi32, #tpu.memory_space<vmem>>) target_semaphore(%arg19 : memref<!tpu.dma_semaphore, #tpu.memory_space<semaphore_mem>>)
    %dma_wait3A = arith.constant 0 : i32
    %dma_wait3A_28 = tpu.memref_slice %arg7[%dma_wait3A] : memref<10000xi32, #tpu.memory_space<vmem>> -> memref<80xi32, #tpu.memory_space<vmem>>
    %dma_wait3A_29 = arith.constant 0 : i32
    %dma_wait3A_30 = arith.constant 0 : i32
    %dma_wait3A_31 = tpu.memref_slice %arg2[%dma_wait3A_29, %dma_wait3A_30] : memref<10000x128xf32, #tpu.memory_space<hbm>> -> memref<10000x128xf32, #tpu.memory_space<hbm>>
    tpu.wait_indirect_dma semaphore(%arg15 : memref<!tpu.dma_semaphore, #tpu.memory_space<semaphore_mem>>) src(%dma_wait3A_31 : memref<10000x128xf32, #tpu.memory_space<hbm>>) dst(%arg11 : memref<80x128xf32, #tpu.memory_space<vmem>>)
    %dma_wait3A_32 = arith.constant 0 : i32
    %dma_wait3A_33 = tpu.memref_slice %arg4[%dma_wait3A_32] : memref<320000xi32, #tpu.memory_space<hbm>> -> memref<80xi32, #tpu.memory_space<hbm>>
    %dma_wait3A_34 = arith.constant 0 : i32
    %dma_wait3A_35 = tpu.memref_slice %arg4[%dma_wait3A_34] : memref<320000xi32, #tpu.memory_space<hbm>> -> memref<80xi32, #tpu.memory_space<hbm>>
    tpu.wait_dma2 semaphore(%arg18 : memref<!tpu.dma_semaphore, #tpu.memory_space<semaphore_mem>>) src(%dma_wait3A_35 : memref<80xi32, #tpu.memory_space<hbm>>) dst(%arg8 : memref<80xi32, #tpu.memory_space<vmem>>)
    %dma_start3A_36 = arith.constant 0 : i32
    %dma_start3A_37 = arith.constant 0 : i32
    %dma_start3A_38 = tpu.memref_slice %arg14[%dma_start3A_36, %dma_start3A_37] : memref<10000x128xf32, #tpu.memory_space<vmem_shared>> -> memref<10000x128xf32, #tpu.memory_space<vmem_shared>>
    tpu.enqueue_indirect_dma source(%arg11 : memref<80x128xf32, #tpu.memory_space<vmem>>) target(%dma_start3A_38 : memref<10000x128xf32, #tpu.memory_space<vmem_shared>>) offsets(%arg8 : memref<80xi32, #tpu.memory_space<vmem>>) semaphore(%arg21 : memref<!tpu.dma_semaphore, #tpu.memory_space<semaphore_mem>>) {add = true}
    %dma_start3A_39 = arith.constant 160 : i32
    %dma_start3A_40 = tpu.memref_slice %arg7[%dma_start3A_39] : memref<10000xi32, #tpu.memory_space<vmem>> -> memref<80xi32, #tpu.memory_space<vmem>>
    %dma_start3A_41 = arith.constant 0 : i32
    %dma_start3A_42 = arith.constant 0 : i32
    %dma_start3A_43 = tpu.memref_slice %arg2[%dma_start3A_41, %dma_start3A_42] : memref<10000x128xf32, #tpu.memory_space<hbm>> -> memref<10000x128xf32, #tpu.memory_space<hbm>>
    tpu.enqueue_indirect_dma source(%dma_start3A_43 : memref<10000x128xf32, #tpu.memory_space<hbm>>) target(%arg13 : memref<80x128xf32, #tpu.memory_space<vmem>>) offsets(%dma_start3A_40 : memref<80xi32, #tpu.memory_space<vmem>>) semaphore(%arg17 : memref<!tpu.dma_semaphore, #tpu.memory_space<semaphore_mem>>)
    %add3A_44 = arith.constant 160 : i32
    %add3A_45 = arith.addi %multiple_of3A, %add3A_44 : i32
    %multiple_of3A_46 = tpu.assume_multiple %add3A_45, 8 : i32
    %dma_start3A_47 = tpu.memref_slice %arg4[%multiple_of3A_46] : memref<320000xi32, #tpu.memory_space<hbm>> -> memref<80xi32, #tpu.memory_space<hbm>>
    %dma_start3A_48 = tpu.memref_slice %arg4[%multiple_of3A_46] : memref<320000xi32, #tpu.memory_space<hbm>> -> memref<80xi32, #tpu.memory_space<hbm>>
    tpu.enqueue_dma source(%dma_start3A_48 : memref<80xi32, #tpu.memory_space<hbm>>) target(%arg10 : memref<80xi32, #tpu.memory_space<vmem>>) target_semaphore(%arg20 : memref<!tpu.dma_semaphore, #tpu.memory_space<semaphore_mem>>)
    %dma_wait3A_49 = arith.constant 0 : i32
    %dma_wait3A_50 = tpu.memref_slice %arg7[%dma_wait3A_49] : memref<10000xi32, #tpu.memory_space<vmem>> -> memref<80xi32, #tpu.memory_space<vmem>>
    %dma_wait3A_51 = arith.constant 0 : i32
    %dma_wait3A_52 = arith.constant 0 : i32
    %dma_wait3A_53 = tpu.memref_slice %arg2[%dma_wait3A_51, %dma_wait3A_52] : memref<10000x128xf32, #tpu.memory_space<hbm>> -> memref<10000x128xf32, #tpu.memory_space<hbm>>
    tpu.wait_indirect_dma semaphore(%arg16 : memref<!tpu.dma_semaphore, #tpu.memory_space<semaphore_mem>>) src(%dma_wait3A_53 : memref<10000x128xf32, #tpu.memory_space<hbm>>) dst(%arg12 : memref<80x128xf32, #tpu.memory_space<vmem>>)
    %dma_wait3A_54 = arith.constant 0 : i32
    %dma_wait3A_55 = tpu.memref_slice %arg4[%dma_wait3A_54] : memref<320000xi32, #tpu.memory_space<hbm>> -> memref<80xi32, #tpu.memory_space<hbm>>
    %dma_wait3A_56 = arith.constant 0 : i32
    %dma_wait3A_57 = tpu.memref_slice %arg4[%dma_wait3A_56] : memref<320000xi32, #tpu.memory_space<hbm>> -> memref<80xi32, #tpu.memory_space<hbm>>
    tpu.wait_dma2 semaphore(%arg19 : memref<!tpu.dma_semaphore, #tpu.memory_space<semaphore_mem>>) src(%dma_wait3A_57 : memref<80xi32, #tpu.memory_space<hbm>>) dst(%arg9 : memref<80xi32, #tpu.memory_space<vmem>>)
    %dma_start3A_58 = arith.constant 0 : i32
    %dma_start3A_59 = arith.constant 0 : i32
    %dma_start3A_60 = tpu.memref_slice %arg14[%dma_start3A_58, %dma_start3A_59] : memref<10000x128xf32, #tpu.memory_space<vmem_shared>> -> memref<10000x128xf32, #tpu.memory_space<vmem_shared>>
    tpu.enqueue_indirect_dma source(%arg12 : memref<80x128xf32, #tpu.memory_space<vmem>>) target(%dma_start3A_60 : memref<10000x128xf32, #tpu.memory_space<vmem_shared>>) offsets(%arg9 : memref<80xi32, #tpu.memory_space<vmem>>) semaphore(%arg22 : memref<!tpu.dma_semaphore, #tpu.memory_space<semaphore_mem>>) {add = true}
    %dma_wait3A_61 = arith.constant 0 : i32
    %dma_wait3A_62 = arith.constant 0 : i32
    %dma_wait3A_63 = tpu.memref_slice %arg14[%dma_wait3A_61, %dma_wait3A_62] : memref<10000x128xf32, #tpu.memory_space<vmem_shared>> -> memref<10000x128xf32, #tpu.memory_space<vmem_shared>>
    tpu.wait_indirect_dma semaphore(%arg21 : memref<!tpu.dma_semaphore, #tpu.memory_space<semaphore_mem>>) src(%arg11 : memref<80x128xf32, #tpu.memory_space<vmem>>) dst(%dma_wait3A_63 : memref<10000x128xf32, #tpu.memory_space<vmem_shared>>)
    %dma_start3A_64 = arith.constant 240 : i32
    %dma_start3A_65 = tpu.memref_slice %arg7[%dma_start3A_64] : memref<10000xi32, #tpu.memory_space<vmem>> -> memref<80xi32, #tpu.memory_space<vmem>>
    %dma_start3A_66 = arith.constant 0 : i32
    %dma_start3A_67 = arith.constant 0 : i32
    %dma_start3A_68 = tpu.memref_slice %arg2[%dma_start3A_66, %dma_start3A_67] : memref<10000x128xf32, #tpu.memory_space<hbm>> -> memref<10000x128xf32, #tpu.memory_space<hbm>>
    tpu.enqueue_indirect_dma source(%dma_start3A_68 : memref<10000x128xf32, #tpu.memory_space<hbm>>) target(%arg11 : memref<80x128xf32, #tpu.memory_space<vmem>>) offsets(%dma_start3A_65 : memref<80xi32, #tpu.memory_space<vmem>>) semaphore(%arg15 : memref<!tpu.dma_semaphore, #tpu.memory_space<semaphore_mem>>)
    %add3A_69 = arith.constant 240 : i32
    %add3A_70 = arith.addi %multiple_of3A, %add3A_69 : i32
    %multiple_of3A_71 = tpu.assume_multiple %add3A_70, 8 : i32
    %dma_start3A_72 = tpu.memref_slice %arg4[%multiple_of3A_71] : memref<320000xi32, #tpu.memory_space<hbm>> -> memref<80xi32, #tpu.memory_space<hbm>>
    %dma_start3A_73 = tpu.memref_slice %arg4[%multiple_of3A_71] : memref<320000xi32, #tpu.memory_space<hbm>> -> memref<80xi32, #tpu.memory_space<hbm>>
    tpu.enqueue_dma source(%dma_start3A_73 : memref<80xi32, #tpu.memory_space<hbm>>) target(%arg8 : memref<80xi32, #tpu.memory_space<vmem>>) target_semaphore(%arg18 : memref<!tpu.dma_semaphore, #tpu.memory_space<semaphore_mem>>)
    %dma_wait3A_74 = arith.constant 0 : i32
    %dma_wait3A_75 = tpu.memref_slice %arg7[%dma_wait3A_74] : memref<10000xi32, #tpu.memory_space<vmem>> -> memref<80xi32, #tpu.memory_space<vmem>>
    %dma_wait3A_76 = arith.constant 0 : i32
    %dma_wait3A_77 = arith.constant 0 : i32
    %dma_wait3A_78 = tpu.memref_slice %arg2[%dma_wait3A_76, %dma_wait3A_77] : memref<10000x128xf32, #tpu.memory_space<hbm>> -> memref<10000x128xf32, #tpu.memory_space<hbm>>
    tpu.wait_indirect_dma semaphore(%arg17 : memref<!tpu.dma_semaphore, #tpu.memory_space<semaphore_mem>>) src(%dma_wait3A_78 : memref<10000x128xf32, #tpu.memory_space<hbm>>) dst(%arg13 : memref<80x128xf32, #tpu.memory_space<vmem>>)
    %dma_wait3A_79 = arith.constant 0 : i32
    %dma_wait3A_80 = tpu.memref_slice %arg4[%dma_wait3A_79] : memref<320000xi32, #tpu.memory_space<hbm>> -> memref<80xi32, #tpu.memory_space<hbm>>
    %dma_wait3A_81 = arith.constant 0 : i32
    %dma_wait3A_82 = tpu.memref_slice %arg4[%dma_wait3A_81] : memref<320000xi32, #tpu.memory_space<hbm>> -> memref<80xi32, #tpu.memory_space<hbm>>
    tpu.wait_dma2 semaphore(%arg20 : memref<!tpu.dma_semaphore, #tpu.memory_space<semaphore_mem>>) src(%dma_wait3A_82 : memref<80xi32, #tpu.memory_space<hbm>>) dst(%arg10 : memref<80xi32, #tpu.memory_space<vmem>>)
    %dma_start3A_83 = arith.constant 0 : i32
    %dma_start3A_84 = arith.constant 0 : i32
    %dma_start3A_85 = tpu.memref_slice %arg14[%dma_start3A_83, %dma_start3A_84] : memref<10000x128xf32, #tpu.memory_space<vmem_shared>> -> memref<10000x128xf32, #tpu.memory_space<vmem_shared>>
    tpu.enqueue_indirect_dma source(%arg13 : memref<80x128xf32, #tpu.memory_space<vmem>>) target(%dma_start3A_85 : memref<10000x128xf32, #tpu.memory_space<vmem_shared>>) offsets(%arg10 : memref<80xi32, #tpu.memory_space<vmem>>) semaphore(%arg23 : memref<!tpu.dma_semaphore, #tpu.memory_space<semaphore_mem>>) {add = true}
    %dma_wait3A_86 = arith.constant 0 : i32
    %dma_wait3A_87 = arith.constant 0 : i32
    %dma_wait3A_88 = tpu.memref_slice %arg14[%dma_wait3A_86, %dma_wait3A_87] : memref<10000x128xf32, #tpu.memory_space<vmem_shared>> -> memref<10000x128xf32, #tpu.memory_space<vmem_shared>>
    tpu.wait_indirect_dma semaphore(%arg22 : memref<!tpu.dma_semaphore, #tpu.memory_space<semaphore_mem>>) src(%arg12 : memref<80x128xf32, #tpu.memory_space<vmem>>) dst(%dma_wait3A_88 : memref<10000x128xf32, #tpu.memory_space<vmem_shared>>)
    %dma_start3A_89 = arith.constant 320 : i32
    %dma_start3A_90 = tpu.memref_slice %arg7[%dma_start3A_89] : memref<10000xi32, #tpu.memory_space<vmem>> -> memref<80xi32, #tpu.memory_space<vmem>>
    %dma_start3A_91 = arith.constant 0 : i32
    %dma_start3A_92 = arith.constant 0 : i32
    %dma_start3A_93 = tpu.memref_slice %arg2[%dma_start3A_91, %dma_start3A_92] : memref<10000x128xf32, #tpu.memory_space<hbm>> -> memref<10000x128xf32, #tpu.memory_space<hbm>>
    tpu.enqueue_indirect_dma source(%dma_start3A_93 : memref<10000x128xf32, #tpu.memory_space<hbm>>) target(%arg12 : memref<80x128xf32, #tpu.memory_space<vmem>>) offsets(%dma_start3A_90 : memref<80xi32, #tpu.memory_space<vmem>>) semaphore(%arg16 : memref<!tpu.dma_semaphore, #tpu.memory_space<semaphore_mem>>)
    %add3A_94 = arith.constant 320 : i32
    %add3A_95 = arith.addi %multiple_of3A, %add3A_94 : i32
    %multiple_of3A_96 = tpu.assume_multiple %add3A_95, 8 : i32
    %dma_start3A_97 = tpu.memref_slice %arg4[%multiple_of3A_96] : memref<320000xi32, #tpu.memory_space<hbm>> -> memref<80xi32, #tpu.memory_space<hbm>>
    %dma_start3A_98 = tpu.memref_slice %arg4[%multiple_of3A_96] : memref<320000xi32, #tpu.memory_space<hbm>> -> memref<80xi32, #tpu.memory_space<hbm>>
    tpu.enqueue_dma source(%dma_start3A_98 : memref<80xi32, #tpu.memory_space<hbm>>) target(%arg9 : memref<80xi32, #tpu.memory_space<vmem>>) target_semaphore(%arg19 : memref<!tpu.dma_semaphore, #tpu.memory_space<semaphore_mem>>)
    %scan3A = arith.constant 0 : i32
    %scan3A_99 = arith.constant 40 : i32
    %scan3A_100 = arith.addi %scan3A, %scan3A_99 : i32
    %scan3A_101 = arith.constant 1 : i32
    scf.for %scan3A_147 = %scan3A to %scan3A_100 step %scan3A_101  : i32 {
      %mul3A_148 = arith.constant 3 : i32
      %mul3A_149 = arith.muli %scan3A_147, %mul3A_148 : i32
      %add3A_150 = arith.constant 3 : i32
      %add3A_151 = arith.addi %add3A_150, %mul3A_149 : i32
      %dma_wait3A_152 = arith.constant 0 : i32
      %dma_wait3A_153 = tpu.memref_slice %arg7[%dma_wait3A_152] : memref<10000xi32, #tpu.memory_space<vmem>> -> memref<80xi32, #tpu.memory_space<vmem>>
      %dma_wait3A_154 = arith.constant 0 : i32
      %dma_wait3A_155 = arith.constant 0 : i32
      %dma_wait3A_156 = tpu.memref_slice %arg2[%dma_wait3A_154, %dma_wait3A_155] : memref<10000x128xf32, #tpu.memory_space<hbm>> -> memref<10000x128xf32, #tpu.memory_space<hbm>>
      tpu.wait_indirect_dma semaphore(%arg15 : memref<!tpu.dma_semaphore, #tpu.memory_space<semaphore_mem>>) src(%dma_wait3A_156 : memref<10000x128xf32, #tpu.memory_space<hbm>>) dst(%arg11 : memref<80x128xf32, #tpu.memory_space<vmem>>)
      %dma_wait3A_157 = arith.constant 0 : i32
      %dma_wait3A_158 = tpu.memref_slice %arg4[%dma_wait3A_157] : memref<320000xi32, #tpu.memory_space<hbm>> -> memref<80xi32, #tpu.memory_space<hbm>>
      %dma_wait3A_159 = arith.constant 0 : i32
      %dma_wait3A_160 = tpu.memref_slice %arg4[%dma_wait3A_159] : memref<320000xi32, #tpu.memory_space<hbm>> -> memref<80xi32, #tpu.memory_space<hbm>>
      tpu.wait_dma2 semaphore(%arg18 : memref<!tpu.dma_semaphore, #tpu.memory_space<semaphore_mem>>) src(%dma_wait3A_160 : memref<80xi32, #tpu.memory_space<hbm>>) dst(%arg8 : memref<80xi32, #tpu.memory_space<vmem>>)
      %dma_start3A_161 = arith.constant 0 : i32
      %dma_start3A_162 = arith.constant 0 : i32
      %dma_start3A_163 = tpu.memref_slice %arg14[%dma_start3A_161, %dma_start3A_162] : memref<10000x128xf32, #tpu.memory_space<vmem_shared>> -> memref<10000x128xf32, #tpu.memory_space<vmem_shared>>
      tpu.enqueue_indirect_dma source(%arg11 : memref<80x128xf32, #tpu.memory_space<vmem>>) target(%dma_start3A_163 : memref<10000x128xf32, #tpu.memory_space<vmem_shared>>) offsets(%arg8 : memref<80xi32, #tpu.memory_space<vmem>>) semaphore(%arg21 : memref<!tpu.dma_semaphore, #tpu.memory_space<semaphore_mem>>) {add = true}
      %dma_wait3A_164 = arith.constant 0 : i32
      %dma_wait3A_165 = arith.constant 0 : i32
      %dma_wait3A_166 = tpu.memref_slice %arg14[%dma_wait3A_164, %dma_wait3A_165] : memref<10000x128xf32, #tpu.memory_space<vmem_shared>> -> memref<10000x128xf32, #tpu.memory_space<vmem_shared>>
      tpu.wait_indirect_dma semaphore(%arg23 : memref<!tpu.dma_semaphore, #tpu.memory_space<semaphore_mem>>) src(%arg13 : memref<80x128xf32, #tpu.memory_space<vmem>>) dst(%dma_wait3A_166 : memref<10000x128xf32, #tpu.memory_space<vmem_shared>>)
      %add3A_167 = arith.constant 2 : i32
      %add3A_168 = arith.addi %add3A_151, %add3A_167 : i32
      %mul3A_169 = arith.constant 80 : i32
      %mul3A_170 = arith.muli %add3A_168, %mul3A_169 : i32
      %dma_start3A_171 = tpu.memref_slice %arg7[%mul3A_170] : memref<10000xi32, #tpu.memory_space<vmem>> -> memref<80xi32, #tpu.memory_space<vmem>>
      %dma_start3A_172 = arith.constant 0 : i32
      %dma_start3A_173 = arith.constant 0 : i32
      %dma_start3A_174 = tpu.memref_slice %arg2[%dma_start3A_172, %dma_start3A_173] : memref<10000x128xf32, #tpu.memory_space<hbm>> -> memref<10000x128xf32, #tpu.memory_space<hbm>>
      tpu.enqueue_indirect_dma source(%dma_start3A_174 : memref<10000x128xf32, #tpu.memory_space<hbm>>) target(%arg13 : memref<80x128xf32, #tpu.memory_space<vmem>>) offsets(%dma_start3A_171 : memref<80xi32, #tpu.memory_space<vmem>>) semaphore(%arg17 : memref<!tpu.dma_semaphore, #tpu.memory_space<semaphore_mem>>)
      %mul3A_175 = arith.constant 80 : i32
      %mul3A_176 = arith.muli %add3A_168, %mul3A_175 : i32
      %add3A_177 = arith.addi %multiple_of3A, %mul3A_176 : i32
      %multiple_of3A_178 = tpu.assume_multiple %add3A_177, 8 : i32
      %dma_start3A_179 = tpu.memref_slice %arg4[%multiple_of3A_178] : memref<320000xi32, #tpu.memory_space<hbm>> -> memref<80xi32, #tpu.memory_space<hbm>>
      %dma_start3A_180 = tpu.memref_slice %arg4[%multiple_of3A_178] : memref<320000xi32, #tpu.memory_space<hbm>> -> memref<80xi32, #tpu.memory_space<hbm>>
      tpu.enqueue_dma source(%dma_start3A_180 : memref<80xi32, #tpu.memory_space<hbm>>) target(%arg10 : memref<80xi32, #tpu.memory_space<vmem>>) target_semaphore(%arg20 : memref<!tpu.dma_semaphore, #tpu.memory_space<semaphore_mem>>)
      %dma_wait3A_181 = arith.constant 0 : i32
      %dma_wait3A_182 = tpu.memref_slice %arg7[%dma_wait3A_181] : memref<10000xi32, #tpu.memory_space<vmem>> -> memref<80xi32, #tpu.memory_space<vmem>>
      %dma_wait3A_183 = arith.constant 0 : i32
      %dma_wait3A_184 = arith.constant 0 : i32
      %dma_wait3A_185 = tpu.memref_slice %arg2[%dma_wait3A_183, %dma_wait3A_184] : memref<10000x128xf32, #tpu.memory_space<hbm>> -> memref<10000x128xf32, #tpu.memory_space<hbm>>
      tpu.wait_indirect_dma semaphore(%arg16 : memref<!tpu.dma_semaphore, #tpu.memory_space<semaphore_mem>>) src(%dma_wait3A_185 : memref<10000x128xf32, #tpu.memory_space<hbm>>) dst(%arg12 : memref<80x128xf32, #tpu.memory_space<vmem>>)
      %dma_wait3A_186 = arith.constant 0 : i32
      %dma_wait3A_187 = tpu.memref_slice %arg4[%dma_wait3A_186] : memref<320000xi32, #tpu.memory_space<hbm>> -> memref<80xi32, #tpu.memory_space<hbm>>
      %dma_wait3A_188 = arith.constant 0 : i32
      %dma_wait3A_189 = tpu.memref_slice %arg4[%dma_wait3A_188] : memref<320000xi32, #tpu.memory_space<hbm>> -> memref<80xi32, #tpu.memory_space<hbm>>
      tpu.wait_dma2 semaphore(%arg19 : memref<!tpu.dma_semaphore, #tpu.memory_space<semaphore_mem>>) src(%dma_wait3A_189 : memref<80xi32, #tpu.memory_space<hbm>>) dst(%arg9 : memref<80xi32, #tpu.memory_space<vmem>>)
      %dma_start3A_190 = arith.constant 0 : i32
      %dma_start3A_191 = arith.constant 0 : i32
      %dma_start3A_192 = tpu.memref_slice %arg14[%dma_start3A_190, %dma_start3A_191] : memref<10000x128xf32, #tpu.memory_space<vmem_shared>> -> memref<10000x128xf32, #tpu.memory_space<vmem_shared>>
      tpu.enqueue_indirect_dma source(%arg12 : memref<80x128xf32, #tpu.memory_space<vmem>>) target(%dma_start3A_192 : memref<10000x128xf32, #tpu.memory_space<vmem_shared>>) offsets(%arg9 : memref<80xi32, #tpu.memory_space<vmem>>) semaphore(%arg22 : memref<!tpu.dma_semaphore, #tpu.memory_space<semaphore_mem>>) {add = true}
      %dma_wait3A_193 = arith.constant 0 : i32
      %dma_wait3A_194 = arith.constant 0 : i32
      %dma_wait3A_195 = tpu.memref_slice %arg14[%dma_wait3A_193, %dma_wait3A_194] : memref<10000x128xf32, #tpu.memory_space<vmem_shared>> -> memref<10000x128xf32, #tpu.memory_space<vmem_shared>>
      tpu.wait_indirect_dma semaphore(%arg21 : memref<!tpu.dma_semaphore, #tpu.memory_space<semaphore_mem>>) src(%arg11 : memref<80x128xf32, #tpu.memory_space<vmem>>) dst(%dma_wait3A_195 : memref<10000x128xf32, #tpu.memory_space<vmem_shared>>)
      %add3A_196 = arith.constant 3 : i32
      %add3A_197 = arith.addi %add3A_151, %add3A_196 : i32
      %mul3A_198 = arith.constant 80 : i32
      %mul3A_199 = arith.muli %add3A_197, %mul3A_198 : i32
      %dma_start3A_200 = tpu.memref_slice %arg7[%mul3A_199] : memref<10000xi32, #tpu.memory_space<vmem>> -> memref<80xi32, #tpu.memory_space<vmem>>
      %dma_start3A_201 = arith.constant 0 : i32
      %dma_start3A_202 = arith.constant 0 : i32
      %dma_start3A_203 = tpu.memref_slice %arg2[%dma_start3A_201, %dma_start3A_202] : memref<10000x128xf32, #tpu.memory_space<hbm>> -> memref<10000x128xf32, #tpu.memory_space<hbm>>
      tpu.enqueue_indirect_dma source(%dma_start3A_203 : memref<10000x128xf32, #tpu.memory_space<hbm>>) target(%arg11 : memref<80x128xf32, #tpu.memory_space<vmem>>) offsets(%dma_start3A_200 : memref<80xi32, #tpu.memory_space<vmem>>) semaphore(%arg15 : memref<!tpu.dma_semaphore, #tpu.memory_space<semaphore_mem>>)
      %mul3A_204 = arith.constant 80 : i32
      %mul3A_205 = arith.muli %add3A_197, %mul3A_204 : i32
      %add3A_206 = arith.addi %multiple_of3A, %mul3A_205 : i32
      %multiple_of3A_207 = tpu.assume_multiple %add3A_206, 8 : i32
      %dma_start3A_208 = tpu.memref_slice %arg4[%multiple_of3A_207] : memref<320000xi32, #tpu.memory_space<hbm>> -> memref<80xi32, #tpu.memory_space<hbm>>
      %dma_start3A_209 = tpu.memref_slice %arg4[%multiple_of3A_207] : memref<320000xi32, #tpu.memory_space<hbm>> -> memref<80xi32, #tpu.memory_space<hbm>>
      tpu.enqueue_dma source(%dma_start3A_209 : memref<80xi32, #tpu.memory_space<hbm>>) target(%arg8 : memref<80xi32, #tpu.memory_space<vmem>>) target_semaphore(%arg18 : memref<!tpu.dma_semaphore, #tpu.memory_space<semaphore_mem>>)
      %dma_wait3A_210 = arith.constant 0 : i32
      %dma_wait3A_211 = tpu.memref_slice %arg7[%dma_wait3A_210] : memref<10000xi32, #tpu.memory_space<vmem>> -> memref<80xi32, #tpu.memory_space<vmem>>
      %dma_wait3A_212 = arith.constant 0 : i32
      %dma_wait3A_213 = arith.constant 0 : i32
      %dma_wait3A_214 = tpu.memref_slice %arg2[%dma_wait3A_212, %dma_wait3A_213] : memref<10000x128xf32, #tpu.memory_space<hbm>> -> memref<10000x128xf32, #tpu.memory_space<hbm>>
      tpu.wait_indirect_dma semaphore(%arg17 : memref<!tpu.dma_semaphore, #tpu.memory_space<semaphore_mem>>) src(%dma_wait3A_214 : memref<10000x128xf32, #tpu.memory_space<hbm>>) dst(%arg13 : memref<80x128xf32, #tpu.memory_space<vmem>>)
      %dma_wait3A_215 = arith.constant 0 : i32
      %dma_wait3A_216 = tpu.memref_slice %arg4[%dma_wait3A_215] : memref<320000xi32, #tpu.memory_space<hbm>> -> memref<80xi32, #tpu.memory_space<hbm>>
      %dma_wait3A_217 = arith.constant 0 : i32
      %dma_wait3A_218 = tpu.memref_slice %arg4[%dma_wait3A_217] : memref<320000xi32, #tpu.memory_space<hbm>> -> memref<80xi32, #tpu.memory_space<hbm>>
      tpu.wait_dma2 semaphore(%arg20 : memref<!tpu.dma_semaphore, #tpu.memory_space<semaphore_mem>>) src(%dma_wait3A_218 : memref<80xi32, #tpu.memory_space<hbm>>) dst(%arg10 : memref<80xi32, #tpu.memory_space<vmem>>)
      %dma_start3A_219 = arith.constant 0 : i32
      %dma_start3A_220 = arith.constant 0 : i32
      %dma_start3A_221 = tpu.memref_slice %arg14[%dma_start3A_219, %dma_start3A_220] : memref<10000x128xf32, #tpu.memory_space<vmem_shared>> -> memref<10000x128xf32, #tpu.memory_space<vmem_shared>>
      tpu.enqueue_indirect_dma source(%arg13 : memref<80x128xf32, #tpu.memory_space<vmem>>) target(%dma_start3A_221 : memref<10000x128xf32, #tpu.memory_space<vmem_shared>>) offsets(%arg10 : memref<80xi32, #tpu.memory_space<vmem>>) semaphore(%arg23 : memref<!tpu.dma_semaphore, #tpu.memory_space<semaphore_mem>>) {add = true}
      %dma_wait3A_222 = arith.constant 0 : i32
      %dma_wait3A_223 = arith.constant 0 : i32
      %dma_wait3A_224 = tpu.memref_slice %arg14[%dma_wait3A_222, %dma_wait3A_223] : memref<10000x128xf32, #tpu.memory_space<vmem_shared>> -> memref<10000x128xf32, #tpu.memory_space<vmem_shared>>
      tpu.wait_indirect_dma semaphore(%arg22 : memref<!tpu.dma_semaphore, #tpu.memory_space<semaphore_mem>>) src(%arg12 : memref<80x128xf32, #tpu.memory_space<vmem>>) dst(%dma_wait3A_224 : memref<10000x128xf32, #tpu.memory_space<vmem_shared>>)
      %add3A_225 = arith.constant 4 : i32
      %add3A_226 = arith.addi %add3A_151, %add3A_225 : i32
      %mul3A_227 = arith.constant 80 : i32
      %mul3A_228 = arith.muli %add3A_226, %mul3A_227 : i32
      %dma_start3A_229 = tpu.memref_slice %arg7[%mul3A_228] : memref<10000xi32, #tpu.memory_space<vmem>> -> memref<80xi32, #tpu.memory_space<vmem>>
      %dma_start3A_230 = arith.constant 0 : i32
      %dma_start3A_231 = arith.constant 0 : i32
      %dma_start3A_232 = tpu.memref_slice %arg2[%dma_start3A_230, %dma_start3A_231] : memref<10000x128xf32, #tpu.memory_space<hbm>> -> memref<10000x128xf32, #tpu.memory_space<hbm>>
      tpu.enqueue_indirect_dma source(%dma_start3A_232 : memref<10000x128xf32, #tpu.memory_space<hbm>>) target(%arg12 : memref<80x128xf32, #tpu.memory_space<vmem>>) offsets(%dma_start3A_229 : memref<80xi32, #tpu.memory_space<vmem>>) semaphore(%arg16 : memref<!tpu.dma_semaphore, #tpu.memory_space<semaphore_mem>>)
      %mul3A_233 = arith.constant 80 : i32
      %mul3A_234 = arith.muli %add3A_226, %mul3A_233 : i32
      %add3A_235 = arith.addi %multiple_of3A, %mul3A_234 : i32
      %multiple_of3A_236 = tpu.assume_multiple %add3A_235, 8 : i32
      %dma_start3A_237 = tpu.memref_slice %arg4[%multiple_of3A_236] : memref<320000xi32, #tpu.memory_space<hbm>> -> memref<80xi32, #tpu.memory_space<hbm>>
      %dma_start3A_238 = tpu.memref_slice %arg4[%multiple_of3A_236] : memref<320000xi32, #tpu.memory_space<hbm>> -> memref<80xi32, #tpu.memory_space<hbm>>
      tpu.enqueue_dma source(%dma_start3A_238 : memref<80xi32, #tpu.memory_space<hbm>>) target(%arg9 : memref<80xi32, #tpu.memory_space<vmem>>) target_semaphore(%arg19 : memref<!tpu.dma_semaphore, #tpu.memory_space<semaphore_mem>>)
    }
    %scan3A_102 = arith.constant 40 : i32
    %dma_wait3A_103 = arith.constant 0 : i32
    %dma_wait3A_104 = tpu.memref_slice %arg7[%dma_wait3A_103] : memref<10000xi32, #tpu.memory_space<vmem>> -> memref<80xi32, #tpu.memory_space<vmem>>
    %dma_wait3A_105 = arith.constant 0 : i32
    %dma_wait3A_106 = arith.constant 0 : i32
    %dma_wait3A_107 = tpu.memref_slice %arg2[%dma_wait3A_105, %dma_wait3A_106] : memref<10000x128xf32, #tpu.memory_space<hbm>> -> memref<10000x128xf32, #tpu.memory_space<hbm>>
    tpu.wait_indirect_dma semaphore(%arg15 : memref<!tpu.dma_semaphore, #tpu.memory_space<semaphore_mem>>) src(%dma_wait3A_107 : memref<10000x128xf32, #tpu.memory_space<hbm>>) dst(%arg11 : memref<80x128xf32, #tpu.memory_space<vmem>>)
    %dma_wait3A_108 = arith.constant 0 : i32
    %dma_wait3A_109 = tpu.memref_slice %arg4[%dma_wait3A_108] : memref<320000xi32, #tpu.memory_space<hbm>> -> memref<80xi32, #tpu.memory_space<hbm>>
    %dma_wait3A_110 = arith.constant 0 : i32
    %dma_wait3A_111 = tpu.memref_slice %arg4[%dma_wait3A_110] : memref<320000xi32, #tpu.memory_space<hbm>> -> memref<80xi32, #tpu.memory_space<hbm>>
    tpu.wait_dma2 semaphore(%arg18 : memref<!tpu.dma_semaphore, #tpu.memory_space<semaphore_mem>>) src(%dma_wait3A_111 : memref<80xi32, #tpu.memory_space<hbm>>) dst(%arg8 : memref<80xi32, #tpu.memory_space<vmem>>)
    %dma_start3A_112 = arith.constant 0 : i32
    %dma_start3A_113 = arith.constant 0 : i32
    %dma_start3A_114 = tpu.memref_slice %arg14[%dma_start3A_112, %dma_start3A_113] : memref<10000x128xf32, #tpu.memory_space<vmem_shared>> -> memref<10000x128xf32, #tpu.memory_space<vmem_shared>>
    tpu.enqueue_indirect_dma source(%arg11 : memref<80x128xf32, #tpu.memory_space<vmem>>) target(%dma_start3A_114 : memref<10000x128xf32, #tpu.memory_space<vmem_shared>>) offsets(%arg8 : memref<80xi32, #tpu.memory_space<vmem>>) semaphore(%arg21 : memref<!tpu.dma_semaphore, #tpu.memory_space<semaphore_mem>>) {add = true}
    %dma_wait3A_115 = arith.constant 0 : i32
    %dma_wait3A_116 = arith.constant 0 : i32
    %dma_wait3A_117 = tpu.memref_slice %arg14[%dma_wait3A_115, %dma_wait3A_116] : memref<10000x128xf32, #tpu.memory_space<vmem_shared>> -> memref<10000x128xf32, #tpu.memory_space<vmem_shared>>
    tpu.wait_indirect_dma semaphore(%arg23 : memref<!tpu.dma_semaphore, #tpu.memory_space<semaphore_mem>>) src(%arg13 : memref<80x128xf32, #tpu.memory_space<vmem>>) dst(%dma_wait3A_117 : memref<10000x128xf32, #tpu.memory_space<vmem_shared>>)
    %dma_wait3A_118 = arith.constant 0 : i32
    %dma_wait3A_119 = tpu.memref_slice %arg7[%dma_wait3A_118] : memref<10000xi32, #tpu.memory_space<vmem>> -> memref<80xi32, #tpu.memory_space<vmem>>
    %dma_wait3A_120 = arith.constant 0 : i32
    %dma_wait3A_121 = arith.constant 0 : i32
    %dma_wait3A_122 = tpu.memref_slice %arg2[%dma_wait3A_120, %dma_wait3A_121] : memref<10000x128xf32, #tpu.memory_space<hbm>> -> memref<10000x128xf32, #tpu.memory_space<hbm>>
    tpu.wait_indirect_dma semaphore(%arg16 : memref<!tpu.dma_semaphore, #tpu.memory_space<semaphore_mem>>) src(%dma_wait3A_122 : memref<10000x128xf32, #tpu.memory_space<hbm>>) dst(%arg12 : memref<80x128xf32, #tpu.memory_space<vmem>>)
    %dma_wait3A_123 = arith.constant 0 : i32
    %dma_wait3A_124 = tpu.memref_slice %arg4[%dma_wait3A_123] : memref<320000xi32, #tpu.memory_space<hbm>> -> memref<80xi32, #tpu.memory_space<hbm>>
    %dma_wait3A_125 = arith.constant 0 : i32
    %dma_wait3A_126 = tpu.memref_slice %arg4[%dma_wait3A_125] : memref<320000xi32, #tpu.memory_space<hbm>> -> memref<80xi32, #tpu.memory_space<hbm>>
    tpu.wait_dma2 semaphore(%arg19 : memref<!tpu.dma_semaphore, #tpu.memory_space<semaphore_mem>>) src(%dma_wait3A_126 : memref<80xi32, #tpu.memory_space<hbm>>) dst(%arg9 : memref<80xi32, #tpu.memory_space<vmem>>)
    %dma_start3A_127 = arith.constant 0 : i32
    %dma_start3A_128 = arith.constant 0 : i32
    %dma_start3A_129 = tpu.memref_slice %arg14[%dma_start3A_127, %dma_start3A_128] : memref<10000x128xf32, #tpu.memory_space<vmem_shared>> -> memref<10000x128xf32, #tpu.memory_space<vmem_shared>>
    tpu.enqueue_indirect_dma source(%arg12 : memref<80x128xf32, #tpu.memory_space<vmem>>) target(%dma_start3A_129 : memref<10000x128xf32, #tpu.memory_space<vmem_shared>>) offsets(%arg9 : memref<80xi32, #tpu.memory_space<vmem>>) semaphore(%arg22 : memref<!tpu.dma_semaphore, #tpu.memory_space<semaphore_mem>>) {add = true}
    %dma_wait3A_130 = arith.constant 0 : i32
    %dma_wait3A_131 = arith.constant 0 : i32
    %dma_wait3A_132 = tpu.memref_slice %arg14[%dma_wait3A_130, %dma_wait3A_131] : memref<10000x128xf32, #tpu.memory_space<vmem_shared>> -> memref<10000x128xf32, #tpu.memory_space<vmem_shared>>
    tpu.wait_indirect_dma semaphore(%arg21 : memref<!tpu.dma_semaphore, #tpu.memory_space<semaphore_mem>>) src(%arg11 : memref<80x128xf32, #tpu.memory_space<vmem>>) dst(%dma_wait3A_132 : memref<10000x128xf32, #tpu.memory_space<vmem_shared>>)
    %dma_wait3A_133 = arith.constant 0 : i32
    %dma_wait3A_134 = arith.constant 0 : i32
    %dma_wait3A_135 = tpu.memref_slice %arg14[%dma_wait3A_133, %dma_wait3A_134] : memref<10000x128xf32, #tpu.memory_space<vmem_shared>> -> memref<10000x128xf32, #tpu.memory_space<vmem_shared>>
    tpu.wait_indirect_dma semaphore(%arg22 : memref<!tpu.dma_semaphore, #tpu.memory_space<semaphore_mem>>) src(%arg12 : memref<80x128xf32, #tpu.memory_space<vmem>>) dst(%dma_wait3A_135 : memref<10000x128xf32, #tpu.memory_space<vmem_shared>>)
    %barrier3A_136 = arith.constant 0 : index
    tpu.barrier barrier_id(%barrier3A_136)
    %lt3A_137 = arith.constant 15 : i32
    %lt3A_138 = arith.cmpi slt, %arg1, %lt3A_137 : i32
    %convert_element_type3A_139 = arith.extui %lt3A_138 : i1 to i32
    %cond3A_140 = arith.constant 0 : i32
    %cond3A_141 = arith.cmpi ne, %convert_element_type3A_139, %cond3A_140 : i32
    scf.if %cond3A_141 {
      %mul3A_147 = arith.constant 624 : i32
      %mul3A_148 = arith.muli %arg1, %mul3A_147 : i32
      %multiple_of3A_149 = tpu.assume_multiple %mul3A_148, 8 : i32
      "tpu.region"() ({
        %run_scoped3A = tpu.sem_alloc : memref<!tpu.dma_semaphore, #tpu.memory_space<semaphore_mem>>
        %dma_start3A_150 = arith.constant 0 : i32
        %dma_start3A_151 = tpu.memref_slice %arg6[%arg0, %multiple_of3A_149, %dma_start3A_150] : memref<2x10000x128xf32, #tpu.memory_space<hbm>> -> memref<1x624x128xf32, #tpu.memory_space<hbm>>
        %dma_start3A_152 = tpu.memref_squeeze %dma_start3A_151 : memref<1x624x128xf32, #tpu.memory_space<hbm>> -> memref<624x128xf32, #tpu.memory_space<hbm>>
        %dma_start3A_153 = arith.constant 0 : i32
        %dma_start3A_154 = tpu.memref_slice %arg14[%multiple_of3A_149, %dma_start3A_153] : memref<10000x128xf32, #tpu.memory_space<vmem_shared>> -> memref<624x128xf32, #tpu.memory_space<vmem_shared>>
        tpu.enqueue_dma source(%dma_start3A_154 : memref<624x128xf32, #tpu.memory_space<vmem_shared>>) target(%dma_start3A_152 : memref<624x128xf32, #tpu.memory_space<hbm>>) target_semaphore(%run_scoped3A : memref<!tpu.dma_semaphore, #tpu.memory_space<semaphore_mem>>)
        %dma_wait3A_155 = arith.constant 0 : i32
        %dma_wait3A_156 = tpu.memref_slice %arg6[%arg0, %multiple_of3A_149, %dma_wait3A_155] : memref<2x10000x128xf32, #tpu.memory_space<hbm>> -> memref<1x624x128xf32, #tpu.memory_space<hbm>>
        %dma_wait3A_157 = tpu.memref_squeeze %dma_wait3A_156 : memref<1x624x128xf32, #tpu.memory_space<hbm>> -> memref<624x128xf32, #tpu.memory_space<hbm>>
        %dma_wait3A_158 = arith.constant 0 : i32
        %dma_wait3A_159 = tpu.memref_slice %arg14[%multiple_of3A_149, %dma_wait3A_158] : memref<10000x128xf32, #tpu.memory_space<vmem_shared>> -> memref<624x128xf32, #tpu.memory_space<vmem_shared>>
        tpu.wait_dma2 semaphore(%run_scoped3A : memref<!tpu.dma_semaphore, #tpu.memory_space<semaphore_mem>>) src(%dma_wait3A_159 : memref<624x128xf32, #tpu.memory_space<vmem_shared>>) dst(%dma_wait3A_157 : memref<624x128xf32, #tpu.memory_space<hbm>>)
        tpu.yield
      }) : () -> ()
    } else {
    }
    %eq3A_142 = arith.constant 15 : i32
    %eq3A_143 = arith.cmpi eq, %arg1, %eq3A_142 : i32
    %convert_element_type3A_144 = arith.extui %eq3A_143 : i1 to i32
    %cond3A_145 = arith.constant 0 : i32
    %cond3A_146 = arith.cmpi ne, %convert_element_type3A_144, %cond3A_145 : i32
    scf.if %cond3A_146 {
      "tpu.region"() ({
        %run_scoped3A = tpu.sem_alloc : memref<!tpu.dma_semaphore, #tpu.memory_space<semaphore_mem>>
        %dma_start3A_147 = arith.constant 9360 : i32
        %dma_start3A_148 = arith.constant 0 : i32
        %dma_start3A_149 = tpu.memref_slice %arg6[%arg0, %dma_start3A_147, %dma_start3A_148] : memref<2x10000x128xf32, #tpu.memory_space<hbm>> -> memref<1x640x128xf32, #tpu.memory_space<hbm>>
        %dma_start3A_150 = tpu.memref_squeeze %dma_start3A_149 : memref<1x640x128xf32, #tpu.memory_space<hbm>> -> memref<640x128xf32, #tpu.memory_space<hbm>>
        %dma_start3A_151 = arith.constant 9360 : i32
        %dma_start3A_152 = arith.constant 0 : i32
        %dma_start3A_153 = tpu.memref_slice %arg14[%dma_start3A_151, %dma_start3A_152] : memref<10000x128xf32, #tpu.memory_space<vmem_shared>> -> memref<640x128xf32, #tpu.memory_space<vmem_shared>>
        tpu.enqueue_dma source(%dma_start3A_153 : memref<640x128xf32, #tpu.memory_space<vmem_shared>>) target(%dma_start3A_150 : memref<640x128xf32, #tpu.memory_space<hbm>>) target_semaphore(%run_scoped3A : memref<!tpu.dma_semaphore, #tpu.memory_space<semaphore_mem>>)
        %dma_wait3A_154 = arith.constant 9360 : i32
        %dma_wait3A_155 = arith.constant 0 : i32
        %dma_wait3A_156 = tpu.memref_slice %arg6[%arg0, %dma_wait3A_154, %dma_wait3A_155] : memref<2x10000x128xf32, #tpu.memory_space<hbm>> -> memref<1x640x128xf32, #tpu.memory_space<hbm>>
        %dma_wait3A_157 = tpu.memref_squeeze %dma_wait3A_156 : memref<1x640x128xf32, #tpu.memory_space<hbm>> -> memref<640x128xf32, #tpu.memory_space<hbm>>
        %dma_wait3A_158 = arith.constant 9360 : i32
        %dma_wait3A_159 = arith.constant 0 : i32
        %dma_wait3A_160 = tpu.memref_slice %arg14[%dma_wait3A_158, %dma_wait3A_159] : memref<10000x128xf32, #tpu.memory_space<vmem_shared>> -> memref<640x128xf32, #tpu.memory_space<vmem_shared>>
        tpu.wait_dma2 semaphore(%run_scoped3A : memref<!tpu.dma_semaphore, #tpu.memory_space<semaphore_mem>>) src(%dma_wait3A_160 : memref<640x128xf32, #tpu.memory_space<vmem_shared>>) dst(%dma_wait3A_157 : memref<640x128xf32, #tpu.memory_space<hbm>>)
        tpu.yield
      }) : () -> ()
    } else {
    }
    return
  }
}

#map = affine_map<(d0, d1) -> (0, 0)>
#map1 = affine_map<(d0, d1) -> (0)>
#map2 = affine_map<(d0, d1) -> (0, 0, 0)>
module attributes {stable_mosaic.version = 14 : i64} {
  func.func @_sc_segment_sum(%arg0: i32, %arg1: i32, %arg2: memref<10000x128xf32, #tpu.memory_space<hbm>>, %arg3: memref<320000xi32, #tpu.memory_space<hbm>>, %arg4: memref<320000xi32, #tpu.memory_space<hbm>>, %arg5: memref<10000x128xf32, #tpu.memory_space<hbm>>, %arg6: memref<2x10000x128xf32, #tpu.memory_space<hbm>>, %arg7: memref<10000xi32, #tpu.memory_space<vmem>>, %arg8: memref<80xi32, #tpu.memory_space<vmem>>, %arg9: memref<80xi32, #tpu.memory_space<vmem>>, %arg10: memref<80xi32, #tpu.memory_space<vmem>>, %arg11: memref<80x128xf32, #tpu.memory_space<vmem>>, %arg12: memref<80x128xf32, #tpu.memory_space<vmem>>, %arg13: memref<80x128xf32, #tpu.memory_space<vmem>>, %arg14: memref<10000x128xf32, #tpu.memory_space<vmem_shared>>, %arg15: memref<!tpu.dma_semaphore, #tpu.memory_space<semaphore_mem>>, %arg16: memref<!tpu.dma_semaphore, #tpu.memory_space<semaphore_mem>>, %arg17: memref<!tpu.dma_semaphore, #tpu.memory_space<semaphore_mem>>, %arg18: memref<!tpu.dma_semaphore, #tpu.memory_space<semaphore_mem>>, %arg19: memref<!tpu.dma_semaphore, #tpu.memory_space<semaphore_mem>>, %arg20: memref<!tpu.dma_semaphore, #tpu.memory_space<semaphore_mem>>, %arg21: memref<!tpu.dma_semaphore, #tpu.memory_space<semaphore_mem>>, %arg22: memref<!tpu.dma_semaphore, #tpu.memory_space<semaphore_mem>>, %arg23: memref<!tpu.dma_semaphore, #tpu.memory_space<semaphore_mem>>) attributes {dimension_semantics = [#tpu.dimension_semantics<core_parallel>, #tpu.dimension_semantics<subcore_parallel>], iteration_bounds = array<i64: 2, 16>, scalar_prefetch = 0 : i64, scratch_operands = 17 : i64, tpu.core_type = #tpu.core_type<sc_vector_subcore>, window_params = [{transform_indices = #map}, {transform_indices = #map1}, {transform_indices = #map1}, {transform_indices = #map}, {transform_indices = #map2}]} {
    %mul3A = arith.constant 16 : i32
    %mul3A_0 = arith.muli %arg0, %mul3A : i32
    %add3A = arith.addi %mul3A_0, %arg1 : i32
    %mul3A_1 = arith.constant 10000 : i32
    %mul3A_2 = arith.muli %add3A, %mul3A_1 : i32
    %multiple_of3A = tpu.assume_multiple %mul3A_2, 8 : i32
    "tpu.region"() ({
      %run_scoped3A = tpu.sem_alloc : memref<!tpu.dma_semaphore, #tpu.memory_space<semaphore_mem>>
      %dma_start3A_147 = tpu.memref_slice %arg3[%multiple_of3A] : memref<320000xi32, #tpu.memory_space<hbm>> -> memref<10000xi32, #tpu.memory_space<hbm>>
      %dma_start3A_148 = tpu.memref_slice %arg3[%multiple_of3A] : memref<320000xi32, #tpu.memory_space<hbm>> -> memref<10000xi32, #tpu.memory_space<hbm>>
      tpu.enqueue_dma source(%dma_start3A_148 : memref<10000xi32, #tpu.memory_space<hbm>>) target(%arg7 : memref<10000xi32, #tpu.memory_space<vmem>>) target_semaphore(%run_scoped3A : memref<!tpu.dma_semaphore, #tpu.memory_space<semaphore_mem>>)
      %dma_wait3A_149 = tpu.memref_slice %arg3[%multiple_of3A] : memref<320000xi32, #tpu.memory_space<hbm>> -> memref<10000xi32, #tpu.memory_space<hbm>>
      %dma_wait3A_150 = tpu.memref_slice %arg3[%multiple_of3A] : memref<320000xi32, #tpu.memory_space<hbm>> -> memref<10000xi32, #tpu.memory_space<hbm>>
      tpu.wait_dma2 semaphore(%run_scoped3A : memref<!tpu.dma_semaphore, #tpu.memory_space<semaphore_mem>>) src(%dma_wait3A_150 : memref<10000xi32, #tpu.memory_space<hbm>>) dst(%arg7 : memref<10000xi32, #tpu.memory_space<vmem>>)
      tpu.yield
    }) : () -> ()
    %lt3A = arith.constant 15 : i32
    %lt3A_3 = arith.cmpi slt, %arg1, %lt3A : i32
    %convert_element_type3A = arith.extui %lt3A_3 : i1 to i32
    %cond3A = arith.constant 0 : i32
    %cond3A_4 = arith.cmpi ne, %convert_element_type3A, %cond3A : i32
    scf.if %cond3A_4 {
      %mul3A_147 = arith.constant 624 : i32
      %mul3A_148 = arith.muli %arg1, %mul3A_147 : i32
      %multiple_of3A_149 = tpu.assume_multiple %mul3A_148, 8 : i32
      "tpu.region"() ({
        %run_scoped3A = tpu.sem_alloc : memref<!tpu.dma_semaphore, #tpu.memory_space<semaphore_mem>>
        %dma_start3A_150 = arith.constant 0 : i32
        %dma_start3A_151 = tpu.memref_slice %arg14[%multiple_of3A_149, %dma_start3A_150] : memref<10000x128xf32, #tpu.memory_space<vmem_shared>> -> memref<624x128xf32, #tpu.memory_space<vmem_shared>>
        %dma_start3A_152 = arith.constant 0 : i32
        %dma_start3A_153 = tpu.memref_slice %arg5[%multiple_of3A_149, %dma_start3A_152] : memref<10000x128xf32, #tpu.memory_space<hbm>> -> memref<624x128xf32, #tpu.memory_space<hbm>>
        tpu.enqueue_dma source(%dma_start3A_153 : memref<624x128xf32, #tpu.memory_space<hbm>>) target(%dma_start3A_151 : memref<624x128xf32, #tpu.memory_space<vmem_shared>>) target_semaphore(%run_scoped3A : memref<!tpu.dma_semaphore, #tpu.memory_space<semaphore_mem>>)
        %dma_wait3A_154 = arith.constant 0 : i32
        %dma_wait3A_155 = tpu.memref_slice %arg14[%multiple_of3A_149, %dma_wait3A_154] : memref<10000x128xf32, #tpu.memory_space<vmem_shared>> -> memref<624x128xf32, #tpu.memory_space<vmem_shared>>
        %dma_wait3A_156 = arith.constant 0 : i32
        %dma_wait3A_157 = tpu.memref_slice %arg5[%multiple_of3A_149, %dma_wait3A_156] : memref<10000x128xf32, #tpu.memory_space<hbm>> -> memref<624x128xf32, #tpu.memory_space<hbm>>
        tpu.wait_dma2 semaphore(%run_scoped3A : memref<!tpu.dma_semaphore, #tpu.memory_space<semaphore_mem>>) src(%dma_wait3A_157 : memref<624x128xf32, #tpu.memory_space<hbm>>) dst(%dma_wait3A_155 : memref<624x128xf32, #tpu.memory_space<vmem_shared>>)
        tpu.yield
      }) : () -> ()
    } else {
    }
    %eq3A = arith.constant 15 : i32
    %eq3A_5 = arith.cmpi eq, %arg1, %eq3A : i32
    %convert_element_type3A_6 = arith.extui %eq3A_5 : i1 to i32
    %cond3A_7 = arith.constant 0 : i32
    %cond3A_8 = arith.cmpi ne, %convert_element_type3A_6, %cond3A_7 : i32
    scf.if %cond3A_8 {
      "tpu.region"() ({
        %run_scoped3A = tpu.sem_alloc : memref<!tpu.dma_semaphore, #tpu.memory_space<semaphore_mem>>
        %dma_start3A_147 = arith.constant 9360 : i32
        %dma_start3A_148 = arith.constant 0 : i32
        %dma_start3A_149 = tpu.memref_slice %arg14[%dma_start3A_147, %dma_start3A_148] : memref<10000x128xf32, #tpu.memory_space<vmem_shared>> -> memref<640x128xf32, #tpu.memory_space<vmem_shared>>
        %dma_start3A_150 = arith.constant 9360 : i32
        %dma_start3A_151 = arith.constant 0 : i32
        %dma_start3A_152 = tpu.memref_slice %arg5[%dma_start3A_150, %dma_start3A_151] : memref<10000x128xf32, #tpu.memory_space<hbm>> -> memref<640x128xf32, #tpu.memory_space<hbm>>
        tpu.enqueue_dma source(%dma_start3A_152 : memref<640x128xf32, #tpu.memory_space<hbm>>) target(%dma_start3A_149 : memref<640x128xf32, #tpu.memory_space<vmem_shared>>) target_semaphore(%run_scoped3A : memref<!tpu.dma_semaphore, #tpu.memory_space<semaphore_mem>>)
        %dma_wait3A_153 = arith.constant 9360 : i32
        %dma_wait3A_154 = arith.constant 0 : i32
        %dma_wait3A_155 = tpu.memref_slice %arg14[%dma_wait3A_153, %dma_wait3A_154] : memref<10000x128xf32, #tpu.memory_space<vmem_shared>> -> memref<640x128xf32, #tpu.memory_space<vmem_shared>>
        %dma_wait3A_156 = arith.constant 9360 : i32
        %dma_wait3A_157 = arith.constant 0 : i32
        %dma_wait3A_158 = tpu.memref_slice %arg5[%dma_wait3A_156, %dma_wait3A_157] : memref<10000x128xf32, #tpu.memory_space<hbm>> -> memref<640x128xf32, #tpu.memory_space<hbm>>
        tpu.wait_dma2 semaphore(%run_scoped3A : memref<!tpu.dma_semaphore, #tpu.memory_space<semaphore_mem>>) src(%dma_wait3A_158 : memref<640x128xf32, #tpu.memory_space<hbm>>) dst(%dma_wait3A_155 : memref<640x128xf32, #tpu.memory_space<vmem_shared>>)
        tpu.yield
      }) : () -> ()
    } else {
    }
    %barrier3A = arith.constant 0 : index
    tpu.barrier barrier_id(%barrier3A)
    %dma_start3A = arith.constant 0 : i32
    %dma_start3A_9 = tpu.memref_slice %arg7[%dma_start3A] : memref<10000xi32, #tpu.memory_space<vmem>> -> memref<80xi32, #tpu.memory_space<vmem>>
    %dma_start3A_10 = arith.constant 0 : i32
    %dma_start3A_11 = arith.constant 0 : i32
    %dma_start3A_12 = tpu.memref_slice %arg2[%dma_start3A_10, %dma_start3A_11] : memref<10000x128xf32, #tpu.memory_space<hbm>> -> memref<10000x128xf32, #tpu.memory_space<hbm>>
    tpu.enqueue_indirect_dma source(%dma_start3A_12 : memref<10000x128xf32, #tpu.memory_space<hbm>>) target(%arg11 : memref<80x128xf32, #tpu.memory_space<vmem>>) offsets(%dma_start3A_9 : memref<80xi32, #tpu.memory_space<vmem>>) semaphore(%arg15 : memref<!tpu.dma_semaphore, #tpu.memory_space<semaphore_mem>>)
    %add3A_13 = arith.constant 0 : i32
    %add3A_14 = arith.addi %multiple_of3A, %add3A_13 : i32
    %multiple_of3A_15 = tpu.assume_multiple %add3A_14, 8 : i32
    %dma_start3A_16 = tpu.memref_slice %arg4[%multiple_of3A_15] : memref<320000xi32, #tpu.memory_space<hbm>> -> memref<80xi32, #tpu.memory_space<hbm>>
    %dma_start3A_17 = tpu.memref_slice %arg4[%multiple_of3A_15] : memref<320000xi32, #tpu.memory_space<hbm>> -> memref<80xi32, #tpu.memory_space<hbm>>
    tpu.enqueue_dma source(%dma_start3A_17 : memref<80xi32, #tpu.memory_space<hbm>>) target(%arg8 : memref<80xi32, #tpu.memory_space<vmem>>) target_semaphore(%arg18 : memref<!tpu.dma_semaphore, #tpu.memory_space<semaphore_mem>>)
    %dma_start3A_18 = arith.constant 80 : i32
    %dma_start3A_19 = tpu.memref_slice %arg7[%dma_start3A_18] : memref<10000xi32, #tpu.memory_space<vmem>> -> memref<80xi32, #tpu.memory_space<vmem>>
    %dma_start3A_20 = arith.constant 0 : i32
    %dma_start3A_21 = arith.constant 0 : i32
    %dma_start3A_22 = tpu.memref_slice %arg2[%dma_start3A_20, %dma_start3A_21] : memref<10000x128xf32, #tpu.memory_space<hbm>> -> memref<10000x128xf32, #tpu.memory_space<hbm>>
    tpu.enqueue_indirect_dma source(%dma_start3A_22 : memref<10000x128xf32, #tpu.memory_space<hbm>>) target(%arg12 : memref<80x128xf32, #tpu.memory_space<vmem>>) offsets(%dma_start3A_19 : memref<80xi32, #tpu.memory_space<vmem>>) semaphore(%arg16 : memref<!tpu.dma_semaphore, #tpu.memory_space<semaphore_mem>>)
    %add3A_23 = arith.constant 80 : i32
    %add3A_24 = arith.addi %multiple_of3A, %add3A_23 : i32
    %multiple_of3A_25 = tpu.assume_multiple %add3A_24, 8 : i32
    %dma_start3A_26 = tpu.memref_slice %arg4[%multiple_of3A_25] : memref<320000xi32, #tpu.memory_space<hbm>> -> memref<80xi32, #tpu.memory_space<hbm>>
    %dma_start3A_27 = tpu.memref_slice %arg4[%multiple_of3A_25] : memref<320000xi32, #tpu.memory_space<hbm>> -> memref<80xi32, #tpu.memory_space<hbm>>
    tpu.enqueue_dma source(%dma_start3A_27 : memref<80xi32, #tpu.memory_space<hbm>>) target(%arg9 : memref<80xi32, #tpu.memory_space<vmem>>) target_semaphore(%arg19 : memref<!tpu.dma_semaphore, #tpu.memory_space<semaphore_mem>>)
    %dma_wait3A = arith.constant 0 : i32
    %dma_wait3A_28 = tpu.memref_slice %arg7[%dma_wait3A] : memref<10000xi32, #tpu.memory_space<vmem>> -> memref<80xi32, #tpu.memory_space<vmem>>
    %dma_wait3A_29 = arith.constant 0 : i32
    %dma_wait3A_30 = arith.constant 0 : i32
    %dma_wait3A_31 = tpu.memref_slice %arg2[%dma_wait3A_29, %dma_wait3A_30] : memref<10000x128xf32, #tpu.memory_space<hbm>> -> memref<10000x128xf32, #tpu.memory_space<hbm>>
    tpu.wait_indirect_dma semaphore(%arg15 : memref<!tpu.dma_semaphore, #tpu.memory_space<semaphore_mem>>) src(%dma_wait3A_31 : memref<10000x128xf32, #tpu.memory_space<hbm>>) dst(%arg11 : memref<80x128xf32, #tpu.memory_space<vmem>>)
    %dma_wait3A_32 = arith.constant 0 : i32
    %dma_wait3A_33 = tpu.memref_slice %arg4[%dma_wait3A_32] : memref<320000xi32, #tpu.memory_space<hbm>> -> memref<80xi32, #tpu.memory_space<hbm>>
    %dma_wait3A_34 = arith.constant 0 : i32
    %dma_wait3A_35 = tpu.memref_slice %arg4[%dma_wait3A_34] : memref<320000xi32, #tpu.memory_space<hbm>> -> memref<80xi32, #tpu.memory_space<hbm>>
    tpu.wait_dma2 semaphore(%arg18 : memref<!tpu.dma_semaphore, #tpu.memory_space<semaphore_mem>>) src(%dma_wait3A_35 : memref<80xi32, #tpu.memory_space<hbm>>) dst(%arg8 : memref<80xi32, #tpu.memory_space<vmem>>)
    %dma_start3A_36 = arith.constant 0 : i32
    %dma_start3A_37 = arith.constant 0 : i32
    %dma_start3A_38 = tpu.memref_slice %arg14[%dma_start3A_36, %dma_start3A_37] : memref<10000x128xf32, #tpu.memory_space<vmem_shared>> -> memref<10000x128xf32, #tpu.memory_space<vmem_shared>>
    tpu.enqueue_indirect_dma source(%arg11 : memref<80x128xf32, #tpu.memory_space<vmem>>) target(%dma_start3A_38 : memref<10000x128xf32, #tpu.memory_space<vmem_shared>>) offsets(%arg8 : memref<80xi32, #tpu.memory_space<vmem>>) semaphore(%arg21 : memref<!tpu.dma_semaphore, #tpu.memory_space<semaphore_mem>>) {add = true}
    %dma_start3A_39 = arith.constant 160 : i32
    %dma_start3A_40 = tpu.memref_slice %arg7[%dma_start3A_39] : memref<10000xi32, #tpu.memory_space<vmem>> -> memref<80xi32, #tpu.memory_space<vmem>>
    %dma_start3A_41 = arith.constant 0 : i32
    %dma_start3A_42 = arith.constant 0 : i32
    %dma_start3A_43 = tpu.memref_slice %arg2[%dma_start3A_41, %dma_start3A_42] : memref<10000x128xf32, #tpu.memory_space<hbm>> -> memref<10000x128xf32, #tpu.memory_space<hbm>>
    tpu.enqueue_indirect_dma source(%dma_start3A_43 : memref<10000x128xf32, #tpu.memory_space<hbm>>) target(%arg13 : memref<80x128xf32, #tpu.memory_space<vmem>>) offsets(%dma_start3A_40 : memref<80xi32, #tpu.memory_space<vmem>>) semaphore(%arg17 : memref<!tpu.dma_semaphore, #tpu.memory_space<semaphore_mem>>)
    %add3A_44 = arith.constant 160 : i32
    %add3A_45 = arith.addi %multiple_of3A, %add3A_44 : i32
    %multiple_of3A_46 = tpu.assume_multiple %add3A_45, 8 : i32
    %dma_start3A_47 = tpu.memref_slice %arg4[%multiple_of3A_46] : memref<320000xi32, #tpu.memory_space<hbm>> -> memref<80xi32, #tpu.memory_space<hbm>>
    %dma_start3A_48 = tpu.memref_slice %arg4[%multiple_of3A_46] : memref<320000xi32, #tpu.memory_space<hbm>> -> memref<80xi32, #tpu.memory_space<hbm>>
    tpu.enqueue_dma source(%dma_start3A_48 : memref<80xi32, #tpu.memory_space<hbm>>) target(%arg10 : memref<80xi32, #tpu.memory_space<vmem>>) target_semaphore(%arg20 : memref<!tpu.dma_semaphore, #tpu.memory_space<semaphore_mem>>)
    %dma_wait3A_49 = arith.constant 0 : i32
    %dma_wait3A_50 = tpu.memref_slice %arg7[%dma_wait3A_49] : memref<10000xi32, #tpu.memory_space<vmem>> -> memref<80xi32, #tpu.memory_space<vmem>>
    %dma_wait3A_51 = arith.constant 0 : i32
    %dma_wait3A_52 = arith.constant 0 : i32
    %dma_wait3A_53 = tpu.memref_slice %arg2[%dma_wait3A_51, %dma_wait3A_52] : memref<10000x128xf32, #tpu.memory_space<hbm>> -> memref<10000x128xf32, #tpu.memory_space<hbm>>
    tpu.wait_indirect_dma semaphore(%arg16 : memref<!tpu.dma_semaphore, #tpu.memory_space<semaphore_mem>>) src(%dma_wait3A_53 : memref<10000x128xf32, #tpu.memory_space<hbm>>) dst(%arg12 : memref<80x128xf32, #tpu.memory_space<vmem>>)
    %dma_wait3A_54 = arith.constant 0 : i32
    %dma_wait3A_55 = tpu.memref_slice %arg4[%dma_wait3A_54] : memref<320000xi32, #tpu.memory_space<hbm>> -> memref<80xi32, #tpu.memory_space<hbm>>
    %dma_wait3A_56 = arith.constant 0 : i32
    %dma_wait3A_57 = tpu.memref_slice %arg4[%dma_wait3A_56] : memref<320000xi32, #tpu.memory_space<hbm>> -> memref<80xi32, #tpu.memory_space<hbm>>
    tpu.wait_dma2 semaphore(%arg19 : memref<!tpu.dma_semaphore, #tpu.memory_space<semaphore_mem>>) src(%dma_wait3A_57 : memref<80xi32, #tpu.memory_space<hbm>>) dst(%arg9 : memref<80xi32, #tpu.memory_space<vmem>>)
    %dma_start3A_58 = arith.constant 0 : i32
    %dma_start3A_59 = arith.constant 0 : i32
    %dma_start3A_60 = tpu.memref_slice %arg14[%dma_start3A_58, %dma_start3A_59] : memref<10000x128xf32, #tpu.memory_space<vmem_shared>> -> memref<10000x128xf32, #tpu.memory_space<vmem_shared>>
    tpu.enqueue_indirect_dma source(%arg12 : memref<80x128xf32, #tpu.memory_space<vmem>>) target(%dma_start3A_60 : memref<10000x128xf32, #tpu.memory_space<vmem_shared>>) offsets(%arg9 : memref<80xi32, #tpu.memory_space<vmem>>) semaphore(%arg22 : memref<!tpu.dma_semaphore, #tpu.memory_space<semaphore_mem>>) {add = true}
    %dma_wait3A_61 = arith.constant 0 : i32
    %dma_wait3A_62 = arith.constant 0 : i32
    %dma_wait3A_63 = tpu.memref_slice %arg14[%dma_wait3A_61, %dma_wait3A_62] : memref<10000x128xf32, #tpu.memory_space<vmem_shared>> -> memref<10000x128xf32, #tpu.memory_space<vmem_shared>>
    tpu.wait_indirect_dma semaphore(%arg21 : memref<!tpu.dma_semaphore, #tpu.memory_space<semaphore_mem>>) src(%arg11 : memref<80x128xf32, #tpu.memory_space<vmem>>) dst(%dma_wait3A_63 : memref<10000x128xf32, #tpu.memory_space<vmem_shared>>)
    %dma_start3A_64 = arith.constant 240 : i32
    %dma_start3A_65 = tpu.memref_slice %arg7[%dma_start3A_64] : memref<10000xi32, #tpu.memory_space<vmem>> -> memref<80xi32, #tpu.memory_space<vmem>>
    %dma_start3A_66 = arith.constant 0 : i32
    %dma_start3A_67 = arith.constant 0 : i32
    %dma_start3A_68 = tpu.memref_slice %arg2[%dma_start3A_66, %dma_start3A_67] : memref<10000x128xf32, #tpu.memory_space<hbm>> -> memref<10000x128xf32, #tpu.memory_space<hbm>>
    tpu.enqueue_indirect_dma source(%dma_start3A_68 : memref<10000x128xf32, #tpu.memory_space<hbm>>) target(%arg11 : memref<80x128xf32, #tpu.memory_space<vmem>>) offsets(%dma_start3A_65 : memref<80xi32, #tpu.memory_space<vmem>>) semaphore(%arg15 : memref<!tpu.dma_semaphore, #tpu.memory_space<semaphore_mem>>)
    %add3A_69 = arith.constant 240 : i32
    %add3A_70 = arith.addi %multiple_of3A, %add3A_69 : i32
    %multiple_of3A_71 = tpu.assume_multiple %add3A_70, 8 : i32
    %dma_start3A_72 = tpu.memref_slice %arg4[%multiple_of3A_71] : memref<320000xi32, #tpu.memory_space<hbm>> -> memref<80xi32, #tpu.memory_space<hbm>>
    %dma_start3A_73 = tpu.memref_slice %arg4[%multiple_of3A_71] : memref<320000xi32, #tpu.memory_space<hbm>> -> memref<80xi32, #tpu.memory_space<hbm>>
    tpu.enqueue_dma source(%dma_start3A_73 : memref<80xi32, #tpu.memory_space<hbm>>) target(%arg8 : memref<80xi32, #tpu.memory_space<vmem>>) target_semaphore(%arg18 : memref<!tpu.dma_semaphore, #tpu.memory_space<semaphore_mem>>)
    %dma_wait3A_74 = arith.constant 0 : i32
    %dma_wait3A_75 = tpu.memref_slice %arg7[%dma_wait3A_74] : memref<10000xi32, #tpu.memory_space<vmem>> -> memref<80xi32, #tpu.memory_space<vmem>>
    %dma_wait3A_76 = arith.constant 0 : i32
    %dma_wait3A_77 = arith.constant 0 : i32
    %dma_wait3A_78 = tpu.memref_slice %arg2[%dma_wait3A_76, %dma_wait3A_77] : memref<10000x128xf32, #tpu.memory_space<hbm>> -> memref<10000x128xf32, #tpu.memory_space<hbm>>
    tpu.wait_indirect_dma semaphore(%arg17 : memref<!tpu.dma_semaphore, #tpu.memory_space<semaphore_mem>>) src(%dma_wait3A_78 : memref<10000x128xf32, #tpu.memory_space<hbm>>) dst(%arg13 : memref<80x128xf32, #tpu.memory_space<vmem>>)
    %dma_wait3A_79 = arith.constant 0 : i32
    %dma_wait3A_80 = tpu.memref_slice %arg4[%dma_wait3A_79] : memref<320000xi32, #tpu.memory_space<hbm>> -> memref<80xi32, #tpu.memory_space<hbm>>
    %dma_wait3A_81 = arith.constant 0 : i32
    %dma_wait3A_82 = tpu.memref_slice %arg4[%dma_wait3A_81] : memref<320000xi32, #tpu.memory_space<hbm>> -> memref<80xi32, #tpu.memory_space<hbm>>
    tpu.wait_dma2 semaphore(%arg20 : memref<!tpu.dma_semaphore, #tpu.memory_space<semaphore_mem>>) src(%dma_wait3A_82 : memref<80xi32, #tpu.memory_space<hbm>>) dst(%arg10 : memref<80xi32, #tpu.memory_space<vmem>>)
    %dma_start3A_83 = arith.constant 0 : i32
    %dma_start3A_84 = arith.constant 0 : i32
    %dma_start3A_85 = tpu.memref_slice %arg14[%dma_start3A_83, %dma_start3A_84] : memref<10000x128xf32, #tpu.memory_space<vmem_shared>> -> memref<10000x128xf32, #tpu.memory_space<vmem_shared>>
    tpu.enqueue_indirect_dma source(%arg13 : memref<80x128xf32, #tpu.memory_space<vmem>>) target(%dma_start3A_85 : memref<10000x128xf32, #tpu.memory_space<vmem_shared>>) offsets(%arg10 : memref<80xi32, #tpu.memory_space<vmem>>) semaphore(%arg23 : memref<!tpu.dma_semaphore, #tpu.memory_space<semaphore_mem>>) {add = true}
    %dma_wait3A_86 = arith.constant 0 : i32
    %dma_wait3A_87 = arith.constant 0 : i32
    %dma_wait3A_88 = tpu.memref_slice %arg14[%dma_wait3A_86, %dma_wait3A_87] : memref<10000x128xf32, #tpu.memory_space<vmem_shared>> -> memref<10000x128xf32, #tpu.memory_space<vmem_shared>>
    tpu.wait_indirect_dma semaphore(%arg22 : memref<!tpu.dma_semaphore, #tpu.memory_space<semaphore_mem>>) src(%arg12 : memref<80x128xf32, #tpu.memory_space<vmem>>) dst(%dma_wait3A_88 : memref<10000x128xf32, #tpu.memory_space<vmem_shared>>)
    %dma_start3A_89 = arith.constant 320 : i32
    %dma_start3A_90 = tpu.memref_slice %arg7[%dma_start3A_89] : memref<10000xi32, #tpu.memory_space<vmem>> -> memref<80xi32, #tpu.memory_space<vmem>>
    %dma_start3A_91 = arith.constant 0 : i32
    %dma_start3A_92 = arith.constant 0 : i32
    %dma_start3A_93 = tpu.memref_slice %arg2[%dma_start3A_91, %dma_start3A_92] : memref<10000x128xf32, #tpu.memory_space<hbm>> -> memref<10000x128xf32, #tpu.memory_space<hbm>>
    tpu.enqueue_indirect_dma source(%dma_start3A_93 : memref<10000x128xf32, #tpu.memory_space<hbm>>) target(%arg12 : memref<80x128xf32, #tpu.memory_space<vmem>>) offsets(%dma_start3A_90 : memref<80xi32, #tpu.memory_space<vmem>>) semaphore(%arg16 : memref<!tpu.dma_semaphore, #tpu.memory_space<semaphore_mem>>)
    %add3A_94 = arith.constant 320 : i32
    %add3A_95 = arith.addi %multiple_of3A, %add3A_94 : i32
    %multiple_of3A_96 = tpu.assume_multiple %add3A_95, 8 : i32
    %dma_start3A_97 = tpu.memref_slice %arg4[%multiple_of3A_96] : memref<320000xi32, #tpu.memory_space<hbm>> -> memref<80xi32, #tpu.memory_space<hbm>>
    %dma_start3A_98 = tpu.memref_slice %arg4[%multiple_of3A_96] : memref<320000xi32, #tpu.memory_space<hbm>> -> memref<80xi32, #tpu.memory_space<hbm>>
    tpu.enqueue_dma source(%dma_start3A_98 : memref<80xi32, #tpu.memory_space<hbm>>) target(%arg9 : memref<80xi32, #tpu.memory_space<vmem>>) target_semaphore(%arg19 : memref<!tpu.dma_semaphore, #tpu.memory_space<semaphore_mem>>)
    %scan3A = arith.constant 0 : i32
    %scan3A_99 = arith.constant 40 : i32
    %scan3A_100 = arith.addi %scan3A, %scan3A_99 : i32
    %scan3A_101 = arith.constant 1 : i32
    scf.for %scan3A_147 = %scan3A to %scan3A_100 step %scan3A_101  : i32 {
      %mul3A_148 = arith.constant 3 : i32
      %mul3A_149 = arith.muli %scan3A_147, %mul3A_148 : i32
      %add3A_150 = arith.constant 3 : i32
      %add3A_151 = arith.addi %add3A_150, %mul3A_149 : i32
      %dma_wait3A_152 = arith.constant 0 : i32
      %dma_wait3A_153 = tpu.memref_slice %arg7[%dma_wait3A_152] : memref<10000xi32, #tpu.memory_space<vmem>> -> memref<80xi32, #tpu.memory_space<vmem>>
      %dma_wait3A_154 = arith.constant 0 : i32
      %dma_wait3A_155 = arith.constant 0 : i32
      %dma_wait3A_156 = tpu.memref_slice %arg2[%dma_wait3A_154, %dma_wait3A_155] : memref<10000x128xf32, #tpu.memory_space<hbm>> -> memref<10000x128xf32, #tpu.memory_space<hbm>>
      tpu.wait_indirect_dma semaphore(%arg15 : memref<!tpu.dma_semaphore, #tpu.memory_space<semaphore_mem>>) src(%dma_wait3A_156 : memref<10000x128xf32, #tpu.memory_space<hbm>>) dst(%arg11 : memref<80x128xf32, #tpu.memory_space<vmem>>)
      %dma_wait3A_157 = arith.constant 0 : i32
      %dma_wait3A_158 = tpu.memref_slice %arg4[%dma_wait3A_157] : memref<320000xi32, #tpu.memory_space<hbm>> -> memref<80xi32, #tpu.memory_space<hbm>>
      %dma_wait3A_159 = arith.constant 0 : i32
      %dma_wait3A_160 = tpu.memref_slice %arg4[%dma_wait3A_159] : memref<320000xi32, #tpu.memory_space<hbm>> -> memref<80xi32, #tpu.memory_space<hbm>>
      tpu.wait_dma2 semaphore(%arg18 : memref<!tpu.dma_semaphore, #tpu.memory_space<semaphore_mem>>) src(%dma_wait3A_160 : memref<80xi32, #tpu.memory_space<hbm>>) dst(%arg8 : memref<80xi32, #tpu.memory_space<vmem>>)
      %dma_start3A_161 = arith.constant 0 : i32
      %dma_start3A_162 = arith.constant 0 : i32
      %dma_start3A_163 = tpu.memref_slice %arg14[%dma_start3A_161, %dma_start3A_162] : memref<10000x128xf32, #tpu.memory_space<vmem_shared>> -> memref<10000x128xf32, #tpu.memory_space<vmem_shared>>
      tpu.enqueue_indirect_dma source(%arg11 : memref<80x128xf32, #tpu.memory_space<vmem>>) target(%dma_start3A_163 : memref<10000x128xf32, #tpu.memory_space<vmem_shared>>) offsets(%arg8 : memref<80xi32, #tpu.memory_space<vmem>>) semaphore(%arg21 : memref<!tpu.dma_semaphore, #tpu.memory_space<semaphore_mem>>) {add = true}
      %dma_wait3A_164 = arith.constant 0 : i32
      %dma_wait3A_165 = arith.constant 0 : i32
      %dma_wait3A_166 = tpu.memref_slice %arg14[%dma_wait3A_164, %dma_wait3A_165] : memref<10000x128xf32, #tpu.memory_space<vmem_shared>> -> memref<10000x128xf32, #tpu.memory_space<vmem_shared>>
      tpu.wait_indirect_dma semaphore(%arg23 : memref<!tpu.dma_semaphore, #tpu.memory_space<semaphore_mem>>) src(%arg13 : memref<80x128xf32, #tpu.memory_space<vmem>>) dst(%dma_wait3A_166 : memref<10000x128xf32, #tpu.memory_space<vmem_shared>>)
      %add3A_167 = arith.constant 2 : i32
      %add3A_168 = arith.addi %add3A_151, %add3A_167 : i32
      %mul3A_169 = arith.constant 80 : i32
      %mul3A_170 = arith.muli %add3A_168, %mul3A_169 : i32
      %dma_start3A_171 = tpu.memref_slice %arg7[%mul3A_170] : memref<10000xi32, #tpu.memory_space<vmem>> -> memref<80xi32, #tpu.memory_space<vmem>>
      %dma_start3A_172 = arith.constant 0 : i32
      %dma_start3A_173 = arith.constant 0 : i32
      %dma_start3A_174 = tpu.memref_slice %arg2[%dma_start3A_172, %dma_start3A_173] : memref<10000x128xf32, #tpu.memory_space<hbm>> -> memref<10000x128xf32, #tpu.memory_space<hbm>>
      tpu.enqueue_indirect_dma source(%dma_start3A_174 : memref<10000x128xf32, #tpu.memory_space<hbm>>) target(%arg13 : memref<80x128xf32, #tpu.memory_space<vmem>>) offsets(%dma_start3A_171 : memref<80xi32, #tpu.memory_space<vmem>>) semaphore(%arg17 : memref<!tpu.dma_semaphore, #tpu.memory_space<semaphore_mem>>)
      %mul3A_175 = arith.constant 80 : i32
      %mul3A_176 = arith.muli %add3A_168, %mul3A_175 : i32
      %add3A_177 = arith.addi %multiple_of3A, %mul3A_176 : i32
      %multiple_of3A_178 = tpu.assume_multiple %add3A_177, 8 : i32
      %dma_start3A_179 = tpu.memref_slice %arg4[%multiple_of3A_178] : memref<320000xi32, #tpu.memory_space<hbm>> -> memref<80xi32, #tpu.memory_space<hbm>>
      %dma_start3A_180 = tpu.memref_slice %arg4[%multiple_of3A_178] : memref<320000xi32, #tpu.memory_space<hbm>> -> memref<80xi32, #tpu.memory_space<hbm>>
      tpu.enqueue_dma source(%dma_start3A_180 : memref<80xi32, #tpu.memory_space<hbm>>) target(%arg10 : memref<80xi32, #tpu.memory_space<vmem>>) target_semaphore(%arg20 : memref<!tpu.dma_semaphore, #tpu.memory_space<semaphore_mem>>)
      %dma_wait3A_181 = arith.constant 0 : i32
      %dma_wait3A_182 = tpu.memref_slice %arg7[%dma_wait3A_181] : memref<10000xi32, #tpu.memory_space<vmem>> -> memref<80xi32, #tpu.memory_space<vmem>>
      %dma_wait3A_183 = arith.constant 0 : i32
      %dma_wait3A_184 = arith.constant 0 : i32
      %dma_wait3A_185 = tpu.memref_slice %arg2[%dma_wait3A_183, %dma_wait3A_184] : memref<10000x128xf32, #tpu.memory_space<hbm>> -> memref<10000x128xf32, #tpu.memory_space<hbm>>
      tpu.wait_indirect_dma semaphore(%arg16 : memref<!tpu.dma_semaphore, #tpu.memory_space<semaphore_mem>>) src(%dma_wait3A_185 : memref<10000x128xf32, #tpu.memory_space<hbm>>) dst(%arg12 : memref<80x128xf32, #tpu.memory_space<vmem>>)
      %dma_wait3A_186 = arith.constant 0 : i32
      %dma_wait3A_187 = tpu.memref_slice %arg4[%dma_wait3A_186] : memref<320000xi32, #tpu.memory_space<hbm>> -> memref<80xi32, #tpu.memory_space<hbm>>
      %dma_wait3A_188 = arith.constant 0 : i32
      %dma_wait3A_189 = tpu.memref_slice %arg4[%dma_wait3A_188] : memref<320000xi32, #tpu.memory_space<hbm>> -> memref<80xi32, #tpu.memory_space<hbm>>
      tpu.wait_dma2 semaphore(%arg19 : memref<!tpu.dma_semaphore, #tpu.memory_space<semaphore_mem>>) src(%dma_wait3A_189 : memref<80xi32, #tpu.memory_space<hbm>>) dst(%arg9 : memref<80xi32, #tpu.memory_space<vmem>>)
      %dma_start3A_190 = arith.constant 0 : i32
      %dma_start3A_191 = arith.constant 0 : i32
      %dma_start3A_192 = tpu.memref_slice %arg14[%dma_start3A_190, %dma_start3A_191] : memref<10000x128xf32, #tpu.memory_space<vmem_shared>> -> memref<10000x128xf32, #tpu.memory_space<vmem_shared>>
      tpu.enqueue_indirect_dma source(%arg12 : memref<80x128xf32, #tpu.memory_space<vmem>>) target(%dma_start3A_192 : memref<10000x128xf32, #tpu.memory_space<vmem_shared>>) offsets(%arg9 : memref<80xi32, #tpu.memory_space<vmem>>) semaphore(%arg22 : memref<!tpu.dma_semaphore, #tpu.memory_space<semaphore_mem>>) {add = true}
      %dma_wait3A_193 = arith.constant 0 : i32
      %dma_wait3A_194 = arith.constant 0 : i32
      %dma_wait3A_195 = tpu.memref_slice %arg14[%dma_wait3A_193, %dma_wait3A_194] : memref<10000x128xf32, #tpu.memory_space<vmem_shared>> -> memref<10000x128xf32, #tpu.memory_space<vmem_shared>>
      tpu.wait_indirect_dma semaphore(%arg21 : memref<!tpu.dma_semaphore, #tpu.memory_space<semaphore_mem>>) src(%arg11 : memref<80x128xf32, #tpu.memory_space<vmem>>) dst(%dma_wait3A_195 : memref<10000x128xf32, #tpu.memory_space<vmem_shared>>)
      %add3A_196 = arith.constant 3 : i32
      %add3A_197 = arith.addi %add3A_151, %add3A_196 : i32
      %mul3A_198 = arith.constant 80 : i32
      %mul3A_199 = arith.muli %add3A_197, %mul3A_198 : i32
      %dma_start3A_200 = tpu.memref_slice %arg7[%mul3A_199] : memref<10000xi32, #tpu.memory_space<vmem>> -> memref<80xi32, #tpu.memory_space<vmem>>
      %dma_start3A_201 = arith.constant 0 : i32
      %dma_start3A_202 = arith.constant 0 : i32
      %dma_start3A_203 = tpu.memref_slice %arg2[%dma_start3A_201, %dma_start3A_202] : memref<10000x128xf32, #tpu.memory_space<hbm>> -> memref<10000x128xf32, #tpu.memory_space<hbm>>
      tpu.enqueue_indirect_dma source(%dma_start3A_203 : memref<10000x128xf32, #tpu.memory_space<hbm>>) target(%arg11 : memref<80x128xf32, #tpu.memory_space<vmem>>) offsets(%dma_start3A_200 : memref<80xi32, #tpu.memory_space<vmem>>) semaphore(%arg15 : memref<!tpu.dma_semaphore, #tpu.memory_space<semaphore_mem>>)
      %mul3A_204 = arith.constant 80 : i32
      %mul3A_205 = arith.muli %add3A_197, %mul3A_204 : i32
      %add3A_206 = arith.addi %multiple_of3A, %mul3A_205 : i32
      %multiple_of3A_207 = tpu.assume_multiple %add3A_206, 8 : i32
      %dma_start3A_208 = tpu.memref_slice %arg4[%multiple_of3A_207] : memref<320000xi32, #tpu.memory_space<hbm>> -> memref<80xi32, #tpu.memory_space<hbm>>
      %dma_start3A_209 = tpu.memref_slice %arg4[%multiple_of3A_207] : memref<320000xi32, #tpu.memory_space<hbm>> -> memref<80xi32, #tpu.memory_space<hbm>>
      tpu.enqueue_dma source(%dma_start3A_209 : memref<80xi32, #tpu.memory_space<hbm>>) target(%arg8 : memref<80xi32, #tpu.memory_space<vmem>>) target_semaphore(%arg18 : memref<!tpu.dma_semaphore, #tpu.memory_space<semaphore_mem>>)
      %dma_wait3A_210 = arith.constant 0 : i32
      %dma_wait3A_211 = tpu.memref_slice %arg7[%dma_wait3A_210] : memref<10000xi32, #tpu.memory_space<vmem>> -> memref<80xi32, #tpu.memory_space<vmem>>
      %dma_wait3A_212 = arith.constant 0 : i32
      %dma_wait3A_213 = arith.constant 0 : i32
      %dma_wait3A_214 = tpu.memref_slice %arg2[%dma_wait3A_212, %dma_wait3A_213] : memref<10000x128xf32, #tpu.memory_space<hbm>> -> memref<10000x128xf32, #tpu.memory_space<hbm>>
      tpu.wait_indirect_dma semaphore(%arg17 : memref<!tpu.dma_semaphore, #tpu.memory_space<semaphore_mem>>) src(%dma_wait3A_214 : memref<10000x128xf32, #tpu.memory_space<hbm>>) dst(%arg13 : memref<80x128xf32, #tpu.memory_space<vmem>>)
      %dma_wait3A_215 = arith.constant 0 : i32
      %dma_wait3A_216 = tpu.memref_slice %arg4[%dma_wait3A_215] : memref<320000xi32, #tpu.memory_space<hbm>> -> memref<80xi32, #tpu.memory_space<hbm>>
      %dma_wait3A_217 = arith.constant 0 : i32
      %dma_wait3A_218 = tpu.memref_slice %arg4[%dma_wait3A_217] : memref<320000xi32, #tpu.memory_space<hbm>> -> memref<80xi32, #tpu.memory_space<hbm>>
      tpu.wait_dma2 semaphore(%arg20 : memref<!tpu.dma_semaphore, #tpu.memory_space<semaphore_mem>>) src(%dma_wait3A_218 : memref<80xi32, #tpu.memory_space<hbm>>) dst(%arg10 : memref<80xi32, #tpu.memory_space<vmem>>)
      %dma_start3A_219 = arith.constant 0 : i32
      %dma_start3A_220 = arith.constant 0 : i32
      %dma_start3A_221 = tpu.memref_slice %arg14[%dma_start3A_219, %dma_start3A_220] : memref<10000x128xf32, #tpu.memory_space<vmem_shared>> -> memref<10000x128xf32, #tpu.memory_space<vmem_shared>>
      tpu.enqueue_indirect_dma source(%arg13 : memref<80x128xf32, #tpu.memory_space<vmem>>) target(%dma_start3A_221 : memref<10000x128xf32, #tpu.memory_space<vmem_shared>>) offsets(%arg10 : memref<80xi32, #tpu.memory_space<vmem>>) semaphore(%arg23 : memref<!tpu.dma_semaphore, #tpu.memory_space<semaphore_mem>>) {add = true}
      %dma_wait3A_222 = arith.constant 0 : i32
      %dma_wait3A_223 = arith.constant 0 : i32
      %dma_wait3A_224 = tpu.memref_slice %arg14[%dma_wait3A_222, %dma_wait3A_223] : memref<10000x128xf32, #tpu.memory_space<vmem_shared>> -> memref<10000x128xf32, #tpu.memory_space<vmem_shared>>
      tpu.wait_indirect_dma semaphore(%arg22 : memref<!tpu.dma_semaphore, #tpu.memory_space<semaphore_mem>>) src(%arg12 : memref<80x128xf32, #tpu.memory_space<vmem>>) dst(%dma_wait3A_224 : memref<10000x128xf32, #tpu.memory_space<vmem_shared>>)
      %add3A_225 = arith.constant 4 : i32
      %add3A_226 = arith.addi %add3A_151, %add3A_225 : i32
      %mul3A_227 = arith.constant 80 : i32
      %mul3A_228 = arith.muli %add3A_226, %mul3A_227 : i32
      %dma_start3A_229 = tpu.memref_slice %arg7[%mul3A_228] : memref<10000xi32, #tpu.memory_space<vmem>> -> memref<80xi32, #tpu.memory_space<vmem>>
      %dma_start3A_230 = arith.constant 0 : i32
      %dma_start3A_231 = arith.constant 0 : i32
      %dma_start3A_232 = tpu.memref_slice %arg2[%dma_start3A_230, %dma_start3A_231] : memref<10000x128xf32, #tpu.memory_space<hbm>> -> memref<10000x128xf32, #tpu.memory_space<hbm>>
      tpu.enqueue_indirect_dma source(%dma_start3A_232 : memref<10000x128xf32, #tpu.memory_space<hbm>>) target(%arg12 : memref<80x128xf32, #tpu.memory_space<vmem>>) offsets(%dma_start3A_229 : memref<80xi32, #tpu.memory_space<vmem>>) semaphore(%arg16 : memref<!tpu.dma_semaphore, #tpu.memory_space<semaphore_mem>>)
      %mul3A_233 = arith.constant 80 : i32
      %mul3A_234 = arith.muli %add3A_226, %mul3A_233 : i32
      %add3A_235 = arith.addi %multiple_of3A, %mul3A_234 : i32
      %multiple_of3A_236 = tpu.assume_multiple %add3A_235, 8 : i32
      %dma_start3A_237 = tpu.memref_slice %arg4[%multiple_of3A_236] : memref<320000xi32, #tpu.memory_space<hbm>> -> memref<80xi32, #tpu.memory_space<hbm>>
      %dma_start3A_238 = tpu.memref_slice %arg4[%multiple_of3A_236] : memref<320000xi32, #tpu.memory_space<hbm>> -> memref<80xi32, #tpu.memory_space<hbm>>
      tpu.enqueue_dma source(%dma_start3A_238 : memref<80xi32, #tpu.memory_space<hbm>>) target(%arg9 : memref<80xi32, #tpu.memory_space<vmem>>) target_semaphore(%arg19 : memref<!tpu.dma_semaphore, #tpu.memory_space<semaphore_mem>>)
    }
    %scan3A_102 = arith.constant 40 : i32
    %dma_wait3A_103 = arith.constant 0 : i32
    %dma_wait3A_104 = tpu.memref_slice %arg7[%dma_wait3A_103] : memref<10000xi32, #tpu.memory_space<vmem>> -> memref<80xi32, #tpu.memory_space<vmem>>
    %dma_wait3A_105 = arith.constant 0 : i32
    %dma_wait3A_106 = arith.constant 0 : i32
    %dma_wait3A_107 = tpu.memref_slice %arg2[%dma_wait3A_105, %dma_wait3A_106] : memref<10000x128xf32, #tpu.memory_space<hbm>> -> memref<10000x128xf32, #tpu.memory_space<hbm>>
    tpu.wait_indirect_dma semaphore(%arg15 : memref<!tpu.dma_semaphore, #tpu.memory_space<semaphore_mem>>) src(%dma_wait3A_107 : memref<10000x128xf32, #tpu.memory_space<hbm>>) dst(%arg11 : memref<80x128xf32, #tpu.memory_space<vmem>>)
    %dma_wait3A_108 = arith.constant 0 : i32
    %dma_wait3A_109 = tpu.memref_slice %arg4[%dma_wait3A_108] : memref<320000xi32, #tpu.memory_space<hbm>> -> memref<80xi32, #tpu.memory_space<hbm>>
    %dma_wait3A_110 = arith.constant 0 : i32
    %dma_wait3A_111 = tpu.memref_slice %arg4[%dma_wait3A_110] : memref<320000xi32, #tpu.memory_space<hbm>> -> memref<80xi32, #tpu.memory_space<hbm>>
    tpu.wait_dma2 semaphore(%arg18 : memref<!tpu.dma_semaphore, #tpu.memory_space<semaphore_mem>>) src(%dma_wait3A_111 : memref<80xi32, #tpu.memory_space<hbm>>) dst(%arg8 : memref<80xi32, #tpu.memory_space<vmem>>)
    %dma_start3A_112 = arith.constant 0 : i32
    %dma_start3A_113 = arith.constant 0 : i32
    %dma_start3A_114 = tpu.memref_slice %arg14[%dma_start3A_112, %dma_start3A_113] : memref<10000x128xf32, #tpu.memory_space<vmem_shared>> -> memref<10000x128xf32, #tpu.memory_space<vmem_shared>>
    tpu.enqueue_indirect_dma source(%arg11 : memref<80x128xf32, #tpu.memory_space<vmem>>) target(%dma_start3A_114 : memref<10000x128xf32, #tpu.memory_space<vmem_shared>>) offsets(%arg8 : memref<80xi32, #tpu.memory_space<vmem>>) semaphore(%arg21 : memref<!tpu.dma_semaphore, #tpu.memory_space<semaphore_mem>>) {add = true}
    %dma_wait3A_115 = arith.constant 0 : i32
    %dma_wait3A_116 = arith.constant 0 : i32
    %dma_wait3A_117 = tpu.memref_slice %arg14[%dma_wait3A_115, %dma_wait3A_116] : memref<10000x128xf32, #tpu.memory_space<vmem_shared>> -> memref<10000x128xf32, #tpu.memory_space<vmem_shared>>
    tpu.wait_indirect_dma semaphore(%arg23 : memref<!tpu.dma_semaphore, #tpu.memory_space<semaphore_mem>>) src(%arg13 : memref<80x128xf32, #tpu.memory_space<vmem>>) dst(%dma_wait3A_117 : memref<10000x128xf32, #tpu.memory_space<vmem_shared>>)
    %dma_wait3A_118 = arith.constant 0 : i32
    %dma_wait3A_119 = tpu.memref_slice %arg7[%dma_wait3A_118] : memref<10000xi32, #tpu.memory_space<vmem>> -> memref<80xi32, #tpu.memory_space<vmem>>
    %dma_wait3A_120 = arith.constant 0 : i32
    %dma_wait3A_121 = arith.constant 0 : i32
    %dma_wait3A_122 = tpu.memref_slice %arg2[%dma_wait3A_120, %dma_wait3A_121] : memref<10000x128xf32, #tpu.memory_space<hbm>> -> memref<10000x128xf32, #tpu.memory_space<hbm>>
    tpu.wait_indirect_dma semaphore(%arg16 : memref<!tpu.dma_semaphore, #tpu.memory_space<semaphore_mem>>) src(%dma_wait3A_122 : memref<10000x128xf32, #tpu.memory_space<hbm>>) dst(%arg12 : memref<80x128xf32, #tpu.memory_space<vmem>>)
    %dma_wait3A_123 = arith.constant 0 : i32
    %dma_wait3A_124 = tpu.memref_slice %arg4[%dma_wait3A_123] : memref<320000xi32, #tpu.memory_space<hbm>> -> memref<80xi32, #tpu.memory_space<hbm>>
    %dma_wait3A_125 = arith.constant 0 : i32
    %dma_wait3A_126 = tpu.memref_slice %arg4[%dma_wait3A_125] : memref<320000xi32, #tpu.memory_space<hbm>> -> memref<80xi32, #tpu.memory_space<hbm>>
    tpu.wait_dma2 semaphore(%arg19 : memref<!tpu.dma_semaphore, #tpu.memory_space<semaphore_mem>>) src(%dma_wait3A_126 : memref<80xi32, #tpu.memory_space<hbm>>) dst(%arg9 : memref<80xi32, #tpu.memory_space<vmem>>)
    %dma_start3A_127 = arith.constant 0 : i32
    %dma_start3A_128 = arith.constant 0 : i32
    %dma_start3A_129 = tpu.memref_slice %arg14[%dma_start3A_127, %dma_start3A_128] : memref<10000x128xf32, #tpu.memory_space<vmem_shared>> -> memref<10000x128xf32, #tpu.memory_space<vmem_shared>>
    tpu.enqueue_indirect_dma source(%arg12 : memref<80x128xf32, #tpu.memory_space<vmem>>) target(%dma_start3A_129 : memref<10000x128xf32, #tpu.memory_space<vmem_shared>>) offsets(%arg9 : memref<80xi32, #tpu.memory_space<vmem>>) semaphore(%arg22 : memref<!tpu.dma_semaphore, #tpu.memory_space<semaphore_mem>>) {add = true}
    %dma_wait3A_130 = arith.constant 0 : i32
    %dma_wait3A_131 = arith.constant 0 : i32
    %dma_wait3A_132 = tpu.memref_slice %arg14[%dma_wait3A_130, %dma_wait3A_131] : memref<10000x128xf32, #tpu.memory_space<vmem_shared>> -> memref<10000x128xf32, #tpu.memory_space<vmem_shared>>
    tpu.wait_indirect_dma semaphore(%arg21 : memref<!tpu.dma_semaphore, #tpu.memory_space<semaphore_mem>>) src(%arg11 : memref<80x128xf32, #tpu.memory_space<vmem>>) dst(%dma_wait3A_132 : memref<10000x128xf32, #tpu.memory_space<vmem_shared>>)
    %dma_wait3A_133 = arith.constant 0 : i32
    %dma_wait3A_134 = arith.constant 0 : i32
    %dma_wait3A_135 = tpu.memref_slice %arg14[%dma_wait3A_133, %dma_wait3A_134] : memref<10000x128xf32, #tpu.memory_space<vmem_shared>> -> memref<10000x128xf32, #tpu.memory_space<vmem_shared>>
    tpu.wait_indirect_dma semaphore(%arg22 : memref<!tpu.dma_semaphore, #tpu.memory_space<semaphore_mem>>) src(%arg12 : memref<80x128xf32, #tpu.memory_space<vmem>>) dst(%dma_wait3A_135 : memref<10000x128xf32, #tpu.memory_space<vmem_shared>>)
    %barrier3A_136 = arith.constant 0 : index
    tpu.barrier barrier_id(%barrier3A_136)
    %lt3A_137 = arith.constant 15 : i32
    %lt3A_138 = arith.cmpi slt, %arg1, %lt3A_137 : i32
    %convert_element_type3A_139 = arith.extui %lt3A_138 : i1 to i32
    %cond3A_140 = arith.constant 0 : i32
    %cond3A_141 = arith.cmpi ne, %convert_element_type3A_139, %cond3A_140 : i32
    scf.if %cond3A_141 {
      %mul3A_147 = arith.constant 624 : i32
      %mul3A_148 = arith.muli %arg1, %mul3A_147 : i32
      %multiple_of3A_149 = tpu.assume_multiple %mul3A_148, 8 : i32
      "tpu.region"() ({
        %run_scoped3A = tpu.sem_alloc : memref<!tpu.dma_semaphore, #tpu.memory_space<semaphore_mem>>
        %dma_start3A_150 = arith.constant 0 : i32
        %dma_start3A_151 = tpu.memref_slice %arg6[%arg0, %multiple_of3A_149, %dma_start3A_150] : memref<2x10000x128xf32, #tpu.memory_space<hbm>> -> memref<1x624x128xf32, #tpu.memory_space<hbm>>
        %dma_start3A_152 = tpu.memref_squeeze %dma_start3A_151 : memref<1x624x128xf32, #tpu.memory_space<hbm>> -> memref<624x128xf32, #tpu.memory_space<hbm>>
        %dma_start3A_153 = arith.constant 0 : i32
        %dma_start3A_154 = tpu.memref_slice %arg14[%multiple_of3A_149, %dma_start3A_153] : memref<10000x128xf32, #tpu.memory_space<vmem_shared>> -> memref<624x128xf32, #tpu.memory_space<vmem_shared>>
        tpu.enqueue_dma source(%dma_start3A_154 : memref<624x128xf32, #tpu.memory_space<vmem_shared>>) target(%dma_start3A_152 : memref<624x128xf32, #tpu.memory_space<hbm>>) target_semaphore(%run_scoped3A : memref<!tpu.dma_semaphore, #tpu.memory_space<semaphore_mem>>)
        %dma_wait3A_155 = arith.constant 0 : i32
        %dma_wait3A_156 = tpu.memref_slice %arg6[%arg0, %multiple_of3A_149, %dma_wait3A_155] : memref<2x10000x128xf32, #tpu.memory_space<hbm>> -> memref<1x624x128xf32, #tpu.memory_space<hbm>>
        %dma_wait3A_157 = tpu.memref_squeeze %dma_wait3A_156 : memref<1x624x128xf32, #tpu.memory_space<hbm>> -> memref<624x128xf32, #tpu.memory_space<hbm>>
        %dma_wait3A_158 = arith.constant 0 : i32
        %dma_wait3A_159 = tpu.memref_slice %arg14[%multiple_of3A_149, %dma_wait3A_158] : memref<10000x128xf32, #tpu.memory_space<vmem_shared>> -> memref<624x128xf32, #tpu.memory_space<vmem_shared>>
        tpu.wait_dma2 semaphore(%run_scoped3A : memref<!tpu.dma_semaphore, #tpu.memory_space<semaphore_mem>>) src(%dma_wait3A_159 : memref<624x128xf32, #tpu.memory_space<vmem_shared>>) dst(%dma_wait3A_157 : memref<624x128xf32, #tpu.memory_space<hbm>>)
        tpu.yield
      }) : () -> ()
    } else {
    }
    %eq3A_142 = arith.constant 15 : i32
    %eq3A_143 = arith.cmpi eq, %arg1, %eq3A_142 : i32
    %convert_element_type3A_144 = arith.extui %eq3A_143 : i1 to i32
    %cond3A_145 = arith.constant 0 : i32
    %cond3A_146 = arith.cmpi ne, %convert_element_type3A_144, %cond3A_145 : i32
    scf.if %cond3A_146 {
      "tpu.region"() ({
        %run_scoped3A = tpu.sem_alloc : memref<!tpu.dma_semaphore, #tpu.memory_space<semaphore_mem>>
        %dma_start3A_147 = arith.constant 9360 : i32
        %dma_start3A_148 = arith.constant 0 : i32
        %dma_start3A_149 = tpu.memref_slice %arg6[%arg0, %dma_start3A_147, %dma_start3A_148] : memref<2x10000x128xf32, #tpu.memory_space<hbm>> -> memref<1x640x128xf32, #tpu.memory_space<hbm>>
        %dma_start3A_150 = tpu.memref_squeeze %dma_start3A_149 : memref<1x640x128xf32, #tpu.memory_space<hbm>> -> memref<640x128xf32, #tpu.memory_space<hbm>>
        %dma_start3A_151 = arith.constant 9360 : i32
        %dma_start3A_152 = arith.constant 0 : i32
        %dma_start3A_153 = tpu.memref_slice %arg14[%dma_start3A_151, %dma_start3A_152] : memref<10000x128xf32, #tpu.memory_space<vmem_shared>> -> memref<640x128xf32, #tpu.memory_space<vmem_shared>>
        tpu.enqueue_dma source(%dma_start3A_153 : memref<640x128xf32, #tpu.memory_space<vmem_shared>>) target(%dma_start3A_150 : memref<640x128xf32, #tpu.memory_space<hbm>>) target_semaphore(%run_scoped3A : memref<!tpu.dma_semaphore, #tpu.memory_space<semaphore_mem>>)
        %dma_wait3A_154 = arith.constant 9360 : i32
        %dma_wait3A_155 = arith.constant 0 : i32
        %dma_wait3A_156 = tpu.memref_slice %arg6[%arg0, %dma_wait3A_154, %dma_wait3A_155] : memref<2x10000x128xf32, #tpu.memory_space<hbm>> -> memref<1x640x128xf32, #tpu.memory_space<hbm>>
        %dma_wait3A_157 = tpu.memref_squeeze %dma_wait3A_156 : memref<1x640x128xf32, #tpu.memory_space<hbm>> -> memref<640x128xf32, #tpu.memory_space<hbm>>
        %dma_wait3A_158 = arith.constant 9360 : i32
        %dma_wait3A_159 = arith.constant 0 : i32
        %dma_wait3A_160 = tpu.memref_slice %arg14[%dma_wait3A_158, %dma_wait3A_159] : memref<10000x128xf32, #tpu.memory_space<vmem_shared>> -> memref<640x128xf32, #tpu.memory_space<vmem_shared>>
        tpu.wait_dma2 semaphore(%run_scoped3A : memref<!tpu.dma_semaphore, #tpu.memory_space<semaphore_mem>>) src(%dma_wait3A_160 : memref<640x128xf32, #tpu.memory_space<vmem_shared>>) dst(%dma_wait3A_157 : memref<640x128xf32, #tpu.memory_space<hbm>>)
        tpu.yield
      }) : () -> ()
    } else {
    }
    return
  }
}

#map = affine_map<(d0, d1) -> (0, 0)>
#map1 = affine_map<(d0, d1) -> (0)>
#map2 = affine_map<(d0, d1) -> (0, 0, 0)>
module attributes {stable_mosaic.version = 14 : i64} {
  func.func @_sc_segment_sum(%arg0: i32, %arg1: i32, %arg2: memref<10000x128xf32, #tpu.memory_space<hbm>>, %arg3: memref<320000xi32, #tpu.memory_space<hbm>>, %arg4: memref<320000xi32, #tpu.memory_space<hbm>>, %arg5: memref<10000x128xf32, #tpu.memory_space<hbm>>, %arg6: memref<2x10000x128xf32, #tpu.memory_space<hbm>>, %arg7: memref<10000xi32, #tpu.memory_space<vmem>>, %arg8: memref<80xi32, #tpu.memory_space<vmem>>, %arg9: memref<80xi32, #tpu.memory_space<vmem>>, %arg10: memref<80xi32, #tpu.memory_space<vmem>>, %arg11: memref<80x128xf32, #tpu.memory_space<vmem>>, %arg12: memref<80x128xf32, #tpu.memory_space<vmem>>, %arg13: memref<80x128xf32, #tpu.memory_space<vmem>>, %arg14: memref<10000x128xf32, #tpu.memory_space<vmem_shared>>, %arg15: memref<!tpu.dma_semaphore, #tpu.memory_space<semaphore_mem>>, %arg16: memref<!tpu.dma_semaphore, #tpu.memory_space<semaphore_mem>>, %arg17: memref<!tpu.dma_semaphore, #tpu.memory_space<semaphore_mem>>, %arg18: memref<!tpu.dma_semaphore, #tpu.memory_space<semaphore_mem>>, %arg19: memref<!tpu.dma_semaphore, #tpu.memory_space<semaphore_mem>>, %arg20: memref<!tpu.dma_semaphore, #tpu.memory_space<semaphore_mem>>, %arg21: memref<!tpu.dma_semaphore, #tpu.memory_space<semaphore_mem>>, %arg22: memref<!tpu.dma_semaphore, #tpu.memory_space<semaphore_mem>>, %arg23: memref<!tpu.dma_semaphore, #tpu.memory_space<semaphore_mem>>) attributes {dimension_semantics = [#tpu.dimension_semantics<core_parallel>, #tpu.dimension_semantics<subcore_parallel>], iteration_bounds = array<i64: 2, 16>, scalar_prefetch = 0 : i64, scratch_operands = 17 : i64, tpu.core_type = #tpu.core_type<sc_vector_subcore>, window_params = [{transform_indices = #map}, {transform_indices = #map1}, {transform_indices = #map1}, {transform_indices = #map}, {transform_indices = #map2}]} {
    %mul3A = arith.constant 16 : i32
    %mul3A_0 = arith.muli %arg0, %mul3A : i32
    %add3A = arith.addi %mul3A_0, %arg1 : i32
    %mul3A_1 = arith.constant 10000 : i32
    %mul3A_2 = arith.muli %add3A, %mul3A_1 : i32
    %multiple_of3A = tpu.assume_multiple %mul3A_2, 8 : i32
    "tpu.region"() ({
      %run_scoped3A = tpu.sem_alloc : memref<!tpu.dma_semaphore, #tpu.memory_space<semaphore_mem>>
      %dma_start3A_147 = tpu.memref_slice %arg3[%multiple_of3A] : memref<320000xi32, #tpu.memory_space<hbm>> -> memref<10000xi32, #tpu.memory_space<hbm>>
      %dma_start3A_148 = tpu.memref_slice %arg3[%multiple_of3A] : memref<320000xi32, #tpu.memory_space<hbm>> -> memref<10000xi32, #tpu.memory_space<hbm>>
      tpu.enqueue_dma source(%dma_start3A_148 : memref<10000xi32, #tpu.memory_space<hbm>>) target(%arg7 : memref<10000xi32, #tpu.memory_space<vmem>>) target_semaphore(%run_scoped3A : memref<!tpu.dma_semaphore, #tpu.memory_space<semaphore_mem>>)
      %dma_wait3A_149 = tpu.memref_slice %arg3[%multiple_of3A] : memref<320000xi32, #tpu.memory_space<hbm>> -> memref<10000xi32, #tpu.memory_space<hbm>>
      %dma_wait3A_150 = tpu.memref_slice %arg3[%multiple_of3A] : memref<320000xi32, #tpu.memory_space<hbm>> -> memref<10000xi32, #tpu.memory_space<hbm>>
      tpu.wait_dma2 semaphore(%run_scoped3A : memref<!tpu.dma_semaphore, #tpu.memory_space<semaphore_mem>>) src(%dma_wait3A_150 : memref<10000xi32, #tpu.memory_space<hbm>>) dst(%arg7 : memref<10000xi32, #tpu.memory_space<vmem>>)
      tpu.yield
    }) : () -> ()
    %lt3A = arith.constant 15 : i32
    %lt3A_3 = arith.cmpi slt, %arg1, %lt3A : i32
    %convert_element_type3A = arith.extui %lt3A_3 : i1 to i32
    %cond3A = arith.constant 0 : i32
    %cond3A_4 = arith.cmpi ne, %convert_element_type3A, %cond3A : i32
    scf.if %cond3A_4 {
      %mul3A_147 = arith.constant 624 : i32
      %mul3A_148 = arith.muli %arg1, %mul3A_147 : i32
      %multiple_of3A_149 = tpu.assume_multiple %mul3A_148, 8 : i32
      "tpu.region"() ({
        %run_scoped3A = tpu.sem_alloc : memref<!tpu.dma_semaphore, #tpu.memory_space<semaphore_mem>>
        %dma_start3A_150 = arith.constant 0 : i32
        %dma_start3A_151 = tpu.memref_slice %arg14[%multiple_of3A_149, %dma_start3A_150] : memref<10000x128xf32, #tpu.memory_space<vmem_shared>> -> memref<624x128xf32, #tpu.memory_space<vmem_shared>>
        %dma_start3A_152 = arith.constant 0 : i32
        %dma_start3A_153 = tpu.memref_slice %arg5[%multiple_of3A_149, %dma_start3A_152] : memref<10000x128xf32, #tpu.memory_space<hbm>> -> memref<624x128xf32, #tpu.memory_space<hbm>>
        tpu.enqueue_dma source(%dma_start3A_153 : memref<624x128xf32, #tpu.memory_space<hbm>>) target(%dma_start3A_151 : memref<624x128xf32, #tpu.memory_space<vmem_shared>>) target_semaphore(%run_scoped3A : memref<!tpu.dma_semaphore, #tpu.memory_space<semaphore_mem>>)
        %dma_wait3A_154 = arith.constant 0 : i32
        %dma_wait3A_155 = tpu.memref_slice %arg14[%multiple_of3A_149, %dma_wait3A_154] : memref<10000x128xf32, #tpu.memory_space<vmem_shared>> -> memref<624x128xf32, #tpu.memory_space<vmem_shared>>
        %dma_wait3A_156 = arith.constant 0 : i32
        %dma_wait3A_157 = tpu.memref_slice %arg5[%multiple_of3A_149, %dma_wait3A_156] : memref<10000x128xf32, #tpu.memory_space<hbm>> -> memref<624x128xf32, #tpu.memory_space<hbm>>
        tpu.wait_dma2 semaphore(%run_scoped3A : memref<!tpu.dma_semaphore, #tpu.memory_space<semaphore_mem>>) src(%dma_wait3A_157 : memref<624x128xf32, #tpu.memory_space<hbm>>) dst(%dma_wait3A_155 : memref<624x128xf32, #tpu.memory_space<vmem_shared>>)
        tpu.yield
      }) : () -> ()
    } else {
    }
    %eq3A = arith.constant 15 : i32
    %eq3A_5 = arith.cmpi eq, %arg1, %eq3A : i32
    %convert_element_type3A_6 = arith.extui %eq3A_5 : i1 to i32
    %cond3A_7 = arith.constant 0 : i32
    %cond3A_8 = arith.cmpi ne, %convert_element_type3A_6, %cond3A_7 : i32
    scf.if %cond3A_8 {
      "tpu.region"() ({
        %run_scoped3A = tpu.sem_alloc : memref<!tpu.dma_semaphore, #tpu.memory_space<semaphore_mem>>
        %dma_start3A_147 = arith.constant 9360 : i32
        %dma_start3A_148 = arith.constant 0 : i32
        %dma_start3A_149 = tpu.memref_slice %arg14[%dma_start3A_147, %dma_start3A_148] : memref<10000x128xf32, #tpu.memory_space<vmem_shared>> -> memref<640x128xf32, #tpu.memory_space<vmem_shared>>
        %dma_start3A_150 = arith.constant 9360 : i32
        %dma_start3A_151 = arith.constant 0 : i32
        %dma_start3A_152 = tpu.memref_slice %arg5[%dma_start3A_150, %dma_start3A_151] : memref<10000x128xf32, #tpu.memory_space<hbm>> -> memref<640x128xf32, #tpu.memory_space<hbm>>
        tpu.enqueue_dma source(%dma_start3A_152 : memref<640x128xf32, #tpu.memory_space<hbm>>) target(%dma_start3A_149 : memref<640x128xf32, #tpu.memory_space<vmem_shared>>) target_semaphore(%run_scoped3A : memref<!tpu.dma_semaphore, #tpu.memory_space<semaphore_mem>>)
        %dma_wait3A_153 = arith.constant 9360 : i32
        %dma_wait3A_154 = arith.constant 0 : i32
        %dma_wait3A_155 = tpu.memref_slice %arg14[%dma_wait3A_153, %dma_wait3A_154] : memref<10000x128xf32, #tpu.memory_space<vmem_shared>> -> memref<640x128xf32, #tpu.memory_space<vmem_shared>>
        %dma_wait3A_156 = arith.constant 9360 : i32
        %dma_wait3A_157 = arith.constant 0 : i32
        %dma_wait3A_158 = tpu.memref_slice %arg5[%dma_wait3A_156, %dma_wait3A_157] : memref<10000x128xf32, #tpu.memory_space<hbm>> -> memref<640x128xf32, #tpu.memory_space<hbm>>
        tpu.wait_dma2 semaphore(%run_scoped3A : memref<!tpu.dma_semaphore, #tpu.memory_space<semaphore_mem>>) src(%dma_wait3A_158 : memref<640x128xf32, #tpu.memory_space<hbm>>) dst(%dma_wait3A_155 : memref<640x128xf32, #tpu.memory_space<vmem_shared>>)
        tpu.yield
      }) : () -> ()
    } else {
    }
    %barrier3A = arith.constant 0 : index
    tpu.barrier barrier_id(%barrier3A)
    %dma_start3A = arith.constant 0 : i32
    %dma_start3A_9 = tpu.memref_slice %arg7[%dma_start3A] : memref<10000xi32, #tpu.memory_space<vmem>> -> memref<80xi32, #tpu.memory_space<vmem>>
    %dma_start3A_10 = arith.constant 0 : i32
    %dma_start3A_11 = arith.constant 0 : i32
    %dma_start3A_12 = tpu.memref_slice %arg2[%dma_start3A_10, %dma_start3A_11] : memref<10000x128xf32, #tpu.memory_space<hbm>> -> memref<10000x128xf32, #tpu.memory_space<hbm>>
    tpu.enqueue_indirect_dma source(%dma_start3A_12 : memref<10000x128xf32, #tpu.memory_space<hbm>>) target(%arg11 : memref<80x128xf32, #tpu.memory_space<vmem>>) offsets(%dma_start3A_9 : memref<80xi32, #tpu.memory_space<vmem>>) semaphore(%arg15 : memref<!tpu.dma_semaphore, #tpu.memory_space<semaphore_mem>>)
    %add3A_13 = arith.constant 0 : i32
    %add3A_14 = arith.addi %multiple_of3A, %add3A_13 : i32
    %multiple_of3A_15 = tpu.assume_multiple %add3A_14, 8 : i32
    %dma_start3A_16 = tpu.memref_slice %arg4[%multiple_of3A_15] : memref<320000xi32, #tpu.memory_space<hbm>> -> memref<80xi32, #tpu.memory_space<hbm>>
    %dma_start3A_17 = tpu.memref_slice %arg4[%multiple_of3A_15] : memref<320000xi32, #tpu.memory_space<hbm>> -> memref<80xi32, #tpu.memory_space<hbm>>
    tpu.enqueue_dma source(%dma_start3A_17 : memref<80xi32, #tpu.memory_space<hbm>>) target(%arg8 : memref<80xi32, #tpu.memory_space<vmem>>) target_semaphore(%arg18 : memref<!tpu.dma_semaphore, #tpu.memory_space<semaphore_mem>>)
    %dma_start3A_18 = arith.constant 80 : i32
    %dma_start3A_19 = tpu.memref_slice %arg7[%dma_start3A_18] : memref<10000xi32, #tpu.memory_space<vmem>> -> memref<80xi32, #tpu.memory_space<vmem>>
    %dma_start3A_20 = arith.constant 0 : i32
    %dma_start3A_21 = arith.constant 0 : i32
    %dma_start3A_22 = tpu.memref_slice %arg2[%dma_start3A_20, %dma_start3A_21] : memref<10000x128xf32, #tpu.memory_space<hbm>> -> memref<10000x128xf32, #tpu.memory_space<hbm>>
    tpu.enqueue_indirect_dma source(%dma_start3A_22 : memref<10000x128xf32, #tpu.memory_space<hbm>>) target(%arg12 : memref<80x128xf32, #tpu.memory_space<vmem>>) offsets(%dma_start3A_19 : memref<80xi32, #tpu.memory_space<vmem>>) semaphore(%arg16 : memref<!tpu.dma_semaphore, #tpu.memory_space<semaphore_mem>>)
    %add3A_23 = arith.constant 80 : i32
    %add3A_24 = arith.addi %multiple_of3A, %add3A_23 : i32
    %multiple_of3A_25 = tpu.assume_multiple %add3A_24, 8 : i32
    %dma_start3A_26 = tpu.memref_slice %arg4[%multiple_of3A_25] : memref<320000xi32, #tpu.memory_space<hbm>> -> memref<80xi32, #tpu.memory_space<hbm>>
    %dma_start3A_27 = tpu.memref_slice %arg4[%multiple_of3A_25] : memref<320000xi32, #tpu.memory_space<hbm>> -> memref<80xi32, #tpu.memory_space<hbm>>
    tpu.enqueue_dma source(%dma_start3A_27 : memref<80xi32, #tpu.memory_space<hbm>>) target(%arg9 : memref<80xi32, #tpu.memory_space<vmem>>) target_semaphore(%arg19 : memref<!tpu.dma_semaphore, #tpu.memory_space<semaphore_mem>>)
    %dma_wait3A = arith.constant 0 : i32
    %dma_wait3A_28 = tpu.memref_slice %arg7[%dma_wait3A] : memref<10000xi32, #tpu.memory_space<vmem>> -> memref<80xi32, #tpu.memory_space<vmem>>
    %dma_wait3A_29 = arith.constant 0 : i32
    %dma_wait3A_30 = arith.constant 0 : i32
    %dma_wait3A_31 = tpu.memref_slice %arg2[%dma_wait3A_29, %dma_wait3A_30] : memref<10000x128xf32, #tpu.memory_space<hbm>> -> memref<10000x128xf32, #tpu.memory_space<hbm>>
    tpu.wait_indirect_dma semaphore(%arg15 : memref<!tpu.dma_semaphore, #tpu.memory_space<semaphore_mem>>) src(%dma_wait3A_31 : memref<10000x128xf32, #tpu.memory_space<hbm>>) dst(%arg11 : memref<80x128xf32, #tpu.memory_space<vmem>>)
    %dma_wait3A_32 = arith.constant 0 : i32
    %dma_wait3A_33 = tpu.memref_slice %arg4[%dma_wait3A_32] : memref<320000xi32, #tpu.memory_space<hbm>> -> memref<80xi32, #tpu.memory_space<hbm>>
    %dma_wait3A_34 = arith.constant 0 : i32
    %dma_wait3A_35 = tpu.memref_slice %arg4[%dma_wait3A_34] : memref<320000xi32, #tpu.memory_space<hbm>> -> memref<80xi32, #tpu.memory_space<hbm>>
    tpu.wait_dma2 semaphore(%arg18 : memref<!tpu.dma_semaphore, #tpu.memory_space<semaphore_mem>>) src(%dma_wait3A_35 : memref<80xi32, #tpu.memory_space<hbm>>) dst(%arg8 : memref<80xi32, #tpu.memory_space<vmem>>)
    %dma_start3A_36 = arith.constant 0 : i32
    %dma_start3A_37 = arith.constant 0 : i32
    %dma_start3A_38 = tpu.memref_slice %arg14[%dma_start3A_36, %dma_start3A_37] : memref<10000x128xf32, #tpu.memory_space<vmem_shared>> -> memref<10000x128xf32, #tpu.memory_space<vmem_shared>>
    tpu.enqueue_indirect_dma source(%arg11 : memref<80x128xf32, #tpu.memory_space<vmem>>) target(%dma_start3A_38 : memref<10000x128xf32, #tpu.memory_space<vmem_shared>>) offsets(%arg8 : memref<80xi32, #tpu.memory_space<vmem>>) semaphore(%arg21 : memref<!tpu.dma_semaphore, #tpu.memory_space<semaphore_mem>>) {add = true}
    %dma_start3A_39 = arith.constant 160 : i32
    %dma_start3A_40 = tpu.memref_slice %arg7[%dma_start3A_39] : memref<10000xi32, #tpu.memory_space<vmem>> -> memref<80xi32, #tpu.memory_space<vmem>>
    %dma_start3A_41 = arith.constant 0 : i32
    %dma_start3A_42 = arith.constant 0 : i32
    %dma_start3A_43 = tpu.memref_slice %arg2[%dma_start3A_41, %dma_start3A_42] : memref<10000x128xf32, #tpu.memory_space<hbm>> -> memref<10000x128xf32, #tpu.memory_space<hbm>>
    tpu.enqueue_indirect_dma source(%dma_start3A_43 : memref<10000x128xf32, #tpu.memory_space<hbm>>) target(%arg13 : memref<80x128xf32, #tpu.memory_space<vmem>>) offsets(%dma_start3A_40 : memref<80xi32, #tpu.memory_space<vmem>>) semaphore(%arg17 : memref<!tpu.dma_semaphore, #tpu.memory_space<semaphore_mem>>)
    %add3A_44 = arith.constant 160 : i32
    %add3A_45 = arith.addi %multiple_of3A, %add3A_44 : i32
    %multiple_of3A_46 = tpu.assume_multiple %add3A_45, 8 : i32
    %dma_start3A_47 = tpu.memref_slice %arg4[%multiple_of3A_46] : memref<320000xi32, #tpu.memory_space<hbm>> -> memref<80xi32, #tpu.memory_space<hbm>>
    %dma_start3A_48 = tpu.memref_slice %arg4[%multiple_of3A_46] : memref<320000xi32, #tpu.memory_space<hbm>> -> memref<80xi32, #tpu.memory_space<hbm>>
    tpu.enqueue_dma source(%dma_start3A_48 : memref<80xi32, #tpu.memory_space<hbm>>) target(%arg10 : memref<80xi32, #tpu.memory_space<vmem>>) target_semaphore(%arg20 : memref<!tpu.dma_semaphore, #tpu.memory_space<semaphore_mem>>)
    %dma_wait3A_49 = arith.constant 0 : i32
    %dma_wait3A_50 = tpu.memref_slice %arg7[%dma_wait3A_49] : memref<10000xi32, #tpu.memory_space<vmem>> -> memref<80xi32, #tpu.memory_space<vmem>>
    %dma_wait3A_51 = arith.constant 0 : i32
    %dma_wait3A_52 = arith.constant 0 : i32
    %dma_wait3A_53 = tpu.memref_slice %arg2[%dma_wait3A_51, %dma_wait3A_52] : memref<10000x128xf32, #tpu.memory_space<hbm>> -> memref<10000x128xf32, #tpu.memory_space<hbm>>
    tpu.wait_indirect_dma semaphore(%arg16 : memref<!tpu.dma_semaphore, #tpu.memory_space<semaphore_mem>>) src(%dma_wait3A_53 : memref<10000x128xf32, #tpu.memory_space<hbm>>) dst(%arg12 : memref<80x128xf32, #tpu.memory_space<vmem>>)
    %dma_wait3A_54 = arith.constant 0 : i32
    %dma_wait3A_55 = tpu.memref_slice %arg4[%dma_wait3A_54] : memref<320000xi32, #tpu.memory_space<hbm>> -> memref<80xi32, #tpu.memory_space<hbm>>
    %dma_wait3A_56 = arith.constant 0 : i32
    %dma_wait3A_57 = tpu.memref_slice %arg4[%dma_wait3A_56] : memref<320000xi32, #tpu.memory_space<hbm>> -> memref<80xi32, #tpu.memory_space<hbm>>
    tpu.wait_dma2 semaphore(%arg19 : memref<!tpu.dma_semaphore, #tpu.memory_space<semaphore_mem>>) src(%dma_wait3A_57 : memref<80xi32, #tpu.memory_space<hbm>>) dst(%arg9 : memref<80xi32, #tpu.memory_space<vmem>>)
    %dma_start3A_58 = arith.constant 0 : i32
    %dma_start3A_59 = arith.constant 0 : i32
    %dma_start3A_60 = tpu.memref_slice %arg14[%dma_start3A_58, %dma_start3A_59] : memref<10000x128xf32, #tpu.memory_space<vmem_shared>> -> memref<10000x128xf32, #tpu.memory_space<vmem_shared>>
    tpu.enqueue_indirect_dma source(%arg12 : memref<80x128xf32, #tpu.memory_space<vmem>>) target(%dma_start3A_60 : memref<10000x128xf32, #tpu.memory_space<vmem_shared>>) offsets(%arg9 : memref<80xi32, #tpu.memory_space<vmem>>) semaphore(%arg22 : memref<!tpu.dma_semaphore, #tpu.memory_space<semaphore_mem>>) {add = true}
    %dma_wait3A_61 = arith.constant 0 : i32
    %dma_wait3A_62 = arith.constant 0 : i32
    %dma_wait3A_63 = tpu.memref_slice %arg14[%dma_wait3A_61, %dma_wait3A_62] : memref<10000x128xf32, #tpu.memory_space<vmem_shared>> -> memref<10000x128xf32, #tpu.memory_space<vmem_shared>>
    tpu.wait_indirect_dma semaphore(%arg21 : memref<!tpu.dma_semaphore, #tpu.memory_space<semaphore_mem>>) src(%arg11 : memref<80x128xf32, #tpu.memory_space<vmem>>) dst(%dma_wait3A_63 : memref<10000x128xf32, #tpu.memory_space<vmem_shared>>)
    %dma_start3A_64 = arith.constant 240 : i32
    %dma_start3A_65 = tpu.memref_slice %arg7[%dma_start3A_64] : memref<10000xi32, #tpu.memory_space<vmem>> -> memref<80xi32, #tpu.memory_space<vmem>>
    %dma_start3A_66 = arith.constant 0 : i32
    %dma_start3A_67 = arith.constant 0 : i32
    %dma_start3A_68 = tpu.memref_slice %arg2[%dma_start3A_66, %dma_start3A_67] : memref<10000x128xf32, #tpu.memory_space<hbm>> -> memref<10000x128xf32, #tpu.memory_space<hbm>>
    tpu.enqueue_indirect_dma source(%dma_start3A_68 : memref<10000x128xf32, #tpu.memory_space<hbm>>) target(%arg11 : memref<80x128xf32, #tpu.memory_space<vmem>>) offsets(%dma_start3A_65 : memref<80xi32, #tpu.memory_space<vmem>>) semaphore(%arg15 : memref<!tpu.dma_semaphore, #tpu.memory_space<semaphore_mem>>)
    %add3A_69 = arith.constant 240 : i32
    %add3A_70 = arith.addi %multiple_of3A, %add3A_69 : i32
    %multiple_of3A_71 = tpu.assume_multiple %add3A_70, 8 : i32
    %dma_start3A_72 = tpu.memref_slice %arg4[%multiple_of3A_71] : memref<320000xi32, #tpu.memory_space<hbm>> -> memref<80xi32, #tpu.memory_space<hbm>>
    %dma_start3A_73 = tpu.memref_slice %arg4[%multiple_of3A_71] : memref<320000xi32, #tpu.memory_space<hbm>> -> memref<80xi32, #tpu.memory_space<hbm>>
    tpu.enqueue_dma source(%dma_start3A_73 : memref<80xi32, #tpu.memory_space<hbm>>) target(%arg8 : memref<80xi32, #tpu.memory_space<vmem>>) target_semaphore(%arg18 : memref<!tpu.dma_semaphore, #tpu.memory_space<semaphore_mem>>)
    %dma_wait3A_74 = arith.constant 0 : i32
    %dma_wait3A_75 = tpu.memref_slice %arg7[%dma_wait3A_74] : memref<10000xi32, #tpu.memory_space<vmem>> -> memref<80xi32, #tpu.memory_space<vmem>>
    %dma_wait3A_76 = arith.constant 0 : i32
    %dma_wait3A_77 = arith.constant 0 : i32
    %dma_wait3A_78 = tpu.memref_slice %arg2[%dma_wait3A_76, %dma_wait3A_77] : memref<10000x128xf32, #tpu.memory_space<hbm>> -> memref<10000x128xf32, #tpu.memory_space<hbm>>
    tpu.wait_indirect_dma semaphore(%arg17 : memref<!tpu.dma_semaphore, #tpu.memory_space<semaphore_mem>>) src(%dma_wait3A_78 : memref<10000x128xf32, #tpu.memory_space<hbm>>) dst(%arg13 : memref<80x128xf32, #tpu.memory_space<vmem>>)
    %dma_wait3A_79 = arith.constant 0 : i32
    %dma_wait3A_80 = tpu.memref_slice %arg4[%dma_wait3A_79] : memref<320000xi32, #tpu.memory_space<hbm>> -> memref<80xi32, #tpu.memory_space<hbm>>
    %dma_wait3A_81 = arith.constant 0 : i32
    %dma_wait3A_82 = tpu.memref_slice %arg4[%dma_wait3A_81] : memref<320000xi32, #tpu.memory_space<hbm>> -> memref<80xi32, #tpu.memory_space<hbm>>
    tpu.wait_dma2 semaphore(%arg20 : memref<!tpu.dma_semaphore, #tpu.memory_space<semaphore_mem>>) src(%dma_wait3A_82 : memref<80xi32, #tpu.memory_space<hbm>>) dst(%arg10 : memref<80xi32, #tpu.memory_space<vmem>>)
    %dma_start3A_83 = arith.constant 0 : i32
    %dma_start3A_84 = arith.constant 0 : i32
    %dma_start3A_85 = tpu.memref_slice %arg14[%dma_start3A_83, %dma_start3A_84] : memref<10000x128xf32, #tpu.memory_space<vmem_shared>> -> memref<10000x128xf32, #tpu.memory_space<vmem_shared>>
    tpu.enqueue_indirect_dma source(%arg13 : memref<80x128xf32, #tpu.memory_space<vmem>>) target(%dma_start3A_85 : memref<10000x128xf32, #tpu.memory_space<vmem_shared>>) offsets(%arg10 : memref<80xi32, #tpu.memory_space<vmem>>) semaphore(%arg23 : memref<!tpu.dma_semaphore, #tpu.memory_space<semaphore_mem>>) {add = true}
    %dma_wait3A_86 = arith.constant 0 : i32
    %dma_wait3A_87 = arith.constant 0 : i32
    %dma_wait3A_88 = tpu.memref_slice %arg14[%dma_wait3A_86, %dma_wait3A_87] : memref<10000x128xf32, #tpu.memory_space<vmem_shared>> -> memref<10000x128xf32, #tpu.memory_space<vmem_shared>>
    tpu.wait_indirect_dma semaphore(%arg22 : memref<!tpu.dma_semaphore, #tpu.memory_space<semaphore_mem>>) src(%arg12 : memref<80x128xf32, #tpu.memory_space<vmem>>) dst(%dma_wait3A_88 : memref<10000x128xf32, #tpu.memory_space<vmem_shared>>)
    %dma_start3A_89 = arith.constant 320 : i32
    %dma_start3A_90 = tpu.memref_slice %arg7[%dma_start3A_89] : memref<10000xi32, #tpu.memory_space<vmem>> -> memref<80xi32, #tpu.memory_space<vmem>>
    %dma_start3A_91 = arith.constant 0 : i32
    %dma_start3A_92 = arith.constant 0 : i32
    %dma_start3A_93 = tpu.memref_slice %arg2[%dma_start3A_91, %dma_start3A_92] : memref<10000x128xf32, #tpu.memory_space<hbm>> -> memref<10000x128xf32, #tpu.memory_space<hbm>>
    tpu.enqueue_indirect_dma source(%dma_start3A_93 : memref<10000x128xf32, #tpu.memory_space<hbm>>) target(%arg12 : memref<80x128xf32, #tpu.memory_space<vmem>>) offsets(%dma_start3A_90 : memref<80xi32, #tpu.memory_space<vmem>>) semaphore(%arg16 : memref<!tpu.dma_semaphore, #tpu.memory_space<semaphore_mem>>)
    %add3A_94 = arith.constant 320 : i32
    %add3A_95 = arith.addi %multiple_of3A, %add3A_94 : i32
    %multiple_of3A_96 = tpu.assume_multiple %add3A_95, 8 : i32
    %dma_start3A_97 = tpu.memref_slice %arg4[%multiple_of3A_96] : memref<320000xi32, #tpu.memory_space<hbm>> -> memref<80xi32, #tpu.memory_space<hbm>>
    %dma_start3A_98 = tpu.memref_slice %arg4[%multiple_of3A_96] : memref<320000xi32, #tpu.memory_space<hbm>> -> memref<80xi32, #tpu.memory_space<hbm>>
    tpu.enqueue_dma source(%dma_start3A_98 : memref<80xi32, #tpu.memory_space<hbm>>) target(%arg9 : memref<80xi32, #tpu.memory_space<vmem>>) target_semaphore(%arg19 : memref<!tpu.dma_semaphore, #tpu.memory_space<semaphore_mem>>)
    %scan3A = arith.constant 0 : i32
    %scan3A_99 = arith.constant 40 : i32
    %scan3A_100 = arith.addi %scan3A, %scan3A_99 : i32
    %scan3A_101 = arith.constant 1 : i32
    scf.for %scan3A_147 = %scan3A to %scan3A_100 step %scan3A_101  : i32 {
      %mul3A_148 = arith.constant 3 : i32
      %mul3A_149 = arith.muli %scan3A_147, %mul3A_148 : i32
      %add3A_150 = arith.constant 3 : i32
      %add3A_151 = arith.addi %add3A_150, %mul3A_149 : i32
      %dma_wait3A_152 = arith.constant 0 : i32
      %dma_wait3A_153 = tpu.memref_slice %arg7[%dma_wait3A_152] : memref<10000xi32, #tpu.memory_space<vmem>> -> memref<80xi32, #tpu.memory_space<vmem>>
      %dma_wait3A_154 = arith.constant 0 : i32
      %dma_wait3A_155 = arith.constant 0 : i32
      %dma_wait3A_156 = tpu.memref_slice %arg2[%dma_wait3A_154, %dma_wait3A_155] : memref<10000x128xf32, #tpu.memory_space<hbm>> -> memref<10000x128xf32, #tpu.memory_space<hbm>>
      tpu.wait_indirect_dma semaphore(%arg15 : memref<!tpu.dma_semaphore, #tpu.memory_space<semaphore_mem>>) src(%dma_wait3A_156 : memref<10000x128xf32, #tpu.memory_space<hbm>>) dst(%arg11 : memref<80x128xf32, #tpu.memory_space<vmem>>)
      %dma_wait3A_157 = arith.constant 0 : i32
      %dma_wait3A_158 = tpu.memref_slice %arg4[%dma_wait3A_157] : memref<320000xi32, #tpu.memory_space<hbm>> -> memref<80xi32, #tpu.memory_space<hbm>>
      %dma_wait3A_159 = arith.constant 0 : i32
      %dma_wait3A_160 = tpu.memref_slice %arg4[%dma_wait3A_159] : memref<320000xi32, #tpu.memory_space<hbm>> -> memref<80xi32, #tpu.memory_space<hbm>>
      tpu.wait_dma2 semaphore(%arg18 : memref<!tpu.dma_semaphore, #tpu.memory_space<semaphore_mem>>) src(%dma_wait3A_160 : memref<80xi32, #tpu.memory_space<hbm>>) dst(%arg8 : memref<80xi32, #tpu.memory_space<vmem>>)
      %dma_start3A_161 = arith.constant 0 : i32
      %dma_start3A_162 = arith.constant 0 : i32
      %dma_start3A_163 = tpu.memref_slice %arg14[%dma_start3A_161, %dma_start3A_162] : memref<10000x128xf32, #tpu.memory_space<vmem_shared>> -> memref<10000x128xf32, #tpu.memory_space<vmem_shared>>
      tpu.enqueue_indirect_dma source(%arg11 : memref<80x128xf32, #tpu.memory_space<vmem>>) target(%dma_start3A_163 : memref<10000x128xf32, #tpu.memory_space<vmem_shared>>) offsets(%arg8 : memref<80xi32, #tpu.memory_space<vmem>>) semaphore(%arg21 : memref<!tpu.dma_semaphore, #tpu.memory_space<semaphore_mem>>) {add = true}
      %dma_wait3A_164 = arith.constant 0 : i32
      %dma_wait3A_165 = arith.constant 0 : i32
      %dma_wait3A_166 = tpu.memref_slice %arg14[%dma_wait3A_164, %dma_wait3A_165] : memref<10000x128xf32, #tpu.memory_space<vmem_shared>> -> memref<10000x128xf32, #tpu.memory_space<vmem_shared>>
      tpu.wait_indirect_dma semaphore(%arg23 : memref<!tpu.dma_semaphore, #tpu.memory_space<semaphore_mem>>) src(%arg13 : memref<80x128xf32, #tpu.memory_space<vmem>>) dst(%dma_wait3A_166 : memref<10000x128xf32, #tpu.memory_space<vmem_shared>>)
      %add3A_167 = arith.constant 2 : i32
      %add3A_168 = arith.addi %add3A_151, %add3A_167 : i32
      %mul3A_169 = arith.constant 80 : i32
      %mul3A_170 = arith.muli %add3A_168, %mul3A_169 : i32
      %dma_start3A_171 = tpu.memref_slice %arg7[%mul3A_170] : memref<10000xi32, #tpu.memory_space<vmem>> -> memref<80xi32, #tpu.memory_space<vmem>>
      %dma_start3A_172 = arith.constant 0 : i32
      %dma_start3A_173 = arith.constant 0 : i32
      %dma_start3A_174 = tpu.memref_slice %arg2[%dma_start3A_172, %dma_start3A_173] : memref<10000x128xf32, #tpu.memory_space<hbm>> -> memref<10000x128xf32, #tpu.memory_space<hbm>>
      tpu.enqueue_indirect_dma source(%dma_start3A_174 : memref<10000x128xf32, #tpu.memory_space<hbm>>) target(%arg13 : memref<80x128xf32, #tpu.memory_space<vmem>>) offsets(%dma_start3A_171 : memref<80xi32, #tpu.memory_space<vmem>>) semaphore(%arg17 : memref<!tpu.dma_semaphore, #tpu.memory_space<semaphore_mem>>)
      %mul3A_175 = arith.constant 80 : i32
      %mul3A_176 = arith.muli %add3A_168, %mul3A_175 : i32
      %add3A_177 = arith.addi %multiple_of3A, %mul3A_176 : i32
      %multiple_of3A_178 = tpu.assume_multiple %add3A_177, 8 : i32
      %dma_start3A_179 = tpu.memref_slice %arg4[%multiple_of3A_178] : memref<320000xi32, #tpu.memory_space<hbm>> -> memref<80xi32, #tpu.memory_space<hbm>>
      %dma_start3A_180 = tpu.memref_slice %arg4[%multiple_of3A_178] : memref<320000xi32, #tpu.memory_space<hbm>> -> memref<80xi32, #tpu.memory_space<hbm>>
      tpu.enqueue_dma source(%dma_start3A_180 : memref<80xi32, #tpu.memory_space<hbm>>) target(%arg10 : memref<80xi32, #tpu.memory_space<vmem>>) target_semaphore(%arg20 : memref<!tpu.dma_semaphore, #tpu.memory_space<semaphore_mem>>)
      %dma_wait3A_181 = arith.constant 0 : i32
      %dma_wait3A_182 = tpu.memref_slice %arg7[%dma_wait3A_181] : memref<10000xi32, #tpu.memory_space<vmem>> -> memref<80xi32, #tpu.memory_space<vmem>>
      %dma_wait3A_183 = arith.constant 0 : i32
      %dma_wait3A_184 = arith.constant 0 : i32
      %dma_wait3A_185 = tpu.memref_slice %arg2[%dma_wait3A_183, %dma_wait3A_184] : memref<10000x128xf32, #tpu.memory_space<hbm>> -> memref<10000x128xf32, #tpu.memory_space<hbm>>
      tpu.wait_indirect_dma semaphore(%arg16 : memref<!tpu.dma_semaphore, #tpu.memory_space<semaphore_mem>>) src(%dma_wait3A_185 : memref<10000x128xf32, #tpu.memory_space<hbm>>) dst(%arg12 : memref<80x128xf32, #tpu.memory_space<vmem>>)
      %dma_wait3A_186 = arith.constant 0 : i32
      %dma_wait3A_187 = tpu.memref_slice %arg4[%dma_wait3A_186] : memref<320000xi32, #tpu.memory_space<hbm>> -> memref<80xi32, #tpu.memory_space<hbm>>
      %dma_wait3A_188 = arith.constant 0 : i32
      %dma_wait3A_189 = tpu.memref_slice %arg4[%dma_wait3A_188] : memref<320000xi32, #tpu.memory_space<hbm>> -> memref<80xi32, #tpu.memory_space<hbm>>
      tpu.wait_dma2 semaphore(%arg19 : memref<!tpu.dma_semaphore, #tpu.memory_space<semaphore_mem>>) src(%dma_wait3A_189 : memref<80xi32, #tpu.memory_space<hbm>>) dst(%arg9 : memref<80xi32, #tpu.memory_space<vmem>>)
      %dma_start3A_190 = arith.constant 0 : i32
      %dma_start3A_191 = arith.constant 0 : i32
      %dma_start3A_192 = tpu.memref_slice %arg14[%dma_start3A_190, %dma_start3A_191] : memref<10000x128xf32, #tpu.memory_space<vmem_shared>> -> memref<10000x128xf32, #tpu.memory_space<vmem_shared>>
      tpu.enqueue_indirect_dma source(%arg12 : memref<80x128xf32, #tpu.memory_space<vmem>>) target(%dma_start3A_192 : memref<10000x128xf32, #tpu.memory_space<vmem_shared>>) offsets(%arg9 : memref<80xi32, #tpu.memory_space<vmem>>) semaphore(%arg22 : memref<!tpu.dma_semaphore, #tpu.memory_space<semaphore_mem>>) {add = true}
      %dma_wait3A_193 = arith.constant 0 : i32
      %dma_wait3A_194 = arith.constant 0 : i32
      %dma_wait3A_195 = tpu.memref_slice %arg14[%dma_wait3A_193, %dma_wait3A_194] : memref<10000x128xf32, #tpu.memory_space<vmem_shared>> -> memref<10000x128xf32, #tpu.memory_space<vmem_shared>>
      tpu.wait_indirect_dma semaphore(%arg21 : memref<!tpu.dma_semaphore, #tpu.memory_space<semaphore_mem>>) src(%arg11 : memref<80x128xf32, #tpu.memory_space<vmem>>) dst(%dma_wait3A_195 : memref<10000x128xf32, #tpu.memory_space<vmem_shared>>)
      %add3A_196 = arith.constant 3 : i32
      %add3A_197 = arith.addi %add3A_151, %add3A_196 : i32
      %mul3A_198 = arith.constant 80 : i32
      %mul3A_199 = arith.muli %add3A_197, %mul3A_198 : i32
      %dma_start3A_200 = tpu.memref_slice %arg7[%mul3A_199] : memref<10000xi32, #tpu.memory_space<vmem>> -> memref<80xi32, #tpu.memory_space<vmem>>
      %dma_start3A_201 = arith.constant 0 : i32
      %dma_start3A_202 = arith.constant 0 : i32
      %dma_start3A_203 = tpu.memref_slice %arg2[%dma_start3A_201, %dma_start3A_202] : memref<10000x128xf32, #tpu.memory_space<hbm>> -> memref<10000x128xf32, #tpu.memory_space<hbm>>
      tpu.enqueue_indirect_dma source(%dma_start3A_203 : memref<10000x128xf32, #tpu.memory_space<hbm>>) target(%arg11 : memref<80x128xf32, #tpu.memory_space<vmem>>) offsets(%dma_start3A_200 : memref<80xi32, #tpu.memory_space<vmem>>) semaphore(%arg15 : memref<!tpu.dma_semaphore, #tpu.memory_space<semaphore_mem>>)
      %mul3A_204 = arith.constant 80 : i32
      %mul3A_205 = arith.muli %add3A_197, %mul3A_204 : i32
      %add3A_206 = arith.addi %multiple_of3A, %mul3A_205 : i32
      %multiple_of3A_207 = tpu.assume_multiple %add3A_206, 8 : i32
      %dma_start3A_208 = tpu.memref_slice %arg4[%multiple_of3A_207] : memref<320000xi32, #tpu.memory_space<hbm>> -> memref<80xi32, #tpu.memory_space<hbm>>
      %dma_start3A_209 = tpu.memref_slice %arg4[%multiple_of3A_207] : memref<320000xi32, #tpu.memory_space<hbm>> -> memref<80xi32, #tpu.memory_space<hbm>>
      tpu.enqueue_dma source(%dma_start3A_209 : memref<80xi32, #tpu.memory_space<hbm>>) target(%arg8 : memref<80xi32, #tpu.memory_space<vmem>>) target_semaphore(%arg18 : memref<!tpu.dma_semaphore, #tpu.memory_space<semaphore_mem>>)
      %dma_wait3A_210 = arith.constant 0 : i32
      %dma_wait3A_211 = tpu.memref_slice %arg7[%dma_wait3A_210] : memref<10000xi32, #tpu.memory_space<vmem>> -> memref<80xi32, #tpu.memory_space<vmem>>
      %dma_wait3A_212 = arith.constant 0 : i32
      %dma_wait3A_213 = arith.constant 0 : i32
      %dma_wait3A_214 = tpu.memref_slice %arg2[%dma_wait3A_212, %dma_wait3A_213] : memref<10000x128xf32, #tpu.memory_space<hbm>> -> memref<10000x128xf32, #tpu.memory_space<hbm>>
      tpu.wait_indirect_dma semaphore(%arg17 : memref<!tpu.dma_semaphore, #tpu.memory_space<semaphore_mem>>) src(%dma_wait3A_214 : memref<10000x128xf32, #tpu.memory_space<hbm>>) dst(%arg13 : memref<80x128xf32, #tpu.memory_space<vmem>>)
      %dma_wait3A_215 = arith.constant 0 : i32
      %dma_wait3A_216 = tpu.memref_slice %arg4[%dma_wait3A_215] : memref<320000xi32, #tpu.memory_space<hbm>> -> memref<80xi32, #tpu.memory_space<hbm>>
      %dma_wait3A_217 = arith.constant 0 : i32
      %dma_wait3A_218 = tpu.memref_slice %arg4[%dma_wait3A_217] : memref<320000xi32, #tpu.memory_space<hbm>> -> memref<80xi32, #tpu.memory_space<hbm>>
      tpu.wait_dma2 semaphore(%arg20 : memref<!tpu.dma_semaphore, #tpu.memory_space<semaphore_mem>>) src(%dma_wait3A_218 : memref<80xi32, #tpu.memory_space<hbm>>) dst(%arg10 : memref<80xi32, #tpu.memory_space<vmem>>)
      %dma_start3A_219 = arith.constant 0 : i32
      %dma_start3A_220 = arith.constant 0 : i32
      %dma_start3A_221 = tpu.memref_slice %arg14[%dma_start3A_219, %dma_start3A_220] : memref<10000x128xf32, #tpu.memory_space<vmem_shared>> -> memref<10000x128xf32, #tpu.memory_space<vmem_shared>>
      tpu.enqueue_indirect_dma source(%arg13 : memref<80x128xf32, #tpu.memory_space<vmem>>) target(%dma_start3A_221 : memref<10000x128xf32, #tpu.memory_space<vmem_shared>>) offsets(%arg10 : memref<80xi32, #tpu.memory_space<vmem>>) semaphore(%arg23 : memref<!tpu.dma_semaphore, #tpu.memory_space<semaphore_mem>>) {add = true}
      %dma_wait3A_222 = arith.constant 0 : i32
      %dma_wait3A_223 = arith.constant 0 : i32
      %dma_wait3A_224 = tpu.memref_slice %arg14[%dma_wait3A_222, %dma_wait3A_223] : memref<10000x128xf32, #tpu.memory_space<vmem_shared>> -> memref<10000x128xf32, #tpu.memory_space<vmem_shared>>
      tpu.wait_indirect_dma semaphore(%arg22 : memref<!tpu.dma_semaphore, #tpu.memory_space<semaphore_mem>>) src(%arg12 : memref<80x128xf32, #tpu.memory_space<vmem>>) dst(%dma_wait3A_224 : memref<10000x128xf32, #tpu.memory_space<vmem_shared>>)
      %add3A_225 = arith.constant 4 : i32
      %add3A_226 = arith.addi %add3A_151, %add3A_225 : i32
      %mul3A_227 = arith.constant 80 : i32
      %mul3A_228 = arith.muli %add3A_226, %mul3A_227 : i32
      %dma_start3A_229 = tpu.memref_slice %arg7[%mul3A_228] : memref<10000xi32, #tpu.memory_space<vmem>> -> memref<80xi32, #tpu.memory_space<vmem>>
      %dma_start3A_230 = arith.constant 0 : i32
      %dma_start3A_231 = arith.constant 0 : i32
      %dma_start3A_232 = tpu.memref_slice %arg2[%dma_start3A_230, %dma_start3A_231] : memref<10000x128xf32, #tpu.memory_space<hbm>> -> memref<10000x128xf32, #tpu.memory_space<hbm>>
      tpu.enqueue_indirect_dma source(%dma_start3A_232 : memref<10000x128xf32, #tpu.memory_space<hbm>>) target(%arg12 : memref<80x128xf32, #tpu.memory_space<vmem>>) offsets(%dma_start3A_229 : memref<80xi32, #tpu.memory_space<vmem>>) semaphore(%arg16 : memref<!tpu.dma_semaphore, #tpu.memory_space<semaphore_mem>>)
      %mul3A_233 = arith.constant 80 : i32
      %mul3A_234 = arith.muli %add3A_226, %mul3A_233 : i32
      %add3A_235 = arith.addi %multiple_of3A, %mul3A_234 : i32
      %multiple_of3A_236 = tpu.assume_multiple %add3A_235, 8 : i32
      %dma_start3A_237 = tpu.memref_slice %arg4[%multiple_of3A_236] : memref<320000xi32, #tpu.memory_space<hbm>> -> memref<80xi32, #tpu.memory_space<hbm>>
      %dma_start3A_238 = tpu.memref_slice %arg4[%multiple_of3A_236] : memref<320000xi32, #tpu.memory_space<hbm>> -> memref<80xi32, #tpu.memory_space<hbm>>
      tpu.enqueue_dma source(%dma_start3A_238 : memref<80xi32, #tpu.memory_space<hbm>>) target(%arg9 : memref<80xi32, #tpu.memory_space<vmem>>) target_semaphore(%arg19 : memref<!tpu.dma_semaphore, #tpu.memory_space<semaphore_mem>>)
    }
    %scan3A_102 = arith.constant 40 : i32
    %dma_wait3A_103 = arith.constant 0 : i32
    %dma_wait3A_104 = tpu.memref_slice %arg7[%dma_wait3A_103] : memref<10000xi32, #tpu.memory_space<vmem>> -> memref<80xi32, #tpu.memory_space<vmem>>
    %dma_wait3A_105 = arith.constant 0 : i32
    %dma_wait3A_106 = arith.constant 0 : i32
    %dma_wait3A_107 = tpu.memref_slice %arg2[%dma_wait3A_105, %dma_wait3A_106] : memref<10000x128xf32, #tpu.memory_space<hbm>> -> memref<10000x128xf32, #tpu.memory_space<hbm>>
    tpu.wait_indirect_dma semaphore(%arg15 : memref<!tpu.dma_semaphore, #tpu.memory_space<semaphore_mem>>) src(%dma_wait3A_107 : memref<10000x128xf32, #tpu.memory_space<hbm>>) dst(%arg11 : memref<80x128xf32, #tpu.memory_space<vmem>>)
    %dma_wait3A_108 = arith.constant 0 : i32
    %dma_wait3A_109 = tpu.memref_slice %arg4[%dma_wait3A_108] : memref<320000xi32, #tpu.memory_space<hbm>> -> memref<80xi32, #tpu.memory_space<hbm>>
    %dma_wait3A_110 = arith.constant 0 : i32
    %dma_wait3A_111 = tpu.memref_slice %arg4[%dma_wait3A_110] : memref<320000xi32, #tpu.memory_space<hbm>> -> memref<80xi32, #tpu.memory_space<hbm>>
    tpu.wait_dma2 semaphore(%arg18 : memref<!tpu.dma_semaphore, #tpu.memory_space<semaphore_mem>>) src(%dma_wait3A_111 : memref<80xi32, #tpu.memory_space<hbm>>) dst(%arg8 : memref<80xi32, #tpu.memory_space<vmem>>)
    %dma_start3A_112 = arith.constant 0 : i32
    %dma_start3A_113 = arith.constant 0 : i32
    %dma_start3A_114 = tpu.memref_slice %arg14[%dma_start3A_112, %dma_start3A_113] : memref<10000x128xf32, #tpu.memory_space<vmem_shared>> -> memref<10000x128xf32, #tpu.memory_space<vmem_shared>>
    tpu.enqueue_indirect_dma source(%arg11 : memref<80x128xf32, #tpu.memory_space<vmem>>) target(%dma_start3A_114 : memref<10000x128xf32, #tpu.memory_space<vmem_shared>>) offsets(%arg8 : memref<80xi32, #tpu.memory_space<vmem>>) semaphore(%arg21 : memref<!tpu.dma_semaphore, #tpu.memory_space<semaphore_mem>>) {add = true}
    %dma_wait3A_115 = arith.constant 0 : i32
    %dma_wait3A_116 = arith.constant 0 : i32
    %dma_wait3A_117 = tpu.memref_slice %arg14[%dma_wait3A_115, %dma_wait3A_116] : memref<10000x128xf32, #tpu.memory_space<vmem_shared>> -> memref<10000x128xf32, #tpu.memory_space<vmem_shared>>
    tpu.wait_indirect_dma semaphore(%arg23 : memref<!tpu.dma_semaphore, #tpu.memory_space<semaphore_mem>>) src(%arg13 : memref<80x128xf32, #tpu.memory_space<vmem>>) dst(%dma_wait3A_117 : memref<10000x128xf32, #tpu.memory_space<vmem_shared>>)
    %dma_wait3A_118 = arith.constant 0 : i32
    %dma_wait3A_119 = tpu.memref_slice %arg7[%dma_wait3A_118] : memref<10000xi32, #tpu.memory_space<vmem>> -> memref<80xi32, #tpu.memory_space<vmem>>
    %dma_wait3A_120 = arith.constant 0 : i32
    %dma_wait3A_121 = arith.constant 0 : i32
    %dma_wait3A_122 = tpu.memref_slice %arg2[%dma_wait3A_120, %dma_wait3A_121] : memref<10000x128xf32, #tpu.memory_space<hbm>> -> memref<10000x128xf32, #tpu.memory_space<hbm>>
    tpu.wait_indirect_dma semaphore(%arg16 : memref<!tpu.dma_semaphore, #tpu.memory_space<semaphore_mem>>) src(%dma_wait3A_122 : memref<10000x128xf32, #tpu.memory_space<hbm>>) dst(%arg12 : memref<80x128xf32, #tpu.memory_space<vmem>>)
    %dma_wait3A_123 = arith.constant 0 : i32
    %dma_wait3A_124 = tpu.memref_slice %arg4[%dma_wait3A_123] : memref<320000xi32, #tpu.memory_space<hbm>> -> memref<80xi32, #tpu.memory_space<hbm>>
    %dma_wait3A_125 = arith.constant 0 : i32
    %dma_wait3A_126 = tpu.memref_slice %arg4[%dma_wait3A_125] : memref<320000xi32, #tpu.memory_space<hbm>> -> memref<80xi32, #tpu.memory_space<hbm>>
    tpu.wait_dma2 semaphore(%arg19 : memref<!tpu.dma_semaphore, #tpu.memory_space<semaphore_mem>>) src(%dma_wait3A_126 : memref<80xi32, #tpu.memory_space<hbm>>) dst(%arg9 : memref<80xi32, #tpu.memory_space<vmem>>)
    %dma_start3A_127 = arith.constant 0 : i32
    %dma_start3A_128 = arith.constant 0 : i32
    %dma_start3A_129 = tpu.memref_slice %arg14[%dma_start3A_127, %dma_start3A_128] : memref<10000x128xf32, #tpu.memory_space<vmem_shared>> -> memref<10000x128xf32, #tpu.memory_space<vmem_shared>>
    tpu.enqueue_indirect_dma source(%arg12 : memref<80x128xf32, #tpu.memory_space<vmem>>) target(%dma_start3A_129 : memref<10000x128xf32, #tpu.memory_space<vmem_shared>>) offsets(%arg9 : memref<80xi32, #tpu.memory_space<vmem>>) semaphore(%arg22 : memref<!tpu.dma_semaphore, #tpu.memory_space<semaphore_mem>>) {add = true}
    %dma_wait3A_130 = arith.constant 0 : i32
    %dma_wait3A_131 = arith.constant 0 : i32
    %dma_wait3A_132 = tpu.memref_slice %arg14[%dma_wait3A_130, %dma_wait3A_131] : memref<10000x128xf32, #tpu.memory_space<vmem_shared>> -> memref<10000x128xf32, #tpu.memory_space<vmem_shared>>
    tpu.wait_indirect_dma semaphore(%arg21 : memref<!tpu.dma_semaphore, #tpu.memory_space<semaphore_mem>>) src(%arg11 : memref<80x128xf32, #tpu.memory_space<vmem>>) dst(%dma_wait3A_132 : memref<10000x128xf32, #tpu.memory_space<vmem_shared>>)
    %dma_wait3A_133 = arith.constant 0 : i32
    %dma_wait3A_134 = arith.constant 0 : i32
    %dma_wait3A_135 = tpu.memref_slice %arg14[%dma_wait3A_133, %dma_wait3A_134] : memref<10000x128xf32, #tpu.memory_space<vmem_shared>> -> memref<10000x128xf32, #tpu.memory_space<vmem_shared>>
    tpu.wait_indirect_dma semaphore(%arg22 : memref<!tpu.dma_semaphore, #tpu.memory_space<semaphore_mem>>) src(%arg12 : memref<80x128xf32, #tpu.memory_space<vmem>>) dst(%dma_wait3A_135 : memref<10000x128xf32, #tpu.memory_space<vmem_shared>>)
    %barrier3A_136 = arith.constant 0 : index
    tpu.barrier barrier_id(%barrier3A_136)
    %lt3A_137 = arith.constant 15 : i32
    %lt3A_138 = arith.cmpi slt, %arg1, %lt3A_137 : i32
    %convert_element_type3A_139 = arith.extui %lt3A_138 : i1 to i32
    %cond3A_140 = arith.constant 0 : i32
    %cond3A_141 = arith.cmpi ne, %convert_element_type3A_139, %cond3A_140 : i32
    scf.if %cond3A_141 {
      %mul3A_147 = arith.constant 624 : i32
      %mul3A_148 = arith.muli %arg1, %mul3A_147 : i32
      %multiple_of3A_149 = tpu.assume_multiple %mul3A_148, 8 : i32
      "tpu.region"() ({
        %run_scoped3A = tpu.sem_alloc : memref<!tpu.dma_semaphore, #tpu.memory_space<semaphore_mem>>
        %dma_start3A_150 = arith.constant 0 : i32
        %dma_start3A_151 = tpu.memref_slice %arg6[%arg0, %multiple_of3A_149, %dma_start3A_150] : memref<2x10000x128xf32, #tpu.memory_space<hbm>> -> memref<1x624x128xf32, #tpu.memory_space<hbm>>
        %dma_start3A_152 = tpu.memref_squeeze %dma_start3A_151 : memref<1x624x128xf32, #tpu.memory_space<hbm>> -> memref<624x128xf32, #tpu.memory_space<hbm>>
        %dma_start3A_153 = arith.constant 0 : i32
        %dma_start3A_154 = tpu.memref_slice %arg14[%multiple_of3A_149, %dma_start3A_153] : memref<10000x128xf32, #tpu.memory_space<vmem_shared>> -> memref<624x128xf32, #tpu.memory_space<vmem_shared>>
        tpu.enqueue_dma source(%dma_start3A_154 : memref<624x128xf32, #tpu.memory_space<vmem_shared>>) target(%dma_start3A_152 : memref<624x128xf32, #tpu.memory_space<hbm>>) target_semaphore(%run_scoped3A : memref<!tpu.dma_semaphore, #tpu.memory_space<semaphore_mem>>)
        %dma_wait3A_155 = arith.constant 0 : i32
        %dma_wait3A_156 = tpu.memref_slice %arg6[%arg0, %multiple_of3A_149, %dma_wait3A_155] : memref<2x10000x128xf32, #tpu.memory_space<hbm>> -> memref<1x624x128xf32, #tpu.memory_space<hbm>>
        %dma_wait3A_157 = tpu.memref_squeeze %dma_wait3A_156 : memref<1x624x128xf32, #tpu.memory_space<hbm>> -> memref<624x128xf32, #tpu.memory_space<hbm>>
        %dma_wait3A_158 = arith.constant 0 : i32
        %dma_wait3A_159 = tpu.memref_slice %arg14[%multiple_of3A_149, %dma_wait3A_158] : memref<10000x128xf32, #tpu.memory_space<vmem_shared>> -> memref<624x128xf32, #tpu.memory_space<vmem_shared>>
        tpu.wait_dma2 semaphore(%run_scoped3A : memref<!tpu.dma_semaphore, #tpu.memory_space<semaphore_mem>>) src(%dma_wait3A_159 : memref<624x128xf32, #tpu.memory_space<vmem_shared>>) dst(%dma_wait3A_157 : memref<624x128xf32, #tpu.memory_space<hbm>>)
        tpu.yield
      }) : () -> ()
    } else {
    }
    %eq3A_142 = arith.constant 15 : i32
    %eq3A_143 = arith.cmpi eq, %arg1, %eq3A_142 : i32
    %convert_element_type3A_144 = arith.extui %eq3A_143 : i1 to i32
    %cond3A_145 = arith.constant 0 : i32
    %cond3A_146 = arith.cmpi ne, %convert_element_type3A_144, %cond3A_145 : i32
    scf.if %cond3A_146 {
      "tpu.region"() ({
        %run_scoped3A = tpu.sem_alloc : memref<!tpu.dma_semaphore, #tpu.memory_space<semaphore_mem>>
        %dma_start3A_147 = arith.constant 9360 : i32
        %dma_start3A_148 = arith.constant 0 : i32
        %dma_start3A_149 = tpu.memref_slice %arg6[%arg0, %dma_start3A_147, %dma_start3A_148] : memref<2x10000x128xf32, #tpu.memory_space<hbm>> -> memref<1x640x128xf32, #tpu.memory_space<hbm>>
        %dma_start3A_150 = tpu.memref_squeeze %dma_start3A_149 : memref<1x640x128xf32, #tpu.memory_space<hbm>> -> memref<640x128xf32, #tpu.memory_space<hbm>>
        %dma_start3A_151 = arith.constant 9360 : i32
        %dma_start3A_152 = arith.constant 0 : i32
        %dma_start3A_153 = tpu.memref_slice %arg14[%dma_start3A_151, %dma_start3A_152] : memref<10000x128xf32, #tpu.memory_space<vmem_shared>> -> memref<640x128xf32, #tpu.memory_space<vmem_shared>>
        tpu.enqueue_dma source(%dma_start3A_153 : memref<640x128xf32, #tpu.memory_space<vmem_shared>>) target(%dma_start3A_150 : memref<640x128xf32, #tpu.memory_space<hbm>>) target_semaphore(%run_scoped3A : memref<!tpu.dma_semaphore, #tpu.memory_space<semaphore_mem>>)
        %dma_wait3A_154 = arith.constant 9360 : i32
        %dma_wait3A_155 = arith.constant 0 : i32
        %dma_wait3A_156 = tpu.memref_slice %arg6[%arg0, %dma_wait3A_154, %dma_wait3A_155] : memref<2x10000x128xf32, #tpu.memory_space<hbm>> -> memref<1x640x128xf32, #tpu.memory_space<hbm>>
        %dma_wait3A_157 = tpu.memref_squeeze %dma_wait3A_156 : memref<1x640x128xf32, #tpu.memory_space<hbm>> -> memref<640x128xf32, #tpu.memory_space<hbm>>
        %dma_wait3A_158 = arith.constant 9360 : i32
        %dma_wait3A_159 = arith.constant 0 : i32
        %dma_wait3A_160 = tpu.memref_slice %arg14[%dma_wait3A_158, %dma_wait3A_159] : memref<10000x128xf32, #tpu.memory_space<vmem_shared>> -> memref<640x128xf32, #tpu.memory_space<vmem_shared>>
        tpu.wait_dma2 semaphore(%run_scoped3A : memref<!tpu.dma_semaphore, #tpu.memory_space<semaphore_mem>>) src(%dma_wait3A_160 : memref<640x128xf32, #tpu.memory_space<vmem_shared>>) dst(%dma_wait3A_157 : memref<640x128xf32, #tpu.memory_space<hbm>>)
        tpu.yield
      }) : () -> ()
    } else {
    }
    return
  }
}

module attributes {stable_mosaic.version = 14 : i64} {
  func.func @_pre_body(%arg0: i32, %arg1: memref<2000x128xf32, #tpu.memory_space<vmem>>, %arg2: memref<128x128xf32, #tpu.memory_space<vmem>>, %arg3: memref<1x128xf32, #tpu.memory_space<vmem>>, %arg4: memref<128x128xf32, #tpu.memory_space<vmem>>, %arg5: memref<1x128xf32, #tpu.memory_space<vmem>>, %arg6: memref<2000x128xf32, #tpu.memory_space<vmem>>, %arg7: memref<2000x128xf32, #tpu.memory_space<vmem>>) attributes {dimension_semantics = [#tpu.dimension_semantics<arbitrary>], iteration_bounds = array<i64: 5>, scalar_prefetch = 0 : i64, scratch_operands = 0 : i64, tpu.core_type = #tpu.core_type<tc>, window_params = [{transform_indices = @transform_0, window_bounds = array<i64: 2000, 128>}, {pipeline_mode = #tpu.pipeline_mode<synchronous>, transform_indices = @transform_1, window_bounds = array<i64: 128, 128>}, {pipeline_mode = #tpu.pipeline_mode<synchronous>, transform_indices = @transform_2, window_bounds = array<i64: 1, 128>}, {pipeline_mode = #tpu.pipeline_mode<synchronous>, transform_indices = @transform_3, window_bounds = array<i64: 128, 128>}, {pipeline_mode = #tpu.pipeline_mode<synchronous>, transform_indices = @transform_4, window_bounds = array<i64: 1, 128>}, {transform_indices = @transform_5, window_bounds = array<i64: 2000, 128>}, {transform_indices = @transform_6, window_bounds = array<i64: 2000, 128>}]} {
    %get3A = arith.constant 0 : index
    %get3A_0 = arith.constant 0 : index
    %get3A_1 = vector.load %arg1[%get3A, %get3A_0] : memref<2000x128xf32, #tpu.memory_space<vmem>>, vector<2000x128xf32>
    %get3A_2 = arith.constant 0 : index
    %get3A_3 = arith.constant 0 : index
    %get3A_4 = vector.load %arg2[%get3A_2, %get3A_3] : memref<128x128xf32, #tpu.memory_space<vmem>>, vector<128x128xf32>
    %dot_general3A = arith.constant dense<0.000000e+00> : vector<2000x128xf32>
    %dot_general3A_5 = tpu.matmul %get3A_1, %get3A_4, %dot_general3A {dimension_numbers = #tpu.dot_dimension_numbers<[1], [0], [0], [1], [0, 0, 1, 1], [], []>, precision = #tpu.contract_precision<fp32>, transpose_lhs_hint = false} : vector<2000x128xf32>, vector<128x128xf32>, vector<2000x128xf32> -> vector<2000x128xf32>
    %get3A_6 = arith.constant 0 : index
    %get3A_7 = arith.constant 0 : index
    %get3A_8 = vector.load %arg3[%get3A_6, %get3A_7] : memref<1x128xf32, #tpu.memory_space<vmem>>, vector<1x128xf32>
    %add3A = vector.broadcast %get3A_8 : vector<1x128xf32> to vector<2000x128xf32>
    %add3A_9 = arith.addf %dot_general3A_5, %add3A : vector<2000x128xf32>
    %swap3A = arith.constant 0 : index
    %swap3A_10 = arith.constant 0 : index
    %swap3A_11 = vector.load %arg6[%swap3A, %swap3A_10] : memref<2000x128xf32, #tpu.memory_space<vmem>>, vector<2000x128xf32>
    tpu.vector_store %arg6[%swap3A, %swap3A_10], %add3A_9 {strides = array<i32>} : memref<2000x128xf32, #tpu.memory_space<vmem>>, vector<2000x128xf32>,
    %get3A_12 = arith.constant 0 : index
    %get3A_13 = arith.constant 0 : index
    %get3A_14 = vector.load %arg4[%get3A_12, %get3A_13] : memref<128x128xf32, #tpu.memory_space<vmem>>, vector<128x128xf32>
    %dot_general3A_15 = arith.constant dense<0.000000e+00> : vector<2000x128xf32>
    %dot_general3A_16 = tpu.matmul %get3A_1, %get3A_14, %dot_general3A_15 {dimension_numbers = #tpu.dot_dimension_numbers<[1], [0], [0], [1], [0, 0, 1, 1], [], []>, precision = #tpu.contract_precision<fp32>, transpose_lhs_hint = false} : vector<2000x128xf32>, vector<128x128xf32>, vector<2000x128xf32> -> vector<2000x128xf32>
    %get3A_17 = arith.constant 0 : index
    %get3A_18 = arith.constant 0 : index
    %get3A_19 = vector.load %arg5[%get3A_17, %get3A_18] : memref<1x128xf32, #tpu.memory_space<vmem>>, vector<1x128xf32>
    %add3A_20 = vector.broadcast %get3A_19 : vector<1x128xf32> to vector<2000x128xf32>
    %add3A_21 = arith.addf %dot_general3A_16, %add3A_20 : vector<2000x128xf32>
    %swap3A_22 = arith.constant 0 : index
    %swap3A_23 = arith.constant 0 : index
    %swap3A_24 = vector.load %arg7[%swap3A_22, %swap3A_23] : memref<2000x128xf32, #tpu.memory_space<vmem>>, vector<2000x128xf32>
    tpu.vector_store %arg7[%swap3A_22, %swap3A_23], %add3A_21 {strides = array<i32>} : memref<2000x128xf32, #tpu.memory_space<vmem>>, vector<2000x128xf32>,
    return
  }
  func.func @transform_0(%arg0: i32) -> (i32, i32) {
    %c0_i32 = arith.constant 0 : i32
    %c0_i32_0 = arith.constant 0 : i32
    return %arg0, %c0_i32 : i32, i32
  }
  func.func @transform_1(%arg0: i32) -> (i32, i32) {
    %c0_i32 = arith.constant 0 : i32
    %c0_i32_0 = arith.constant 0 : i32
    %c0_i32_1 = arith.constant 0 : i32
    return %c0_i32, %c0_i32_0 : i32, i32
  }
  func.func @transform_2(%arg0: i32) -> (i32, i32) {
    %c0_i32 = arith.constant 0 : i32
    %c0_i32_0 = arith.constant 0 : i32
    %c0_i32_1 = arith.constant 0 : i32
    return %c0_i32, %c0_i32_0 : i32, i32
  }
  func.func @transform_3(%arg0: i32) -> (i32, i32) {
    %c0_i32 = arith.constant 0 : i32
    %c0_i32_0 = arith.constant 0 : i32
    %c0_i32_1 = arith.constant 0 : i32
    return %c0_i32, %c0_i32_0 : i32, i32
  }
  func.func @transform_4(%arg0: i32) -> (i32, i32) {
    %c0_i32 = arith.constant 0 : i32
    %c0_i32_0 = arith.constant 0 : i32
    %c0_i32_1 = arith.constant 0 : i32
    return %c0_i32, %c0_i32_0 : i32, i32
  }
  func.func @transform_5(%arg0: i32) -> (i32, i32) {
    %c0_i32 = arith.constant 0 : i32
    %c0_i32_0 = arith.constant 0 : i32
    return %arg0, %c0_i32 : i32, i32
  }
  func.func @transform_6(%arg0: i32) -> (i32, i32) {
    %c0_i32 = arith.constant 0 : i32
    %c0_i32_0 = arith.constant 0 : i32
    return %arg0, %c0_i32 : i32, i32
  }
}

module attributes {stable_mosaic.version = 14 : i64} {
  func.func @_layer_body(%arg0: i32, %arg1: memref<1x2000x128xf32, #tpu.memory_space<vmem>>, %arg2: memref<1x2000x128xf32, #tpu.memory_space<vmem>>, %arg3: memref<128x128xf32, #tpu.memory_space<vmem>>, %arg4: memref<2000x128xf32, #tpu.memory_space<vmem>>, %arg5: memref<2000x128xf32, #tpu.memory_space<vmem>>, %arg6: memref<128x128xf32, #tpu.memory_space<vmem>>, %arg7: memref<1x128xf32, #tpu.memory_space<vmem>>, %arg8: memref<2000x128xf32, #tpu.memory_space<vmem>>, %arg9: memref<2000x128xf32, #tpu.memory_space<vmem>>) attributes {dimension_semantics = [#tpu.dimension_semantics<arbitrary>], iteration_bounds = array<i64: 5>, scalar_prefetch = 0 : i64, scratch_operands = 0 : i64, tpu.core_type = #tpu.core_type<tc>, window_params = [{transform_indices = @transform_0, window_bounds = array<i64: 1, 2000, 128>}, {transform_indices = @transform_1, window_bounds = array<i64: 1, 2000, 128>}, {pipeline_mode = #tpu.pipeline_mode<synchronous>, transform_indices = @transform_2, window_bounds = array<i64: 128, 128>}, {transform_indices = @transform_3, window_bounds = array<i64: 2000, 128>}, {transform_indices = @transform_4, window_bounds = array<i64: 2000, 128>}, {pipeline_mode = #tpu.pipeline_mode<synchronous>, transform_indices = @transform_5, window_bounds = array<i64: 128, 128>}, {pipeline_mode = #tpu.pipeline_mode<synchronous>, transform_indices = @transform_6, window_bounds = array<i64: 1, 128>}, {transform_indices = @transform_7, window_bounds = array<i64: 2000, 128>}, {transform_indices = @transform_8, window_bounds = array<i64: 2000, 128>}]} {
    %get3A = arith.constant 0 : index
    %get3A_0 = arith.constant 0 : index
    %get3A_1 = arith.constant 0 : index
    %get3A_2 = vector.load %arg1[%get3A, %get3A_0, %get3A_1] : memref<1x2000x128xf32, #tpu.memory_space<vmem>>, vector<1x2000x128xf32>
    %get3A_3 = vector.shape_cast %get3A_2 : vector<1x2000x128xf32> to vector<2000x128xf32>
    %get3A_4 = arith.constant 0 : index
    %get3A_5 = arith.constant 0 : index
    %get3A_6 = arith.constant 0 : index
    %get3A_7 = vector.load %arg2[%get3A_4, %get3A_5, %get3A_6] : memref<1x2000x128xf32, #tpu.memory_space<vmem>>, vector<1x2000x128xf32>
    %get3A_8 = vector.shape_cast %get3A_7 : vector<1x2000x128xf32> to vector<2000x128xf32>
    %add3A = arith.addf %get3A_3, %get3A_8 : vector<2000x128xf32>
    %get3A_9 = arith.constant 0 : index
    %get3A_10 = arith.constant 0 : index
    %get3A_11 = vector.load %arg3[%get3A_9, %get3A_10] : memref<128x128xf32, #tpu.memory_space<vmem>>, vector<128x128xf32>
    %dot_general3A = arith.constant dense<0.000000e+00> : vector<2000x128xf32>
    %dot_general3A_12 = tpu.matmul %add3A, %get3A_11, %dot_general3A {dimension_numbers = #tpu.dot_dimension_numbers<[1], [0], [0], [1], [0, 0, 1, 1], [], []>, precision = #tpu.contract_precision<fp32>, transpose_lhs_hint = false} : vector<2000x128xf32>, vector<128x128xf32>, vector<2000x128xf32> -> vector<2000x128xf32>
    %get3A_13 = arith.constant 0 : index
    %get3A_14 = arith.constant 0 : index
    %get3A_15 = vector.load %arg4[%get3A_13, %get3A_14] : memref<2000x128xf32, #tpu.memory_space<vmem>>, vector<2000x128xf32>
    %add3A_16 = arith.addf %dot_general3A_12, %get3A_15 : vector<2000x128xf32>
    %max3A = arith.constant 0.000000e+00 : f32
    %max3A_17 = vector.broadcast %max3A : f32 to vector<2000x128xf32>
    %max3A_18 = arith.maximumf %add3A_16, %max3A_17 : vector<2000x128xf32>
    %get3A_19 = arith.constant 0 : index
    %get3A_20 = arith.constant 0 : index
    %get3A_21 = vector.load %arg5[%get3A_19, %get3A_20] : memref<2000x128xf32, #tpu.memory_space<vmem>>, vector<2000x128xf32>
    %add3A_22 = arith.addf %max3A_18, %get3A_21 : vector<2000x128xf32>
    %swap3A = arith.constant 0 : index
    %swap3A_23 = arith.constant 0 : index
    %swap3A_24 = vector.load %arg8[%swap3A, %swap3A_23] : memref<2000x128xf32, #tpu.memory_space<vmem>>, vector<2000x128xf32>
    tpu.vector_store %arg8[%swap3A, %swap3A_23], %add3A_22 {strides = array<i32>} : memref<2000x128xf32, #tpu.memory_space<vmem>>, vector<2000x128xf32>,
    %get3A_25 = arith.constant 0 : index
    %get3A_26 = arith.constant 0 : index
    %get3A_27 = vector.load %arg6[%get3A_25, %get3A_26] : memref<128x128xf32, #tpu.memory_space<vmem>>, vector<128x128xf32>
    %dot_general3A_28 = arith.constant dense<0.000000e+00> : vector<2000x128xf32>
    %dot_general3A_29 = tpu.matmul %add3A_22, %get3A_27, %dot_general3A_28 {dimension_numbers = #tpu.dot_dimension_numbers<[1], [0], [0], [1], [0, 0, 1, 1], [], []>, precision = #tpu.contract_precision<fp32>, transpose_lhs_hint = false} : vector<2000x128xf32>, vector<128x128xf32>, vector<2000x128xf32> -> vector<2000x128xf32>
    %get3A_30 = arith.constant 0 : index
    %get3A_31 = arith.constant 0 : index
    %get3A_32 = vector.load %arg7[%get3A_30, %get3A_31] : memref<1x128xf32, #tpu.memory_space<vmem>>, vector<1x128xf32>
    %add3A_33 = vector.broadcast %get3A_32 : vector<1x128xf32> to vector<2000x128xf32>
    %add3A_34 = arith.addf %dot_general3A_29, %add3A_33 : vector<2000x128xf32>
    %swap3A_35 = arith.constant 0 : index
    %swap3A_36 = arith.constant 0 : index
    %swap3A_37 = vector.load %arg9[%swap3A_35, %swap3A_36] : memref<2000x128xf32, #tpu.memory_space<vmem>>, vector<2000x128xf32>
    tpu.vector_store %arg9[%swap3A_35, %swap3A_36], %add3A_34 {strides = array<i32>} : memref<2000x128xf32, #tpu.memory_space<vmem>>, vector<2000x128xf32>,
    return
  }
  func.func @transform_0(%arg0: i32) -> (i32, i32, i32) {
    %c0_i32 = arith.constant 0 : i32
    %c0_i32_0 = arith.constant 0 : i32
    %c0_i32_1 = arith.constant 0 : i32
    return %c0_i32, %arg0, %c0_i32_0 : i32, i32, i32
  }
  func.func @transform_1(%arg0: i32) -> (i32, i32, i32) {
    %c1_i32 = arith.constant 1 : i32
    %c0_i32 = arith.constant 0 : i32
    %c0_i32_0 = arith.constant 0 : i32
    return %c1_i32, %arg0, %c0_i32 : i32, i32, i32
  }
  func.func @transform_2(%arg0: i32) -> (i32, i32) {
    %c0_i32 = arith.constant 0 : i32
    %c0_i32_0 = arith.constant 0 : i32
    %c0_i32_1 = arith.constant 0 : i32
    return %c0_i32, %c0_i32_0 : i32, i32
  }
  func.func @transform_3(%arg0: i32) -> (i32, i32) {
    %c0_i32 = arith.constant 0 : i32
    %c0_i32_0 = arith.constant 0 : i32
    return %arg0, %c0_i32 : i32, i32
  }
  func.func @transform_4(%arg0: i32) -> (i32, i32) {
    %c0_i32 = arith.constant 0 : i32
    %c0_i32_0 = arith.constant 0 : i32
    return %arg0, %c0_i32 : i32, i32
  }
  func.func @transform_5(%arg0: i32) -> (i32, i32) {
    %c0_i32 = arith.constant 0 : i32
    %c0_i32_0 = arith.constant 0 : i32
    %c0_i32_1 = arith.constant 0 : i32
    return %c0_i32, %c0_i32_0 : i32, i32
  }
  func.func @transform_6(%arg0: i32) -> (i32, i32) {
    %c0_i32 = arith.constant 0 : i32
    %c0_i32_0 = arith.constant 0 : i32
    %c0_i32_1 = arith.constant 0 : i32
    return %c0_i32, %c0_i32_0 : i32, i32
  }
  func.func @transform_7(%arg0: i32) -> (i32, i32) {
    %c0_i32 = arith.constant 0 : i32
    %c0_i32_0 = arith.constant 0 : i32
    return %arg0, %c0_i32 : i32, i32
  }
  func.func @transform_8(%arg0: i32) -> (i32, i32) {
    %c0_i32 = arith.constant 0 : i32
    %c0_i32_0 = arith.constant 0 : i32
    return %arg0, %c0_i32 : i32, i32
  }
}

module attributes {stable_mosaic.version = 14 : i64} {
  func.func @_final_body(%arg0: i32, %arg1: memref<1x2000x128xf32, #tpu.memory_space<vmem>>, %arg2: memref<1x2000x128xf32, #tpu.memory_space<vmem>>, %arg3: memref<128x128xf32, #tpu.memory_space<vmem>>, %arg4: memref<2000x128xf32, #tpu.memory_space<vmem>>, %arg5: memref<2000x128xf32, #tpu.memory_space<vmem>>) attributes {dimension_semantics = [#tpu.dimension_semantics<arbitrary>], iteration_bounds = array<i64: 5>, scalar_prefetch = 0 : i64, scratch_operands = 0 : i64, tpu.core_type = #tpu.core_type<tc>, window_params = [{transform_indices = @transform_0, window_bounds = array<i64: 1, 2000, 128>}, {transform_indices = @transform_1, window_bounds = array<i64: 1, 2000, 128>}, {pipeline_mode = #tpu.pipeline_mode<synchronous>, transform_indices = @transform_2, window_bounds = array<i64: 128, 128>}, {transform_indices = @transform_3, window_bounds = array<i64: 2000, 128>}, {transform_indices = @transform_4, window_bounds = array<i64: 2000, 128>}]} {
    %get3A = arith.constant 0 : index
    %get3A_0 = arith.constant 0 : index
    %get3A_1 = arith.constant 0 : index
    %get3A_2 = vector.load %arg1[%get3A, %get3A_0, %get3A_1] : memref<1x2000x128xf32, #tpu.memory_space<vmem>>, vector<1x2000x128xf32>
    %get3A_3 = vector.shape_cast %get3A_2 : vector<1x2000x128xf32> to vector<2000x128xf32>
    %get3A_4 = arith.constant 0 : index
    %get3A_5 = arith.constant 0 : index
    %get3A_6 = arith.constant 0 : index
    %get3A_7 = vector.load %arg2[%get3A_4, %get3A_5, %get3A_6] : memref<1x2000x128xf32, #tpu.memory_space<vmem>>, vector<1x2000x128xf32>
    %get3A_8 = vector.shape_cast %get3A_7 : vector<1x2000x128xf32> to vector<2000x128xf32>
    %add3A = arith.addf %get3A_3, %get3A_8 : vector<2000x128xf32>
    %get3A_9 = arith.constant 0 : index
    %get3A_10 = arith.constant 0 : index
    %get3A_11 = vector.load %arg3[%get3A_9, %get3A_10] : memref<128x128xf32, #tpu.memory_space<vmem>>, vector<128x128xf32>
    %dot_general3A = arith.constant dense<0.000000e+00> : vector<2000x128xf32>
    %dot_general3A_12 = tpu.matmul %add3A, %get3A_11, %dot_general3A {dimension_numbers = #tpu.dot_dimension_numbers<[1], [0], [0], [1], [0, 0, 1, 1], [], []>, precision = #tpu.contract_precision<fp32>, transpose_lhs_hint = false} : vector<2000x128xf32>, vector<128x128xf32>, vector<2000x128xf32> -> vector<2000x128xf32>
    %get3A_13 = arith.constant 0 : index
    %get3A_14 = arith.constant 0 : index
    %get3A_15 = vector.load %arg4[%get3A_13, %get3A_14] : memref<2000x128xf32, #tpu.memory_space<vmem>>, vector<2000x128xf32>
    %add3A_16 = arith.addf %dot_general3A_12, %get3A_15 : vector<2000x128xf32>
    %swap3A = arith.constant 0 : index
    %swap3A_17 = arith.constant 0 : index
    %swap3A_18 = vector.load %arg5[%swap3A, %swap3A_17] : memref<2000x128xf32, #tpu.memory_space<vmem>>, vector<2000x128xf32>
    tpu.vector_store %arg5[%swap3A, %swap3A_17], %add3A_16 {strides = array<i32>} : memref<2000x128xf32, #tpu.memory_space<vmem>>, vector<2000x128xf32>,
    return
  }
  func.func @transform_0(%arg0: i32) -> (i32, i32, i32) {
    %c0_i32 = arith.constant 0 : i32
    %c0_i32_0 = arith.constant 0 : i32
    %c0_i32_1 = arith.constant 0 : i32
    return %c0_i32, %arg0, %c0_i32_0 : i32, i32, i32
  }
  func.func @transform_1(%arg0: i32) -> (i32, i32, i32) {
    %c1_i32 = arith.constant 1 : i32
    %c0_i32 = arith.constant 0 : i32
    %c0_i32_0 = arith.constant 0 : i32
    return %c1_i32, %arg0, %c0_i32 : i32, i32, i32
  }
  func.func @transform_2(%arg0: i32) -> (i32, i32) {
    %c0_i32 = arith.constant 0 : i32
    %c0_i32_0 = arith.constant 0 : i32
    %c0_i32_1 = arith.constant 0 : i32
    return %c0_i32, %c0_i32_0 : i32, i32
  }
  func.func @transform_3(%arg0: i32) -> (i32, i32) {
    %c0_i32 = arith.constant 0 : i32
    %c0_i32_0 = arith.constant 0 : i32
    return %arg0, %c0_i32 : i32, i32
  }
  func.func @transform_4(%arg0: i32) -> (i32, i32) {
    %c0_i32 = arith.constant 0 : i32
    %c0_i32_0 = arith.constant 0 : i32
    return %arg0, %c0_i32 : i32, i32
  }
}

</mosaic_0001>

<sc_bundles>
// kernel: kernel.11.cloned.1.call-start
scs
__scs_entry_jumppad:
0x0: {  	(pc) =	sbr.rel $0x88, $3  }
0x1: {  	(tag) =	ssettag $0x0;
	lr =	simm.s32 $0x1  }
0x2: {  	[smem:$0x3F91] =	sst lr;
	_ =	strace $0xD0000000  }
0x3: {  	_ = 	snop  }
0x4: {  	_ = 	snop  }
0x5: {  	_ = 	snop  }
0x6: {  	_ = 	snop  }
0x7: {  	_ = 	snop  }
__scs_overlays_trampoline_lowered:
0x8: {  	[smem:$0x3FA0] =	sst s0  }
0x9: {  	[smem:$0x3FA1] =	sst s1  }
0xa: {  	[smem:$0x3FA2] =	sst s2  }
0xb: {  	[smem:$0x3FA3] =	sst s3  }
0xc: {  	[smem:$0x3FA4] =	sst s4  }
0xd: {  	[smem:$0x3FA5] =	sst s5  }
0xe: {  	[smem:$0x3FA6] =	sst s6  }
0xf: {  	[smem:$0x3FA7] =	sst s7  }
0x10: {  	[smem:$0x3FA8] =	sst s8  }
0x11: {  	[smem:$0x3FA9] =	sst s9;
	s0 =	simm.s32 @!p0 $0x0  }
0x12: {  	s1 =	sld [smem:$0x3F8F];
	s0 =	simm.s32 @p0 $0x1  }
0x13: {  	[smem:$0x3FAA] =	sst s0;
	s0 =	simm.s32 @!p1 $0x0  }
0x14: {  	s2 =	sld [smem:$0x3F8E];
	s0 =	simm.s32 @p1 $0x1  }
0x15: {  	[smem:$0x3FAB] =	sst s0;
	s0 =	simm.s32 @!p2 $0x0  }
0x16: {  	s3 =	sld [smem:$0x3FDB];
	s0 =	simm.s32 @p2 $0x1  }
0x17: {  	s4 =	simm.s32 $0x1BF5;
	[smem:$0x3FAD] =	sst s0  }
0x18: {  	s0 =	sld [smem:$0x3F90];
	_ =	swait.ge [sflag:s4], $0x0  }
0x19: {  	s7 =	sld [smem:$0x3F91]  }
0x1a: {  	s8 =	sadd.s32 $0xFFFFE003, lr  }
0x1b: {  	s9 =	sadd.s32 $0xFFFFFEF7, lr;
	s5 =	simm.s32 $0xFFFFFFFF;
	p2 =	slt.u32 s8, $0xFFFFF086  }
0x1c: {  	p1 =	slt.u32 s9, $0xF7A;
	s5 =	simm.s32 @!p2 $0x0  }
0x1d: {  	s5 =	simm.s32 @p1 $0x1;
	p0 =	seq.s32 s7, s2  }
0x1e: {  	s7 =	smul.u32 @!p0 $0xF7A, s2;
	p2 =	seq.s32 @!p0 s5, $0x0  }
0x1f: {  	s9 =	smul.u32 $0xF7A, s1;
	s8 =	simm.s32 @!p0 $0x1BF5;
	p2 =	por !p2, p0  }
0x20: {  	[sflag:s8] =	ssyncset.s32 @!p0 $0xFFFFF086;
	s6 =	sadd.s32 @!p0 s3, s7;
	s7 =	simm.s32 @!p0 $0x108  }
0x21: {  	s3 =	sadd.s32 s3, s9;
	s6 =	sadd.s32 @!p0 $0x88, s6;
	s7 =	simm.s32 @p2 $0x1082  }
0x22: {  	[simem:s7], [sflag:s8] =	dma.local @!p0 [hbm:s6], $0xF7A  }
0x23: {  	s9 =	sor.u32 $0xD0000000, s2;
	s6 =	simm.s32 $0x108;
	_ =	swait.ge @!p0 [sflag:s8], $0x0  }
0x24: {  	s3 =	sadd.s32 $0x88, s3;
	s6 =	simm.s32 @!p1 $0x1082;
	[sflag:s4] =	ssyncset.s32 $0xFFFFF086  }
0x25: {  	[simem:s6], [sflag:s4] =	dma.local [hbm:s3], $0xF7A  }
0x26: {  	[smem:$0x3F91] =	sst s1;
	(tag) =	ssettag s2;
	_ =	strace s9  }
0x27: {  	s1 =	sld [smem:$0x3FA1]  }
0x28: {  	s2 =	sld [smem:$0x3FA2]  }
0x29: {  	s4 =	sld [smem:$0x3FA4]  }
0x2a: {  	p0 =	seq.s32 s5, $0x0;
	s5 =	sld [smem:$0x3FA5]  }
0x2b: {  	s6 =	sld [smem:$0x3FA6]  }
0x2c: {  	s7 =	sld [smem:$0x3FA7]  }
0x2d: {  	s3 =	simm.s32 $0x108;
	s8 =	sld [smem:$0x3FA8]  }
0x2e: {  	s3 =	simm.s32 @!p0 $0x1082;
	s9 =	sld [smem:$0x3FA9]  }
0x2f: {  	lr =	sadd.s32 s0, s3;
	s0 =	sld [smem:$0x3FA0]  }
0x30: {  	s3 =	sld [smem:$0x3FA3]  }
0x31: {  	[smem:$0x3FAC] =	sst s10  }
0x32: {  	s10 =	sld [smem:$0x3FAA];
	_ =	sdelay $0x3  }
0x33: {  	p0 =	seq.s32 s10, $0x1;
	s10 =	sld [smem:$0x3FAC];
	_ =	sdelay $0x3  }
0x34: {  	[smem:$0x3FAC] =	sst s10  }
0x35: {  	s10 =	sld [smem:$0x3FAB];
	_ =	sdelay $0x3  }
0x36: {  	p1 =	seq.s32 s10, $0x1;
	s10 =	sld [smem:$0x3FAC];
	_ =	sdelay $0x3  }
0x37: {  	[smem:$0x3FAC] =	sst s10  }
0x38: {  	s10 =	sld [smem:$0x3FAD]  }
0x39: {  	_ = 	snop;
	(pc) =	sbr.ind lr, $3  }
0x3a: {  	_ = 	snop  }
0x3b: {  	_ = 	snop  }
0x3c: {  	p2 =	seq.s32 s10, $0x1;
	s10 =	sld [smem:$0x3FAC]  }
0x3d: {  	_ =	shalt  }
0x3e: {  	_ =	shalt  }
0x3f: {  	_ =	shalt  }
0x40: {  	_ =	shalt  }
0x41: {  	_ =	shalt  }
0x42: {  	_ =	shalt  }
0x43: {  	_ =	shalt  }
0x44: {  	_ =	shalt  }
0x45: {  	_ =	shalt  }
0x46: {  	_ =	shalt  }
0x47: {  	_ =	shalt  }
0x48: {  	_ =	shalt  }
0x49: {  	_ =	shalt  }
0x4a: {  	_ =	shalt  }
0x4b: {  	_ =	shalt  }
0x4c: {  	_ =	shalt  }
0x4d: {  	_ =	shalt  }
0x4e: {  	_ =	shalt  }
0x4f: {  	_ =	shalt  }
0x50: {  	_ =	shalt  }
0x51: {  	_ =	shalt  }
0x52: {  	_ =	shalt  }
0x53: {  	_ =	shalt  }
0x54: {  	_ =	shalt  }
0x55: {  	_ =	shalt  }
0x56: {  	_ =	shalt  }
0x57: {  	_ =	shalt  }
0x58: {  	_ =	shalt  }
0x59: {  	_ =	shalt  }
0x5a: {  	_ =	shalt  }
0x5b: {  	_ =	shalt  }
0x5c: {  	_ =	shalt  }
0x5d: {  	_ =	shalt  }
0x5e: {  	_ =	shalt  }
0x5f: {  	_ =	shalt  }
0x60: {  	_ =	shalt  }
0x61: {  	_ =	shalt  }
0x62: {  	_ =	shalt  }
0x63: {  	_ =	shalt  }
0x64: {  	_ =	shalt  }
0x65: {  	_ =	shalt  }
0x66: {  	_ =	shalt  }
0x67: {  	_ =	shalt  }
0x68: {  	_ =	shalt  }
0x69: {  	_ =	shalt  }
0x6a: {  	_ =	shalt  }
0x6b: {  	_ =	shalt  }
0x6c: {  	_ =	shalt  }
0x6d: {  	_ =	shalt  }
0x6e: {  	_ =	shalt  }
0x6f: {  	_ =	shalt  }
0x70: {  	_ =	shalt  }
0x71: {  	_ =	shalt  }
0x72: {  	_ =	shalt  }
0x73: {  	_ =	shalt  }
0x74: {  	_ =	shalt  }
0x75: {  	_ =	shalt  }
0x76: {  	_ =	shalt  }
0x77: {  	_ =	shalt  }
0x78: {  	_ =	shalt  }
0x79: {  	_ =	shalt  }
0x7a: {  	_ =	shalt  }
0x7b: {  	_ =	shalt  }
0x7c: {  	_ =	shalt  }
0x7d: {  	_ =	shalt  }
0x7e: {  	_ =	shalt  }
0x7f: {  	_ =	shalt  }
0x80: {  	_ =	shalt  }
0x81: {  	_ =	shalt  }
0x82: {  	_ =	shalt  }
0x83: {  	_ =	shalt  }
0x84: {  	_ =	shalt  }
0x85: {  	_ =	shalt  }
0x86: {  	_ =	shalt  }
0x87: {  	_ =	shalt  }
.Lfunc_end0:
.L_simem_size_0:
called_computation_lowered:
.L_overlay_start_0:
0x88: {  	s2 =	sld [smem:$0x3FD9]  }
0x89: {  	s3 =	sld [smem:$0x3FFE];
	_ =	sdelay $0x1  }
0x8a: {  	s1 =	srdreg.scid  }
0x8b: {  	s0 =	sand.u32 $0x1, s1  }
0x8c: {  	s17 =	sshll.u32 s0, $0xA;
	s2 =	sadd.s32 s3, s2  }
0x8d: {  	s2 =	sadd.s32 s2, s17  }
0x8e: {  	[smem:$0x3FB8] =	sst s2  }
0x8f: {  	_ = 	snop  }
0x90: {  	s2 =	sld [smem:$0x3FC9]  }
0x91: {  	s18 =	sld [smem:$0x3FD0];
	(tm) =	ssettm $0x1  }
0x92: {  	s4 =	sld [smem:$0x3FFB];
	_ =	sdelay $0x3  }
0x93: {  	_ =	strace s4  }
0x94: {  	s4 =	sld [smem:$0x3FFC];
	_ =	sdelay $0x3  }
0x95: {  	_ =	strace s4  }
0x96: {  	s4 =	sld [smem:$0x3FFD];
	_ =	sdelay $0x3  }
0x97: {  	_ =	strace s4  }
0x98: {  	_ =	strace $0x8FFFFFFF  }
0x99: {  	s19 =	sld [smem:$0x3FDB];
	_ =	sdelay $0x1  }
0x9a: {  	s5 =	simm.s32 $_scs_section_size  }
0x9b: {  	s6 =	simm.s32 $_size__tile_overlayer_lowered;
	s7 =	simm.s32 $_tile_overlayer_lowered  }
0x9c: {  	s22 =	simm.s32 $0x1BFF;
	s21 =	sshll.u32 s7, $0x1;
	s4 =	sadd.s32 s5, s19  }
0x9d: {  	s8 =	simm.s32 $0x0;
	s20 =	sshll.u32 s6, $0x1;
	s6 =	sadd.s32 s21, s4  }
0x9e: {  	[timem:s8], [sflag:s22] =	dma.local [hbm:s6], s20  }
0x9f: {  	_ =	swait.ge [sflag:s22], s20  }
0xa0: {  	s5 =	ssub.s32 $0x0, s20;
	[sflag:s22] =	ssyncset.done $0x0  }
0xa1: {  	[sflag:s22] =	ssyncadd.s32 s5;
	_ =	sdelay $0x1  }
0xa2: {  	s23 =	simm.s32 $0x1B8B  }
0xa3: {  	_ =	swait.ge [sflag:s23], $0x1  }
0xa4: {  	[sflag:s23] =	ssyncset.done $0x0  }
0xa5: {  	s25 =	simm.s32 $0x1B8E;
	s24 =	sld [smem:$0x3FFE];
	[sflag:s23] =	ssyncadd.s32 $0xFFFFFFFF  }
0xa6: {  	s26 =	simm.s32 $execute0_lowered;
	[smem:$0x3FD2] =	sst s25  }
0xa7: {  	s6 =	sshll.u32 s26, $0x1;
	_ =	strace $0x80000046;
	[dreg:$0x1] =	wrdreg $0xFFFFFFFF  }
0xa8: {  	s28 =	simm.s32 $_size_execute0_lowered;
	s4 =	sadd.s32 s4, s6;
	[dreg:$0x0] =	wrdreg $0x0  }
0xa9: {  	s6 =	sshll.u32 s28, $0x1;
	[dreg:$0x2] =	wrdreg s4  }
0xaa: {  	[dreg:$0x3] =	wrdreg s6  }
0xab: {  	[dreg:$0x4] =	wrdreg $0xC0  }
0xac: {  	_ =	task [dreg:s8], $0x5FFFF  }
0xad: {  	[dreg:$0x1] =	wrdreg $0xFFFFFFFF  }
0xae: {  	[dreg:$0x0] =	wrdreg $0x60  }
0xaf: {  	[dreg:$0x2] =	wrdreg s2  }
0xb0: {  	[dreg:$0x3] =	wrdreg s24  }
0xb1: {  	[dreg:$0x4] =	wrdreg s18  }
0xb2: {  	[dreg:$0x5] =	wrdreg $0xA1000  }
0xb3: {  	[dreg:$0x6] =	wrdreg $0x9  }
0xb4: {  	_ =	task.clear_ibuf [dreg:s8], $0x7FFFF;
	_ =	strace $0x90000046  }
0xb5: {  	s29 =	simm.s32 $0x9;
	_ =	strace $0x80000048  }
0xb6: {  	_ =	swait.ge [sflag:s29], $0x1  }
0xb7: {  	[sflag:s29] =	ssyncadd.s32 $0xFFFFFFFF  }
0xb8: {  	_ =	strace $0x90000048  }
0xb9: {  	_ =	sfence  }
0xba: {  	s30 =	sld [smem:$0x0];
	_ =	sdelay $0x2  }
0xbb: {  	s31 =	sshll.u32 s1, $0xD;
	s1 =	sshrl.u32 s1, $0x2  }
0xbc: {  	s3 =	sand.u32 $0x4000, s31;
	s1 =	sadd.s32 s1, s30  }
0xbd: {  	s0 =	sor.u32 s3, s0;
	s1 =	sshll.u32 s1, $0x11  }
0xbe: {  	s0 =	sor.u32 s1, s0  }
0xbf: {  	s0 =	sadd.s32 $0x8F2B, s0  }
0xc0: {  	[sflag:s0] =	ssyncadd.remote.s32 $0x1  }
0xc1: {  	_ =	sfence.sel $0xFFFF  }
0xc2: {  	[dreg:$0x0] =	wrdreg $0xFFFFFFFF;
	(pc) =	sbr.abs _section_cstart, $3  }
0xc3: {  	[dreg:$0x1] =	wrdreg $0xFFFFFFFF  }
0xc4: {  	_ =	task.clear_ibuf [dreg:s8], $0x2FFFF;
	_ =	strace $0x9FFFFFFF  }
0xc5: {  	(tm) =	ssettm $0x7FFFFFFF  }
tec
execute0_lowered:
.L_overlay_start_1:
0x0: {  	(tag) =	ssettag $0x1  }
0x1: {  	s0 =	srdreg.scid  }
0x2: {  	s1 =	rddreg [dreg:$0x0];
	s13 =	stileid.u32  }
0x3: {  	s2 =	rddreg [dreg:$0x1];
	s8 =	smul.u32 $0x4E000, s13  }
0x4: {  	s5 =	rddreg [dreg:$0x2];
	s28 =	simm.s32 $0x1;
	s12 =	smul.u32 $0x2700, s13  }
0x5: {  	s29 =	simm.s32 $0x4;
	s31 =	simm.s32 $0x7900;
	s19 =	smul.u32 $0x13800, s13  }
0x6: {  	s30 =	simm.s32 $0x5;
	s0 =	sand.u32 $0x1, s0;
	s22 =	smul.u32 $0x2710, s13  }
0x7: {  	s9 =	sadd.s32 $0x4000, s2;
	p0 =	seq.s32 s13, $0xF;
	s17 =	smul.u32 $0x138800, s0  }
0x8: {  	s3 =	sshll.u32 s0, $0x4;
	s10 =	ssub.s32 $0x2, s0;
	s0 =	smul.u32 $0x27100, s0  }
0x9: {  	s4 =	sor.u32 s13, s3;
	s3 =	rddreg [dreg:$0x3];
	s11 =	sshrl.u32 s10, $0x1  }
0xa: {  	s8 =	sshrl.u32 s8, $0x2;
	s15 =	sadd.s32 s5, s12;
	s5 =	sadd.s32 $0x24900, s5  }
0xb: {  	s6 =	smul.u32 $0x2710, s4;
	s4 =	simm.s32 $0x0;
	s11 =	ssub.s32 s10, s11  }
0xc: {  	s14 =	sadd.s32 s8, s3;
	s16 =	sadd.s32 $0x124800, s3;
	[smem:$0x7FF] =	sst s4  }
0xd: {  	s0 =	sadd.s32 s22, s0;
	_ =	strace $0x80000047;
	[dreg:$0x6] =	wrdreg s14  }
0xe: {  	s22 =	simm.s32 $0x50;
	s23 =	smax.u32 s11, $0x1;
	[dreg:$0x7] =	wrdreg s15  }
0xf: {  	s24 =	sadd.s32 $0x230, s0;
	s25 =	sadd.s32 $0x1E0, s0;
	[dreg:$0x8] =	wrdreg s16  }
0x10: {  	s0 =	sadd.s32 $0x190, s0;
	s11 =	simm.s32 $0x0;
	[dreg:$0x9] =	wrdreg s5  }
0x11: {  	s6 =	sshrl.u32 s6, $0x3;
	s5 =	sadd.s32 s19, s17;
	[dreg:$0x11] =	wrdreg s23  }
0x12: {  	s26 =	sshrl.u32 s25, $0x3;
	s7 =	sadd.s32 s6, s2;
	s18 =	sadd.s32 s9, s6  }
0x13: {  	s0 =	sshrl.u32 s0, $0x3;
	s7 =	sadd.s32 $0xDE00, s7;
	[dreg:$0xa] =	wrdreg s18  }
0x14: {  	s23 =	simm.s32 $0x2900;
	s6 =	sadd.s32 $0xA, s18;
	[dreg:$0x5] =	wrdreg s7  }
0x15: {  	s25 =	simm.s32 $0x5100;
	s20 =	sadd.s32 $0x14, s18;
	[dreg:$0xb] =	wrdreg s6  }
0x16: {  	s2 =	sadd.s32 $0x17C00, s2;
	s21 =	sadd.s32 $0x1E, s18;
	[dreg:$0xc] =	wrdreg s20  }
0x17: {  	s5 =	sshrl.u32 s5, $0x3;
	s8 =	sadd.s32 $0x28, s18;
	[dreg:$0xd] =	wrdreg s21  }
0x18: {  	s19 =	sadd.s32 s26, s9;
	s5 =	sadd.s32 s2, s5;
	[dreg:$0xe] =	wrdreg s8  }
0x19: {  	s26 =	simm.s32 $0x2800;
	s7 =	sshrl.u32 s17, $0x3;
	[dreg:$0xf] =	wrdreg s5  }
0x1a: {  	s20 =	sadd.s32 s0, s9;
	s21 =	simm.s32 $0xA;
	s0 =	simm.s32 $0x2  }
0x1b: {  	s5 =	simm.s32 $0x7;
	s6 =	simm.s32 $0x3;
	s2 =	sadd.s32 s2, s7  }
0x1c: {  	s8 =	simm.s32 $0x8;
	s7 =	simm.s32 $0x6;
	s2 =	sadd.s32 $0x24900, s2  }
0x1d: {  	[dreg:$0x10] =	wrdreg s2;
	s2 =	sshrl.u32 s24, $0x3;
	s24 =	simm.s32 $0x2780  }
0x1e: {  	s18 =	sadd.s32 s2, s9;
	s2 =	simm.s32 $0x2880;
	s9 =	simm.s32 $0x9  }
.LBB2_1:
0x1f: {  	s10 =	rddreg [dreg:$0x5]  }
0x20: {  	[tilespmem:s4], [sflag:$0xA] =	stream.linear.gather [hbm4b:s10+s4], $0x2710, $0x38;
	[tilespmem:$0x1D980] =	vst v63  }
0x21: {  	_ =	swait.ge [sflag:s21], $0x2710  }
0x22: {  	s13 =	simm.s32 @p0 $0x1FCA;
	[sflag:s21] =	ssyncset.done $0x0;
	s10 =	rddreg [dreg:$0x8]  }
0x23: {  	[sflag:s21] =	ssyncadd.s32 $0xFFFFD8F0;
	s12 =	sshrl.u32 @p0 s10, $0x3;
	s10 =	rddreg [dreg:$0x9]  }
0x24: {  	[spmem:s12], [sflag:s13] =	dma.local @p0 [hbm:s10], $0x2800  }
0x25: {  	s13 =	simm.s32 @p0 $0xA  }
0x26: {  	_ =	swait.ge @p0 [sflag:s13], $0x2800  }
0x27: {  	s15 =	simm.s32 @!p0 $0xA;
	s10 =	stileid.u32;
	[sflag:s13] =	ssyncset.done @p0 $0x0  }
0x28: {  	s14 =	sshll.u32 @!p0 s10, $0x6;
	s10 =	rddreg [dreg:$0x6];
	[sflag:s13] =	ssyncadd.s32 @p0 $0xFFFFD800  }
0x29: {  	s13 =	sor.u32 @!p0 $0x1C0A, s14;
	s14 =	sshrl.u32 @!p0 s10, $0x3;
	s10 =	rddreg [dreg:$0x7]  }
0x2a: {  	[spmem:s14], [sflag:s13] =	dma.local @!p0 [hbm:s10], $0x2700  }
0x2b: {  	_ =	swait.ge @!p0 [sflag:s15], $0x2700  }
0x2c: {  	[sflag:s15] =	ssyncset.done @!p0 $0x0  }
0x2d: {  	[sflag:s15] =	ssyncadd.s32 @!p0 $0xFFFFD900  }
0x2e: {  	[bflag:$0x0] =	sbarrier.arrive $0xFFFF  }
0x2f: {  	[tilespmem:s23], [sflag:$0x1] =	stream.indirect.gather [hbm4b:s1+s22], $0x80, s4, s22, $0xb8;
	[tilespmem:$0x1D980] =	vst v63  }
0x30: {  	s17 =	rddreg [dreg:$0xa]  }
0x31: {  	[tilespmem:s24], [sflag:$0x4] =	stream.linear.gather [hbm4b:s17+s4], $0x50, $0x38;
	[tilespmem:$0x1D980] =	vst v63  }
0x32: {  	_ = 	snop  }
0x33: {  	[tilespmem:s25], [sflag:$0x2] =	stream.indirect.gather [hbm4b:s1+s22], $0x80, s22, s22, $0xb8;
	[tilespmem:$0x1D980] =	vst v63  }
0x34: {  	s15 =	rddreg [dreg:$0xb]  }
0x35: {  	[tilespmem:s26], [sflag:$0x5] =	stream.linear.gather [hbm4b:s15+s4], $0x50, $0x38;
	[tilespmem:$0x1D980] =	vst v63  }
0x36: {  	_ =	swait.ge [sflag:s28], $0x2800  }
0x37: {  	[sflag:s28] =	ssyncset.done $0x0  }
0x38: {  	[sflag:s28] =	ssyncadd.s32 $0xFFFFD800  }
0x39: {  	_ =	swait.ge [sflag:s29], $0x50  }
0x3a: {  	[sflag:s29] =	ssyncset.done $0x0  }
0x3b: {  	[sflag:s29] =	ssyncadd.s32 $0xFFFFFFB0  }
0x3c: {  	[spmem:s3] =	stream.indirect.scatter.add.f32 [tilespmem:s23], [sflag:$0x7], $0x80, s24, s22, $0xb8;
	[tilespmem:$0x1D980] =	vst v63  }
0x3d: {  	s16 =	simm.s32 $0xA0  }
0x3e: {  	[tilespmem:s31], [sflag:$0x3] =	stream.indirect.gather [hbm4b:s1+s22], $0x80, s16, s22, $0xb8;
	[tilespmem:$0x1D980] =	vst v63  }
0x3f: {  	s17 =	rddreg [dreg:$0xc]  }
0x40: {  	[tilespmem:s2], [sflag:$0x6] =	stream.linear.gather [hbm4b:s17+s4], $0x50, $0x38;
	[tilespmem:$0x1D980] =	vst v63  }
0x41: {  	_ =	swait.ge [sflag:s0], $0x2800  }
0x42: {  	[sflag:s0] =	ssyncset.done $0x0  }
0x43: {  	[sflag:s0] =	ssyncadd.s32 $0xFFFFD800  }
0x44: {  	_ =	swait.ge [sflag:s30], $0x50  }
0x45: {  	[sflag:s30] =	ssyncset.done $0x0  }
0x46: {  	[sflag:s30] =	ssyncadd.s32 $0xFFFFFFB0  }
0x47: {  	[spmem:s3] =	stream.indirect.scatter.add.f32 [tilespmem:s25], [sflag:$0x8], $0x80, s26, s22, $0xb8;
	[tilespmem:$0x1D980] =	vst v63  }
0x48: {  	_ =	swait.ge [sflag:s5], $0x2800  }
0x49: {  	[sflag:s5] =	ssyncset.done $0x0  }
0x4a: {  	s15 =	simm.s32 $0xF0;
	[sflag:s5] =	ssyncadd.s32 $0xFFFFD800  }
0x4b: {  	[tilespmem:s23], [sflag:$0x1] =	stream.indirect.gather [hbm4b:s1+s22], $0x80, s15, s22, $0xb8;
	[tilespmem:$0x1D980] =	vst v63  }
0x4c: {  	s16 =	rddreg [dreg:$0xd]  }
0x4d: {  	[tilespmem:s24], [sflag:$0x4] =	stream.linear.gather [hbm4b:s16+s4], $0x50, $0x38;
	[tilespmem:$0x1D980] =	vst v63  }
0x4e: {  	_ =	swait.ge [sflag:s6], $0x2800  }
0x4f: {  	[sflag:s6] =	ssyncset.done $0x0  }
0x50: {  	[sflag:s6] =	ssyncadd.s32 $0xFFFFD800  }
0x51: {  	_ =	swait.ge [sflag:s7], $0x50  }
0x52: {  	[sflag:s7] =	ssyncset.done $0x0  }
0x53: {  	[sflag:s7] =	ssyncadd.s32 $0xFFFFFFB0  }
0x54: {  	[spmem:s3] =	stream.indirect.scatter.add.f32 [tilespmem:s31], [sflag:$0x9], $0x80, s2, s22, $0xb8;
	[tilespmem:$0x1D980] =	vst v63  }
0x55: {  	_ =	swait.ge [sflag:s8], $0x2800  }
0x56: {  	[sflag:s8] =	ssyncset.done $0x0  }
0x57: {  	s17 =	simm.s32 $0x140;
	[sflag:s8] =	ssyncadd.s32 $0xFFFFD800  }
0x58: {  	[tilespmem:s25], [sflag:$0x2] =	stream.indirect.gather [hbm4b:s1+s22], $0x80, s17, s22, $0xb8;
	[tilespmem:$0x1D980] =	vst v63  }
0x59: {  	s15 =	rddreg [dreg:$0xe]  }
0x5a: {  	[tilespmem:s26], [sflag:$0x5] =	stream.linear.gather [hbm4b:s15+s4], $0x50, $0x38;
	[tilespmem:$0x1D980] =	vst v63  }
0x5b: {  	_ =	swait.ge [sflag:s28], $0x2800  }
0x5c: {  	[sflag:s28] =	ssyncset.done $0x0  }
0x5d: {  	[sflag:s28] =	ssyncadd.s32 $0xFFFFD800  }
0x5e: {  	_ =	swait.ge [sflag:s29], $0x50  }
0x5f: {  	[sflag:s29] =	ssyncset.done $0x0  }
0x60: {  	[sflag:s29] =	ssyncadd.s32 $0xFFFFFFB0  }
0x61: {  	[spmem:s3] =	stream.indirect.scatter.add.f32 [tilespmem:s23], [sflag:$0x7], $0x80, s24, s22, $0xb8;
	[tilespmem:$0x1D980] =	vst v63  }
0x62: {  	_ =	swait.ge [sflag:s9], $0x2800  }
0x63: {  	[sflag:s9] =	ssyncset.done $0x0  }
0x64: {  	s16 =	simm.s32 $0x190;
	[sflag:s9] =	ssyncadd.s32 $0xFFFFD800  }
0x65: {  	[tilespmem:s31], [sflag:$0x3] =	stream.indirect.gather [hbm4b:s1+s22], $0x80, s16, s22, $0xb8;
	[tilespmem:$0x1D980] =	vst v63  }
0x66: {  	s17 =	sadd.s32 $0x0, s20  }
0x67: {  	[tilespmem:s2], [sflag:$0x6] =	stream.linear.gather [hbm4b:s17+s4], $0x50, $0x38;
	[tilespmem:$0x1D980] =	vst v63  }
0x68: {  	_ =	swait.ge [sflag:s0], $0x2800  }
0x69: {  	[sflag:s0] =	ssyncset.done $0x0  }
0x6a: {  	[sflag:s0] =	ssyncadd.s32 $0xFFFFD800  }
0x6b: {  	_ =	swait.ge [sflag:s30], $0x50  }
0x6c: {  	[sflag:s30] =	ssyncset.done $0x0  }
0x6d: {  	[sflag:s30] =	ssyncadd.s32 $0xFFFFFFB0  }
0x6e: {  	[spmem:s3] =	stream.indirect.scatter.add.f32 [tilespmem:s25], [sflag:$0x8], $0x80, s26, s22, $0xb8;
	[tilespmem:$0x1D980] =	vst v63  }
0x6f: {  	_ =	swait.ge [sflag:s5], $0x2800  }
0x70: {  	[sflag:s5] =	ssyncset.done $0x0  }
0x71: {  	s10 =	simm.s32 $0x1E0;
	[sflag:s5] =	ssyncadd.s32 $0xFFFFD800  }
0x72: {  	[tilespmem:s23], [sflag:$0x1] =	stream.indirect.gather [hbm4b:s1+s22], $0x80, s10, s22, $0xb8;
	[tilespmem:$0x1D980] =	vst v63  }
0x73: {  	s16 =	sadd.s32 $0x0, s19  }
0x74: {  	[tilespmem:s24], [sflag:$0x4] =	stream.linear.gather [hbm4b:s16+s4], $0x50, $0x38;
	[tilespmem:$0x1D980] =	vst v63  }
0x75: {  	_ =	swait.ge [sflag:s6], $0x2800  }
0x76: {  	[sflag:s6] =	ssyncset.done $0x0  }
0x77: {  	[sflag:s6] =	ssyncadd.s32 $0xFFFFD800  }
0x78: {  	_ =	swait.ge [sflag:s7], $0x50  }
0x79: {  	[sflag:s7] =	ssyncset.done $0x0  }
0x7a: {  	[sflag:s7] =	ssyncadd.s32 $0xFFFFFFB0  }
0x7b: {  	[spmem:s3] =	stream.indirect.scatter.add.f32 [tilespmem:s31], [sflag:$0x9], $0x80, s2, s22, $0xb8;
	[tilespmem:$0x1D980] =	vst v63  }
0x7c: {  	_ =	swait.ge [sflag:s8], $0x2800  }
0x7d: {  	[sflag:s8] =	ssyncset.done $0x0  }
0x7e: {  	s17 =	simm.s32 $0x230;
	[sflag:s8] =	ssyncadd.s32 $0xFFFFD800  }
0x7f: {  	[tilespmem:s25], [sflag:$0x2] =	stream.indirect.gather [hbm4b:s1+s22], $0x80, s17, s22, $0xb8;
	[tilespmem:$0x1D980] =	vst v63  }
0x80: {  	s15 =	simm.s32 $0x1E;
	s16 =	simm.s32 $0x320;
	s17 =	sadd.s32 $0x0, s18  }
.LBB2_2:
0x81: {  	[tilespmem:s26], [sflag:$0x5] =	stream.linear.gather [hbm4b:s17+s4], $0x50, $0x38;
	[tilespmem:$0x1D980] =	vst v63  }
0x82: {  	s17 =	smov.u32 s15  }
0x83: {  	p1 =	sne.s32 s15, $0x492;
	s15 =	sadd.s32 $0x1E, s15;
	_ =	swait.ge [sflag:s28], $0x2800  }
0x84: {  	[sflag:s28] =	ssyncset.done $0x0  }
0x85: {  	[sflag:s28] =	ssyncadd.s32 $0xFFFFD800  }
0x86: {  	_ =	swait.ge [sflag:s29], $0x50  }
0x87: {  	[sflag:s29] =	ssyncset.done $0x0  }
0x88: {  	[sflag:s29] =	ssyncadd.s32 $0xFFFFFFB0  }
0x89: {  	[spmem:s3] =	stream.indirect.scatter.add.f32 [tilespmem:s23], [sflag:$0x7], $0x80, s24, s22, $0xb8;
	[tilespmem:$0x1D980] =	vst v63  }
0x8a: {  	_ =	swait.ge [sflag:s9], $0x2800  }
0x8b: {  	[sflag:s9] =	ssyncset.done $0x0  }
0x8c: {  	s10 =	sadd.s32 $0xFFFFFF60, s16;
	[sflag:s9] =	ssyncadd.s32 $0xFFFFD800  }
0x8d: {  	[tilespmem:s31], [sflag:$0x3] =	stream.indirect.gather [hbm4b:s1+s22], $0x80, s10, s22, $0xb8;
	[tilespmem:$0x1D980] =	vst v63  }
0x8e: {  	s10 =	sadd.s32 s17, s20  }
0x8f: {  	[tilespmem:s2], [sflag:$0x6] =	stream.linear.gather [hbm4b:s10+s4], $0x50, $0x38;
	[tilespmem:$0x1D980] =	vst v63  }
0x90: {  	_ =	swait.ge [sflag:s0], $0x2800  }
0x91: {  	[sflag:s0] =	ssyncset.done $0x0  }
0x92: {  	[sflag:s0] =	ssyncadd.s32 $0xFFFFD800  }
0x93: {  	_ =	swait.ge [sflag:s30], $0x50  }
0x94: {  	[sflag:s30] =	ssyncset.done $0x0  }
0x95: {  	[sflag:s30] =	ssyncadd.s32 $0xFFFFFFB0  }
0x96: {  	[spmem:s3] =	stream.indirect.scatter.add.f32 [tilespmem:s25], [sflag:$0x8], $0x80, s26, s22, $0xb8;
	[tilespmem:$0x1D980] =	vst v63  }
0x97: {  	_ =	swait.ge [sflag:s5], $0x2800  }
0x98: {  	[sflag:s5] =	ssyncset.done $0x0  }
0x99: {  	s10 =	sadd.s32 $0xFFFFFFB0, s16;
	[sflag:s5] =	ssyncadd.s32 $0xFFFFD800  }
0x9a: {  	[tilespmem:s23], [sflag:$0x1] =	stream.indirect.gather [hbm4b:s1+s22], $0x80, s10, s22, $0xb8;
	[tilespmem:$0x1D980] =	vst v63  }
0x9b: {  	s10 =	sadd.s32 s17, s19  }
0x9c: {  	[tilespmem:s24], [sflag:$0x4] =	stream.linear.gather [hbm4b:s10+s4], $0x50, $0x38;
	[tilespmem:$0x1D980] =	vst v63  }
0x9d: {  	_ =	swait.ge [sflag:s6], $0x2800  }
0x9e: {  	[sflag:s6] =	ssyncset.done $0x0  }
0x9f: {  	[sflag:s6] =	ssyncadd.s32 $0xFFFFD800  }
0xa0: {  	_ =	swait.ge [sflag:s7], $0x50  }
0xa1: {  	[sflag:s7] =	ssyncset.done $0x0  }
0xa2: {  	[sflag:s7] =	ssyncadd.s32 $0xFFFFFFB0  }
0xa3: {  	[spmem:s3] =	stream.indirect.scatter.add.f32 [tilespmem:s31], [sflag:$0x9], $0x80, s2, s22, $0xb8;
	[tilespmem:$0x1D980] =	vst v63  }
.Ltmp0:
0xa4: {  	_ =	swait.ge [sflag:s8], $0x2800;
	(pc) =	sbr.rel @p1 .LBB2_2-.Ltmp0, $4  }
0xa5: {  	[sflag:s8] =	ssyncset.done $0x0  }
0xa6: {  	[sflag:s8] =	ssyncadd.s32 $0xFFFFD800  }
0xa7: {  	[tilespmem:s25], [sflag:$0x2] =	stream.indirect.gather [hbm4b:s1+s22], $0x80, s16, s22, $0xb8;
	[tilespmem:$0x1D980] =	vst v63  }
0xa8: {  	s17 =	sadd.s32 s17, s18;
	s16 =	sadd.s32 $0xF0, s16  }
0xa9: {  	[tilespmem:s26], [sflag:$0x5] =	stream.linear.gather [hbm4b:s17+s4], $0x50, $0x38;
	[tilespmem:$0x1D980] =	vst v63  }
0xaa: {  	_ =	swait.ge [sflag:s28], $0x2800  }
0xab: {  	[sflag:s28] =	ssyncset.done $0x0  }
0xac: {  	[sflag:s28] =	ssyncadd.s32 $0xFFFFD800  }
0xad: {  	_ =	swait.ge [sflag:s29], $0x50  }
0xae: {  	[sflag:s29] =	ssyncset.done $0x0  }
0xaf: {  	[sflag:s29] =	ssyncadd.s32 $0xFFFFFFB0  }
0xb0: {  	[spmem:s3] =	stream.indirect.scatter.add.f32 [tilespmem:s23], [sflag:$0x7], $0x80, s24, s22, $0xb8;
	[tilespmem:$0x1D980] =	vst v63  }
0xb1: {  	_ =	swait.ge [sflag:s9], $0x2800  }
0xb2: {  	[sflag:s9] =	ssyncset.done $0x0  }
0xb3: {  	[sflag:s9] =	ssyncadd.s32 $0xFFFFD800  }
0xb4: {  	_ =	swait.ge [sflag:s0], $0x2800  }
0xb5: {  	[sflag:s0] =	ssyncset.done $0x0  }
0xb6: {  	[sflag:s0] =	ssyncadd.s32 $0xFFFFD800  }
0xb7: {  	_ =	swait.ge [sflag:s30], $0x50  }
0xb8: {  	[sflag:s30] =	ssyncset.done $0x0  }
0xb9: {  	[sflag:s30] =	ssyncadd.s32 $0xFFFFFFB0  }
0xba: {  	[spmem:s3] =	stream.indirect.scatter.add.f32 [tilespmem:s25], [sflag:$0x8], $0x80, s26, s22, $0xb8;
	[tilespmem:$0x1D980] =	vst v63  }
0xbb: {  	_ =	swait.ge [sflag:s5], $0x2800  }
0xbc: {  	[sflag:s5] =	ssyncset.done $0x0  }
0xbd: {  	[sflag:s5] =	ssyncadd.s32 $0xFFFFD800  }
0xbe: {  	_ =	swait.ge [sflag:s8], $0x2800  }
0xbf: {  	[sflag:s8] =	ssyncset.done $0x0  }
0xc0: {  	[sflag:s8] =	ssyncadd.s32 $0xFFFFD800  }
0xc1: {  	[bflag:$0x0] =	sbarrier.arrive $0xFFFF  }
0xc2: {  	s10 =	simm.s32 @p0 $0x1FCA;
	s15 =	rddreg [dreg:$0x10]  }
0xc3: {  	[hbm:s15], [sflag:s10] =	dma.local @p0 [spmem:s12], $0x2800  }
0xc4: {  	s10 =	simm.s32 @p0 $0xA  }
0xc5: {  	_ =	swait.ge @p0 [sflag:s10], $0x2800  }
0xc6: {  	[sflag:s10] =	ssyncset.done @p0 $0x0  }
0xc7: {  	[sflag:s10] =	ssyncadd.s32 @p0 $0xFFFFD800;
	s10 =	rddreg [dreg:$0xf]  }
0xc8: {  	[hbm:s10], [sflag:s13] =	dma.local @!p0 [spmem:s14], $0x2700  }
0xc9: {  	s10 =	simm.s32 @!p0 $0xA  }
0xca: {  	_ =	swait.ge @!p0 [sflag:s10], $0x2700  }
0xcb: {  	s11 =	sadd.s32 $0x1, s11;
	s17 =	rddreg [dreg:$0x11]  }
0xcc: {  	p1 =	sne.s32 s11, s17  }
.Ltmp1:
0xcd: {  	_ = 	snop;
	(pc) =	sbr.rel @p1 .LBB2_1-.Ltmp1, $3  }
0xce: {  	_ =	sdelay $0x1  }
0xcf: {  	[sflag:s10] =	ssyncset.done @!p0 $0x0  }
0xd0: {  	[sflag:s10] =	ssyncadd.s32 @!p0 $0xFFFFD900  }
0xd1: {  	_ =	sfence.sel $0x180000  }
0xd2: {  	[bflag:$0x0] =	sbarrier.arrive $0xFFFF  }
0xd3: {  	_ =	strace $0x90000047  }
0xd4: {  	s0 =	stileid.u32;
	[bflag:$0x2] =	sbarrier.arrive $0xFFFF  }
0xd5: {  	p0 =	sne.s32 s0, $0x0;
	s0 =	rddreg [dreg:$0x4]  }
0xd6: {  	s0 =	sadd.s32 @!p0 $0x100000, s0  }
0xd7: {  	[sflag:s0] =	ssyncadd.tile.s32 @!p0 $0x1;
	_ =	shalt  }
.Lfunc_end2:
_tile_overlayer_lowered:
.L_overlay_start_2:
0xd8: {  	(tag) =	ssettag $0x2  }
0xd9: {  	s0 =	rddreg [dreg:$0x0];
	s2 =	stileid.u32  }
0xda: {  	s1 =	rddreg [dreg:$0x1];
	p0 =	sne.s32 s2, $0x0  }
0xdb: {  	s3 =	rddreg [dreg:$0x2];
	[bflag:$0x3] =	sbarrier.arrive $0xFFFF;
	s2 =	simm.s32 @!p0 $0x1C0A  }
0xdc: {  	[timem:s3], [sflag:s2] =	dma.local @!p0 [hbm:s0], s1  }
0xdd: {  	s0 =	simm.s32 @!p0 $0xA  }
0xde: {  	_ =	swait.ge @!p0 [sflag:s0], s1  }
0xdf: {  	s1 =	ssub.s32 @!p0 $0x0, s1;
	[sflag:s0] =	ssyncset.done @!p0 $0x0  }
0xe0: {  	[sflag:s0] =	ssyncadd.s32 @!p0 s1  }
0xe1: {  	[bflag:$0x3] =	sbarrier.arrive $0xFFFF  }
0xe2: {  	_ =	shalt  }

// kernel: kernel.14.cloned.1.call-start
scs
__scs_entry_jumppad:
0x0: {  	(pc) =	sbr.rel $0x88, $3  }
0x1: {  	(tag) =	ssettag $0x0;
	lr =	simm.s32 $0x1  }
0x2: {  	[smem:$0x3F91] =	sst lr;
	_ =	strace $0xD0000000  }
0x3: {  	_ = 	snop  }
0x4: {  	_ = 	snop  }
0x5: {  	_ = 	snop  }
0x6: {  	_ = 	snop  }
0x7: {  	_ = 	snop  }
__scs_overlays_trampoline_lowered:
0x8: {  	[smem:$0x3FA0] =	sst s0  }
0x9: {  	[smem:$0x3FA1] =	sst s1  }
0xa: {  	[smem:$0x3FA2] =	sst s2  }
0xb: {  	[smem:$0x3FA3] =	sst s3  }
0xc: {  	[smem:$0x3FA4] =	sst s4  }
0xd: {  	[smem:$0x3FA5] =	sst s5  }
0xe: {  	[smem:$0x3FA6] =	sst s6  }
0xf: {  	[smem:$0x3FA7] =	sst s7  }
0x10: {  	[smem:$0x3FA8] =	sst s8  }
0x11: {  	[smem:$0x3FA9] =	sst s9;
	s0 =	simm.s32 @!p0 $0x0  }
0x12: {  	s1 =	sld [smem:$0x3F8F];
	s0 =	simm.s32 @p0 $0x1  }
0x13: {  	[smem:$0x3FAA] =	sst s0;
	s0 =	simm.s32 @!p1 $0x0  }
0x14: {  	s2 =	sld [smem:$0x3F8E];
	s0 =	simm.s32 @p1 $0x1  }
0x15: {  	[smem:$0x3FAB] =	sst s0;
	s0 =	simm.s32 @!p2 $0x0  }
0x16: {  	s3 =	sld [smem:$0x3FDB];
	s0 =	simm.s32 @p2 $0x1  }
0x17: {  	s4 =	simm.s32 $0x1BF5;
	[smem:$0x3FAD] =	sst s0  }
0x18: {  	s0 =	sld [smem:$0x3F90];
	_ =	swait.ge [sflag:s4], $0x0  }
0x19: {  	s7 =	sld [smem:$0x3F91]  }
0x1a: {  	s8 =	sadd.s32 $0xFFFFE003, lr  }
0x1b: {  	s9 =	sadd.s32 $0xFFFFFEF7, lr;
	s5 =	simm.s32 $0xFFFFFFFF;
	p2 =	slt.u32 s8, $0xFFFFF086  }
0x1c: {  	p1 =	slt.u32 s9, $0xF7A;
	s5 =	simm.s32 @!p2 $0x0  }
0x1d: {  	s5 =	simm.s32 @p1 $0x1;
	p0 =	seq.s32 s7, s2  }
0x1e: {  	s7 =	smul.u32 @!p0 $0xF7A, s2;
	p2 =	seq.s32 @!p0 s5, $0x0  }
0x1f: {  	s9 =	smul.u32 $0xF7A, s1;
	s8 =	simm.s32 @!p0 $0x1BF5;
	p2 =	por !p2, p0  }
0x20: {  	[sflag:s8] =	ssyncset.s32 @!p0 $0xFFFFF086;
	s6 =	sadd.s32 @!p0 s3, s7;
	s7 =	simm.s32 @!p0 $0x108  }
0x21: {  	s3 =	sadd.s32 s3, s9;
	s6 =	sadd.s32 @!p0 $0x88, s6;
	s7 =	simm.s32 @p2 $0x1082  }
0x22: {  	[simem:s7], [sflag:s8] =	dma.local @!p0 [hbm:s6], $0xF7A  }
0x23: {  	s9 =	sor.u32 $0xD0000000, s2;
	s6 =	simm.s32 $0x108;
	_ =	swait.ge @!p0 [sflag:s8], $0x0  }
0x24: {  	s3 =	sadd.s32 $0x88, s3;
	s6 =	simm.s32 @!p1 $0x1082;
	[sflag:s4] =	ssyncset.s32 $0xFFFFF086  }
0x25: {  	[simem:s6], [sflag:s4] =	dma.local [hbm:s3], $0xF7A  }
0x26: {  	[smem:$0x3F91] =	sst s1;
	(tag) =	ssettag s2;
	_ =	strace s9  }
0x27: {  	s1 =	sld [smem:$0x3FA1]  }
0x28: {  	s2 =	sld [smem:$0x3FA2]  }
0x29: {  	s4 =	sld [smem:$0x3FA4]  }
0x2a: {  	p0 =	seq.s32 s5, $0x0;
	s5 =	sld [smem:$0x3FA5]  }
0x2b: {  	s6 =	sld [smem:$0x3FA6]  }
0x2c: {  	s7 =	sld [smem:$0x3FA7]  }
0x2d: {  	s3 =	simm.s32 $0x108;
	s8 =	sld [smem:$0x3FA8]  }
0x2e: {  	s3 =	simm.s32 @!p0 $0x1082;
	s9 =	sld [smem:$0x3FA9]  }
0x2f: {  	lr =	sadd.s32 s0, s3;
	s0 =	sld [smem:$0x3FA0]  }
0x30: {  	s3 =	sld [smem:$0x3FA3]  }
0x31: {  	[smem:$0x3FAC] =	sst s10  }
0x32: {  	s10 =	sld [smem:$0x3FAA];
	_ =	sdelay $0x3  }
0x33: {  	p0 =	seq.s32 s10, $0x1;
	s10 =	sld [smem:$0x3FAC];
	_ =	sdelay $0x3  }
0x34: {  	[smem:$0x3FAC] =	sst s10  }
0x35: {  	s10 =	sld [smem:$0x3FAB];
	_ =	sdelay $0x3  }
0x36: {  	p1 =	seq.s32 s10, $0x1;
	s10 =	sld [smem:$0x3FAC];
	_ =	sdelay $0x3  }
0x37: {  	[smem:$0x3FAC] =	sst s10  }
0x38: {  	s10 =	sld [smem:$0x3FAD]  }
0x39: {  	_ = 	snop;
	(pc) =	sbr.ind lr, $3  }
0x3a: {  	_ = 	snop  }
0x3b: {  	_ = 	snop  }
0x3c: {  	p2 =	seq.s32 s10, $0x1;
	s10 =	sld [smem:$0x3FAC]  }
0x3d: {  	_ =	shalt  }
0x3e: {  	_ =	shalt  }
0x3f: {  	_ =	shalt  }
0x40: {  	_ =	shalt  }
0x41: {  	_ =	shalt  }
0x42: {  	_ =	shalt  }
0x43: {  	_ =	shalt  }
0x44: {  	_ =	shalt  }
0x45: {  	_ =	shalt  }
0x46: {  	_ =	shalt  }
0x47: {  	_ =	shalt  }
0x48: {  	_ =	shalt  }
0x49: {  	_ =	shalt  }
0x4a: {  	_ =	shalt  }
0x4b: {  	_ =	shalt  }
0x4c: {  	_ =	shalt  }
0x4d: {  	_ =	shalt  }
0x4e: {  	_ =	shalt  }
0x4f: {  	_ =	shalt  }
0x50: {  	_ =	shalt  }
0x51: {  	_ =	shalt  }
0x52: {  	_ =	shalt  }
0x53: {  	_ =	shalt  }
0x54: {  	_ =	shalt  }
0x55: {  	_ =	shalt  }
0x56: {  	_ =	shalt  }
0x57: {  	_ =	shalt  }
0x58: {  	_ =	shalt  }
0x59: {  	_ =	shalt  }
0x5a: {  	_ =	shalt  }
0x5b: {  	_ =	shalt  }
0x5c: {  	_ =	shalt  }
0x5d: {  	_ =	shalt  }
0x5e: {  	_ =	shalt  }
0x5f: {  	_ =	shalt  }
0x60: {  	_ =	shalt  }
0x61: {  	_ =	shalt  }
0x62: {  	_ =	shalt  }
0x63: {  	_ =	shalt  }
0x64: {  	_ =	shalt  }
0x65: {  	_ =	shalt  }
0x66: {  	_ =	shalt  }
0x67: {  	_ =	shalt  }
0x68: {  	_ =	shalt  }
0x69: {  	_ =	shalt  }
0x6a: {  	_ =	shalt  }
0x6b: {  	_ =	shalt  }
0x6c: {  	_ =	shalt  }
0x6d: {  	_ =	shalt  }
0x6e: {  	_ =	shalt  }
0x6f: {  	_ =	shalt  }
0x70: {  	_ =	shalt  }
0x71: {  	_ =	shalt  }
0x72: {  	_ =	shalt  }
0x73: {  	_ =	shalt  }
0x74: {  	_ =	shalt  }
0x75: {  	_ =	shalt  }
0x76: {  	_ =	shalt  }
0x77: {  	_ =	shalt  }
0x78: {  	_ =	shalt  }
0x79: {  	_ =	shalt  }
0x7a: {  	_ =	shalt  }
0x7b: {  	_ =	shalt  }
0x7c: {  	_ =	shalt  }
0x7d: {  	_ =	shalt  }
0x7e: {  	_ =	shalt  }
0x7f: {  	_ =	shalt  }
0x80: {  	_ =	shalt  }
0x81: {  	_ =	shalt  }
0x82: {  	_ =	shalt  }
0x83: {  	_ =	shalt  }
0x84: {  	_ =	shalt  }
0x85: {  	_ =	shalt  }
0x86: {  	_ =	shalt  }
0x87: {  	_ =	shalt  }
.Lfunc_end0:
.L_simem_size_0:
called_computation.1_lowered:
.L_overlay_start_0:
0x88: {  	s2 =	sld [smem:$0x3FD9]  }
0x89: {  	s3 =	sld [smem:$0x3FFE];
	_ =	sdelay $0x1  }
0x8a: {  	s1 =	srdreg.scid  }
0x8b: {  	s0 =	sand.u32 $0x1, s1  }
0x8c: {  	s17 =	sshll.u32 s0, $0xA;
	s2 =	sadd.s32 s3, s2  }
0x8d: {  	s2 =	sadd.s32 s2, s17  }
0x8e: {  	[smem:$0x3FB8] =	sst s2  }
0x8f: {  	_ = 	snop  }
0x90: {  	s2 =	sld [smem:$0x3FD0];
	(tm) =	ssettm $0x1  }
0x91: {  	s18 =	sld [smem:$0x3FFB];
	_ =	sdelay $0x3  }
0x92: {  	_ =	strace s18  }
0x93: {  	s3 =	sld [smem:$0x3FFC];
	_ =	sdelay $0x3  }
0x94: {  	_ =	strace s3  }
0x95: {  	s3 =	sld [smem:$0x3FFD];
	_ =	sdelay $0x3  }
0x96: {  	_ =	strace s3  }
0x97: {  	_ =	strace $0x8FFFFFFF  }
0x98: {  	s19 =	sld [smem:$0x3FDB];
	_ =	sdelay $0x1  }
0x99: {  	s4 =	simm.s32 $_scs_section_size  }
0x9a: {  	s5 =	simm.s32 $_size__tile_overlayer_lowered;
	s6 =	simm.s32 $_tile_overlayer_lowered  }
0x9b: {  	s22 =	simm.s32 $0x1BFF;
	s21 =	sshll.u32 s6, $0x1;
	s3 =	sadd.s32 s4, s19  }
0x9c: {  	s7 =	simm.s32 $0x0;
	s20 =	sshll.u32 s5, $0x1;
	s5 =	sadd.s32 s21, s3  }
0x9d: {  	[timem:s7], [sflag:s22] =	dma.local [hbm:s5], s20  }
0x9e: {  	_ =	swait.ge [sflag:s22], s20  }
0x9f: {  	s4 =	ssub.s32 $0x0, s20;
	[sflag:s22] =	ssyncset.done $0x0  }
0xa0: {  	[sflag:s22] =	ssyncadd.s32 s4;
	_ =	sdelay $0x1  }
0xa1: {  	s23 =	simm.s32 $0x1B8B  }
0xa2: {  	_ =	swait.ge [sflag:s23], $0x1  }
0xa3: {  	[sflag:s23] =	ssyncset.done $0x0  }
0xa4: {  	s25 =	simm.s32 $0x1B8E;
	s24 =	sld [smem:$0x3FFE];
	[sflag:s23] =	ssyncadd.s32 $0xFFFFFFFF  }
0xa5: {  	s26 =	simm.s32 $execute0_lowered;
	[smem:$0x3FD2] =	sst s25  }
0xa6: {  	s5 =	sshll.u32 s26, $0x1;
	_ =	strace $0x80000049;
	[dreg:$0x1] =	wrdreg $0xFFFFFFFF  }
0xa7: {  	s28 =	simm.s32 $_size_execute0_lowered;
	s3 =	sadd.s32 s3, s5;
	[dreg:$0x0] =	wrdreg $0x0  }
0xa8: {  	s5 =	sshll.u32 s28, $0x1;
	[dreg:$0x2] =	wrdreg s3  }
0xa9: {  	[dreg:$0x3] =	wrdreg s5  }
0xaa: {  	[dreg:$0x4] =	wrdreg $0xC0  }
0xab: {  	_ =	task [dreg:s7], $0x5FFFF  }
0xac: {  	[dreg:$0x1] =	wrdreg $0xFFFFFFFF  }
0xad: {  	[dreg:$0x0] =	wrdreg $0x60  }
0xae: {  	[dreg:$0x2] =	wrdreg s24  }
0xaf: {  	[dreg:$0x3] =	wrdreg s2  }
0xb0: {  	[dreg:$0x4] =	wrdreg $0xA1000  }
0xb1: {  	[dreg:$0x5] =	wrdreg $0x9  }
0xb2: {  	_ =	task.clear_ibuf [dreg:s7], $0x6FFFF;
	_ =	strace $0x90000049  }
0xb3: {  	s29 =	simm.s32 $0x9;
	_ =	strace $0x8000004B  }
0xb4: {  	_ =	swait.ge [sflag:s29], $0x1  }
0xb5: {  	[sflag:s29] =	ssyncadd.s32 $0xFFFFFFFF  }
0xb6: {  	_ =	strace $0x9000004B  }
0xb7: {  	_ =	sfence  }
0xb8: {  	s30 =	sld [smem:$0x0];
	_ =	sdelay $0x2  }
0xb9: {  	s31 =	sshll.u32 s1, $0xD;
	s1 =	sshrl.u32 s1, $0x2  }
0xba: {  	s3 =	sand.u32 $0x4000, s31;
	s1 =	sadd.s32 s1, s30  }
0xbb: {  	s0 =	sor.u32 s3, s0;
	s1 =	sshll.u32 s1, $0x11  }
0xbc: {  	s0 =	sor.u32 s1, s0  }
0xbd: {  	s0 =	sadd.s32 $0x8F2B, s0  }
0xbe: {  	[sflag:s0] =	ssyncadd.remote.s32 $0x1  }
0xbf: {  	_ =	sfence.sel $0xFFFF  }
0xc0: {  	[dreg:$0x0] =	wrdreg $0xFFFFFFFF;
	(pc) =	sbr.abs _section_cstart, $3  }
0xc1: {  	[dreg:$0x1] =	wrdreg $0xFFFFFFFF  }
0xc2: {  	_ =	task.clear_ibuf [dreg:s7], $0x2FFFF;
	_ =	strace $0x9FFFFFFF  }
0xc3: {  	(tm) =	ssettm $0x7FFFFFFF  }
tec
execute0_lowered:
.L_overlay_start_1:
0x0: {  	(tag) =	ssettag $0x1  }
0x1: {  	s1 =	rddreg [dreg:$0x0]  }
0x2: {  	s0 =	srdreg.scid;
	s5 =	rddreg [dreg:$0x1]  }
0x3: {  	s13 =	stileid.u32;
	s2 =	rddreg [dreg:$0x2]  }
0x4: {  	s28 =	simm.s32 $0x1;
	s29 =	simm.s32 $0x4;
	s8 =	smul.u32 $0x4E000, s13  }
0x5: {  	s31 =	simm.s32 $0x7900;
	s30 =	simm.s32 $0x5;
	s12 =	smul.u32 $0x2700, s13  }
0x6: {  	s0 =	sand.u32 $0x1, s0;
	s9 =	sadd.s32 $0x4000, s1;
	s19 =	smul.u32 $0x13800, s13  }
0x7: {  	s16 =	sadd.s32 $0x124800, s2;
	s22 =	smul.u32 $0x2710, s13;
	p0 =	seq.s32 s13, $0xF  }
0x8: {  	s3 =	sshll.u32 s0, $0x4;
	s10 =	ssub.s32 $0x2, s0;
	s17 =	smul.u32 $0x138800, s0  }
0x9: {  	s4 =	sor.u32 s13, s3;
	s3 =	simm.s32 $0x0;
	s8 =	sshrl.u32 s8, $0x2  }
0xa: {  	s0 =	smul.u32 $0x27100, s0;
	[smem:$0x7FF] =	sst s3;
	s14 =	sadd.s32 s8, s2  }
0xb: {  	s15 =	sadd.s32 s5, s12;
	_ =	strace $0x8000004A;
	[dreg:$0x5] =	wrdreg s14  }
0xc: {  	s11 =	sshrl.u32 s10, $0x1;
	s5 =	sadd.s32 $0x24900, s5;
	[dreg:$0x6] =	wrdreg s15  }
0xd: {  	s4 =	smul.u32 $0x2710, s4;
	s11 =	ssub.s32 s10, s11;
	[dreg:$0x7] =	wrdreg s16  }
0xe: {  	s0 =	sadd.s32 s22, s0;
	s22 =	simm.s32 $0x50;
	[dreg:$0x8] =	wrdreg s5  }
0xf: {  	s5 =	sadd.s32 s19, s17;
	s23 =	smax.u32 s11, $0x1;
	s24 =	sadd.s32 $0x230, s0  }
0x10: {  	s25 =	sadd.s32 $0x1E0, s0;
	s0 =	sadd.s32 $0x190, s0;
	s11 =	simm.s32 $0x0  }
0x11: {  	s6 =	sshrl.u32 s4, $0x3;
	s4 =	sadd.s32 $0x17C00, s1;
	s5 =	sshrl.u32 s5, $0x3  }
0x12: {  	[dreg:$0x10] =	wrdreg s23;
	s7 =	sadd.s32 s6, s1;
	s18 =	sadd.s32 s9, s6  }
0x13: {  	s26 =	sshrl.u32 s25, $0x3;
	s7 =	sadd.s32 $0xDE00, s7;
	[dreg:$0x9] =	wrdreg s18  }
0x14: {  	s0 =	sshrl.u32 s0, $0x3;
	s6 =	sadd.s32 $0xA, s18;
	[dreg:$0x4] =	wrdreg s7  }
0x15: {  	s23 =	simm.s32 $0x2900;
	s20 =	sadd.s32 $0x14, s18;
	[dreg:$0xa] =	wrdreg s6  }
0x16: {  	s25 =	simm.s32 $0x5100;
	s21 =	sadd.s32 $0x1E, s18;
	[dreg:$0xb] =	wrdreg s20  }
0x17: {  	s1 =	sadd.s32 $0x3EE00, s1;
	s8 =	sadd.s32 $0x28, s18;
	[dreg:$0xc] =	wrdreg s21  }
0x18: {  	s19 =	sadd.s32 s26, s9;
	s5 =	sadd.s32 s1, s5;
	[dreg:$0xd] =	wrdreg s8  }
0x19: {  	s26 =	simm.s32 $0x2800;
	s7 =	sshrl.u32 s17, $0x3;
	[dreg:$0xe] =	wrdreg s5  }
0x1a: {  	s20 =	sadd.s32 s0, s9;
	s21 =	simm.s32 $0xA;
	s0 =	simm.s32 $0x2  }
0x1b: {  	s5 =	simm.s32 $0x7;
	s6 =	simm.s32 $0x3;
	s1 =	sadd.s32 s1, s7  }
0x1c: {  	s8 =	simm.s32 $0x8;
	s7 =	simm.s32 $0x6;
	s1 =	sadd.s32 $0x24900, s1  }
0x1d: {  	[dreg:$0xf] =	wrdreg s1;
	s1 =	sshrl.u32 s24, $0x3;
	s24 =	simm.s32 $0x2780  }
0x1e: {  	s18 =	sadd.s32 s1, s9;
	s1 =	simm.s32 $0x2880;
	s9 =	simm.s32 $0x9  }
.LBB2_1:
0x1f: {  	s10 =	rddreg [dreg:$0x4]  }
0x20: {  	[tilespmem:s3], [sflag:$0xA] =	stream.linear.gather [hbm4b:s10+s3], $0x2710, $0x38;
	[tilespmem:$0x1D980] =	vst v63  }
0x21: {  	_ =	swait.ge [sflag:s21], $0x2710  }
0x22: {  	s13 =	simm.s32 @p0 $0x1FCA;
	[sflag:s21] =	ssyncset.done $0x0;
	s10 =	rddreg [dreg:$0x7]  }
0x23: {  	[sflag:s21] =	ssyncadd.s32 $0xFFFFD8F0;
	s12 =	sshrl.u32 @p0 s10, $0x3;
	s10 =	rddreg [dreg:$0x8]  }
0x24: {  	[spmem:s12], [sflag:s13] =	dma.local @p0 [hbm:s10], $0x2800  }
0x25: {  	s13 =	simm.s32 @p0 $0xA  }
0x26: {  	_ =	swait.ge @p0 [sflag:s13], $0x2800  }
0x27: {  	s15 =	simm.s32 @!p0 $0xA;
	s10 =	stileid.u32;
	[sflag:s13] =	ssyncset.done @p0 $0x0  }
0x28: {  	s14 =	sshll.u32 @!p0 s10, $0x6;
	s10 =	rddreg [dreg:$0x5];
	[sflag:s13] =	ssyncadd.s32 @p0 $0xFFFFD800  }
0x29: {  	s13 =	sor.u32 @!p0 $0x1C0A, s14;
	s14 =	sshrl.u32 @!p0 s10, $0x3;
	s10 =	rddreg [dreg:$0x6]  }
0x2a: {  	[spmem:s14], [sflag:s13] =	dma.local @!p0 [hbm:s10], $0x2700  }
0x2b: {  	_ =	swait.ge @!p0 [sflag:s15], $0x2700  }
0x2c: {  	[sflag:s15] =	ssyncset.done @!p0 $0x0  }
0x2d: {  	[sflag:s15] =	ssyncadd.s32 @!p0 $0xFFFFD900  }
0x2e: {  	[bflag:$0x0] =	sbarrier.arrive $0xFFFF  }
0x2f: {  	[tilespmem:s23], [sflag:$0x1] =	stream.indirect.gather [hbm4b:s4+s22], $0x80, s3, s22, $0xb8;
	[tilespmem:$0x1D980] =	vst v63  }
0x30: {  	s17 =	rddreg [dreg:$0x9]  }
0x31: {  	[tilespmem:s24], [sflag:$0x4] =	stream.linear.gather [hbm4b:s17+s3], $0x50, $0x38;
	[tilespmem:$0x1D980] =	vst v63  }
0x32: {  	_ = 	snop  }
0x33: {  	[tilespmem:s25], [sflag:$0x2] =	stream.indirect.gather [hbm4b:s4+s22], $0x80, s22, s22, $0xb8;
	[tilespmem:$0x1D980] =	vst v63  }
0x34: {  	s15 =	rddreg [dreg:$0xa]  }
0x35: {  	[tilespmem:s26], [sflag:$0x5] =	stream.linear.gather [hbm4b:s15+s3], $0x50, $0x38;
	[tilespmem:$0x1D980] =	vst v63  }
0x36: {  	_ =	swait.ge [sflag:s28], $0x2800  }
0x37: {  	[sflag:s28] =	ssyncset.done $0x0  }
0x38: {  	[sflag:s28] =	ssyncadd.s32 $0xFFFFD800  }
0x39: {  	_ =	swait.ge [sflag:s29], $0x50  }
0x3a: {  	[sflag:s29] =	ssyncset.done $0x0  }
0x3b: {  	[sflag:s29] =	ssyncadd.s32 $0xFFFFFFB0  }
0x3c: {  	[spmem:s2] =	stream.indirect.scatter.add.f32 [tilespmem:s23], [sflag:$0x7], $0x80, s24, s22, $0xb8;
	[tilespmem:$0x1D980] =	vst v63  }
0x3d: {  	s16 =	simm.s32 $0xA0  }
0x3e: {  	[tilespmem:s31], [sflag:$0x3] =	stream.indirect.gather [hbm4b:s4+s22], $0x80, s16, s22, $0xb8;
	[tilespmem:$0x1D980] =	vst v63  }
0x3f: {  	s17 =	rddreg [dreg:$0xb]  }
0x40: {  	[tilespmem:s1], [sflag:$0x6] =	stream.linear.gather [hbm4b:s17+s3], $0x50, $0x38;
	[tilespmem:$0x1D980] =	vst v63  }
0x41: {  	_ =	swait.ge [sflag:s0], $0x2800  }
0x42: {  	[sflag:s0] =	ssyncset.done $0x0  }
0x43: {  	[sflag:s0] =	ssyncadd.s32 $0xFFFFD800  }
0x44: {  	_ =	swait.ge [sflag:s30], $0x50  }
0x45: {  	[sflag:s30] =	ssyncset.done $0x0  }
0x46: {  	[sflag:s30] =	ssyncadd.s32 $0xFFFFFFB0  }
0x47: {  	[spmem:s2] =	stream.indirect.scatter.add.f32 [tilespmem:s25], [sflag:$0x8], $0x80, s26, s22, $0xb8;
	[tilespmem:$0x1D980] =	vst v63  }
0x48: {  	_ =	swait.ge [sflag:s5], $0x2800  }
0x49: {  	[sflag:s5] =	ssyncset.done $0x0  }
0x4a: {  	s15 =	simm.s32 $0xF0;
	[sflag:s5] =	ssyncadd.s32 $0xFFFFD800  }
0x4b: {  	[tilespmem:s23], [sflag:$0x1] =	stream.indirect.gather [hbm4b:s4+s22], $0x80, s15, s22, $0xb8;
	[tilespmem:$0x1D980] =	vst v63  }
0x4c: {  	s16 =	rddreg [dreg:$0xc]  }
0x4d: {  	[tilespmem:s24], [sflag:$0x4] =	stream.linear.gather [hbm4b:s16+s3], $0x50, $0x38;
	[tilespmem:$0x1D980] =	vst v63  }
0x4e: {  	_ =	swait.ge [sflag:s6], $0x2800  }
0x4f: {  	[sflag:s6] =	ssyncset.done $0x0  }
0x50: {  	[sflag:s6] =	ssyncadd.s32 $0xFFFFD800  }
0x51: {  	_ =	swait.ge [sflag:s7], $0x50  }
0x52: {  	[sflag:s7] =	ssyncset.done $0x0  }
0x53: {  	[sflag:s7] =	ssyncadd.s32 $0xFFFFFFB0  }
0x54: {  	[spmem:s2] =	stream.indirect.scatter.add.f32 [tilespmem:s31], [sflag:$0x9], $0x80, s1, s22, $0xb8;
	[tilespmem:$0x1D980] =	vst v63  }
0x55: {  	_ =	swait.ge [sflag:s8], $0x2800  }
0x56: {  	[sflag:s8] =	ssyncset.done $0x0  }
0x57: {  	s17 =	simm.s32 $0x140;
	[sflag:s8] =	ssyncadd.s32 $0xFFFFD800  }
0x58: {  	[tilespmem:s25], [sflag:$0x2] =	stream.indirect.gather [hbm4b:s4+s22], $0x80, s17, s22, $0xb8;
	[tilespmem:$0x1D980] =	vst v63  }
0x59: {  	s15 =	rddreg [dreg:$0xd]  }
0x5a: {  	[tilespmem:s26], [sflag:$0x5] =	stream.linear.gather [hbm4b:s15+s3], $0x50, $0x38;
	[tilespmem:$0x1D980] =	vst v63  }
0x5b: {  	_ =	swait.ge [sflag:s28], $0x2800  }
0x5c: {  	[sflag:s28] =	ssyncset.done $0x0  }
0x5d: {  	[sflag:s28] =	ssyncadd.s32 $0xFFFFD800  }
0x5e: {  	_ =	swait.ge [sflag:s29], $0x50  }
0x5f: {  	[sflag:s29] =	ssyncset.done $0x0  }
0x60: {  	[sflag:s29] =	ssyncadd.s32 $0xFFFFFFB0  }
0x61: {  	[spmem:s2] =	stream.indirect.scatter.add.f32 [tilespmem:s23], [sflag:$0x7], $0x80, s24, s22, $0xb8;
	[tilespmem:$0x1D980] =	vst v63  }
0x62: {  	_ =	swait.ge [sflag:s9], $0x2800  }
0x63: {  	[sflag:s9] =	ssyncset.done $0x0  }
0x64: {  	s16 =	simm.s32 $0x190;
	[sflag:s9] =	ssyncadd.s32 $0xFFFFD800  }
0x65: {  	[tilespmem:s31], [sflag:$0x3] =	stream.indirect.gather [hbm4b:s4+s22], $0x80, s16, s22, $0xb8;
	[tilespmem:$0x1D980] =	vst v63  }
0x66: {  	s17 =	sadd.s32 $0x0, s20  }
0x67: {  	[tilespmem:s1], [sflag:$0x6] =	stream.linear.gather [hbm4b:s17+s3], $0x50, $0x38;
	[tilespmem:$0x1D980] =	vst v63  }
0x68: {  	_ =	swait.ge [sflag:s0], $0x2800  }
0x69: {  	[sflag:s0] =	ssyncset.done $0x0  }
0x6a: {  	[sflag:s0] =	ssyncadd.s32 $0xFFFFD800  }
0x6b: {  	_ =	swait.ge [sflag:s30], $0x50  }
0x6c: {  	[sflag:s30] =	ssyncset.done $0x0  }
0x6d: {  	[sflag:s30] =	ssyncadd.s32 $0xFFFFFFB0  }
0x6e: {  	[spmem:s2] =	stream.indirect.scatter.add.f32 [tilespmem:s25], [sflag:$0x8], $0x80, s26, s22, $0xb8;
	[tilespmem:$0x1D980] =	vst v63  }
0x6f: {  	_ =	swait.ge [sflag:s5], $0x2800  }
0x70: {  	[sflag:s5] =	ssyncset.done $0x0  }
0x71: {  	s10 =	simm.s32 $0x1E0;
	[sflag:s5] =	ssyncadd.s32 $0xFFFFD800  }
0x72: {  	[tilespmem:s23], [sflag:$0x1] =	stream.indirect.gather [hbm4b:s4+s22], $0x80, s10, s22, $0xb8;
	[tilespmem:$0x1D980] =	vst v63  }
0x73: {  	s16 =	sadd.s32 $0x0, s19  }
0x74: {  	[tilespmem:s24], [sflag:$0x4] =	stream.linear.gather [hbm4b:s16+s3], $0x50, $0x38;
	[tilespmem:$0x1D980] =	vst v63  }
0x75: {  	_ =	swait.ge [sflag:s6], $0x2800  }
0x76: {  	[sflag:s6] =	ssyncset.done $0x0  }
0x77: {  	[sflag:s6] =	ssyncadd.s32 $0xFFFFD800  }
0x78: {  	_ =	swait.ge [sflag:s7], $0x50  }
0x79: {  	[sflag:s7] =	ssyncset.done $0x0  }
0x7a: {  	[sflag:s7] =	ssyncadd.s32 $0xFFFFFFB0  }
0x7b: {  	[spmem:s2] =	stream.indirect.scatter.add.f32 [tilespmem:s31], [sflag:$0x9], $0x80, s1, s22, $0xb8;
	[tilespmem:$0x1D980] =	vst v63  }
0x7c: {  	_ =	swait.ge [sflag:s8], $0x2800  }
0x7d: {  	[sflag:s8] =	ssyncset.done $0x0  }
0x7e: {  	s17 =	simm.s32 $0x230;
	[sflag:s8] =	ssyncadd.s32 $0xFFFFD800  }
0x7f: {  	[tilespmem:s25], [sflag:$0x2] =	stream.indirect.gather [hbm4b:s4+s22], $0x80, s17, s22, $0xb8;
	[tilespmem:$0x1D980] =	vst v63  }
0x80: {  	s15 =	simm.s32 $0x1E;
	s16 =	simm.s32 $0x320;
	s17 =	sadd.s32 $0x0, s18  }
.LBB2_2:
0x81: {  	[tilespmem:s26], [sflag:$0x5] =	stream.linear.gather [hbm4b:s17+s3], $0x50, $0x38;
	[tilespmem:$0x1D980] =	vst v63  }
0x82: {  	s17 =	smov.u32 s15  }
0x83: {  	p1 =	sne.s32 s15, $0x492;
	s15 =	sadd.s32 $0x1E, s15;
	_ =	swait.ge [sflag:s28], $0x2800  }
0x84: {  	[sflag:s28] =	ssyncset.done $0x0  }
0x85: {  	[sflag:s28] =	ssyncadd.s32 $0xFFFFD800  }
0x86: {  	_ =	swait.ge [sflag:s29], $0x50  }
0x87: {  	[sflag:s29] =	ssyncset.done $0x0  }
0x88: {  	[sflag:s29] =	ssyncadd.s32 $0xFFFFFFB0  }
0x89: {  	[spmem:s2] =	stream.indirect.scatter.add.f32 [tilespmem:s23], [sflag:$0x7], $0x80, s24, s22, $0xb8;
	[tilespmem:$0x1D980] =	vst v63  }
0x8a: {  	_ =	swait.ge [sflag:s9], $0x2800  }
0x8b: {  	[sflag:s9] =	ssyncset.done $0x0  }
0x8c: {  	s10 =	sadd.s32 $0xFFFFFF60, s16;
	[sflag:s9] =	ssyncadd.s32 $0xFFFFD800  }
0x8d: {  	[tilespmem:s31], [sflag:$0x3] =	stream.indirect.gather [hbm4b:s4+s22], $0x80, s10, s22, $0xb8;
	[tilespmem:$0x1D980] =	vst v63  }
0x8e: {  	s10 =	sadd.s32 s17, s20  }
0x8f: {  	[tilespmem:s1], [sflag:$0x6] =	stream.linear.gather [hbm4b:s10+s3], $0x50, $0x38;
	[tilespmem:$0x1D980] =	vst v63  }
0x90: {  	_ =	swait.ge [sflag:s0], $0x2800  }
0x91: {  	[sflag:s0] =	ssyncset.done $0x0  }
0x92: {  	[sflag:s0] =	ssyncadd.s32 $0xFFFFD800  }
0x93: {  	_ =	swait.ge [sflag:s30], $0x50  }
0x94: {  	[sflag:s30] =	ssyncset.done $0x0  }
0x95: {  	[sflag:s30] =	ssyncadd.s32 $0xFFFFFFB0  }
0x96: {  	[spmem:s2] =	stream.indirect.scatter.add.f32 [tilespmem:s25], [sflag:$0x8], $0x80, s26, s22, $0xb8;
	[tilespmem:$0x1D980] =	vst v63  }
0x97: {  	_ =	swait.ge [sflag:s5], $0x2800  }
0x98: {  	[sflag:s5] =	ssyncset.done $0x0  }
0x99: {  	s10 =	sadd.s32 $0xFFFFFFB0, s16;
	[sflag:s5] =	ssyncadd.s32 $0xFFFFD800  }
0x9a: {  	[tilespmem:s23], [sflag:$0x1] =	stream.indirect.gather [hbm4b:s4+s22], $0x80, s10, s22, $0xb8;
	[tilespmem:$0x1D980] =	vst v63  }
0x9b: {  	s10 =	sadd.s32 s17, s19  }
0x9c: {  	[tilespmem:s24], [sflag:$0x4] =	stream.linear.gather [hbm4b:s10+s3], $0x50, $0x38;
	[tilespmem:$0x1D980] =	vst v63  }
0x9d: {  	_ =	swait.ge [sflag:s6], $0x2800  }
0x9e: {  	[sflag:s6] =	ssyncset.done $0x0  }
0x9f: {  	[sflag:s6] =	ssyncadd.s32 $0xFFFFD800  }
0xa0: {  	_ =	swait.ge [sflag:s7], $0x50  }
0xa1: {  	[sflag:s7] =	ssyncset.done $0x0  }
0xa2: {  	[sflag:s7] =	ssyncadd.s32 $0xFFFFFFB0  }
0xa3: {  	[spmem:s2] =	stream.indirect.scatter.add.f32 [tilespmem:s31], [sflag:$0x9], $0x80, s1, s22, $0xb8;
	[tilespmem:$0x1D980] =	vst v63  }
.Ltmp0:
0xa4: {  	_ =	swait.ge [sflag:s8], $0x2800;
	(pc) =	sbr.rel @p1 .LBB2_2-.Ltmp0, $4  }
0xa5: {  	[sflag:s8] =	ssyncset.done $0x0  }
0xa6: {  	[sflag:s8] =	ssyncadd.s32 $0xFFFFD800  }
0xa7: {  	[tilespmem:s25], [sflag:$0x2] =	stream.indirect.gather [hbm4b:s4+s22], $0x80, s16, s22, $0xb8;
	[tilespmem:$0x1D980] =	vst v63  }
0xa8: {  	s17 =	sadd.s32 s17, s18;
	s16 =	sadd.s32 $0xF0, s16  }
0xa9: {  	[tilespmem:s26], [sflag:$0x5] =	stream.linear.gather [hbm4b:s17+s3], $0x50, $0x38;
	[tilespmem:$0x1D980] =	vst v63  }
0xaa: {  	_ =	swait.ge [sflag:s28], $0x2800  }
0xab: {  	[sflag:s28] =	ssyncset.done $0x0  }
0xac: {  	[sflag:s28] =	ssyncadd.s32 $0xFFFFD800  }
0xad: {  	_ =	swait.ge [sflag:s29], $0x50  }
0xae: {  	[sflag:s29] =	ssyncset.done $0x0  }
0xaf: {  	[sflag:s29] =	ssyncadd.s32 $0xFFFFFFB0  }
0xb0: {  	[spmem:s2] =	stream.indirect.scatter.add.f32 [tilespmem:s23], [sflag:$0x7], $0x80, s24, s22, $0xb8;
	[tilespmem:$0x1D980] =	vst v63  }
0xb1: {  	_ =	swait.ge [sflag:s9], $0x2800  }
0xb2: {  	[sflag:s9] =	ssyncset.done $0x0  }
0xb3: {  	[sflag:s9] =	ssyncadd.s32 $0xFFFFD800  }
0xb4: {  	_ =	swait.ge [sflag:s0], $0x2800  }
0xb5: {  	[sflag:s0] =	ssyncset.done $0x0  }
0xb6: {  	[sflag:s0] =	ssyncadd.s32 $0xFFFFD800  }
0xb7: {  	_ =	swait.ge [sflag:s30], $0x50  }
0xb8: {  	[sflag:s30] =	ssyncset.done $0x0  }
0xb9: {  	[sflag:s30] =	ssyncadd.s32 $0xFFFFFFB0  }
0xba: {  	[spmem:s2] =	stream.indirect.scatter.add.f32 [tilespmem:s25], [sflag:$0x8], $0x80, s26, s22, $0xb8;
	[tilespmem:$0x1D980] =	vst v63  }
0xbb: {  	_ =	swait.ge [sflag:s5], $0x2800  }
0xbc: {  	[sflag:s5] =	ssyncset.done $0x0  }
0xbd: {  	[sflag:s5] =	ssyncadd.s32 $0xFFFFD800  }
0xbe: {  	_ =	swait.ge [sflag:s8], $0x2800  }
0xbf: {  	[sflag:s8] =	ssyncset.done $0x0  }
0xc0: {  	[sflag:s8] =	ssyncadd.s32 $0xFFFFD800  }
0xc1: {  	[bflag:$0x0] =	sbarrier.arrive $0xFFFF  }
0xc2: {  	s10 =	simm.s32 @p0 $0x1FCA;
	s15 =	rddreg [dreg:$0xf]  }
0xc3: {  	[hbm:s15], [sflag:s10] =	dma.local @p0 [spmem:s12], $0x2800  }
0xc4: {  	s10 =	simm.s32 @p0 $0xA  }
0xc5: {  	_ =	swait.ge @p0 [sflag:s10], $0x2800  }
0xc6: {  	[sflag:s10] =	ssyncset.done @p0 $0x0  }
0xc7: {  	[sflag:s10] =	ssyncadd.s32 @p0 $0xFFFFD800;
	s10 =	rddreg [dreg:$0xe]  }
0xc8: {  	[hbm:s10], [sflag:s13] =	dma.local @!p0 [spmem:s14], $0x2700  }
0xc9: {  	s10 =	simm.s32 @!p0 $0xA  }
0xca: {  	_ =	swait.ge @!p0 [sflag:s10], $0x2700  }
0xcb: {  	s11 =	sadd.s32 $0x1, s11;
	s17 =	rddreg [dreg:$0x10]  }
0xcc: {  	p1 =	sne.s32 s11, s17  }
.Ltmp1:
0xcd: {  	_ = 	snop;
	(pc) =	sbr.rel @p1 .LBB2_1-.Ltmp1, $3  }
0xce: {  	_ =	sdelay $0x1  }
0xcf: {  	[sflag:s10] =	ssyncset.done @!p0 $0x0  }
0xd0: {  	[sflag:s10] =	ssyncadd.s32 @!p0 $0xFFFFD900  }
0xd1: {  	_ =	sfence.sel $0x180000  }
0xd2: {  	[bflag:$0x0] =	sbarrier.arrive $0xFFFF  }
0xd3: {  	_ =	strace $0x9000004A  }
0xd4: {  	s0 =	stileid.u32;
	[bflag:$0x2] =	sbarrier.arrive $0xFFFF  }
0xd5: {  	p0 =	sne.s32 s0, $0x0;
	s0 =	rddreg [dreg:$0x3]  }
0xd6: {  	s0 =	sadd.s32 @!p0 $0x100000, s0  }
0xd7: {  	[sflag:s0] =	ssyncadd.tile.s32 @!p0 $0x1;
	_ =	shalt  }
.Lfunc_end2:
_tile_overlayer_lowered:
.L_overlay_start_2:
0xd8: {  	(tag) =	ssettag $0x2  }
0xd9: {  	s0 =	rddreg [dreg:$0x0];
	s2 =	stileid.u32  }
0xda: {  	s1 =	rddreg [dreg:$0x1];
	p0 =	sne.s32 s2, $0x0  }
0xdb: {  	s3 =	rddreg [dreg:$0x2];
	[bflag:$0x3] =	sbarrier.arrive $0xFFFF;
	s2 =	simm.s32 @!p0 $0x1C0A  }
0xdc: {  	[timem:s3], [sflag:s2] =	dma.local @!p0 [hbm:s0], s1  }
0xdd: {  	s0 =	simm.s32 @!p0 $0xA  }
0xde: {  	_ =	swait.ge @!p0 [sflag:s0], s1  }
0xdf: {  	s1 =	ssub.s32 @!p0 $0x0, s1;
	[sflag:s0] =	ssyncset.done @!p0 $0x0  }
0xe0: {  	[sflag:s0] =	ssyncadd.s32 @!p0 s1  }
0xe1: {  	[bflag:$0x3] =	sbarrier.arrive $0xFFFF  }
0xe2: {  	_ =	shalt  }

// kernel: kernel.17.cloned.1.call-start
scs
__scs_entry_jumppad:
0x0: {  	(pc) =	sbr.rel $0x88, $3  }
0x1: {  	(tag) =	ssettag $0x0;
	lr =	simm.s32 $0x1  }
0x2: {  	[smem:$0x3F91] =	sst lr;
	_ =	strace $0xD0000000  }
0x3: {  	_ = 	snop  }
0x4: {  	_ = 	snop  }
0x5: {  	_ = 	snop  }
0x6: {  	_ = 	snop  }
0x7: {  	_ = 	snop  }
__scs_overlays_trampoline_lowered:
0x8: {  	[smem:$0x3FA0] =	sst s0  }
0x9: {  	[smem:$0x3FA1] =	sst s1  }
0xa: {  	[smem:$0x3FA2] =	sst s2  }
0xb: {  	[smem:$0x3FA3] =	sst s3  }
0xc: {  	[smem:$0x3FA4] =	sst s4  }
0xd: {  	[smem:$0x3FA5] =	sst s5  }
0xe: {  	[smem:$0x3FA6] =	sst s6  }
0xf: {  	[smem:$0x3FA7] =	sst s7  }
0x10: {  	[smem:$0x3FA8] =	sst s8  }
0x11: {  	[smem:$0x3FA9] =	sst s9;
	s0 =	simm.s32 @!p0 $0x0  }
0x12: {  	s1 =	sld [smem:$0x3F8F];
	s0 =	simm.s32 @p0 $0x1  }
0x13: {  	[smem:$0x3FAA] =	sst s0;
	s0 =	simm.s32 @!p1 $0x0  }
0x14: {  	s2 =	sld [smem:$0x3F8E];
	s0 =	simm.s32 @p1 $0x1  }
0x15: {  	[smem:$0x3FAB] =	sst s0;
	s0 =	simm.s32 @!p2 $0x0  }
0x16: {  	s3 =	sld [smem:$0x3FDB];
	s0 =	simm.s32 @p2 $0x1  }
0x17: {  	s4 =	simm.s32 $0x1BF5;
	[smem:$0x3FAD] =	sst s0  }
0x18: {  	s0 =	sld [smem:$0x3F90];
	_ =	swait.ge [sflag:s4], $0x0  }
0x19: {  	s7 =	sld [smem:$0x3F91]  }
0x1a: {  	s8 =	sadd.s32 $0xFFFFE003, lr  }
0x1b: {  	s9 =	sadd.s32 $0xFFFFFEF7, lr;
	s5 =	simm.s32 $0xFFFFFFFF;
	p2 =	slt.u32 s8, $0xFFFFF086  }
0x1c: {  	p1 =	slt.u32 s9, $0xF7A;
	s5 =	simm.s32 @!p2 $0x0  }
0x1d: {  	s5 =	simm.s32 @p1 $0x1;
	p0 =	seq.s32 s7, s2  }
0x1e: {  	s7 =	smul.u32 @!p0 $0xF7A, s2;
	p2 =	seq.s32 @!p0 s5, $0x0  }
0x1f: {  	s9 =	smul.u32 $0xF7A, s1;
	s8 =	simm.s32 @!p0 $0x1BF5;
	p2 =	por !p2, p0  }
0x20: {  	[sflag:s8] =	ssyncset.s32 @!p0 $0xFFFFF086;
	s6 =	sadd.s32 @!p0 s3, s7;
	s7 =	simm.s32 @!p0 $0x108  }
0x21: {  	s3 =	sadd.s32 s3, s9;
	s6 =	sadd.s32 @!p0 $0x88, s6;
	s7 =	simm.s32 @p2 $0x1082  }
0x22: {  	[simem:s7], [sflag:s8] =	dma.local @!p0 [hbm:s6], $0xF7A  }
0x23: {  	s9 =	sor.u32 $0xD0000000, s2;
	s6 =	simm.s32 $0x108;
	_ =	swait.ge @!p0 [sflag:s8], $0x0  }
0x24: {  	s3 =	sadd.s32 $0x88, s3;
	s6 =	simm.s32 @!p1 $0x1082;
	[sflag:s4] =	ssyncset.s32 $0xFFFFF086  }
0x25: {  	[simem:s6], [sflag:s4] =	dma.local [hbm:s3], $0xF7A  }
0x26: {  	[smem:$0x3F91] =	sst s1;
	(tag) =	ssettag s2;
	_ =	strace s9  }
0x27: {  	s1 =	sld [smem:$0x3FA1]  }
0x28: {  	s2 =	sld [smem:$0x3FA2]  }
0x29: {  	s4 =	sld [smem:$0x3FA4]  }
0x2a: {  	p0 =	seq.s32 s5, $0x0;
	s5 =	sld [smem:$0x3FA5]  }
0x2b: {  	s6 =	sld [smem:$0x3FA6]  }
0x2c: {  	s7 =	sld [smem:$0x3FA7]  }
0x2d: {  	s3 =	simm.s32 $0x108;
	s8 =	sld [smem:$0x3FA8]  }
0x2e: {  	s3 =	simm.s32 @!p0 $0x1082;
	s9 =	sld [smem:$0x3FA9]  }
0x2f: {  	lr =	sadd.s32 s0, s3;
	s0 =	sld [smem:$0x3FA0]  }
0x30: {  	s3 =	sld [smem:$0x3FA3]  }
0x31: {  	[smem:$0x3FAC] =	sst s10  }
0x32: {  	s10 =	sld [smem:$0x3FAA];
	_ =	sdelay $0x3  }
0x33: {  	p0 =	seq.s32 s10, $0x1;
	s10 =	sld [smem:$0x3FAC];
	_ =	sdelay $0x3  }
0x34: {  	[smem:$0x3FAC] =	sst s10  }
0x35: {  	s10 =	sld [smem:$0x3FAB];
	_ =	sdelay $0x3  }
0x36: {  	p1 =	seq.s32 s10, $0x1;
	s10 =	sld [smem:$0x3FAC];
	_ =	sdelay $0x3  }
0x37: {  	[smem:$0x3FAC] =	sst s10  }
0x38: {  	s10 =	sld [smem:$0x3FAD]  }
0x39: {  	_ = 	snop;
	(pc) =	sbr.ind lr, $3  }
0x3a: {  	_ = 	snop  }
0x3b: {  	_ = 	snop  }
0x3c: {  	p2 =	seq.s32 s10, $0x1;
	s10 =	sld [smem:$0x3FAC]  }
0x3d: {  	_ =	shalt  }
0x3e: {  	_ =	shalt  }
0x3f: {  	_ =	shalt  }
0x40: {  	_ =	shalt  }
0x41: {  	_ =	shalt  }
0x42: {  	_ =	shalt  }
0x43: {  	_ =	shalt  }
0x44: {  	_ =	shalt  }
0x45: {  	_ =	shalt  }
0x46: {  	_ =	shalt  }
0x47: {  	_ =	shalt  }
0x48: {  	_ =	shalt  }
0x49: {  	_ =	shalt  }
0x4a: {  	_ =	shalt  }
0x4b: {  	_ =	shalt  }
0x4c: {  	_ =	shalt  }
0x4d: {  	_ =	shalt  }
0x4e: {  	_ =	shalt  }
0x4f: {  	_ =	shalt  }
0x50: {  	_ =	shalt  }
0x51: {  	_ =	shalt  }
0x52: {  	_ =	shalt  }
0x53: {  	_ =	shalt  }
0x54: {  	_ =	shalt  }
0x55: {  	_ =	shalt  }
0x56: {  	_ =	shalt  }
0x57: {  	_ =	shalt  }
0x58: {  	_ =	shalt  }
0x59: {  	_ =	shalt  }
0x5a: {  	_ =	shalt  }
0x5b: {  	_ =	shalt  }
0x5c: {  	_ =	shalt  }
0x5d: {  	_ =	shalt  }
0x5e: {  	_ =	shalt  }
0x5f: {  	_ =	shalt  }
0x60: {  	_ =	shalt  }
0x61: {  	_ =	shalt  }
0x62: {  	_ =	shalt  }
0x63: {  	_ =	shalt  }
0x64: {  	_ =	shalt  }
0x65: {  	_ =	shalt  }
0x66: {  	_ =	shalt  }
0x67: {  	_ =	shalt  }
0x68: {  	_ =	shalt  }
0x69: {  	_ =	shalt  }
0x6a: {  	_ =	shalt  }
0x6b: {  	_ =	shalt  }
0x6c: {  	_ =	shalt  }
0x6d: {  	_ =	shalt  }
0x6e: {  	_ =	shalt  }
0x6f: {  	_ =	shalt  }
0x70: {  	_ =	shalt  }
0x71: {  	_ =	shalt  }
0x72: {  	_ =	shalt  }
0x73: {  	_ =	shalt  }
0x74: {  	_ =	shalt  }
0x75: {  	_ =	shalt  }
0x76: {  	_ =	shalt  }
0x77: {  	_ =	shalt  }
0x78: {  	_ =	shalt  }
0x79: {  	_ =	shalt  }
0x7a: {  	_ =	shalt  }
0x7b: {  	_ =	shalt  }
0x7c: {  	_ =	shalt  }
0x7d: {  	_ =	shalt  }
0x7e: {  	_ =	shalt  }
0x7f: {  	_ =	shalt  }
0x80: {  	_ =	shalt  }
0x81: {  	_ =	shalt  }
0x82: {  	_ =	shalt  }
0x83: {  	_ =	shalt  }
0x84: {  	_ =	shalt  }
0x85: {  	_ =	shalt  }
0x86: {  	_ =	shalt  }
0x87: {  	_ =	shalt  }
.Lfunc_end0:
.L_simem_size_0:
called_computation.2_lowered:
.L_overlay_start_0:
0x88: {  	s2 =	sld [smem:$0x3FD9]  }
0x89: {  	s3 =	sld [smem:$0x3FFE];
	_ =	sdelay $0x1  }
0x8a: {  	s1 =	srdreg.scid  }
0x8b: {  	s0 =	sand.u32 $0x1, s1  }
0x8c: {  	s17 =	sshll.u32 s0, $0xA;
	s2 =	sadd.s32 s3, s2  }
0x8d: {  	s2 =	sadd.s32 s2, s17  }
0x8e: {  	[smem:$0x3FB8] =	sst s2  }
0x8f: {  	_ = 	snop  }
0x90: {  	s2 =	sld [smem:$0x3FD0];
	(tm) =	ssettm $0x1  }
0x91: {  	s18 =	sld [smem:$0x3FFB];
	_ =	sdelay $0x3  }
0x92: {  	_ =	strace s18  }
0x93: {  	s3 =	sld [smem:$0x3FFC];
	_ =	sdelay $0x3  }
0x94: {  	_ =	strace s3  }
0x95: {  	s3 =	sld [smem:$0x3FFD];
	_ =	sdelay $0x3  }
0x96: {  	_ =	strace s3  }
0x97: {  	_ =	strace $0x8FFFFFFF  }
0x98: {  	s19 =	sld [smem:$0x3FDB];
	_ =	sdelay $0x1  }
0x99: {  	s4 =	simm.s32 $_scs_section_size  }
0x9a: {  	s5 =	simm.s32 $_size__tile_overlayer_lowered;
	s6 =	simm.s32 $_tile_overlayer_lowered  }
0x9b: {  	s22 =	simm.s32 $0x1BFF;
	s21 =	sshll.u32 s6, $0x1;
	s3 =	sadd.s32 s4, s19  }
0x9c: {  	s7 =	simm.s32 $0x0;
	s20 =	sshll.u32 s5, $0x1;
	s5 =	sadd.s32 s21, s3  }
0x9d: {  	[timem:s7], [sflag:s22] =	dma.local [hbm:s5], s20  }
0x9e: {  	_ =	swait.ge [sflag:s22], s20  }
0x9f: {  	s4 =	ssub.s32 $0x0, s20;
	[sflag:s22] =	ssyncset.done $0x0  }
0xa0: {  	[sflag:s22] =	ssyncadd.s32 s4;
	_ =	sdelay $0x1  }
0xa1: {  	s23 =	simm.s32 $0x1B8B  }
0xa2: {  	_ =	swait.ge [sflag:s23], $0x1  }
0xa3: {  	[sflag:s23] =	ssyncset.done $0x0  }
0xa4: {  	s25 =	simm.s32 $0x1B8E;
	s24 =	sld [smem:$0x3FFE];
	[sflag:s23] =	ssyncadd.s32 $0xFFFFFFFF  }
0xa5: {  	s26 =	simm.s32 $execute0_lowered;
	[smem:$0x3FD2] =	sst s25  }
0xa6: {  	s5 =	sshll.u32 s26, $0x1;
	_ =	strace $0x8000004C;
	[dreg:$0x1] =	wrdreg $0xFFFFFFFF  }
0xa7: {  	s28 =	simm.s32 $_size_execute0_lowered;
	s3 =	sadd.s32 s3, s5;
	[dreg:$0x0] =	wrdreg $0x0  }
0xa8: {  	s5 =	sshll.u32 s28, $0x1;
	[dreg:$0x2] =	wrdreg s3  }
0xa9: {  	[dreg:$0x3] =	wrdreg s5  }
0xaa: {  	[dreg:$0x4] =	wrdreg $0xC0  }
0xab: {  	_ =	task [dreg:s7], $0x5FFFF  }
0xac: {  	[dreg:$0x1] =	wrdreg $0xFFFFFFFF  }
0xad: {  	[dreg:$0x0] =	wrdreg $0x60  }
0xae: {  	[dreg:$0x2] =	wrdreg s24  }
0xaf: {  	[dreg:$0x3] =	wrdreg s2  }
0xb0: {  	[dreg:$0x4] =	wrdreg $0xA1000  }
0xb1: {  	[dreg:$0x5] =	wrdreg $0x9  }
0xb2: {  	_ =	task.clear_ibuf [dreg:s7], $0x6FFFF;
	_ =	strace $0x9000004C  }
0xb3: {  	s29 =	simm.s32 $0x9;
	_ =	strace $0x8000004E  }
0xb4: {  	_ =	swait.ge [sflag:s29], $0x1  }
0xb5: {  	[sflag:s29] =	ssyncadd.s32 $0xFFFFFFFF  }
0xb6: {  	_ =	strace $0x9000004E  }
0xb7: {  	_ =	sfence  }
0xb8: {  	s30 =	sld [smem:$0x0];
	_ =	sdelay $0x2  }
0xb9: {  	s31 =	sshll.u32 s1, $0xD;
	s1 =	sshrl.u32 s1, $0x2  }
0xba: {  	s3 =	sand.u32 $0x4000, s31;
	s1 =	sadd.s32 s1, s30  }
0xbb: {  	s0 =	sor.u32 s3, s0;
	s1 =	sshll.u32 s1, $0x11  }
0xbc: {  	s0 =	sor.u32 s1, s0  }
0xbd: {  	s0 =	sadd.s32 $0x8F2B, s0  }
0xbe: {  	[sflag:s0] =	ssyncadd.remote.s32 $0x1  }
0xbf: {  	_ =	sfence.sel $0xFFFF  }
0xc0: {  	[dreg:$0x0] =	wrdreg $0xFFFFFFFF;
	(pc) =	sbr.abs _section_cstart, $3  }
0xc1: {  	[dreg:$0x1] =	wrdreg $0xFFFFFFFF  }
0xc2: {  	_ =	task.clear_ibuf [dreg:s7], $0x2FFFF;
	_ =	strace $0x9FFFFFFF  }
0xc3: {  	(tm) =	ssettm $0x7FFFFFFF  }
tec
execute0_lowered:
.L_overlay_start_1:
0x0: {  	(tag) =	ssettag $0x1  }
0x1: {  	s1 =	rddreg [dreg:$0x0]  }
0x2: {  	s0 =	srdreg.scid;
	s5 =	rddreg [dreg:$0x1]  }
0x3: {  	s13 =	stileid.u32;
	s2 =	rddreg [dreg:$0x2]  }
0x4: {  	s28 =	simm.s32 $0x1;
	s29 =	simm.s32 $0x4;
	s8 =	smul.u32 $0x4E000, s13  }
0x5: {  	s31 =	simm.s32 $0x7900;
	s30 =	simm.s32 $0x5;
	s12 =	smul.u32 $0x2700, s13  }
0x6: {  	s0 =	sand.u32 $0x1, s0;
	s9 =	sadd.s32 $0x4000, s1;
	s19 =	smul.u32 $0x13800, s13  }
0x7: {  	s16 =	sadd.s32 $0x124800, s2;
	s22 =	smul.u32 $0x2710, s13;
	p0 =	seq.s32 s13, $0xF  }
0x8: {  	s3 =	sshll.u32 s0, $0x4;
	s10 =	ssub.s32 $0x2, s0;
	s17 =	smul.u32 $0x138800, s0  }
0x9: {  	s4 =	sor.u32 s13, s3;
	s3 =	simm.s32 $0x0;
	s8 =	sshrl.u32 s8, $0x2  }
0xa: {  	s0 =	smul.u32 $0x27100, s0;
	[smem:$0x7FF] =	sst s3;
	s14 =	sadd.s32 s8, s2  }
0xb: {  	s15 =	sadd.s32 s5, s12;
	_ =	strace $0x8000004D;
	[dreg:$0x5] =	wrdreg s14  }
0xc: {  	s11 =	sshrl.u32 s10, $0x1;
	s5 =	sadd.s32 $0x24900, s5;
	[dreg:$0x6] =	wrdreg s15  }
0xd: {  	s4 =	smul.u32 $0x2710, s4;
	s11 =	ssub.s32 s10, s11;
	[dreg:$0x7] =	wrdreg s16  }
0xe: {  	s0 =	sadd.s32 s22, s0;
	s22 =	simm.s32 $0x50;
	[dreg:$0x8] =	wrdreg s5  }
0xf: {  	s5 =	sadd.s32 s19, s17;
	s23 =	smax.u32 s11, $0x1;
	s24 =	sadd.s32 $0x230, s0  }
0x10: {  	s25 =	sadd.s32 $0x1E0, s0;
	s0 =	sadd.s32 $0x190, s0;
	s11 =	simm.s32 $0x0  }
0x11: {  	s6 =	sshrl.u32 s4, $0x3;
	s4 =	sadd.s32 $0x17C00, s1;
	s5 =	sshrl.u32 s5, $0x3  }
0x12: {  	[dreg:$0x10] =	wrdreg s23;
	s7 =	sadd.s32 s6, s1;
	s18 =	sadd.s32 s9, s6  }
0x13: {  	s26 =	sshrl.u32 s25, $0x3;
	s7 =	sadd.s32 $0xDE00, s7;
	[dreg:$0x9] =	wrdreg s18  }
0x14: {  	s0 =	sshrl.u32 s0, $0x3;
	s6 =	sadd.s32 $0xA, s18;
	[dreg:$0x4] =	wrdreg s7  }
0x15: {  	s23 =	simm.s32 $0x2900;
	s20 =	sadd.s32 $0x14, s18;
	[dreg:$0xa] =	wrdreg s6  }
0x16: {  	s25 =	simm.s32 $0x5100;
	s21 =	sadd.s32 $0x1E, s18;
	[dreg:$0xb] =	wrdreg s20  }
0x17: {  	s1 =	sadd.s32 $0x3EE00, s1;
	s8 =	sadd.s32 $0x28, s18;
	[dreg:$0xc] =	wrdreg s21  }
0x18: {  	s19 =	sadd.s32 s26, s9;
	s5 =	sadd.s32 s1, s5;
	[dreg:$0xd] =	wrdreg s8  }
0x19: {  	s26 =	simm.s32 $0x2800;
	s7 =	sshrl.u32 s17, $0x3;
	[dreg:$0xe] =	wrdreg s5  }
0x1a: {  	s20 =	sadd.s32 s0, s9;
	s21 =	simm.s32 $0xA;
	s0 =	simm.s32 $0x2  }
0x1b: {  	s5 =	simm.s32 $0x7;
	s6 =	simm.s32 $0x3;
	s1 =	sadd.s32 s1, s7  }
0x1c: {  	s8 =	simm.s32 $0x8;
	s7 =	simm.s32 $0x6;
	s1 =	sadd.s32 $0x24900, s1  }
0x1d: {  	[dreg:$0xf] =	wrdreg s1;
	s1 =	sshrl.u32 s24, $0x3;
	s24 =	simm.s32 $0x2780  }
0x1e: {  	s18 =	sadd.s32 s1, s9;
	s1 =	simm.s32 $0x2880;
	s9 =	simm.s32 $0x9  }
.LBB2_1:
0x1f: {  	s10 =	rddreg [dreg:$0x4]  }
0x20: {  	[tilespmem:s3], [sflag:$0xA] =	stream.linear.gather [hbm4b:s10+s3], $0x2710, $0x38;
	[tilespmem:$0x1D980] =	vst v63  }
0x21: {  	_ =	swait.ge [sflag:s21], $0x2710  }
0x22: {  	s13 =	simm.s32 @p0 $0x1FCA;
	[sflag:s21] =	ssyncset.done $0x0;
	s10 =	rddreg [dreg:$0x7]  }
0x23: {  	[sflag:s21] =	ssyncadd.s32 $0xFFFFD8F0;
	s12 =	sshrl.u32 @p0 s10, $0x3;
	s10 =	rddreg [dreg:$0x8]  }
0x24: {  	[spmem:s12], [sflag:s13] =	dma.local @p0 [hbm:s10], $0x2800  }
0x25: {  	s13 =	simm.s32 @p0 $0xA  }
0x26: {  	_ =	swait.ge @p0 [sflag:s13], $0x2800  }
0x27: {  	s15 =	simm.s32 @!p0 $0xA;
	s10 =	stileid.u32;
	[sflag:s13] =	ssyncset.done @p0 $0x0  }
0x28: {  	s14 =	sshll.u32 @!p0 s10, $0x6;
	s10 =	rddreg [dreg:$0x5];
	[sflag:s13] =	ssyncadd.s32 @p0 $0xFFFFD800  }
0x29: {  	s13 =	sor.u32 @!p0 $0x1C0A, s14;
	s14 =	sshrl.u32 @!p0 s10, $0x3;
	s10 =	rddreg [dreg:$0x6]  }
0x2a: {  	[spmem:s14], [sflag:s13] =	dma.local @!p0 [hbm:s10], $0x2700  }
0x2b: {  	_ =	swait.ge @!p0 [sflag:s15], $0x2700  }
0x2c: {  	[sflag:s15] =	ssyncset.done @!p0 $0x0  }
0x2d: {  	[sflag:s15] =	ssyncadd.s32 @!p0 $0xFFFFD900  }
0x2e: {  	[bflag:$0x0] =	sbarrier.arrive $0xFFFF  }
0x2f: {  	[tilespmem:s23], [sflag:$0x1] =	stream.indirect.gather [hbm4b:s4+s22], $0x80, s3, s22, $0xb8;
	[tilespmem:$0x1D980] =	vst v63  }
0x30: {  	s17 =	rddreg [dreg:$0x9]  }
0x31: {  	[tilespmem:s24], [sflag:$0x4] =	stream.linear.gather [hbm4b:s17+s3], $0x50, $0x38;
	[tilespmem:$0x1D980] =	vst v63  }
0x32: {  	_ = 	snop  }
0x33: {  	[tilespmem:s25], [sflag:$0x2] =	stream.indirect.gather [hbm4b:s4+s22], $0x80, s22, s22, $0xb8;
	[tilespmem:$0x1D980] =	vst v63  }
0x34: {  	s15 =	rddreg [dreg:$0xa]  }
0x35: {  	[tilespmem:s26], [sflag:$0x5] =	stream.linear.gather [hbm4b:s15+s3], $0x50, $0x38;
	[tilespmem:$0x1D980] =	vst v63  }
0x36: {  	_ =	swait.ge [sflag:s28], $0x2800  }
0x37: {  	[sflag:s28] =	ssyncset.done $0x0  }
0x38: {  	[sflag:s28] =	ssyncadd.s32 $0xFFFFD800  }
0x39: {  	_ =	swait.ge [sflag:s29], $0x50  }
0x3a: {  	[sflag:s29] =	ssyncset.done $0x0  }
0x3b: {  	[sflag:s29] =	ssyncadd.s32 $0xFFFFFFB0  }
0x3c: {  	[spmem:s2] =	stream.indirect.scatter.add.f32 [tilespmem:s23], [sflag:$0x7], $0x80, s24, s22, $0xb8;
	[tilespmem:$0x1D980] =	vst v63  }
0x3d: {  	s16 =	simm.s32 $0xA0  }
0x3e: {  	[tilespmem:s31], [sflag:$0x3] =	stream.indirect.gather [hbm4b:s4+s22], $0x80, s16, s22, $0xb8;
	[tilespmem:$0x1D980] =	vst v63  }
0x3f: {  	s17 =	rddreg [dreg:$0xb]  }
0x40: {  	[tilespmem:s1], [sflag:$0x6] =	stream.linear.gather [hbm4b:s17+s3], $0x50, $0x38;
	[tilespmem:$0x1D980] =	vst v63  }
0x41: {  	_ =	swait.ge [sflag:s0], $0x2800  }
0x42: {  	[sflag:s0] =	ssyncset.done $0x0  }
0x43: {  	[sflag:s0] =	ssyncadd.s32 $0xFFFFD800  }
0x44: {  	_ =	swait.ge [sflag:s30], $0x50  }
0x45: {  	[sflag:s30] =	ssyncset.done $0x0  }
0x46: {  	[sflag:s30] =	ssyncadd.s32 $0xFFFFFFB0  }
0x47: {  	[spmem:s2] =	stream.indirect.scatter.add.f32 [tilespmem:s25], [sflag:$0x8], $0x80, s26, s22, $0xb8;
	[tilespmem:$0x1D980] =	vst v63  }
0x48: {  	_ =	swait.ge [sflag:s5], $0x2800  }
0x49: {  	[sflag:s5] =	ssyncset.done $0x0  }
0x4a: {  	s15 =	simm.s32 $0xF0;
	[sflag:s5] =	ssyncadd.s32 $0xFFFFD800  }
0x4b: {  	[tilespmem:s23], [sflag:$0x1] =	stream.indirect.gather [hbm4b:s4+s22], $0x80, s15, s22, $0xb8;
	[tilespmem:$0x1D980] =	vst v63  }
0x4c: {  	s16 =	rddreg [dreg:$0xc]  }
0x4d: {  	[tilespmem:s24], [sflag:$0x4] =	stream.linear.gather [hbm4b:s16+s3], $0x50, $0x38;
	[tilespmem:$0x1D980] =	vst v63  }
0x4e: {  	_ =	swait.ge [sflag:s6], $0x2800  }
0x4f: {  	[sflag:s6] =	ssyncset.done $0x0  }
0x50: {  	[sflag:s6] =	ssyncadd.s32 $0xFFFFD800  }
0x51: {  	_ =	swait.ge [sflag:s7], $0x50  }
0x52: {  	[sflag:s7] =	ssyncset.done $0x0  }
0x53: {  	[sflag:s7] =	ssyncadd.s32 $0xFFFFFFB0  }
0x54: {  	[spmem:s2] =	stream.indirect.scatter.add.f32 [tilespmem:s31], [sflag:$0x9], $0x80, s1, s22, $0xb8;
	[tilespmem:$0x1D980] =	vst v63  }
0x55: {  	_ =	swait.ge [sflag:s8], $0x2800  }
0x56: {  	[sflag:s8] =	ssyncset.done $0x0  }
0x57: {  	s17 =	simm.s32 $0x140;
	[sflag:s8] =	ssyncadd.s32 $0xFFFFD800  }
0x58: {  	[tilespmem:s25], [sflag:$0x2] =	stream.indirect.gather [hbm4b:s4+s22], $0x80, s17, s22, $0xb8;
	[tilespmem:$0x1D980] =	vst v63  }
0x59: {  	s15 =	rddreg [dreg:$0xd]  }
0x5a: {  	[tilespmem:s26], [sflag:$0x5] =	stream.linear.gather [hbm4b:s15+s3], $0x50, $0x38;
	[tilespmem:$0x1D980] =	vst v63  }
0x5b: {  	_ =	swait.ge [sflag:s28], $0x2800  }
0x5c: {  	[sflag:s28] =	ssyncset.done $0x0  }
0x5d: {  	[sflag:s28] =	ssyncadd.s32 $0xFFFFD800  }
0x5e: {  	_ =	swait.ge [sflag:s29], $0x50  }
0x5f: {  	[sflag:s29] =	ssyncset.done $0x0  }
0x60: {  	[sflag:s29] =	ssyncadd.s32 $0xFFFFFFB0  }
0x61: {  	[spmem:s2] =	stream.indirect.scatter.add.f32 [tilespmem:s23], [sflag:$0x7], $0x80, s24, s22, $0xb8;
	[tilespmem:$0x1D980] =	vst v63  }
0x62: {  	_ =	swait.ge [sflag:s9], $0x2800  }
0x63: {  	[sflag:s9] =	ssyncset.done $0x0  }
0x64: {  	s16 =	simm.s32 $0x190;
	[sflag:s9] =	ssyncadd.s32 $0xFFFFD800  }
0x65: {  	[tilespmem:s31], [sflag:$0x3] =	stream.indirect.gather [hbm4b:s4+s22], $0x80, s16, s22, $0xb8;
	[tilespmem:$0x1D980] =	vst v63  }
0x66: {  	s17 =	sadd.s32 $0x0, s20  }
0x67: {  	[tilespmem:s1], [sflag:$0x6] =	stream.linear.gather [hbm4b:s17+s3], $0x50, $0x38;
	[tilespmem:$0x1D980] =	vst v63  }
0x68: {  	_ =	swait.ge [sflag:s0], $0x2800  }
0x69: {  	[sflag:s0] =	ssyncset.done $0x0  }
0x6a: {  	[sflag:s0] =	ssyncadd.s32 $0xFFFFD800  }
0x6b: {  	_ =	swait.ge [sflag:s30], $0x50  }
0x6c: {  	[sflag:s30] =	ssyncset.done $0x0  }
0x6d: {  	[sflag:s30] =	ssyncadd.s32 $0xFFFFFFB0  }
0x6e: {  	[spmem:s2] =	stream.indirect.scatter.add.f32 [tilespmem:s25], [sflag:$0x8], $0x80, s26, s22, $0xb8;
	[tilespmem:$0x1D980] =	vst v63  }
0x6f: {  	_ =	swait.ge [sflag:s5], $0x2800  }
0x70: {  	[sflag:s5] =	ssyncset.done $0x0  }
0x71: {  	s10 =	simm.s32 $0x1E0;
	[sflag:s5] =	ssyncadd.s32 $0xFFFFD800  }
0x72: {  	[tilespmem:s23], [sflag:$0x1] =	stream.indirect.gather [hbm4b:s4+s22], $0x80, s10, s22, $0xb8;
	[tilespmem:$0x1D980] =	vst v63  }
0x73: {  	s16 =	sadd.s32 $0x0, s19  }
0x74: {  	[tilespmem:s24], [sflag:$0x4] =	stream.linear.gather [hbm4b:s16+s3], $0x50, $0x38;
	[tilespmem:$0x1D980] =	vst v63  }
0x75: {  	_ =	swait.ge [sflag:s6], $0x2800  }
0x76: {  	[sflag:s6] =	ssyncset.done $0x0  }
0x77: {  	[sflag:s6] =	ssyncadd.s32 $0xFFFFD800  }
0x78: {  	_ =	swait.ge [sflag:s7], $0x50  }
0x79: {  	[sflag:s7] =	ssyncset.done $0x0  }
0x7a: {  	[sflag:s7] =	ssyncadd.s32 $0xFFFFFFB0  }
0x7b: {  	[spmem:s2] =	stream.indirect.scatter.add.f32 [tilespmem:s31], [sflag:$0x9], $0x80, s1, s22, $0xb8;
	[tilespmem:$0x1D980] =	vst v63  }
0x7c: {  	_ =	swait.ge [sflag:s8], $0x2800  }
0x7d: {  	[sflag:s8] =	ssyncset.done $0x0  }
0x7e: {  	s17 =	simm.s32 $0x230;
	[sflag:s8] =	ssyncadd.s32 $0xFFFFD800  }
0x7f: {  	[tilespmem:s25], [sflag:$0x2] =	stream.indirect.gather [hbm4b:s4+s22], $0x80, s17, s22, $0xb8;
	[tilespmem:$0x1D980] =	vst v63  }
0x80: {  	s15 =	simm.s32 $0x1E;
	s16 =	simm.s32 $0x320;
	s17 =	sadd.s32 $0x0, s18  }
.LBB2_2:
0x81: {  	[tilespmem:s26], [sflag:$0x5] =	stream.linear.gather [hbm4b:s17+s3], $0x50, $0x38;
	[tilespmem:$0x1D980] =	vst v63  }
0x82: {  	s17 =	smov.u32 s15  }
0x83: {  	p1 =	sne.s32 s15, $0x492;
	s15 =	sadd.s32 $0x1E, s15;
	_ =	swait.ge [sflag:s28], $0x2800  }
0x84: {  	[sflag:s28] =	ssyncset.done $0x0  }
0x85: {  	[sflag:s28] =	ssyncadd.s32 $0xFFFFD800  }
0x86: {  	_ =	swait.ge [sflag:s29], $0x50  }
0x87: {  	[sflag:s29] =	ssyncset.done $0x0  }
0x88: {  	[sflag:s29] =	ssyncadd.s32 $0xFFFFFFB0  }
0x89: {  	[spmem:s2] =	stream.indirect.scatter.add.f32 [tilespmem:s23], [sflag:$0x7], $0x80, s24, s22, $0xb8;
	[tilespmem:$0x1D980] =	vst v63  }
0x8a: {  	_ =	swait.ge [sflag:s9], $0x2800  }
0x8b: {  	[sflag:s9] =	ssyncset.done $0x0  }
0x8c: {  	s10 =	sadd.s32 $0xFFFFFF60, s16;
	[sflag:s9] =	ssyncadd.s32 $0xFFFFD800  }
0x8d: {  	[tilespmem:s31], [sflag:$0x3] =	stream.indirect.gather [hbm4b:s4+s22], $0x80, s10, s22, $0xb8;
	[tilespmem:$0x1D980] =	vst v63  }
0x8e: {  	s10 =	sadd.s32 s17, s20  }
0x8f: {  	[tilespmem:s1], [sflag:$0x6] =	stream.linear.gather [hbm4b:s10+s3], $0x50, $0x38;
	[tilespmem:$0x1D980] =	vst v63  }
0x90: {  	_ =	swait.ge [sflag:s0], $0x2800  }
0x91: {  	[sflag:s0] =	ssyncset.done $0x0  }
0x92: {  	[sflag:s0] =	ssyncadd.s32 $0xFFFFD800  }
0x93: {  	_ =	swait.ge [sflag:s30], $0x50  }
0x94: {  	[sflag:s30] =	ssyncset.done $0x0  }
0x95: {  	[sflag:s30] =	ssyncadd.s32 $0xFFFFFFB0  }
0x96: {  	[spmem:s2] =	stream.indirect.scatter.add.f32 [tilespmem:s25], [sflag:$0x8], $0x80, s26, s22, $0xb8;
	[tilespmem:$0x1D980] =	vst v63  }
0x97: {  	_ =	swait.ge [sflag:s5], $0x2800  }
0x98: {  	[sflag:s5] =	ssyncset.done $0x0  }
0x99: {  	s10 =	sadd.s32 $0xFFFFFFB0, s16;
	[sflag:s5] =	ssyncadd.s32 $0xFFFFD800  }
0x9a: {  	[tilespmem:s23], [sflag:$0x1] =	stream.indirect.gather [hbm4b:s4+s22], $0x80, s10, s22, $0xb8;
	[tilespmem:$0x1D980] =	vst v63  }
0x9b: {  	s10 =	sadd.s32 s17, s19  }
0x9c: {  	[tilespmem:s24], [sflag:$0x4] =	stream.linear.gather [hbm4b:s10+s3], $0x50, $0x38;
	[tilespmem:$0x1D980] =	vst v63  }
0x9d: {  	_ =	swait.ge [sflag:s6], $0x2800  }
0x9e: {  	[sflag:s6] =	ssyncset.done $0x0  }
0x9f: {  	[sflag:s6] =	ssyncadd.s32 $0xFFFFD800  }
0xa0: {  	_ =	swait.ge [sflag:s7], $0x50  }
0xa1: {  	[sflag:s7] =	ssyncset.done $0x0  }
0xa2: {  	[sflag:s7] =	ssyncadd.s32 $0xFFFFFFB0  }
0xa3: {  	[spmem:s2] =	stream.indirect.scatter.add.f32 [tilespmem:s31], [sflag:$0x9], $0x80, s1, s22, $0xb8;
	[tilespmem:$0x1D980] =	vst v63  }
.Ltmp0:
0xa4: {  	_ =	swait.ge [sflag:s8], $0x2800;
	(pc) =	sbr.rel @p1 .LBB2_2-.Ltmp0, $4  }
0xa5: {  	[sflag:s8] =	ssyncset.done $0x0  }
0xa6: {  	[sflag:s8] =	ssyncadd.s32 $0xFFFFD800  }
0xa7: {  	[tilespmem:s25], [sflag:$0x2] =	stream.indirect.gather [hbm4b:s4+s22], $0x80, s16, s22, $0xb8;
	[tilespmem:$0x1D980] =	vst v63  }
0xa8: {  	s17 =	sadd.s32 s17, s18;
	s16 =	sadd.s32 $0xF0, s16  }
0xa9: {  	[tilespmem:s26], [sflag:$0x5] =	stream.linear.gather [hbm4b:s17+s3], $0x50, $0x38;
	[tilespmem:$0x1D980] =	vst v63  }
0xaa: {  	_ =	swait.ge [sflag:s28], $0x2800  }
0xab: {  	[sflag:s28] =	ssyncset.done $0x0  }
0xac: {  	[sflag:s28] =	ssyncadd.s32 $0xFFFFD800  }
0xad: {  	_ =	swait.ge [sflag:s29], $0x50  }
0xae: {  	[sflag:s29] =	ssyncset.done $0x0  }
0xaf: {  	[sflag:s29] =	ssyncadd.s32 $0xFFFFFFB0  }
0xb0: {  	[spmem:s2] =	stream.indirect.scatter.add.f32 [tilespmem:s23], [sflag:$0x7], $0x80, s24, s22, $0xb8;
	[tilespmem:$0x1D980] =	vst v63  }
0xb1: {  	_ =	swait.ge [sflag:s9], $0x2800  }
0xb2: {  	[sflag:s9] =	ssyncset.done $0x0  }
0xb3: {  	[sflag:s9] =	ssyncadd.s32 $0xFFFFD800  }
0xb4: {  	_ =	swait.ge [sflag:s0], $0x2800  }
0xb5: {  	[sflag:s0] =	ssyncset.done $0x0  }
0xb6: {  	[sflag:s0] =	ssyncadd.s32 $0xFFFFD800  }
0xb7: {  	_ =	swait.ge [sflag:s30], $0x50  }
0xb8: {  	[sflag:s30] =	ssyncset.done $0x0  }
0xb9: {  	[sflag:s30] =	ssyncadd.s32 $0xFFFFFFB0  }
0xba: {  	[spmem:s2] =	stream.indirect.scatter.add.f32 [tilespmem:s25], [sflag:$0x8], $0x80, s26, s22, $0xb8;
	[tilespmem:$0x1D980] =	vst v63  }
0xbb: {  	_ =	swait.ge [sflag:s5], $0x2800  }
0xbc: {  	[sflag:s5] =	ssyncset.done $0x0  }
0xbd: {  	[sflag:s5] =	ssyncadd.s32 $0xFFFFD800  }
0xbe: {  	_ =	swait.ge [sflag:s8], $0x2800  }
0xbf: {  	[sflag:s8] =	ssyncset.done $0x0  }
0xc0: {  	[sflag:s8] =	ssyncadd.s32 $0xFFFFD800  }
0xc1: {  	[bflag:$0x0] =	sbarrier.arrive $0xFFFF  }
0xc2: {  	s10 =	simm.s32 @p0 $0x1FCA;
	s15 =	rddreg [dreg:$0xf]  }
0xc3: {  	[hbm:s15], [sflag:s10] =	dma.local @p0 [spmem:s12], $0x2800  }
0xc4: {  	s10 =	simm.s32 @p0 $0xA  }
0xc5: {  	_ =	swait.ge @p0 [sflag:s10], $0x2800  }
0xc6: {  	[sflag:s10] =	ssyncset.done @p0 $0x0  }
0xc7: {  	[sflag:s10] =	ssyncadd.s32 @p0 $0xFFFFD800;
	s10 =	rddreg [dreg:$0xe]  }
0xc8: {  	[hbm:s10], [sflag:s13] =	dma.local @!p0 [spmem:s14], $0x2700  }
0xc9: {  	s10 =	simm.s32 @!p0 $0xA  }
0xca: {  	_ =	swait.ge @!p0 [sflag:s10], $0x2700  }
0xcb: {  	s11 =	sadd.s32 $0x1, s11;
	s17 =	rddreg [dreg:$0x10]  }
0xcc: {  	p1 =	sne.s32 s11, s17  }
.Ltmp1:
0xcd: {  	_ = 	snop;
	(pc) =	sbr.rel @p1 .LBB2_1-.Ltmp1, $3  }
0xce: {  	_ =	sdelay $0x1  }
0xcf: {  	[sflag:s10] =	ssyncset.done @!p0 $0x0  }
0xd0: {  	[sflag:s10] =	ssyncadd.s32 @!p0 $0xFFFFD900  }
0xd1: {  	_ =	sfence.sel $0x180000  }
0xd2: {  	[bflag:$0x0] =	sbarrier.arrive $0xFFFF  }
0xd3: {  	_ =	strace $0x9000004D  }
0xd4: {  	s0 =	stileid.u32;
	[bflag:$0x2] =	sbarrier.arrive $0xFFFF  }
0xd5: {  	p0 =	sne.s32 s0, $0x0;
	s0 =	rddreg [dreg:$0x3]  }
0xd6: {  	s0 =	sadd.s32 @!p0 $0x100000, s0  }
0xd7: {  	[sflag:s0] =	ssyncadd.tile.s32 @!p0 $0x1;
	_ =	shalt  }
.Lfunc_end2:
_tile_overlayer_lowered:
.L_overlay_start_2:
0xd8: {  	(tag) =	ssettag $0x2  }
0xd9: {  	s0 =	rddreg [dreg:$0x0];
	s2 =	stileid.u32  }
0xda: {  	s1 =	rddreg [dreg:$0x1];
	p0 =	sne.s32 s2, $0x0  }
0xdb: {  	s3 =	rddreg [dreg:$0x2];
	[bflag:$0x3] =	sbarrier.arrive $0xFFFF;
	s2 =	simm.s32 @!p0 $0x1C0A  }
0xdc: {  	[timem:s3], [sflag:s2] =	dma.local @!p0 [hbm:s0], s1  }
0xdd: {  	s0 =	simm.s32 @!p0 $0xA  }
0xde: {  	_ =	swait.ge @!p0 [sflag:s0], s1  }
0xdf: {  	s1 =	ssub.s32 @!p0 $0x0, s1;
	[sflag:s0] =	ssyncset.done @!p0 $0x0  }
0xe0: {  	[sflag:s0] =	ssyncadd.s32 @!p0 s1  }
0xe1: {  	[bflag:$0x3] =	sbarrier.arrive $0xFFFF  }
0xe2: {  	_ =	shalt  }

// kernel: kernel.20.cloned.1.call-start
scs
__scs_entry_jumppad:
0x0: {  	(pc) =	sbr.rel $0x88, $3  }
0x1: {  	(tag) =	ssettag $0x0;
	lr =	simm.s32 $0x1  }
0x2: {  	[smem:$0x3F91] =	sst lr;
	_ =	strace $0xD0000000  }
0x3: {  	_ = 	snop  }
0x4: {  	_ = 	snop  }
0x5: {  	_ = 	snop  }
0x6: {  	_ = 	snop  }
0x7: {  	_ = 	snop  }
__scs_overlays_trampoline_lowered:
0x8: {  	[smem:$0x3FA0] =	sst s0  }
0x9: {  	[smem:$0x3FA1] =	sst s1  }
0xa: {  	[smem:$0x3FA2] =	sst s2  }
0xb: {  	[smem:$0x3FA3] =	sst s3  }
0xc: {  	[smem:$0x3FA4] =	sst s4  }
0xd: {  	[smem:$0x3FA5] =	sst s5  }
0xe: {  	[smem:$0x3FA6] =	sst s6  }
0xf: {  	[smem:$0x3FA7] =	sst s7  }
0x10: {  	[smem:$0x3FA8] =	sst s8  }
0x11: {  	[smem:$0x3FA9] =	sst s9;
	s0 =	simm.s32 @!p0 $0x0  }
0x12: {  	s1 =	sld [smem:$0x3F8F];
	s0 =	simm.s32 @p0 $0x1  }
0x13: {  	[smem:$0x3FAA] =	sst s0;
	s0 =	simm.s32 @!p1 $0x0  }
0x14: {  	s2 =	sld [smem:$0x3F8E];
	s0 =	simm.s32 @p1 $0x1  }
0x15: {  	[smem:$0x3FAB] =	sst s0;
	s0 =	simm.s32 @!p2 $0x0  }
0x16: {  	s3 =	sld [smem:$0x3FDB];
	s0 =	simm.s32 @p2 $0x1  }
0x17: {  	s4 =	simm.s32 $0x1BF5;
	[smem:$0x3FAD] =	sst s0  }
0x18: {  	s0 =	sld [smem:$0x3F90];
	_ =	swait.ge [sflag:s4], $0x0  }
0x19: {  	s7 =	sld [smem:$0x3F91]  }
0x1a: {  	s8 =	sadd.s32 $0xFFFFE003, lr  }
0x1b: {  	s9 =	sadd.s32 $0xFFFFFEF7, lr;
	s5 =	simm.s32 $0xFFFFFFFF;
	p2 =	slt.u32 s8, $0xFFFFF086  }
0x1c: {  	p1 =	slt.u32 s9, $0xF7A;
	s5 =	simm.s32 @!p2 $0x0  }
0x1d: {  	s5 =	simm.s32 @p1 $0x1;
	p0 =	seq.s32 s7, s2  }
0x1e: {  	s7 =	smul.u32 @!p0 $0xF7A, s2;
	p2 =	seq.s32 @!p0 s5, $0x0  }
0x1f: {  	s9 =	smul.u32 $0xF7A, s1;
	s8 =	simm.s32 @!p0 $0x1BF5;
	p2 =	por !p2, p0  }
0x20: {  	[sflag:s8] =	ssyncset.s32 @!p0 $0xFFFFF086;
	s6 =	sadd.s32 @!p0 s3, s7;
	s7 =	simm.s32 @!p0 $0x108  }
0x21: {  	s3 =	sadd.s32 s3, s9;
	s6 =	sadd.s32 @!p0 $0x88, s6;
	s7 =	simm.s32 @p2 $0x1082  }
0x22: {  	[simem:s7], [sflag:s8] =	dma.local @!p0 [hbm:s6], $0xF7A  }
0x23: {  	s9 =	sor.u32 $0xD0000000, s2;
	s6 =	simm.s32 $0x108;
	_ =	swait.ge @!p0 [sflag:s8], $0x0  }
0x24: {  	s3 =	sadd.s32 $0x88, s3;
	s6 =	simm.s32 @!p1 $0x1082;
	[sflag:s4] =	ssyncset.s32 $0xFFFFF086  }
0x25: {  	[simem:s6], [sflag:s4] =	dma.local [hbm:s3], $0xF7A  }
0x26: {  	[smem:$0x3F91] =	sst s1;
	(tag) =	ssettag s2;
	_ =	strace s9  }
0x27: {  	s1 =	sld [smem:$0x3FA1]  }
0x28: {  	s2 =	sld [smem:$0x3FA2]  }
0x29: {  	s4 =	sld [smem:$0x3FA4]  }
0x2a: {  	p0 =	seq.s32 s5, $0x0;
	s5 =	sld [smem:$0x3FA5]  }
0x2b: {  	s6 =	sld [smem:$0x3FA6]  }
0x2c: {  	s7 =	sld [smem:$0x3FA7]  }
0x2d: {  	s3 =	simm.s32 $0x108;
	s8 =	sld [smem:$0x3FA8]  }
0x2e: {  	s3 =	simm.s32 @!p0 $0x1082;
	s9 =	sld [smem:$0x3FA9]  }
0x2f: {  	lr =	sadd.s32 s0, s3;
	s0 =	sld [smem:$0x3FA0]  }
0x30: {  	s3 =	sld [smem:$0x3FA3]  }
0x31: {  	[smem:$0x3FAC] =	sst s10  }
0x32: {  	s10 =	sld [smem:$0x3FAA];
	_ =	sdelay $0x3  }
0x33: {  	p0 =	seq.s32 s10, $0x1;
	s10 =	sld [smem:$0x3FAC];
	_ =	sdelay $0x3  }
0x34: {  	[smem:$0x3FAC] =	sst s10  }
0x35: {  	s10 =	sld [smem:$0x3FAB];
	_ =	sdelay $0x3  }
0x36: {  	p1 =	seq.s32 s10, $0x1;
	s10 =	sld [smem:$0x3FAC];
	_ =	sdelay $0x3  }
0x37: {  	[smem:$0x3FAC] =	sst s10  }
0x38: {  	s10 =	sld [smem:$0x3FAD]  }
0x39: {  	_ = 	snop;
	(pc) =	sbr.ind lr, $3  }
0x3a: {  	_ = 	snop  }
0x3b: {  	_ = 	snop  }
0x3c: {  	p2 =	seq.s32 s10, $0x1;
	s10 =	sld [smem:$0x3FAC]  }
0x3d: {  	_ =	shalt  }
0x3e: {  	_ =	shalt  }
0x3f: {  	_ =	shalt  }
0x40: {  	_ =	shalt  }
0x41: {  	_ =	shalt  }
0x42: {  	_ =	shalt  }
0x43: {  	_ =	shalt  }
0x44: {  	_ =	shalt  }
0x45: {  	_ =	shalt  }
0x46: {  	_ =	shalt  }
0x47: {  	_ =	shalt  }
0x48: {  	_ =	shalt  }
0x49: {  	_ =	shalt  }
0x4a: {  	_ =	shalt  }
0x4b: {  	_ =	shalt  }
0x4c: {  	_ =	shalt  }
0x4d: {  	_ =	shalt  }
0x4e: {  	_ =	shalt  }
0x4f: {  	_ =	shalt  }
0x50: {  	_ =	shalt  }
0x51: {  	_ =	shalt  }
0x52: {  	_ =	shalt  }
0x53: {  	_ =	shalt  }
0x54: {  	_ =	shalt  }
0x55: {  	_ =	shalt  }
0x56: {  	_ =	shalt  }
0x57: {  	_ =	shalt  }
0x58: {  	_ =	shalt  }
0x59: {  	_ =	shalt  }
0x5a: {  	_ =	shalt  }
0x5b: {  	_ =	shalt  }
0x5c: {  	_ =	shalt  }
0x5d: {  	_ =	shalt  }
0x5e: {  	_ =	shalt  }
0x5f: {  	_ =	shalt  }
0x60: {  	_ =	shalt  }
0x61: {  	_ =	shalt  }
0x62: {  	_ =	shalt  }
0x63: {  	_ =	shalt  }
0x64: {  	_ =	shalt  }
0x65: {  	_ =	shalt  }
0x66: {  	_ =	shalt  }
0x67: {  	_ =	shalt  }
0x68: {  	_ =	shalt  }
0x69: {  	_ =	shalt  }
0x6a: {  	_ =	shalt  }
0x6b: {  	_ =	shalt  }
0x6c: {  	_ =	shalt  }
0x6d: {  	_ =	shalt  }
0x6e: {  	_ =	shalt  }
0x6f: {  	_ =	shalt  }
0x70: {  	_ =	shalt  }
0x71: {  	_ =	shalt  }
0x72: {  	_ =	shalt  }
0x73: {  	_ =	shalt  }
0x74: {  	_ =	shalt  }
0x75: {  	_ =	shalt  }
0x76: {  	_ =	shalt  }
0x77: {  	_ =	shalt  }
0x78: {  	_ =	shalt  }
0x79: {  	_ =	shalt  }
0x7a: {  	_ =	shalt  }
0x7b: {  	_ =	shalt  }
0x7c: {  	_ =	shalt  }
0x7d: {  	_ =	shalt  }
0x7e: {  	_ =	shalt  }
0x7f: {  	_ =	shalt  }
0x80: {  	_ =	shalt  }
0x81: {  	_ =	shalt  }
0x82: {  	_ =	shalt  }
0x83: {  	_ =	shalt  }
0x84: {  	_ =	shalt  }
0x85: {  	_ =	shalt  }
0x86: {  	_ =	shalt  }
0x87: {  	_ =	shalt  }
.Lfunc_end0:
.L_simem_size_0:
called_computation.3_lowered:
.L_overlay_start_0:
0x88: {  	s2 =	sld [smem:$0x3FD9]  }
0x89: {  	s3 =	sld [smem:$0x3FFE];
	_ =	sdelay $0x1  }
0x8a: {  	s1 =	srdreg.scid  }
0x8b: {  	s0 =	sand.u32 $0x1, s1  }
0x8c: {  	s17 =	sshll.u32 s0, $0xA;
	s2 =	sadd.s32 s3, s2  }
0x8d: {  	s2 =	sadd.s32 s2, s17  }
0x8e: {  	[smem:$0x3FB8] =	sst s2  }
0x8f: {  	_ = 	snop  }
0x90: {  	s2 =	sld [smem:$0x3FD0];
	(tm) =	ssettm $0x1  }
0x91: {  	s18 =	sld [smem:$0x3FFB];
	_ =	sdelay $0x3  }
0x92: {  	_ =	strace s18  }
0x93: {  	s3 =	sld [smem:$0x3FFC];
	_ =	sdelay $0x3  }
0x94: {  	_ =	strace s3  }
0x95: {  	s3 =	sld [smem:$0x3FFD];
	_ =	sdelay $0x3  }
0x96: {  	_ =	strace s3  }
0x97: {  	_ =	strace $0x8FFFFFFF  }
0x98: {  	s19 =	sld [smem:$0x3FDB];
	_ =	sdelay $0x1  }
0x99: {  	s4 =	simm.s32 $_scs_section_size  }
0x9a: {  	s5 =	simm.s32 $_size__tile_overlayer_lowered;
	s6 =	simm.s32 $_tile_overlayer_lowered  }
0x9b: {  	s22 =	simm.s32 $0x1BFF;
	s21 =	sshll.u32 s6, $0x1;
	s3 =	sadd.s32 s4, s19  }
0x9c: {  	s7 =	simm.s32 $0x0;
	s20 =	sshll.u32 s5, $0x1;
	s5 =	sadd.s32 s21, s3  }
0x9d: {  	[timem:s7], [sflag:s22] =	dma.local [hbm:s5], s20  }
0x9e: {  	_ =	swait.ge [sflag:s22], s20  }
0x9f: {  	s4 =	ssub.s32 $0x0, s20;
	[sflag:s22] =	ssyncset.done $0x0  }
0xa0: {  	[sflag:s22] =	ssyncadd.s32 s4;
	_ =	sdelay $0x1  }
0xa1: {  	s23 =	simm.s32 $0x1B8B  }
0xa2: {  	_ =	swait.ge [sflag:s23], $0x1  }
0xa3: {  	[sflag:s23] =	ssyncset.done $0x0  }
0xa4: {  	s25 =	simm.s32 $0x1B8E;
	s24 =	sld [smem:$0x3FFE];
	[sflag:s23] =	ssyncadd.s32 $0xFFFFFFFF  }
0xa5: {  	s26 =	simm.s32 $execute0_lowered;
	[smem:$0x3FD2] =	sst s25  }
0xa6: {  	s5 =	sshll.u32 s26, $0x1;
	_ =	strace $0x8000004F;
	[dreg:$0x1] =	wrdreg $0xFFFFFFFF  }
0xa7: {  	s28 =	simm.s32 $_size_execute0_lowered;
	s3 =	sadd.s32 s3, s5;
	[dreg:$0x0] =	wrdreg $0x0  }
0xa8: {  	s5 =	sshll.u32 s28, $0x1;
	[dreg:$0x2] =	wrdreg s3  }
0xa9: {  	[dreg:$0x3] =	wrdreg s5  }
0xaa: {  	[dreg:$0x4] =	wrdreg $0xC0  }
0xab: {  	_ =	task [dreg:s7], $0x5FFFF  }
0xac: {  	[dreg:$0x1] =	wrdreg $0xFFFFFFFF  }
0xad: {  	[dreg:$0x0] =	wrdreg $0x60  }
0xae: {  	[dreg:$0x2] =	wrdreg s24  }
0xaf: {  	[dreg:$0x3] =	wrdreg s2  }
0xb0: {  	[dreg:$0x4] =	wrdreg $0xA1000  }
0xb1: {  	[dreg:$0x5] =	wrdreg $0x9  }
0xb2: {  	_ =	task.clear_ibuf [dreg:s7], $0x6FFFF;
	_ =	strace $0x9000004F  }
0xb3: {  	s29 =	simm.s32 $0x9;
	_ =	strace $0x80000051  }
0xb4: {  	_ =	swait.ge [sflag:s29], $0x1  }
0xb5: {  	[sflag:s29] =	ssyncadd.s32 $0xFFFFFFFF  }
0xb6: {  	_ =	strace $0x90000051  }
0xb7: {  	_ =	sfence  }
0xb8: {  	s30 =	sld [smem:$0x0];
	_ =	sdelay $0x2  }
0xb9: {  	s31 =	sshll.u32 s1, $0xD;
	s1 =	sshrl.u32 s1, $0x2  }
0xba: {  	s3 =	sand.u32 $0x4000, s31;
	s1 =	sadd.s32 s1, s30  }
0xbb: {  	s0 =	sor.u32 s3, s0;
	s1 =	sshll.u32 s1, $0x11  }
0xbc: {  	s0 =	sor.u32 s1, s0  }
0xbd: {  	s0 =	sadd.s32 $0x8F2B, s0  }
0xbe: {  	[sflag:s0] =	ssyncadd.remote.s32 $0x1  }
0xbf: {  	_ =	sfence.sel $0xFFFF  }
0xc0: {  	[dreg:$0x0] =	wrdreg $0xFFFFFFFF;
	(pc) =	sbr.abs _section_cstart, $3  }
0xc1: {  	[dreg:$0x1] =	wrdreg $0xFFFFFFFF  }
0xc2: {  	_ =	task.clear_ibuf [dreg:s7], $0x2FFFF;
	_ =	strace $0x9FFFFFFF  }
0xc3: {  	(tm) =	ssettm $0x7FFFFFFF  }
tec
execute0_lowered:
.L_overlay_start_1:
0x0: {  	(tag) =	ssettag $0x1  }
0x1: {  	s1 =	rddreg [dreg:$0x0]  }
0x2: {  	s0 =	srdreg.scid;
	s5 =	rddreg [dreg:$0x1]  }
0x3: {  	s13 =	stileid.u32;
	s2 =	rddreg [dreg:$0x2]  }
0x4: {  	s28 =	simm.s32 $0x1;
	s29 =	simm.s32 $0x4;
	s8 =	smul.u32 $0x4E000, s13  }
0x5: {  	s31 =	simm.s32 $0x7900;
	s30 =	simm.s32 $0x5;
	s12 =	smul.u32 $0x2700, s13  }
0x6: {  	s0 =	sand.u32 $0x1, s0;
	s9 =	sadd.s32 $0x4000, s1;
	s19 =	smul.u32 $0x13800, s13  }
0x7: {  	s16 =	sadd.s32 $0x124800, s2;
	s22 =	smul.u32 $0x2710, s13;
	p0 =	seq.s32 s13, $0xF  }
0x8: {  	s3 =	sshll.u32 s0, $0x4;
	s10 =	ssub.s32 $0x2, s0;
	s17 =	smul.u32 $0x138800, s0  }
0x9: {  	s4 =	sor.u32 s13, s3;
	s3 =	simm.s32 $0x0;
	s8 =	sshrl.u32 s8, $0x2  }
0xa: {  	s0 =	smul.u32 $0x27100, s0;
	[smem:$0x7FF] =	sst s3;
	s14 =	sadd.s32 s8, s2  }
0xb: {  	s15 =	sadd.s32 s5, s12;
	_ =	strace $0x80000050;
	[dreg:$0x5] =	wrdreg s14  }
0xc: {  	s11 =	sshrl.u32 s10, $0x1;
	s5 =	sadd.s32 $0x24900, s5;
	[dreg:$0x6] =	wrdreg s15  }
0xd: {  	s4 =	smul.u32 $0x2710, s4;
	s11 =	ssub.s32 s10, s11;
	[dreg:$0x7] =	wrdreg s16  }
0xe: {  	s0 =	sadd.s32 s22, s0;
	s22 =	simm.s32 $0x50;
	[dreg:$0x8] =	wrdreg s5  }
0xf: {  	s5 =	sadd.s32 s19, s17;
	s23 =	smax.u32 s11, $0x1;
	s24 =	sadd.s32 $0x230, s0  }
0x10: {  	s25 =	sadd.s32 $0x1E0, s0;
	s0 =	sadd.s32 $0x190, s0;
	s11 =	simm.s32 $0x0  }
0x11: {  	s6 =	sshrl.u32 s4, $0x3;
	s4 =	sadd.s32 $0x17C00, s1;
	s5 =	sshrl.u32 s5, $0x3  }
0x12: {  	[dreg:$0x10] =	wrdreg s23;
	s7 =	sadd.s32 s6, s1;
	s18 =	sadd.s32 s9, s6  }
0x13: {  	s26 =	sshrl.u32 s25, $0x3;
	s7 =	sadd.s32 $0xDE00, s7;
	[dreg:$0x9] =	wrdreg s18  }
0x14: {  	s0 =	sshrl.u32 s0, $0x3;
	s6 =	sadd.s32 $0xA, s18;
	[dreg:$0x4] =	wrdreg s7  }
0x15: {  	s23 =	simm.s32 $0x2900;
	s20 =	sadd.s32 $0x14, s18;
	[dreg:$0xa] =	wrdreg s6  }
0x16: {  	s25 =	simm.s32 $0x5100;
	s21 =	sadd.s32 $0x1E, s18;
	[dreg:$0xb] =	wrdreg s20  }
0x17: {  	s1 =	sadd.s32 $0x3EE00, s1;
	s8 =	sadd.s32 $0x28, s18;
	[dreg:$0xc] =	wrdreg s21  }
0x18: {  	s19 =	sadd.s32 s26, s9;
	s5 =	sadd.s32 s1, s5;
	[dreg:$0xd] =	wrdreg s8  }
0x19: {  	s26 =	simm.s32 $0x2800;
	s7 =	sshrl.u32 s17, $0x3;
	[dreg:$0xe] =	wrdreg s5  }
0x1a: {  	s20 =	sadd.s32 s0, s9;
	s21 =	simm.s32 $0xA;
	s0 =	simm.s32 $0x2  }
0x1b: {  	s5 =	simm.s32 $0x7;
	s6 =	simm.s32 $0x3;
	s1 =	sadd.s32 s1, s7  }
0x1c: {  	s8 =	simm.s32 $0x8;
	s7 =	simm.s32 $0x6;
	s1 =	sadd.s32 $0x24900, s1  }
0x1d: {  	[dreg:$0xf] =	wrdreg s1;
	s1 =	sshrl.u32 s24, $0x3;
	s24 =	simm.s32 $0x2780  }
0x1e: {  	s18 =	sadd.s32 s1, s9;
	s1 =	simm.s32 $0x2880;
	s9 =	simm.s32 $0x9  }
.LBB2_1:
0x1f: {  	s10 =	rddreg [dreg:$0x4]  }
0x20: {  	[tilespmem:s3], [sflag:$0xA] =	stream.linear.gather [hbm4b:s10+s3], $0x2710, $0x38;
	[tilespmem:$0x1D980] =	vst v63  }
0x21: {  	_ =	swait.ge [sflag:s21], $0x2710  }
0x22: {  	s13 =	simm.s32 @p0 $0x1FCA;
	[sflag:s21] =	ssyncset.done $0x0;
	s10 =	rddreg [dreg:$0x7]  }
0x23: {  	[sflag:s21] =	ssyncadd.s32 $0xFFFFD8F0;
	s12 =	sshrl.u32 @p0 s10, $0x3;
	s10 =	rddreg [dreg:$0x8]  }
0x24: {  	[spmem:s12], [sflag:s13] =	dma.local @p0 [hbm:s10], $0x2800  }
0x25: {  	s13 =	simm.s32 @p0 $0xA  }
0x26: {  	_ =	swait.ge @p0 [sflag:s13], $0x2800  }
0x27: {  	s15 =	simm.s32 @!p0 $0xA;
	s10 =	stileid.u32;
	[sflag:s13] =	ssyncset.done @p0 $0x0  }
0x28: {  	s14 =	sshll.u32 @!p0 s10, $0x6;
	s10 =	rddreg [dreg:$0x5];
	[sflag:s13] =	ssyncadd.s32 @p0 $0xFFFFD800  }
0x29: {  	s13 =	sor.u32 @!p0 $0x1C0A, s14;
	s14 =	sshrl.u32 @!p0 s10, $0x3;
	s10 =	rddreg [dreg:$0x6]  }
0x2a: {  	[spmem:s14], [sflag:s13] =	dma.local @!p0 [hbm:s10], $0x2700  }
0x2b: {  	_ =	swait.ge @!p0 [sflag:s15], $0x2700  }
0x2c: {  	[sflag:s15] =	ssyncset.done @!p0 $0x0  }
0x2d: {  	[sflag:s15] =	ssyncadd.s32 @!p0 $0xFFFFD900  }
0x2e: {  	[bflag:$0x0] =	sbarrier.arrive $0xFFFF  }
0x2f: {  	[tilespmem:s23], [sflag:$0x1] =	stream.indirect.gather [hbm4b:s4+s22], $0x80, s3, s22, $0xb8;
	[tilespmem:$0x1D980] =	vst v63  }
0x30: {  	s17 =	rddreg [dreg:$0x9]  }
0x31: {  	[tilespmem:s24], [sflag:$0x4] =	stream.linear.gather [hbm4b:s17+s3], $0x50, $0x38;
	[tilespmem:$0x1D980] =	vst v63  }
0x32: {  	_ = 	snop  }
0x33: {  	[tilespmem:s25], [sflag:$0x2] =	stream.indirect.gather [hbm4b:s4+s22], $0x80, s22, s22, $0xb8;
	[tilespmem:$0x1D980] =	vst v63  }
0x34: {  	s15 =	rddreg [dreg:$0xa]  }
0x35: {  	[tilespmem:s26], [sflag:$0x5] =	stream.linear.gather [hbm4b:s15+s3], $0x50, $0x38;
	[tilespmem:$0x1D980] =	vst v63  }
0x36: {  	_ =	swait.ge [sflag:s28], $0x2800  }
0x37: {  	[sflag:s28] =	ssyncset.done $0x0  }
0x38: {  	[sflag:s28] =	ssyncadd.s32 $0xFFFFD800  }
0x39: {  	_ =	swait.ge [sflag:s29], $0x50  }
0x3a: {  	[sflag:s29] =	ssyncset.done $0x0  }
0x3b: {  	[sflag:s29] =	ssyncadd.s32 $0xFFFFFFB0  }
0x3c: {  	[spmem:s2] =	stream.indirect.scatter.add.f32 [tilespmem:s23], [sflag:$0x7], $0x80, s24, s22, $0xb8;
	[tilespmem:$0x1D980] =	vst v63  }
0x3d: {  	s16 =	simm.s32 $0xA0  }
0x3e: {  	[tilespmem:s31], [sflag:$0x3] =	stream.indirect.gather [hbm4b:s4+s22], $0x80, s16, s22, $0xb8;
	[tilespmem:$0x1D980] =	vst v63  }
0x3f: {  	s17 =	rddreg [dreg:$0xb]  }
0x40: {  	[tilespmem:s1], [sflag:$0x6] =	stream.linear.gather [hbm4b:s17+s3], $0x50, $0x38;
	[tilespmem:$0x1D980] =	vst v63  }
0x41: {  	_ =	swait.ge [sflag:s0], $0x2800  }
0x42: {  	[sflag:s0] =	ssyncset.done $0x0  }
0x43: {  	[sflag:s0] =	ssyncadd.s32 $0xFFFFD800  }
0x44: {  	_ =	swait.ge [sflag:s30], $0x50  }
0x45: {  	[sflag:s30] =	ssyncset.done $0x0  }
0x46: {  	[sflag:s30] =	ssyncadd.s32 $0xFFFFFFB0  }
0x47: {  	[spmem:s2] =	stream.indirect.scatter.add.f32 [tilespmem:s25], [sflag:$0x8], $0x80, s26, s22, $0xb8;
	[tilespmem:$0x1D980] =	vst v63  }
0x48: {  	_ =	swait.ge [sflag:s5], $0x2800  }
0x49: {  	[sflag:s5] =	ssyncset.done $0x0  }
0x4a: {  	s15 =	simm.s32 $0xF0;
	[sflag:s5] =	ssyncadd.s32 $0xFFFFD800  }
0x4b: {  	[tilespmem:s23], [sflag:$0x1] =	stream.indirect.gather [hbm4b:s4+s22], $0x80, s15, s22, $0xb8;
	[tilespmem:$0x1D980] =	vst v63  }
0x4c: {  	s16 =	rddreg [dreg:$0xc]  }
0x4d: {  	[tilespmem:s24], [sflag:$0x4] =	stream.linear.gather [hbm4b:s16+s3], $0x50, $0x38;
	[tilespmem:$0x1D980] =	vst v63  }
0x4e: {  	_ =	swait.ge [sflag:s6], $0x2800  }
0x4f: {  	[sflag:s6] =	ssyncset.done $0x0  }
0x50: {  	[sflag:s6] =	ssyncadd.s32 $0xFFFFD800  }
0x51: {  	_ =	swait.ge [sflag:s7], $0x50  }
0x52: {  	[sflag:s7] =	ssyncset.done $0x0  }
0x53: {  	[sflag:s7] =	ssyncadd.s32 $0xFFFFFFB0  }
0x54: {  	[spmem:s2] =	stream.indirect.scatter.add.f32 [tilespmem:s31], [sflag:$0x9], $0x80, s1, s22, $0xb8;
	[tilespmem:$0x1D980] =	vst v63  }
0x55: {  	_ =	swait.ge [sflag:s8], $0x2800  }
0x56: {  	[sflag:s8] =	ssyncset.done $0x0  }
0x57: {  	s17 =	simm.s32 $0x140;
	[sflag:s8] =	ssyncadd.s32 $0xFFFFD800  }
0x58: {  	[tilespmem:s25], [sflag:$0x2] =	stream.indirect.gather [hbm4b:s4+s22], $0x80, s17, s22, $0xb8;
	[tilespmem:$0x1D980] =	vst v63  }
0x59: {  	s15 =	rddreg [dreg:$0xd]  }
0x5a: {  	[tilespmem:s26], [sflag:$0x5] =	stream.linear.gather [hbm4b:s15+s3], $0x50, $0x38;
	[tilespmem:$0x1D980] =	vst v63  }
0x5b: {  	_ =	swait.ge [sflag:s28], $0x2800  }
0x5c: {  	[sflag:s28] =	ssyncset.done $0x0  }
0x5d: {  	[sflag:s28] =	ssyncadd.s32 $0xFFFFD800  }
0x5e: {  	_ =	swait.ge [sflag:s29], $0x50  }
0x5f: {  	[sflag:s29] =	ssyncset.done $0x0  }
0x60: {  	[sflag:s29] =	ssyncadd.s32 $0xFFFFFFB0  }
0x61: {  	[spmem:s2] =	stream.indirect.scatter.add.f32 [tilespmem:s23], [sflag:$0x7], $0x80, s24, s22, $0xb8;
	[tilespmem:$0x1D980] =	vst v63  }
0x62: {  	_ =	swait.ge [sflag:s9], $0x2800  }
0x63: {  	[sflag:s9] =	ssyncset.done $0x0  }
0x64: {  	s16 =	simm.s32 $0x190;
	[sflag:s9] =	ssyncadd.s32 $0xFFFFD800  }
0x65: {  	[tilespmem:s31], [sflag:$0x3] =	stream.indirect.gather [hbm4b:s4+s22], $0x80, s16, s22, $0xb8;
	[tilespmem:$0x1D980] =	vst v63  }
0x66: {  	s17 =	sadd.s32 $0x0, s20  }
0x67: {  	[tilespmem:s1], [sflag:$0x6] =	stream.linear.gather [hbm4b:s17+s3], $0x50, $0x38;
	[tilespmem:$0x1D980] =	vst v63  }
0x68: {  	_ =	swait.ge [sflag:s0], $0x2800  }
0x69: {  	[sflag:s0] =	ssyncset.done $0x0  }
0x6a: {  	[sflag:s0] =	ssyncadd.s32 $0xFFFFD800  }
0x6b: {  	_ =	swait.ge [sflag:s30], $0x50  }
0x6c: {  	[sflag:s30] =	ssyncset.done $0x0  }
0x6d: {  	[sflag:s30] =	ssyncadd.s32 $0xFFFFFFB0  }
0x6e: {  	[spmem:s2] =	stream.indirect.scatter.add.f32 [tilespmem:s25], [sflag:$0x8], $0x80, s26, s22, $0xb8;
	[tilespmem:$0x1D980] =	vst v63  }
0x6f: {  	_ =	swait.ge [sflag:s5], $0x2800  }
0x70: {  	[sflag:s5] =	ssyncset.done $0x0  }
0x71: {  	s10 =	simm.s32 $0x1E0;
	[sflag:s5] =	ssyncadd.s32 $0xFFFFD800  }
0x72: {  	[tilespmem:s23], [sflag:$0x1] =	stream.indirect.gather [hbm4b:s4+s22], $0x80, s10, s22, $0xb8;
	[tilespmem:$0x1D980] =	vst v63  }
0x73: {  	s16 =	sadd.s32 $0x0, s19  }
0x74: {  	[tilespmem:s24], [sflag:$0x4] =	stream.linear.gather [hbm4b:s16+s3], $0x50, $0x38;
	[tilespmem:$0x1D980] =	vst v63  }
0x75: {  	_ =	swait.ge [sflag:s6], $0x2800  }
0x76: {  	[sflag:s6] =	ssyncset.done $0x0  }
0x77: {  	[sflag:s6] =	ssyncadd.s32 $0xFFFFD800  }
0x78: {  	_ =	swait.ge [sflag:s7], $0x50  }
0x79: {  	[sflag:s7] =	ssyncset.done $0x0  }
0x7a: {  	[sflag:s7] =	ssyncadd.s32 $0xFFFFFFB0  }
0x7b: {  	[spmem:s2] =	stream.indirect.scatter.add.f32 [tilespmem:s31], [sflag:$0x9], $0x80, s1, s22, $0xb8;
	[tilespmem:$0x1D980] =	vst v63  }
0x7c: {  	_ =	swait.ge [sflag:s8], $0x2800  }
0x7d: {  	[sflag:s8] =	ssyncset.done $0x0  }
0x7e: {  	s17 =	simm.s32 $0x230;
	[sflag:s8] =	ssyncadd.s32 $0xFFFFD800  }
0x7f: {  	[tilespmem:s25], [sflag:$0x2] =	stream.indirect.gather [hbm4b:s4+s22], $0x80, s17, s22, $0xb8;
	[tilespmem:$0x1D980] =	vst v63  }
0x80: {  	s15 =	simm.s32 $0x1E;
	s16 =	simm.s32 $0x320;
	s17 =	sadd.s32 $0x0, s18  }
.LBB2_2:
0x81: {  	[tilespmem:s26], [sflag:$0x5] =	stream.linear.gather [hbm4b:s17+s3], $0x50, $0x38;
	[tilespmem:$0x1D980] =	vst v63  }
0x82: {  	s17 =	smov.u32 s15  }
0x83: {  	p1 =	sne.s32 s15, $0x492;
	s15 =	sadd.s32 $0x1E, s15;
	_ =	swait.ge [sflag:s28], $0x2800  }
0x84: {  	[sflag:s28] =	ssyncset.done $0x0  }
0x85: {  	[sflag:s28] =	ssyncadd.s32 $0xFFFFD800  }
0x86: {  	_ =	swait.ge [sflag:s29], $0x50  }
0x87: {  	[sflag:s29] =	ssyncset.done $0x0  }
0x88: {  	[sflag:s29] =	ssyncadd.s32 $0xFFFFFFB0  }
0x89: {  	[spmem:s2] =	stream.indirect.scatter.add.f32 [tilespmem:s23], [sflag:$0x7], $0x80, s24, s22, $0xb8;
	[tilespmem:$0x1D980] =	vst v63  }
0x8a: {  	_ =	swait.ge [sflag:s9], $0x2800  }
0x8b: {  	[sflag:s9] =	ssyncset.done $0x0  }
0x8c: {  	s10 =	sadd.s32 $0xFFFFFF60, s16;
	[sflag:s9] =	ssyncadd.s32 $0xFFFFD800  }
0x8d: {  	[tilespmem:s31], [sflag:$0x3] =	stream.indirect.gather [hbm4b:s4+s22], $0x80, s10, s22, $0xb8;
	[tilespmem:$0x1D980] =	vst v63  }
0x8e: {  	s10 =	sadd.s32 s17, s20  }
0x8f: {  	[tilespmem:s1], [sflag:$0x6] =	stream.linear.gather [hbm4b:s10+s3], $0x50, $0x38;
	[tilespmem:$0x1D980] =	vst v63  }
0x90: {  	_ =	swait.ge [sflag:s0], $0x2800  }
0x91: {  	[sflag:s0] =	ssyncset.done $0x0  }
0x92: {  	[sflag:s0] =	ssyncadd.s32 $0xFFFFD800  }
0x93: {  	_ =	swait.ge [sflag:s30], $0x50  }
0x94: {  	[sflag:s30] =	ssyncset.done $0x0  }
0x95: {  	[sflag:s30] =	ssyncadd.s32 $0xFFFFFFB0  }
0x96: {  	[spmem:s2] =	stream.indirect.scatter.add.f32 [tilespmem:s25], [sflag:$0x8], $0x80, s26, s22, $0xb8;
	[tilespmem:$0x1D980] =	vst v63  }
0x97: {  	_ =	swait.ge [sflag:s5], $0x2800  }
0x98: {  	[sflag:s5] =	ssyncset.done $0x0  }
0x99: {  	s10 =	sadd.s32 $0xFFFFFFB0, s16;
	[sflag:s5] =	ssyncadd.s32 $0xFFFFD800  }
0x9a: {  	[tilespmem:s23], [sflag:$0x1] =	stream.indirect.gather [hbm4b:s4+s22], $0x80, s10, s22, $0xb8;
	[tilespmem:$0x1D980] =	vst v63  }
0x9b: {  	s10 =	sadd.s32 s17, s19  }
0x9c: {  	[tilespmem:s24], [sflag:$0x4] =	stream.linear.gather [hbm4b:s10+s3], $0x50, $0x38;
	[tilespmem:$0x1D980] =	vst v63  }
0x9d: {  	_ =	swait.ge [sflag:s6], $0x2800  }
0x9e: {  	[sflag:s6] =	ssyncset.done $0x0  }
0x9f: {  	[sflag:s6] =	ssyncadd.s32 $0xFFFFD800  }
0xa0: {  	_ =	swait.ge [sflag:s7], $0x50  }
0xa1: {  	[sflag:s7] =	ssyncset.done $0x0  }
0xa2: {  	[sflag:s7] =	ssyncadd.s32 $0xFFFFFFB0  }
0xa3: {  	[spmem:s2] =	stream.indirect.scatter.add.f32 [tilespmem:s31], [sflag:$0x9], $0x80, s1, s22, $0xb8;
	[tilespmem:$0x1D980] =	vst v63  }
.Ltmp0:
0xa4: {  	_ =	swait.ge [sflag:s8], $0x2800;
	(pc) =	sbr.rel @p1 .LBB2_2-.Ltmp0, $4  }
0xa5: {  	[sflag:s8] =	ssyncset.done $0x0  }
0xa6: {  	[sflag:s8] =	ssyncadd.s32 $0xFFFFD800  }
0xa7: {  	[tilespmem:s25], [sflag:$0x2] =	stream.indirect.gather [hbm4b:s4+s22], $0x80, s16, s22, $0xb8;
	[tilespmem:$0x1D980] =	vst v63  }
0xa8: {  	s17 =	sadd.s32 s17, s18;
	s16 =	sadd.s32 $0xF0, s16  }
0xa9: {  	[tilespmem:s26], [sflag:$0x5] =	stream.linear.gather [hbm4b:s17+s3], $0x50, $0x38;
	[tilespmem:$0x1D980] =	vst v63  }
0xaa: {  	_ =	swait.ge [sflag:s28], $0x2800  }
0xab: {  	[sflag:s28] =	ssyncset.done $0x0  }
0xac: {  	[sflag:s28] =	ssyncadd.s32 $0xFFFFD800  }
0xad: {  	_ =	swait.ge [sflag:s29], $0x50  }
0xae: {  	[sflag:s29] =	ssyncset.done $0x0  }
0xaf: {  	[sflag:s29] =	ssyncadd.s32 $0xFFFFFFB0  }
0xb0: {  	[spmem:s2] =	stream.indirect.scatter.add.f32 [tilespmem:s23], [sflag:$0x7], $0x80, s24, s22, $0xb8;
	[tilespmem:$0x1D980] =	vst v63  }
0xb1: {  	_ =	swait.ge [sflag:s9], $0x2800  }
0xb2: {  	[sflag:s9] =	ssyncset.done $0x0  }
0xb3: {  	[sflag:s9] =	ssyncadd.s32 $0xFFFFD800  }
0xb4: {  	_ =	swait.ge [sflag:s0], $0x2800  }
0xb5: {  	[sflag:s0] =	ssyncset.done $0x0  }
0xb6: {  	[sflag:s0] =	ssyncadd.s32 $0xFFFFD800  }
0xb7: {  	_ =	swait.ge [sflag:s30], $0x50  }
0xb8: {  	[sflag:s30] =	ssyncset.done $0x0  }
0xb9: {  	[sflag:s30] =	ssyncadd.s32 $0xFFFFFFB0  }
0xba: {  	[spmem:s2] =	stream.indirect.scatter.add.f32 [tilespmem:s25], [sflag:$0x8], $0x80, s26, s22, $0xb8;
	[tilespmem:$0x1D980] =	vst v63  }
0xbb: {  	_ =	swait.ge [sflag:s5], $0x2800  }
0xbc: {  	[sflag:s5] =	ssyncset.done $0x0  }
0xbd: {  	[sflag:s5] =	ssyncadd.s32 $0xFFFFD800  }
0xbe: {  	_ =	swait.ge [sflag:s8], $0x2800  }
0xbf: {  	[sflag:s8] =	ssyncset.done $0x0  }
0xc0: {  	[sflag:s8] =	ssyncadd.s32 $0xFFFFD800  }
0xc1: {  	[bflag:$0x0] =	sbarrier.arrive $0xFFFF  }
0xc2: {  	s10 =	simm.s32 @p0 $0x1FCA;
	s15 =	rddreg [dreg:$0xf]  }
0xc3: {  	[hbm:s15], [sflag:s10] =	dma.local @p0 [spmem:s12], $0x2800  }
0xc4: {  	s10 =	simm.s32 @p0 $0xA  }
0xc5: {  	_ =	swait.ge @p0 [sflag:s10], $0x2800  }
0xc6: {  	[sflag:s10] =	ssyncset.done @p0 $0x0  }
0xc7: {  	[sflag:s10] =	ssyncadd.s32 @p0 $0xFFFFD800;
	s10 =	rddreg [dreg:$0xe]  }
0xc8: {  	[hbm:s10], [sflag:s13] =	dma.local @!p0 [spmem:s14], $0x2700  }
0xc9: {  	s10 =	simm.s32 @!p0 $0xA  }
0xca: {  	_ =	swait.ge @!p0 [sflag:s10], $0x2700  }
0xcb: {  	s11 =	sadd.s32 $0x1, s11;
	s17 =	rddreg [dreg:$0x10]  }
0xcc: {  	p1 =	sne.s32 s11, s17  }
.Ltmp1:
0xcd: {  	_ = 	snop;
	(pc) =	sbr.rel @p1 .LBB2_1-.Ltmp1, $3  }
0xce: {  	_ =	sdelay $0x1  }
0xcf: {  	[sflag:s10] =	ssyncset.done @!p0 $0x0  }
0xd0: {  	[sflag:s10] =	ssyncadd.s32 @!p0 $0xFFFFD900  }
0xd1: {  	_ =	sfence.sel $0x180000  }
0xd2: {  	[bflag:$0x0] =	sbarrier.arrive $0xFFFF  }
0xd3: {  	_ =	strace $0x90000050  }
0xd4: {  	s0 =	stileid.u32;
	[bflag:$0x2] =	sbarrier.arrive $0xFFFF  }
0xd5: {  	p0 =	sne.s32 s0, $0x0;
	s0 =	rddreg [dreg:$0x3]  }
0xd6: {  	s0 =	sadd.s32 @!p0 $0x100000, s0  }
0xd7: {  	[sflag:s0] =	ssyncadd.tile.s32 @!p0 $0x1;
	_ =	shalt  }
.Lfunc_end2:
_tile_overlayer_lowered:
.L_overlay_start_2:
0xd8: {  	(tag) =	ssettag $0x2  }
0xd9: {  	s0 =	rddreg [dreg:$0x0];
	s2 =	stileid.u32  }
0xda: {  	s1 =	rddreg [dreg:$0x1];
	p0 =	sne.s32 s2, $0x0  }
0xdb: {  	s3 =	rddreg [dreg:$0x2];
	[bflag:$0x3] =	sbarrier.arrive $0xFFFF;
	s2 =	simm.s32 @!p0 $0x1C0A  }
0xdc: {  	[timem:s3], [sflag:s2] =	dma.local @!p0 [hbm:s0], s1  }
0xdd: {  	s0 =	simm.s32 @!p0 $0xA  }
0xde: {  	_ =	swait.ge @!p0 [sflag:s0], s1  }
0xdf: {  	s1 =	ssub.s32 @!p0 $0x0, s1;
	[sflag:s0] =	ssyncset.done @!p0 $0x0  }
0xe0: {  	[sflag:s0] =	ssyncadd.s32 @!p0 s1  }
0xe1: {  	[bflag:$0x3] =	sbarrier.arrive $0xFFFF  }
0xe2: {  	_ =	shalt  }

</sc_bundles>
